<compile_context>
chip_gen: v7x
topology: tpu7x:2x2x1
jax: 0.10.2.dev20260603
libtpu: 0.0.44.dev20260713+nightly
codegen_flags: <defaults>
</compile_context>

<pallas_src>
import functools

import jax
import jax.numpy as jnp
from jax import lax
from jax.experimental import pallas as pl
from jax.experimental.pallas import tpu as pltpu
from jax.experimental.pallas import tpu_sc as plsc

N = 10000
D = 128
OUT = 128
BLK = 400

NC = 2
NS = 16
CH = 128
GRP = 8
NCHUNK = 80
EPT = CH * NCHUNK
NPAD = 10112
RPT = NPAD // NS



def _proj_body(x_ref, w_ref, a1_ref, a2_ref, b1_ref, b2_ref,
               seq_ref, f1_ref, f2_ref):
    seq = jnp.dot(x_ref[...], w_ref[...], preferred_element_type=jnp.float32)
    seq_ref[...] = seq
    f1_ref[...] = jnp.dot(seq, a1_ref[...]) + b1_ref[0]
    f2_ref[...] = jnp.dot(seq, a2_ref[...]) + b2_ref[0]


def _proj(x2d, W, a1, a2, b1, b2):
    return pl.pallas_call(
        _proj_body,
        grid=(N // BLK,),
        in_specs=[
            pl.BlockSpec((BLK, D), lambda i: (i, 0)),
            pl.BlockSpec((D, OUT), lambda i: (0, 0)),
            pl.BlockSpec((OUT, 1), lambda i: (0, 0)),
            pl.BlockSpec((OUT, 1), lambda i: (0, 0)),
            pl.BlockSpec(memory_space=pltpu.SMEM),
            pl.BlockSpec(memory_space=pltpu.SMEM),
        ],
        out_specs=[
            pl.BlockSpec((BLK, OUT), lambda i: (i, 0)),
            pl.BlockSpec((BLK, 1), lambda i: (i, 0)),
            pl.BlockSpec((BLK, 1), lambda i: (i, 0)),
        ],
        out_shape=[
            jax.ShapeDtypeStruct((N, OUT), jnp.float32),
            jax.ShapeDtypeStruct((N, 1), jnp.float32),
            jax.ShapeDtypeStruct((N, 1), jnp.float32),
        ],
    )(x2d, W, a1, a2, b1, b2)



def _make_sc():
    mesh = plsc.VectorSubcoreMesh(core_axis_name="c", subcore_axis_name="s",
                                  num_cores=NC, num_subcores=NS)

    drain = [(0, CH), (CH, CH), (2 * CH, CH), (3 * CH, CH), (4 * CH, 120)]

    @functools.partial(
        pl.kernel,
        out_type=(jax.ShapeDtypeStruct((NPAD, OUT), jnp.float32),
                  jax.ShapeDtypeStruct((NPAD, OUT), jnp.float32),
                  jax.ShapeDtypeStruct((NPAD,), jnp.float32),
                  jax.ShapeDtypeStruct((NPAD,), jnp.float32)),
        mesh=mesh,
        scratch_types=[
            pltpu.VMEM((GRP, CH), jnp.int32),
            pltpu.VMEM((GRP, CH), jnp.int32),
            pltpu.VMEM((NPAD,), jnp.float32),
            pltpu.VMEM((NPAD,), jnp.float32),
            pltpu.VMEM((CH, OUT), jnp.float32),
            pltpu.VMEM((CH + 16,), jnp.float32),
            pltpu.VMEM_SHARED((NPAD, OUT), jnp.float32),
            pltpu.VMEM_SHARED((NPAD,), jnp.float32),
            pltpu.SemaphoreType.DMA,
        ],
        compiler_params=pltpu.CompilerParams(needs_layout_passes=False),
    )
    def sc_kernel(seq_hbm, f1_hbm, f2_hbm, rows_hbm, cols_hbm,
                  out0, out1, den0, den1,
                  rowi, coli, f1t, f2t, gbuf, wbuf, acc, dacc, sem):
        c = lax.axis_index("c")
        s = lax.axis_index("s")

        pltpu.sync_copy(f1_hbm, f1t)
        pltpu.sync_copy(f2_hbm, f2t)

        def _zero_row(r, carry):
            for k in range(OUT // 16):
                gbuf[r, pl.ds(k * 16, 16)] = jnp.zeros((16,), jnp.float32)
            return carry
        lax.fori_loop(0, CH, _zero_row, 0)
        for k in range((CH + 16) // 16):
            wbuf[pl.ds(k * 16, 16)] = jnp.zeros((16,), jnp.float32)

        tbase = s * RPT
        for off, sz in drain:
            pltpu.sync_copy(gbuf.at[pl.ds(0, sz)],
                            acc.at[pl.ds(tbase + off, sz)])
            pltpu.sync_copy(wbuf.at[pl.ds(0, sz)],
                            dacc.at[pl.ds(tbase + off, sz)])
        plsc.subcore_barrier()

        def _group(g, carry):
            pltpu.sync_copy(rows_hbm.at[c, s, pl.ds(g * GRP, GRP)], rowi)
            pltpu.sync_copy(cols_hbm.at[c, s, pl.ds(g * GRP, GRP)], coli)
            for j in range(GRP):
                pltpu.async_copy(seq_hbm.at[coli.at[j]], gbuf, sem).wait()
                for k in range(CH // 16):
                    r16 = rowi[j, pl.ds(k * 16, 16)]
                    c16 = coli[j, pl.ds(k * 16, 16)]
                    lg = (plsc.load_gather(f1t, [r16])
                          + plsc.load_gather(f2t, [c16]))
                    w16 = jnp.exp(jnp.where(lg > 0, lg, 0.2 * lg))
                    wbuf[pl.ds(k * 16, 16)] = w16
                def _scale(e, cc):
                    ws = wbuf[pl.ds(e, 16)][0]
                    wv = jnp.full((16,), ws)
                    for kk in range(OUT // 16):
                        gbuf[e, pl.ds(kk * 16, 16)] = (
                            gbuf[e, pl.ds(kk * 16, 16)] * wv)
                    return cc
                lax.fori_loop(0, CH, _scale, 0)
                pltpu.sync_copy(gbuf, acc.at[rowi.at[j]], add=True)
                pltpu.sync_copy(wbuf.at[pl.ds(0, CH)], dacc.at[rowi.at[j]],
                                add=True)
            return carry
        lax.fori_loop(0, NCHUNK // GRP, _group, 0)

        plsc.subcore_barrier()

        @pl.when(c == 0)
        def _():
            for off, sz in drain:
                pltpu.sync_copy(acc.at[pl.ds(tbase + off, sz)],
                                out0.at[pl.ds(tbase + off, sz)])
                pltpu.sync_copy(dacc.at[pl.ds(tbase + off, sz)],
                                wbuf.at[pl.ds(0, sz)])
                pltpu.sync_copy(wbuf.at[pl.ds(0, sz)],
                                den0.at[pl.ds(tbase + off, sz)])

        @pl.when(c == 1)
        def _():
            for off, sz in drain:
                pltpu.sync_copy(acc.at[pl.ds(tbase + off, sz)],
                                out1.at[pl.ds(tbase + off, sz)])
                pltpu.sync_copy(dacc.at[pl.ds(tbase + off, sz)],
                                wbuf.at[pl.ds(0, sz)])
                pltpu.sync_copy(wbuf.at[pl.ds(0, sz)],
                                den1.at[pl.ds(tbase + off, sz)])

    return sc_kernel


_sc_kernel = _make_sc()



def _combine_body(a0_ref, a1_ref, d0_ref, d1_ref, bias_ref, out_ref):
    den = d0_ref[...] + d1_ref[...]
    safe = jnp.where(den == 0.0, 1.0, den)
    v = (a0_ref[...] + a1_ref[...]) / safe + bias_ref[...]
    out_ref[...] = jnp.where(v > 0.0, v, jnp.exp(jnp.minimum(v, 0.0)) - 1.0)


def _combine(p0, p1, d0, d1, bias):
    return pl.pallas_call(
        _combine_body,
        grid=(N // BLK,),
        in_specs=[
            pl.BlockSpec((BLK, OUT), lambda i: (i, 0)),
            pl.BlockSpec((BLK, OUT), lambda i: (i, 0)),
            pl.BlockSpec((BLK, 1), lambda i: (i, 0)),
            pl.BlockSpec((BLK, 1), lambda i: (i, 0)),
            pl.BlockSpec((1, OUT), lambda i: (0, 0)),
        ],
        out_specs=pl.BlockSpec((BLK, OUT), lambda i: (i, 0)),
        out_shape=jax.ShapeDtypeStruct((N, OUT), jnp.float32),
    )(p0, p1, d0, d1, bias)



def kernel(x, edge_index, W, a1, b1, a2, b2, out_bias):
    x2d = jnp.squeeze(x, 0)
    seq, f1, f2 = _proj(x2d, W, a1, a2, b1, b2)
    zpad = jnp.zeros((NPAD - N,), jnp.float32)
    f1p = jnp.concatenate([f1.reshape(N), zpad])
    f2p = jnp.concatenate([f2.reshape(N), zpad])

    rows = edge_index[0].reshape(32, -1)
    cols = edge_index[1].reshape(32, -1)
    dpad = EPT - rows.shape[1]
    drow = jnp.broadcast_to(
        N + jnp.arange(dpad, dtype=jnp.int32) % (NPAD - N), (32, dpad))
    dcol = jnp.zeros((32, dpad), jnp.int32)
    rows3d = jnp.concatenate([rows, drow], axis=1).reshape(NC, NS, NCHUNK, CH)
    cols3d = jnp.concatenate([cols, dcol], axis=1).reshape(NC, NS, NCHUNK, CH)

    p0, p1, d0, d1 = _sc_kernel(seq, f1p, f2p, rows3d, cols3d)
    out = _combine(p0, p1, d0.reshape(NPAD, 1), d1.reshape(NPAD, 1),
                   out_bias.reshape(1, OUT))
    return out[None, :, :]

# --- scband reference (transcript-rebuilt; emitter-appended) ---
"""Pipeline reference for scband-node-attention-58188216926495 (READ-ONLY COPY).

The authoritative reference and input builder live on the scoring server;
editing this copy changes nothing except your own understanding.
"""

import jax, jax.numpy as jnp
import numpy as np

N = 10000
E = 320000
D = 128
OUT = 128


def setup_inputs(seed: int = 0) -> dict:
    key = jax.random.key(seed)
    ks = jax.random.split(key, 8)
    x = jax.random.normal(ks[0], (1, N, D), dtype=jnp.float32)
    edge_index = jax.random.randint(ks[1], (2, E), 0, N, dtype=jnp.int32)
    # learned params (conv1d kernel-size-1 == dense projections)
    W = jax.random.normal(ks[2], (D, OUT), dtype=jnp.float32) * (1.0 / np.sqrt(D))
    a1 = jax.random.normal(ks[3], (OUT, 1), dtype=jnp.float32) * (1.0 / np.sqrt(OUT))
    b1 = jnp.zeros((1,), dtype=jnp.float32)
    a2 = jax.random.normal(ks[4], (OUT, 1), dtype=jnp.float32) * (1.0 / np.sqrt(OUT))
    b2 = jnp.zeros((1,), dtype=jnp.float32)
    out_bias = jnp.zeros((OUT,), dtype=jnp.float32)
    return {"x": x, "edge_index": edge_index, "W": W, "a1": a1, "b1": b1,
            "a2": a2, "b2": b2, "out_bias": out_bias}


def reference(x, edge_index, W, a1, b1, a2, b2, out_bias):
    # seq_fts = conv1d(inputs, out_sz, 1, use_bias=False)
    seq = jnp.squeeze(x, 0) @ W  # (N, OUT)
    # f_1, f_2 = conv1d(seq_fts, 1, 1) with bias
    f1 = (seq @ a1 + b1).reshape(N)  # (N,)
    f2 = (seq @ a2 + b2).reshape(N)  # (N,)
    row = edge_index[0]  # destination/anchor node i (sparse row)
    col = edge_index[1]  # neighbor node j (sparse column)
    # sparse add: logits(i,j) = bias_val*f1[i] + bias_val*f2[j], bias values == 1
    logits = f1[row] + f2[col]
    e = jax.nn.leaky_relu(logits, negative_slope=0.2)
    # tf.sparse.softmax: softmax over the nonzeros of each row
    emax = jax.ops.segment_max(e, row, num_segments=N)
    ex = jnp.exp(e - emax[row])
    denom = jax.ops.segment_sum(ex, row, num_segments=N)
    coefs = ex / denom[row]  # (E,)
    # vals = coefs @ seq_fts  (sparse-dense matmul)
    vals = jax.ops.segment_sum(coefs[:, None] * seq[col], row, num_segments=N)  # (N, OUT)
    ret = jax.nn.elu(vals + out_bias)  # act = tf.nn.elu, with bias_add
    return ret[None, :, :]  # (1, N, OUT)

if __name__ == "__main__":
    import jax
    _d = setup_inputs()
    print(jax.jit(kernel)(*tuple(_d.values())))

</pallas_src>

<mosaic_0001>
#map = affine_map<(d0, d1) -> (0, 0)>
#map1 = affine_map<(d0, d1) -> (0)>
#map2 = affine_map<(d0, d1) -> (0, 0, 0, 0)>
module attributes {stable_mosaic.version = 14 : i64} {
  func.func @sc_kernel(%arg0: i32, %arg1: i32, %arg2: memref<10000x128xf32, #tpu.memory_space<hbm>>, %arg3: memref<10112xf32, #tpu.memory_space<hbm>>, %arg4: memref<10112xf32, #tpu.memory_space<hbm>>, %arg5: memref<2x16x80x128xi32, #tpu.memory_space<hbm>>, %arg6: memref<2x16x80x128xi32, #tpu.memory_space<hbm>>, %arg7: memref<10112x128xf32, #tpu.memory_space<hbm>>, %arg8: memref<10112x128xf32, #tpu.memory_space<hbm>>, %arg9: memref<10112xf32, #tpu.memory_space<hbm>>, %arg10: memref<10112xf32, #tpu.memory_space<hbm>>, %arg11: memref<8x128xi32, #tpu.memory_space<vmem>>, %arg12: memref<8x128xi32, #tpu.memory_space<vmem>>, %arg13: memref<10112xf32, #tpu.memory_space<vmem>>, %arg14: memref<10112xf32, #tpu.memory_space<vmem>>, %arg15: memref<128x128xf32, #tpu.memory_space<vmem>>, %arg16: memref<144xf32, #tpu.memory_space<vmem>>, %arg17: memref<10112x128xf32, #tpu.memory_space<vmem_shared>>, %arg18: memref<10112xf32, #tpu.memory_space<vmem_shared>>, %arg19: memref<!tpu.dma_semaphore, #tpu.memory_space<semaphore_mem>>) attributes {dimension_semantics = [#tpu.dimension_semantics<core_parallel>, #tpu.dimension_semantics<subcore_parallel>], iteration_bounds = array<i64: 2, 16>, scalar_prefetch = 0 : i64, scratch_operands = 9 : i64, tpu.core_type = #tpu.core_type<sc_vector_subcore>, window_params = [{transform_indices = #map}, {transform_indices = #map1}, {transform_indices = #map1}, {transform_indices = #map2}, {transform_indices = #map2}, {transform_indices = #map}, {transform_indices = #map}, {transform_indices = #map1}, {transform_indices = #map1}]} {
    "tpu.region"() ({
      %run_scoped3A = tpu.sem_alloc : memref<!tpu.dma_semaphore, #tpu.memory_space<semaphore_mem>>
      tpu.enqueue_dma source(%arg3 : memref<10112xf32, #tpu.memory_space<hbm>>) target(%arg13 : memref<10112xf32, #tpu.memory_space<vmem>>) target_semaphore(%run_scoped3A : memref<!tpu.dma_semaphore, #tpu.memory_space<semaphore_mem>>)
      tpu.wait_dma2 semaphore(%run_scoped3A : memref<!tpu.dma_semaphore, #tpu.memory_space<semaphore_mem>>) src(%arg3 : memref<10112xf32, #tpu.memory_space<hbm>>) dst(%arg13 : memref<10112xf32, #tpu.memory_space<vmem>>)
      tpu.yield
    }) : () -> ()
    "tpu.region"() ({
      %run_scoped3A = tpu.sem_alloc : memref<!tpu.dma_semaphore, #tpu.memory_space<semaphore_mem>>
      tpu.enqueue_dma source(%arg4 : memref<10112xf32, #tpu.memory_space<hbm>>) target(%arg14 : memref<10112xf32, #tpu.memory_space<vmem>>) target_semaphore(%run_scoped3A : memref<!tpu.dma_semaphore, #tpu.memory_space<semaphore_mem>>)
      tpu.wait_dma2 semaphore(%run_scoped3A : memref<!tpu.dma_semaphore, #tpu.memory_space<semaphore_mem>>) src(%arg4 : memref<10112xf32, #tpu.memory_space<hbm>>) dst(%arg14 : memref<10112xf32, #tpu.memory_space<vmem>>)
      tpu.yield
    }) : () -> ()
    %scan3A = arith.constant 0 : i32
    %scan3A_0 = arith.constant 0 : i32
    %scan3A_1 = arith.constant 128 : i32
    %scan3A_2 = arith.addi %scan3A_0, %scan3A_1 : i32
    %scan3A_3 = arith.constant 1 : i32
    scf.for %scan3A_73 = %scan3A_0 to %scan3A_2 step %scan3A_3  : i32 {
      %broadcast_in_dim3A_74 = arith.constant 0.000000e+00 : f32
      %broadcast_in_dim3A_75 = vector.broadcast %broadcast_in_dim3A_74 : f32 to vector<16xf32>
      %swap3A_76 = arith.index_cast %scan3A_73 : i32 to index
      %swap3A_77 = arith.constant 0 : index
      %swap3A_78 = tpu.vector_load %arg15[%swap3A_76, %swap3A_77] {strides = array<i32>} : memref<128x128xf32, #tpu.memory_space<vmem>>, vector<16xf32>,
      tpu.vector_store %arg15[%swap3A_76, %swap3A_77], %broadcast_in_dim3A_75 {strides = array<i32>} : memref<128x128xf32, #tpu.memory_space<vmem>>, vector<16xf32>,
      %broadcast_in_dim3A_79 = arith.constant 0.000000e+00 : f32
      %broadcast_in_dim3A_80 = vector.broadcast %broadcast_in_dim3A_79 : f32 to vector<16xf32>
      %swap3A_81 = arith.index_cast %scan3A_73 : i32 to index
      %swap3A_82 = arith.constant 16 : index
      %swap3A_83 = tpu.vector_load %arg15[%swap3A_81, %swap3A_82] {strides = array<i32>} : memref<128x128xf32, #tpu.memory_space<vmem>>, vector<16xf32>,
      tpu.vector_store %arg15[%swap3A_81, %swap3A_82], %broadcast_in_dim3A_80 {strides = array<i32>} : memref<128x128xf32, #tpu.memory_space<vmem>>, vector<16xf32>,
      %broadcast_in_dim3A_84 = arith.constant 0.000000e+00 : f32
      %broadcast_in_dim3A_85 = vector.broadcast %broadcast_in_dim3A_84 : f32 to vector<16xf32>
      %swap3A_86 = arith.index_cast %scan3A_73 : i32 to index
      %swap3A_87 = arith.constant 32 : index
      %swap3A_88 = tpu.vector_load %arg15[%swap3A_86, %swap3A_87] {strides = array<i32>} : memref<128x128xf32, #tpu.memory_space<vmem>>, vector<16xf32>,
      tpu.vector_store %arg15[%swap3A_86, %swap3A_87], %broadcast_in_dim3A_85 {strides = array<i32>} : memref<128x128xf32, #tpu.memory_space<vmem>>, vector<16xf32>,
      %broadcast_in_dim3A_89 = arith.constant 0.000000e+00 : f32
      %broadcast_in_dim3A_90 = vector.broadcast %broadcast_in_dim3A_89 : f32 to vector<16xf32>
      %swap3A_91 = arith.index_cast %scan3A_73 : i32 to index
      %swap3A_92 = arith.constant 48 : index
      %swap3A_93 = tpu.vector_load %arg15[%swap3A_91, %swap3A_92] {strides = array<i32>} : memref<128x128xf32, #tpu.memory_space<vmem>>, vector<16xf32>,
      tpu.vector_store %arg15[%swap3A_91, %swap3A_92], %broadcast_in_dim3A_90 {strides = array<i32>} : memref<128x128xf32, #tpu.memory_space<vmem>>, vector<16xf32>,
      %broadcast_in_dim3A_94 = arith.constant 0.000000e+00 : f32
      %broadcast_in_dim3A_95 = vector.broadcast %broadcast_in_dim3A_94 : f32 to vector<16xf32>
      %swap3A_96 = arith.index_cast %scan3A_73 : i32 to index
      %swap3A_97 = arith.constant 64 : index
      %swap3A_98 = tpu.vector_load %arg15[%swap3A_96, %swap3A_97] {strides = array<i32>} : memref<128x128xf32, #tpu.memory_space<vmem>>, vector<16xf32>,
      tpu.vector_store %arg15[%swap3A_96, %swap3A_97], %broadcast_in_dim3A_95 {strides = array<i32>} : memref<128x128xf32, #tpu.memory_space<vmem>>, vector<16xf32>,
      %broadcast_in_dim3A_99 = arith.constant 0.000000e+00 : f32
      %broadcast_in_dim3A_100 = vector.broadcast %broadcast_in_dim3A_99 : f32 to vector<16xf32>
      %swap3A_101 = arith.index_cast %scan3A_73 : i32 to index
      %swap3A_102 = arith.constant 80 : index
      %swap3A_103 = tpu.vector_load %arg15[%swap3A_101, %swap3A_102] {strides = array<i32>} : memref<128x128xf32, #tpu.memory_space<vmem>>, vector<16xf32>,
      tpu.vector_store %arg15[%swap3A_101, %swap3A_102], %broadcast_in_dim3A_100 {strides = array<i32>} : memref<128x128xf32, #tpu.memory_space<vmem>>, vector<16xf32>,
      %broadcast_in_dim3A_104 = arith.constant 0.000000e+00 : f32
      %broadcast_in_dim3A_105 = vector.broadcast %broadcast_in_dim3A_104 : f32 to vector<16xf32>
      %swap3A_106 = arith.index_cast %scan3A_73 : i32 to index
      %swap3A_107 = arith.constant 96 : index
      %swap3A_108 = tpu.vector_load %arg15[%swap3A_106, %swap3A_107] {strides = array<i32>} : memref<128x128xf32, #tpu.memory_space<vmem>>, vector<16xf32>,
      tpu.vector_store %arg15[%swap3A_106, %swap3A_107], %broadcast_in_dim3A_105 {strides = array<i32>} : memref<128x128xf32, #tpu.memory_space<vmem>>, vector<16xf32>,
      %broadcast_in_dim3A_109 = arith.constant 0.000000e+00 : f32
      %broadcast_in_dim3A_110 = vector.broadcast %broadcast_in_dim3A_109 : f32 to vector<16xf32>
      %swap3A_111 = arith.index_cast %scan3A_73 : i32 to index
      %swap3A_112 = arith.constant 112 : index
      %swap3A_113 = tpu.vector_load %arg15[%swap3A_111, %swap3A_112] {strides = array<i32>} : memref<128x128xf32, #tpu.memory_space<vmem>>, vector<16xf32>,
      tpu.vector_store %arg15[%swap3A_111, %swap3A_112], %broadcast_in_dim3A_110 {strides = array<i32>} : memref<128x128xf32, #tpu.memory_space<vmem>>, vector<16xf32>,
    }
    %scan3A_4 = arith.constant 128 : i32
    %broadcast_in_dim3A = arith.constant 0.000000e+00 : f32
    %broadcast_in_dim3A_5 = vector.broadcast %broadcast_in_dim3A : f32 to vector<16xf32>
    %swap3A = arith.constant 0 : index
    %swap3A_6 = tpu.vector_load %arg16[%swap3A] {strides = array<i32>} : memref<144xf32, #tpu.memory_space<vmem>>, vector<16xf32>,
    tpu.vector_store %arg16[%swap3A], %broadcast_in_dim3A_5 {strides = array<i32>} : memref<144xf32, #tpu.memory_space<vmem>>, vector<16xf32>,
    %broadcast_in_dim3A_7 = arith.constant 0.000000e+00 : f32
    %broadcast_in_dim3A_8 = vector.broadcast %broadcast_in_dim3A_7 : f32 to vector<16xf32>
    %swap3A_9 = arith.constant 16 : index
    %swap3A_10 = tpu.vector_load %arg16[%swap3A_9] {strides = array<i32>} : memref<144xf32, #tpu.memory_space<vmem>>, vector<16xf32>,
    tpu.vector_store %arg16[%swap3A_9], %broadcast_in_dim3A_8 {strides = array<i32>} : memref<144xf32, #tpu.memory_space<vmem>>, vector<16xf32>,
    %broadcast_in_dim3A_11 = arith.constant 0.000000e+00 : f32
    %broadcast_in_dim3A_12 = vector.broadcast %broadcast_in_dim3A_11 : f32 to vector<16xf32>
    %swap3A_13 = arith.constant 32 : index
    %swap3A_14 = tpu.vector_load %arg16[%swap3A_13] {strides = array<i32>} : memref<144xf32, #tpu.memory_space<vmem>>, vector<16xf32>,
    tpu.vector_store %arg16[%swap3A_13], %broadcast_in_dim3A_12 {strides = array<i32>} : memref<144xf32, #tpu.memory_space<vmem>>, vector<16xf32>,
    %broadcast_in_dim3A_15 = arith.constant 0.000000e+00 : f32
    %broadcast_in_dim3A_16 = vector.broadcast %broadcast_in_dim3A_15 : f32 to vector<16xf32>
    %swap3A_17 = arith.constant 48 : index
    %swap3A_18 = tpu.vector_load %arg16[%swap3A_17] {strides = array<i32>} : memref<144xf32, #tpu.memory_space<vmem>>, vector<16xf32>,
    tpu.vector_store %arg16[%swap3A_17], %broadcast_in_dim3A_16 {strides = array<i32>} : memref<144xf32, #tpu.memory_space<vmem>>, vector<16xf32>,
    %broadcast_in_dim3A_19 = arith.constant 0.000000e+00 : f32
    %broadcast_in_dim3A_20 = vector.broadcast %broadcast_in_dim3A_19 : f32 to vector<16xf32>
    %swap3A_21 = arith.constant 64 : index
    %swap3A_22 = tpu.vector_load %arg16[%swap3A_21] {strides = array<i32>} : memref<144xf32, #tpu.memory_space<vmem>>, vector<16xf32>,
    tpu.vector_store %arg16[%swap3A_21], %broadcast_in_dim3A_20 {strides = array<i32>} : memref<144xf32, #tpu.memory_space<vmem>>, vector<16xf32>,
    %broadcast_in_dim3A_23 = arith.constant 0.000000e+00 : f32
    %broadcast_in_dim3A_24 = vector.broadcast %broadcast_in_dim3A_23 : f32 to vector<16xf32>
    %swap3A_25 = arith.constant 80 : index
    %swap3A_26 = tpu.vector_load %arg16[%swap3A_25] {strides = array<i32>} : memref<144xf32, #tpu.memory_space<vmem>>, vector<16xf32>,
    tpu.vector_store %arg16[%swap3A_25], %broadcast_in_dim3A_24 {strides = array<i32>} : memref<144xf32, #tpu.memory_space<vmem>>, vector<16xf32>,
    %broadcast_in_dim3A_27 = arith.constant 0.000000e+00 : f32
    %broadcast_in_dim3A_28 = vector.broadcast %broadcast_in_dim3A_27 : f32 to vector<16xf32>
    %swap3A_29 = arith.constant 96 : index
    %swap3A_30 = tpu.vector_load %arg16[%swap3A_29] {strides = array<i32>} : memref<144xf32, #tpu.memory_space<vmem>>, vector<16xf32>,
    tpu.vector_store %arg16[%swap3A_29], %broadcast_in_dim3A_28 {strides = array<i32>} : memref<144xf32, #tpu.memory_space<vmem>>, vector<16xf32>,
    %broadcast_in_dim3A_31 = arith.constant 0.000000e+00 : f32
    %broadcast_in_dim3A_32 = vector.broadcast %broadcast_in_dim3A_31 : f32 to vector<16xf32>
    %swap3A_33 = arith.constant 112 : index
    %swap3A_34 = tpu.vector_load %arg16[%swap3A_33] {strides = array<i32>} : memref<144xf32, #tpu.memory_space<vmem>>, vector<16xf32>,
    tpu.vector_store %arg16[%swap3A_33], %broadcast_in_dim3A_32 {strides = array<i32>} : memref<144xf32, #tpu.memory_space<vmem>>, vector<16xf32>,
    %broadcast_in_dim3A_35 = arith.constant 0.000000e+00 : f32
    %broadcast_in_dim3A_36 = vector.broadcast %broadcast_in_dim3A_35 : f32 to vector<16xf32>
    %swap3A_37 = arith.constant 128 : index
    %swap3A_38 = tpu.vector_load %arg16[%swap3A_37] {strides = array<i32>} : memref<144xf32, #tpu.memory_space<vmem>>, vector<16xf32>,
    tpu.vector_store %arg16[%swap3A_37], %broadcast_in_dim3A_36 {strides = array<i32>} : memref<144xf32, #tpu.memory_space<vmem>>, vector<16xf32>,
    %mul3A = arith.constant 632 : i32
    %mul3A_39 = arith.muli %arg1, %mul3A : i32
    %add3A = arith.constant 0 : i32
    %add3A_40 = arith.addi %mul3A_39, %add3A : i32
    "tpu.region"() ({
      %run_scoped3A = tpu.sem_alloc : memref<!tpu.dma_semaphore, #tpu.memory_space<semaphore_mem>>
      %dma_start3A = arith.constant 0 : i32
      %dma_start3A_73 = arith.constant 0 : i32
      %dma_start3A_74 = tpu.memref_slice %arg15[%dma_start3A, %dma_start3A_73] : memref<128x128xf32, #tpu.memory_space<vmem>> -> memref<128x128xf32, #tpu.memory_space<vmem>>
      %dma_start3A_75 = arith.constant 0 : i32
      %dma_start3A_76 = tpu.memref_slice %arg17[%add3A_40, %dma_start3A_75] : memref<10112x128xf32, #tpu.memory_space<vmem_shared>> -> memref<128x128xf32, #tpu.memory_space<vmem_shared>>
      %dma_start3A_77 = arith.constant 0 : i32
      %dma_start3A_78 = tpu.memref_slice %arg17[%add3A_40, %dma_start3A_77] : memref<10112x128xf32, #tpu.memory_space<vmem_shared>> -> memref<128x128xf32, #tpu.memory_space<vmem_shared>>
      %dma_start3A_79 = arith.constant 0 : i32
      %dma_start3A_80 = arith.constant 0 : i32
      %dma_start3A_81 = tpu.memref_slice %arg15[%dma_start3A_79, %dma_start3A_80] : memref<128x128xf32, #tpu.memory_space<vmem>> -> memref<128x128xf32, #tpu.memory_space<vmem>>
      tpu.enqueue_dma source(%dma_start3A_81 : memref<128x128xf32, #tpu.memory_space<vmem>>) target(%dma_start3A_78 : memref<128x128xf32, #tpu.memory_space<vmem_shared>>) target_semaphore(%run_scoped3A : memref<!tpu.dma_semaphore, #tpu.memory_space<semaphore_mem>>)
      %dma_wait3A = arith.constant 0 : i32
      %dma_wait3A_82 = arith.constant 0 : i32
      %dma_wait3A_83 = tpu.memref_slice %arg15[%dma_wait3A, %dma_wait3A_82] : memref<128x128xf32, #tpu.memory_space<vmem>> -> memref<128x128xf32, #tpu.memory_space<vmem>>
      %dma_wait3A_84 = arith.constant 0 : i32
      %dma_wait3A_85 = tpu.memref_slice %arg17[%add3A_40, %dma_wait3A_84] : memref<10112x128xf32, #tpu.memory_space<vmem_shared>> -> memref<128x128xf32, #tpu.memory_space<vmem_shared>>
      %dma_wait3A_86 = arith.constant 0 : i32
      %dma_wait3A_87 = tpu.memref_slice %arg17[%add3A_40, %dma_wait3A_86] : memref<10112x128xf32, #tpu.memory_space<vmem_shared>> -> memref<128x128xf32, #tpu.memory_space<vmem_shared>>
      %dma_wait3A_88 = arith.constant 0 : i32
      %dma_wait3A_89 = arith.constant 0 : i32
      %dma_wait3A_90 = tpu.memref_slice %arg15[%dma_wait3A_88, %dma_wait3A_89] : memref<128x128xf32, #tpu.memory_space<vmem>> -> memref<128x128xf32, #tpu.memory_space<vmem>>
      tpu.wait_dma2 semaphore(%run_scoped3A : memref<!tpu.dma_semaphore, #tpu.memory_space<semaphore_mem>>) src(%dma_wait3A_90 : memref<128x128xf32, #tpu.memory_space<vmem>>) dst(%dma_wait3A_87 : memref<128x128xf32, #tpu.memory_space<vmem_shared>>)
      tpu.yield
    }) : () -> ()
    %add3A_41 = arith.constant 0 : i32
    %add3A_42 = arith.addi %mul3A_39, %add3A_41 : i32
    "tpu.region"() ({
      %run_scoped3A = tpu.sem_alloc : memref<!tpu.dma_semaphore, #tpu.memory_space<semaphore_mem>>
      %dma_start3A = arith.constant 0 : i32
      %dma_start3A_73 = tpu.memref_slice %arg16[%dma_start3A] : memref<144xf32, #tpu.memory_space<vmem>> -> memref<128xf32, #tpu.memory_space<vmem>>
      %dma_start3A_74 = tpu.memref_slice %arg18[%add3A_42] : memref<10112xf32, #tpu.memory_space<vmem_shared>> -> memref<128xf32, #tpu.memory_space<vmem_shared>>
      %dma_start3A_75 = tpu.memref_slice %arg18[%add3A_42] : memref<10112xf32, #tpu.memory_space<vmem_shared>> -> memref<128xf32, #tpu.memory_space<vmem_shared>>
      %dma_start3A_76 = arith.constant 0 : i32
      %dma_start3A_77 = tpu.memref_slice %arg16[%dma_start3A_76] : memref<144xf32, #tpu.memory_space<vmem>> -> memref<128xf32, #tpu.memory_space<vmem>>
      tpu.enqueue_dma source(%dma_start3A_77 : memref<128xf32, #tpu.memory_space<vmem>>) target(%dma_start3A_75 : memref<128xf32, #tpu.memory_space<vmem_shared>>) target_semaphore(%run_scoped3A : memref<!tpu.dma_semaphore, #tpu.memory_space<semaphore_mem>>)
      %dma_wait3A = arith.constant 0 : i32
      %dma_wait3A_78 = tpu.memref_slice %arg16[%dma_wait3A] : memref<144xf32, #tpu.memory_space<vmem>> -> memref<128xf32, #tpu.memory_space<vmem>>
      %dma_wait3A_79 = tpu.memref_slice %arg18[%add3A_42] : memref<10112xf32, #tpu.memory_space<vmem_shared>> -> memref<128xf32, #tpu.memory_space<vmem_shared>>
      %dma_wait3A_80 = tpu.memref_slice %arg18[%add3A_42] : memref<10112xf32, #tpu.memory_space<vmem_shared>> -> memref<128xf32, #tpu.memory_space<vmem_shared>>
      %dma_wait3A_81 = arith.constant 0 : i32
      %dma_wait3A_82 = tpu.memref_slice %arg16[%dma_wait3A_81] : memref<144xf32, #tpu.memory_space<vmem>> -> memref<128xf32, #tpu.memory_space<vmem>>
      tpu.wait_dma2 semaphore(%run_scoped3A : memref<!tpu.dma_semaphore, #tpu.memory_space<semaphore_mem>>) src(%dma_wait3A_82 : memref<128xf32, #tpu.memory_space<vmem>>) dst(%dma_wait3A_80 : memref<128xf32, #tpu.memory_space<vmem_shared>>)
      tpu.yield
    }) : () -> ()
    %add3A_43 = arith.constant 128 : i32
    %add3A_44 = arith.addi %mul3A_39, %add3A_43 : i32
    "tpu.region"() ({
      %run_scoped3A = tpu.sem_alloc : memref<!tpu.dma_semaphore, #tpu.memory_space<semaphore_mem>>
      %dma_start3A = arith.constant 0 : i32
      %dma_start3A_73 = arith.constant 0 : i32
      %dma_start3A_74 = tpu.memref_slice %arg15[%dma_start3A, %dma_start3A_73] : memref<128x128xf32, #tpu.memory_space<vmem>> -> memref<128x128xf32, #tpu.memory_space<vmem>>
      %dma_start3A_75 = arith.constant 0 : i32
      %dma_start3A_76 = tpu.memref_slice %arg17[%add3A_44, %dma_start3A_75] : memref<10112x128xf32, #tpu.memory_space<vmem_shared>> -> memref<128x128xf32, #tpu.memory_space<vmem_shared>>
      %dma_start3A_77 = arith.constant 0 : i32
      %dma_start3A_78 = tpu.memref_slice %arg17[%add3A_44, %dma_start3A_77] : memref<10112x128xf32, #tpu.memory_space<vmem_shared>> -> memref<128x128xf32, #tpu.memory_space<vmem_shared>>
      %dma_start3A_79 = arith.constant 0 : i32
      %dma_start3A_80 = arith.constant 0 : i32
      %dma_start3A_81 = tpu.memref_slice %arg15[%dma_start3A_79, %dma_start3A_80] : memref<128x128xf32, #tpu.memory_space<vmem>> -> memref<128x128xf32, #tpu.memory_space<vmem>>
      tpu.enqueue_dma source(%dma_start3A_81 : memref<128x128xf32, #tpu.memory_space<vmem>>) target(%dma_start3A_78 : memref<128x128xf32, #tpu.memory_space<vmem_shared>>) target_semaphore(%run_scoped3A : memref<!tpu.dma_semaphore, #tpu.memory_space<semaphore_mem>>)
      %dma_wait3A = arith.constant 0 : i32
      %dma_wait3A_82 = arith.constant 0 : i32
      %dma_wait3A_83 = tpu.memref_slice %arg15[%dma_wait3A, %dma_wait3A_82] : memref<128x128xf32, #tpu.memory_space<vmem>> -> memref<128x128xf32, #tpu.memory_space<vmem>>
      %dma_wait3A_84 = arith.constant 0 : i32
      %dma_wait3A_85 = tpu.memref_slice %arg17[%add3A_44, %dma_wait3A_84] : memref<10112x128xf32, #tpu.memory_space<vmem_shared>> -> memref<128x128xf32, #tpu.memory_space<vmem_shared>>
      %dma_wait3A_86 = arith.constant 0 : i32
      %dma_wait3A_87 = tpu.memref_slice %arg17[%add3A_44, %dma_wait3A_86] : memref<10112x128xf32, #tpu.memory_space<vmem_shared>> -> memref<128x128xf32, #tpu.memory_space<vmem_shared>>
      %dma_wait3A_88 = arith.constant 0 : i32
      %dma_wait3A_89 = arith.constant 0 : i32
      %dma_wait3A_90 = tpu.memref_slice %arg15[%dma_wait3A_88, %dma_wait3A_89] : memref<128x128xf32, #tpu.memory_space<vmem>> -> memref<128x128xf32, #tpu.memory_space<vmem>>
      tpu.wait_dma2 semaphore(%run_scoped3A : memref<!tpu.dma_semaphore, #tpu.memory_space<semaphore_mem>>) src(%dma_wait3A_90 : memref<128x128xf32, #tpu.memory_space<vmem>>) dst(%dma_wait3A_87 : memref<128x128xf32, #tpu.memory_space<vmem_shared>>)
      tpu.yield
    }) : () -> ()
    %add3A_45 = arith.constant 128 : i32
    %add3A_46 = arith.addi %mul3A_39, %add3A_45 : i32
    "tpu.region"() ({
      %run_scoped3A = tpu.sem_alloc : memref<!tpu.dma_semaphore, #tpu.memory_space<semaphore_mem>>
      %dma_start3A = arith.constant 0 : i32
      %dma_start3A_73 = tpu.memref_slice %arg16[%dma_start3A] : memref<144xf32, #tpu.memory_space<vmem>> -> memref<128xf32, #tpu.memory_space<vmem>>
      %dma_start3A_74 = tpu.memref_slice %arg18[%add3A_46] : memref<10112xf32, #tpu.memory_space<vmem_shared>> -> memref<128xf32, #tpu.memory_space<vmem_shared>>
      %dma_start3A_75 = tpu.memref_slice %arg18[%add3A_46] : memref<10112xf32, #tpu.memory_space<vmem_shared>> -> memref<128xf32, #tpu.memory_space<vmem_shared>>
      %dma_start3A_76 = arith.constant 0 : i32
      %dma_start3A_77 = tpu.memref_slice %arg16[%dma_start3A_76] : memref<144xf32, #tpu.memory_space<vmem>> -> memref<128xf32, #tpu.memory_space<vmem>>
      tpu.enqueue_dma source(%dma_start3A_77 : memref<128xf32, #tpu.memory_space<vmem>>) target(%dma_start3A_75 : memref<128xf32, #tpu.memory_space<vmem_shared>>) target_semaphore(%run_scoped3A : memref<!tpu.dma_semaphore, #tpu.memory_space<semaphore_mem>>)
      %dma_wait3A = arith.constant 0 : i32
      %dma_wait3A_78 = tpu.memref_slice %arg16[%dma_wait3A] : memref<144xf32, #tpu.memory_space<vmem>> -> memref<128xf32, #tpu.memory_space<vmem>>
      %dma_wait3A_79 = tpu.memref_slice %arg18[%add3A_46] : memref<10112xf32, #tpu.memory_space<vmem_shared>> -> memref<128xf32, #tpu.memory_space<vmem_shared>>
      %dma_wait3A_80 = tpu.memref_slice %arg18[%add3A_46] : memref<10112xf32, #tpu.memory_space<vmem_shared>> -> memref<128xf32, #tpu.memory_space<vmem_shared>>
      %dma_wait3A_81 = arith.constant 0 : i32
      %dma_wait3A_82 = tpu.memref_slice %arg16[%dma_wait3A_81] : memref<144xf32, #tpu.memory_space<vmem>> -> memref<128xf32, #tpu.memory_space<vmem>>
      tpu.wait_dma2 semaphore(%run_scoped3A : memref<!tpu.dma_semaphore, #tpu.memory_space<semaphore_mem>>) src(%dma_wait3A_82 : memref<128xf32, #tpu.memory_space<vmem>>) dst(%dma_wait3A_80 : memref<128xf32, #tpu.memory_space<vmem_shared>>)
      tpu.yield
    }) : () -> ()
    %add3A_47 = arith.constant 256 : i32
    %add3A_48 = arith.addi %mul3A_39, %add3A_47 : i32
    "tpu.region"() ({
      %run_scoped3A = tpu.sem_alloc : memref<!tpu.dma_semaphore, #tpu.memory_space<semaphore_mem>>
      %dma_start3A = arith.constant 0 : i32
      %dma_start3A_73 = arith.constant 0 : i32
      %dma_start3A_74 = tpu.memref_slice %arg15[%dma_start3A, %dma_start3A_73] : memref<128x128xf32, #tpu.memory_space<vmem>> -> memref<128x128xf32, #tpu.memory_space<vmem>>
      %dma_start3A_75 = arith.constant 0 : i32
      %dma_start3A_76 = tpu.memref_slice %arg17[%add3A_48, %dma_start3A_75] : memref<10112x128xf32, #tpu.memory_space<vmem_shared>> -> memref<128x128xf32, #tpu.memory_space<vmem_shared>>
      %dma_start3A_77 = arith.constant 0 : i32
      %dma_start3A_78 = tpu.memref_slice %arg17[%add3A_48, %dma_start3A_77] : memref<10112x128xf32, #tpu.memory_space<vmem_shared>> -> memref<128x128xf32, #tpu.memory_space<vmem_shared>>
      %dma_start3A_79 = arith.constant 0 : i32
      %dma_start3A_80 = arith.constant 0 : i32
      %dma_start3A_81 = tpu.memref_slice %arg15[%dma_start3A_79, %dma_start3A_80] : memref<128x128xf32, #tpu.memory_space<vmem>> -> memref<128x128xf32, #tpu.memory_space<vmem>>
      tpu.enqueue_dma source(%dma_start3A_81 : memref<128x128xf32, #tpu.memory_space<vmem>>) target(%dma_start3A_78 : memref<128x128xf32, #tpu.memory_space<vmem_shared>>) target_semaphore(%run_scoped3A : memref<!tpu.dma_semaphore, #tpu.memory_space<semaphore_mem>>)
      %dma_wait3A = arith.constant 0 : i32
      %dma_wait3A_82 = arith.constant 0 : i32
      %dma_wait3A_83 = tpu.memref_slice %arg15[%dma_wait3A, %dma_wait3A_82] : memref<128x128xf32, #tpu.memory_space<vmem>> -> memref<128x128xf32, #tpu.memory_space<vmem>>
      %dma_wait3A_84 = arith.constant 0 : i32
      %dma_wait3A_85 = tpu.memref_slice %arg17[%add3A_48, %dma_wait3A_84] : memref<10112x128xf32, #tpu.memory_space<vmem_shared>> -> memref<128x128xf32, #tpu.memory_space<vmem_shared>>
      %dma_wait3A_86 = arith.constant 0 : i32
      %dma_wait3A_87 = tpu.memref_slice %arg17[%add3A_48, %dma_wait3A_86] : memref<10112x128xf32, #tpu.memory_space<vmem_shared>> -> memref<128x128xf32, #tpu.memory_space<vmem_shared>>
      %dma_wait3A_88 = arith.constant 0 : i32
      %dma_wait3A_89 = arith.constant 0 : i32
      %dma_wait3A_90 = tpu.memref_slice %arg15[%dma_wait3A_88, %dma_wait3A_89] : memref<128x128xf32, #tpu.memory_space<vmem>> -> memref<128x128xf32, #tpu.memory_space<vmem>>
      tpu.wait_dma2 semaphore(%run_scoped3A : memref<!tpu.dma_semaphore, #tpu.memory_space<semaphore_mem>>) src(%dma_wait3A_90 : memref<128x128xf32, #tpu.memory_space<vmem>>) dst(%dma_wait3A_87 : memref<128x128xf32, #tpu.memory_space<vmem_shared>>)
      tpu.yield
    }) : () -> ()
    %add3A_49 = arith.constant 256 : i32
    %add3A_50 = arith.addi %mul3A_39, %add3A_49 : i32
    "tpu.region"() ({
      %run_scoped3A = tpu.sem_alloc : memref<!tpu.dma_semaphore, #tpu.memory_space<semaphore_mem>>
      %dma_start3A = arith.constant 0 : i32
      %dma_start3A_73 = tpu.memref_slice %arg16[%dma_start3A] : memref<144xf32, #tpu.memory_space<vmem>> -> memref<128xf32, #tpu.memory_space<vmem>>
      %dma_start3A_74 = tpu.memref_slice %arg18[%add3A_50] : memref<10112xf32, #tpu.memory_space<vmem_shared>> -> memref<128xf32, #tpu.memory_space<vmem_shared>>
      %dma_start3A_75 = tpu.memref_slice %arg18[%add3A_50] : memref<10112xf32, #tpu.memory_space<vmem_shared>> -> memref<128xf32, #tpu.memory_space<vmem_shared>>
      %dma_start3A_76 = arith.constant 0 : i32
      %dma_start3A_77 = tpu.memref_slice %arg16[%dma_start3A_76] : memref<144xf32, #tpu.memory_space<vmem>> -> memref<128xf32, #tpu.memory_space<vmem>>
      tpu.enqueue_dma source(%dma_start3A_77 : memref<128xf32, #tpu.memory_space<vmem>>) target(%dma_start3A_75 : memref<128xf32, #tpu.memory_space<vmem_shared>>) target_semaphore(%run_scoped3A : memref<!tpu.dma_semaphore, #tpu.memory_space<semaphore_mem>>)
      %dma_wait3A = arith.constant 0 : i32
      %dma_wait3A_78 = tpu.memref_slice %arg16[%dma_wait3A] : memref<144xf32, #tpu.memory_space<vmem>> -> memref<128xf32, #tpu.memory_space<vmem>>
      %dma_wait3A_79 = tpu.memref_slice %arg18[%add3A_50] : memref<10112xf32, #tpu.memory_space<vmem_shared>> -> memref<128xf32, #tpu.memory_space<vmem_shared>>
      %dma_wait3A_80 = tpu.memref_slice %arg18[%add3A_50] : memref<10112xf32, #tpu.memory_space<vmem_shared>> -> memref<128xf32, #tpu.memory_space<vmem_shared>>
      %dma_wait3A_81 = arith.constant 0 : i32
      %dma_wait3A_82 = tpu.memref_slice %arg16[%dma_wait3A_81] : memref<144xf32, #tpu.memory_space<vmem>> -> memref<128xf32, #tpu.memory_space<vmem>>
      tpu.wait_dma2 semaphore(%run_scoped3A : memref<!tpu.dma_semaphore, #tpu.memory_space<semaphore_mem>>) src(%dma_wait3A_82 : memref<128xf32, #tpu.memory_space<vmem>>) dst(%dma_wait3A_80 : memref<128xf32, #tpu.memory_space<vmem_shared>>)
      tpu.yield
    }) : () -> ()
    %add3A_51 = arith.constant 384 : i32
    %add3A_52 = arith.addi %mul3A_39, %add3A_51 : i32
    "tpu.region"() ({
      %run_scoped3A = tpu.sem_alloc : memref<!tpu.dma_semaphore, #tpu.memory_space<semaphore_mem>>
      %dma_start3A = arith.constant 0 : i32
      %dma_start3A_73 = arith.constant 0 : i32
      %dma_start3A_74 = tpu.memref_slice %arg15[%dma_start3A, %dma_start3A_73] : memref<128x128xf32, #tpu.memory_space<vmem>> -> memref<128x128xf32, #tpu.memory_space<vmem>>
      %dma_start3A_75 = arith.constant 0 : i32
      %dma_start3A_76 = tpu.memref_slice %arg17[%add3A_52, %dma_start3A_75] : memref<10112x128xf32, #tpu.memory_space<vmem_shared>> -> memref<128x128xf32, #tpu.memory_space<vmem_shared>>
      %dma_start3A_77 = arith.constant 0 : i32
      %dma_start3A_78 = tpu.memref_slice %arg17[%add3A_52, %dma_start3A_77] : memref<10112x128xf32, #tpu.memory_space<vmem_shared>> -> memref<128x128xf32, #tpu.memory_space<vmem_shared>>
      %dma_start3A_79 = arith.constant 0 : i32
      %dma_start3A_80 = arith.constant 0 : i32
      %dma_start3A_81 = tpu.memref_slice %arg15[%dma_start3A_79, %dma_start3A_80] : memref<128x128xf32, #tpu.memory_space<vmem>> -> memref<128x128xf32, #tpu.memory_space<vmem>>
      tpu.enqueue_dma source(%dma_start3A_81 : memref<128x128xf32, #tpu.memory_space<vmem>>) target(%dma_start3A_78 : memref<128x128xf32, #tpu.memory_space<vmem_shared>>) target_semaphore(%run_scoped3A : memref<!tpu.dma_semaphore, #tpu.memory_space<semaphore_mem>>)
      %dma_wait3A = arith.constant 0 : i32
      %dma_wait3A_82 = arith.constant 0 : i32
      %dma_wait3A_83 = tpu.memref_slice %arg15[%dma_wait3A, %dma_wait3A_82] : memref<128x128xf32, #tpu.memory_space<vmem>> -> memref<128x128xf32, #tpu.memory_space<vmem>>
      %dma_wait3A_84 = arith.constant 0 : i32
      %dma_wait3A_85 = tpu.memref_slice %arg17[%add3A_52, %dma_wait3A_84] : memref<10112x128xf32, #tpu.memory_space<vmem_shared>> -> memref<128x128xf32, #tpu.memory_space<vmem_shared>>
      %dma_wait3A_86 = arith.constant 0 : i32
      %dma_wait3A_87 = tpu.memref_slice %arg17[%add3A_52, %dma_wait3A_86] : memref<10112x128xf32, #tpu.memory_space<vmem_shared>> -> memref<128x128xf32, #tpu.memory_space<vmem_shared>>
      %dma_wait3A_88 = arith.constant 0 : i32
      %dma_wait3A_89 = arith.constant 0 : i32
      %dma_wait3A_90 = tpu.memref_slice %arg15[%dma_wait3A_88, %dma_wait3A_89] : memref<128x128xf32, #tpu.memory_space<vmem>> -> memref<128x128xf32, #tpu.memory_space<vmem>>
      tpu.wait_dma2 semaphore(%run_scoped3A : memref<!tpu.dma_semaphore, #tpu.memory_space<semaphore_mem>>) src(%dma_wait3A_90 : memref<128x128xf32, #tpu.memory_space<vmem>>) dst(%dma_wait3A_87 : memref<128x128xf32, #tpu.memory_space<vmem_shared>>)
      tpu.yield
    }) : () -> ()
    %add3A_53 = arith.constant 384 : i32
    %add3A_54 = arith.addi %mul3A_39, %add3A_53 : i32
    "tpu.region"() ({
      %run_scoped3A = tpu.sem_alloc : memref<!tpu.dma_semaphore, #tpu.memory_space<semaphore_mem>>
      %dma_start3A = arith.constant 0 : i32
      %dma_start3A_73 = tpu.memref_slice %arg16[%dma_start3A] : memref<144xf32, #tpu.memory_space<vmem>> -> memref<128xf32, #tpu.memory_space<vmem>>
      %dma_start3A_74 = tpu.memref_slice %arg18[%add3A_54] : memref<10112xf32, #tpu.memory_space<vmem_shared>> -> memref<128xf32, #tpu.memory_space<vmem_shared>>
      %dma_start3A_75 = tpu.memref_slice %arg18[%add3A_54] : memref<10112xf32, #tpu.memory_space<vmem_shared>> -> memref<128xf32, #tpu.memory_space<vmem_shared>>
      %dma_start3A_76 = arith.constant 0 : i32
      %dma_start3A_77 = tpu.memref_slice %arg16[%dma_start3A_76] : memref<144xf32, #tpu.memory_space<vmem>> -> memref<128xf32, #tpu.memory_space<vmem>>
      tpu.enqueue_dma source(%dma_start3A_77 : memref<128xf32, #tpu.memory_space<vmem>>) target(%dma_start3A_75 : memref<128xf32, #tpu.memory_space<vmem_shared>>) target_semaphore(%run_scoped3A : memref<!tpu.dma_semaphore, #tpu.memory_space<semaphore_mem>>)
      %dma_wait3A = arith.constant 0 : i32
      %dma_wait3A_78 = tpu.memref_slice %arg16[%dma_wait3A] : memref<144xf32, #tpu.memory_space<vmem>> -> memref<128xf32, #tpu.memory_space<vmem>>
      %dma_wait3A_79 = tpu.memref_slice %arg18[%add3A_54] : memref<10112xf32, #tpu.memory_space<vmem_shared>> -> memref<128xf32, #tpu.memory_space<vmem_shared>>
      %dma_wait3A_80 = tpu.memref_slice %arg18[%add3A_54] : memref<10112xf32, #tpu.memory_space<vmem_shared>> -> memref<128xf32, #tpu.memory_space<vmem_shared>>
      %dma_wait3A_81 = arith.constant 0 : i32
      %dma_wait3A_82 = tpu.memref_slice %arg16[%dma_wait3A_81] : memref<144xf32, #tpu.memory_space<vmem>> -> memref<128xf32, #tpu.memory_space<vmem>>
      tpu.wait_dma2 semaphore(%run_scoped3A : memref<!tpu.dma_semaphore, #tpu.memory_space<semaphore_mem>>) src(%dma_wait3A_82 : memref<128xf32, #tpu.memory_space<vmem>>) dst(%dma_wait3A_80 : memref<128xf32, #tpu.memory_space<vmem_shared>>)
      tpu.yield
    }) : () -> ()
    %add3A_55 = arith.constant 512 : i32
    %add3A_56 = arith.addi %mul3A_39, %add3A_55 : i32
    "tpu.region"() ({
      %run_scoped3A = tpu.sem_alloc : memref<!tpu.dma_semaphore, #tpu.memory_space<semaphore_mem>>
      %dma_start3A = arith.constant 0 : i32
      %dma_start3A_73 = arith.constant 0 : i32
      %dma_start3A_74 = tpu.memref_slice %arg15[%dma_start3A, %dma_start3A_73] : memref<128x128xf32, #tpu.memory_space<vmem>> -> memref<120x128xf32, #tpu.memory_space<vmem>>
      %dma_start3A_75 = arith.constant 0 : i32
      %dma_start3A_76 = tpu.memref_slice %arg17[%add3A_56, %dma_start3A_75] : memref<10112x128xf32, #tpu.memory_space<vmem_shared>> -> memref<120x128xf32, #tpu.memory_space<vmem_shared>>
      %dma_start3A_77 = arith.constant 0 : i32
      %dma_start3A_78 = tpu.memref_slice %arg17[%add3A_56, %dma_start3A_77] : memref<10112x128xf32, #tpu.memory_space<vmem_shared>> -> memref<120x128xf32, #tpu.memory_space<vmem_shared>>
      %dma_start3A_79 = arith.constant 0 : i32
      %dma_start3A_80 = arith.constant 0 : i32
      %dma_start3A_81 = tpu.memref_slice %arg15[%dma_start3A_79, %dma_start3A_80] : memref<128x128xf32, #tpu.memory_space<vmem>> -> memref<120x128xf32, #tpu.memory_space<vmem>>
      tpu.enqueue_dma source(%dma_start3A_81 : memref<120x128xf32, #tpu.memory_space<vmem>>) target(%dma_start3A_78 : memref<120x128xf32, #tpu.memory_space<vmem_shared>>) target_semaphore(%run_scoped3A : memref<!tpu.dma_semaphore, #tpu.memory_space<semaphore_mem>>)
      %dma_wait3A = arith.constant 0 : i32
      %dma_wait3A_82 = arith.constant 0 : i32
      %dma_wait3A_83 = tpu.memref_slice %arg15[%dma_wait3A, %dma_wait3A_82] : memref<128x128xf32, #tpu.memory_space<vmem>> -> memref<120x128xf32, #tpu.memory_space<vmem>>
      %dma_wait3A_84 = arith.constant 0 : i32
      %dma_wait3A_85 = tpu.memref_slice %arg17[%add3A_56, %dma_wait3A_84] : memref<10112x128xf32, #tpu.memory_space<vmem_shared>> -> memref<120x128xf32, #tpu.memory_space<vmem_shared>>
      %dma_wait3A_86 = arith.constant 0 : i32
      %dma_wait3A_87 = tpu.memref_slice %arg17[%add3A_56, %dma_wait3A_86] : memref<10112x128xf32, #tpu.memory_space<vmem_shared>> -> memref<120x128xf32, #tpu.memory_space<vmem_shared>>
      %dma_wait3A_88 = arith.constant 0 : i32
      %dma_wait3A_89 = arith.constant 0 : i32
      %dma_wait3A_90 = tpu.memref_slice %arg15[%dma_wait3A_88, %dma_wait3A_89] : memref<128x128xf32, #tpu.memory_space<vmem>> -> memref<120x128xf32, #tpu.memory_space<vmem>>
      tpu.wait_dma2 semaphore(%run_scoped3A : memref<!tpu.dma_semaphore, #tpu.memory_space<semaphore_mem>>) src(%dma_wait3A_90 : memref<120x128xf32, #tpu.memory_space<vmem>>) dst(%dma_wait3A_87 : memref<120x128xf32, #tpu.memory_space<vmem_shared>>)
      tpu.yield
    }) : () -> ()
    %add3A_57 = arith.constant 512 : i32
    %add3A_58 = arith.addi %mul3A_39, %add3A_57 : i32
    "tpu.region"() ({
      %run_scoped3A = tpu.sem_alloc : memref<!tpu.dma_semaphore, #tpu.memory_space<semaphore_mem>>
      %dma_start3A = arith.constant 0 : i32
      %dma_start3A_73 = tpu.memref_slice %arg16[%dma_start3A] : memref<144xf32, #tpu.memory_space<vmem>> -> memref<120xf32, #tpu.memory_space<vmem>>
      %dma_start3A_74 = tpu.memref_slice %arg18[%add3A_58] : memref<10112xf32, #tpu.memory_space<vmem_shared>> -> memref<120xf32, #tpu.memory_space<vmem_shared>>
      %dma_start3A_75 = tpu.memref_slice %arg18[%add3A_58] : memref<10112xf32, #tpu.memory_space<vmem_shared>> -> memref<120xf32, #tpu.memory_space<vmem_shared>>
      %dma_start3A_76 = arith.constant 0 : i32
      %dma_start3A_77 = tpu.memref_slice %arg16[%dma_start3A_76] : memref<144xf32, #tpu.memory_space<vmem>> -> memref<120xf32, #tpu.memory_space<vmem>>
      tpu.enqueue_dma source(%dma_start3A_77 : memref<120xf32, #tpu.memory_space<vmem>>) target(%dma_start3A_75 : memref<120xf32, #tpu.memory_space<vmem_shared>>) target_semaphore(%run_scoped3A : memref<!tpu.dma_semaphore, #tpu.memory_space<semaphore_mem>>)
      %dma_wait3A = arith.constant 0 : i32
      %dma_wait3A_78 = tpu.memref_slice %arg16[%dma_wait3A] : memref<144xf32, #tpu.memory_space<vmem>> -> memref<120xf32, #tpu.memory_space<vmem>>
      %dma_wait3A_79 = tpu.memref_slice %arg18[%add3A_58] : memref<10112xf32, #tpu.memory_space<vmem_shared>> -> memref<120xf32, #tpu.memory_space<vmem_shared>>
      %dma_wait3A_80 = tpu.memref_slice %arg18[%add3A_58] : memref<10112xf32, #tpu.memory_space<vmem_shared>> -> memref<120xf32, #tpu.memory_space<vmem_shared>>
      %dma_wait3A_81 = arith.constant 0 : i32
      %dma_wait3A_82 = tpu.memref_slice %arg16[%dma_wait3A_81] : memref<144xf32, #tpu.memory_space<vmem>> -> memref<120xf32, #tpu.memory_space<vmem>>
      tpu.wait_dma2 semaphore(%run_scoped3A : memref<!tpu.dma_semaphore, #tpu.memory_space<semaphore_mem>>) src(%dma_wait3A_82 : memref<120xf32, #tpu.memory_space<vmem>>) dst(%dma_wait3A_80 : memref<120xf32, #tpu.memory_space<vmem_shared>>)
      tpu.yield
    }) : () -> ()
    %barrier3A = arith.constant 0 : index
    tpu.barrier barrier_id(%barrier3A)
    %scan3A_59 = arith.constant 0 : i32
    %scan3A_60 = arith.constant 0 : i32
    %scan3A_61 = arith.constant 10 : i32
    %scan3A_62 = arith.addi %scan3A_60, %scan3A_61 : i32
    %scan3A_63 = arith.constant 1 : i32
    scf.for %scan3A_73 = %scan3A_60 to %scan3A_62 step %scan3A_63  : i32 {
      %mul3A_74 = arith.constant 8 : i32
      %mul3A_75 = arith.muli %scan3A_73, %mul3A_74 : i32
      "tpu.region"() ({
        %run_scoped3A_1590 = tpu.sem_alloc : memref<!tpu.dma_semaphore, #tpu.memory_space<semaphore_mem>>
        %dma_start3A_1591 = arith.constant 0 : i32
        %dma_start3A_1592 = tpu.memref_slice %arg5[%arg0, %arg1, %mul3A_75, %dma_start3A_1591] : memref<2x16x80x128xi32, #tpu.memory_space<hbm>> -> memref<1x1x8x128xi32, #tpu.memory_space<hbm>>
        %dma_start3A_1593 = tpu.memref_squeeze %dma_start3A_1592 : memref<1x1x8x128xi32, #tpu.memory_space<hbm>> -> memref<8x128xi32, #tpu.memory_space<hbm>>
        %dma_start3A_1594 = arith.constant 0 : i32
        %dma_start3A_1595 = tpu.memref_slice %arg5[%arg0, %arg1, %mul3A_75, %dma_start3A_1594] : memref<2x16x80x128xi32, #tpu.memory_space<hbm>> -> memref<1x1x8x128xi32, #tpu.memory_space<hbm>>
        %dma_start3A_1596 = tpu.memref_squeeze %dma_start3A_1595 : memref<1x1x8x128xi32, #tpu.memory_space<hbm>> -> memref<8x128xi32, #tpu.memory_space<hbm>>
        tpu.enqueue_dma source(%dma_start3A_1596 : memref<8x128xi32, #tpu.memory_space<hbm>>) target(%arg11 : memref<8x128xi32, #tpu.memory_space<vmem>>) target_semaphore(%run_scoped3A_1590 : memref<!tpu.dma_semaphore, #tpu.memory_space<semaphore_mem>>)
        %dma_wait3A_1597 = arith.constant 0 : i32
        %dma_wait3A_1598 = tpu.memref_slice %arg5[%arg0, %arg1, %mul3A_75, %dma_wait3A_1597] : memref<2x16x80x128xi32, #tpu.memory_space<hbm>> -> memref<1x1x8x128xi32, #tpu.memory_space<hbm>>
        %dma_wait3A_1599 = tpu.memref_squeeze %dma_wait3A_1598 : memref<1x1x8x128xi32, #tpu.memory_space<hbm>> -> memref<8x128xi32, #tpu.memory_space<hbm>>
        %dma_wait3A_1600 = arith.constant 0 : i32
        %dma_wait3A_1601 = tpu.memref_slice %arg5[%arg0, %arg1, %mul3A_75, %dma_wait3A_1600] : memref<2x16x80x128xi32, #tpu.memory_space<hbm>> -> memref<1x1x8x128xi32, #tpu.memory_space<hbm>>
        %dma_wait3A_1602 = tpu.memref_squeeze %dma_wait3A_1601 : memref<1x1x8x128xi32, #tpu.memory_space<hbm>> -> memref<8x128xi32, #tpu.memory_space<hbm>>
        tpu.wait_dma2 semaphore(%run_scoped3A_1590 : memref<!tpu.dma_semaphore, #tpu.memory_space<semaphore_mem>>) src(%dma_wait3A_1602 : memref<8x128xi32, #tpu.memory_space<hbm>>) dst(%arg11 : memref<8x128xi32, #tpu.memory_space<vmem>>)
        tpu.yield
      }) : () -> ()
      %mul3A_76 = arith.constant 8 : i32
      %mul3A_77 = arith.muli %scan3A_73, %mul3A_76 : i32
      "tpu.region"() ({
        %run_scoped3A_1590 = tpu.sem_alloc : memref<!tpu.dma_semaphore, #tpu.memory_space<semaphore_mem>>
        %dma_start3A_1591 = arith.constant 0 : i32
        %dma_start3A_1592 = tpu.memref_slice %arg6[%arg0, %arg1, %mul3A_77, %dma_start3A_1591] : memref<2x16x80x128xi32, #tpu.memory_space<hbm>> -> memref<1x1x8x128xi32, #tpu.memory_space<hbm>>
        %dma_start3A_1593 = tpu.memref_squeeze %dma_start3A_1592 : memref<1x1x8x128xi32, #tpu.memory_space<hbm>> -> memref<8x128xi32, #tpu.memory_space<hbm>>
        %dma_start3A_1594 = arith.constant 0 : i32
        %dma_start3A_1595 = tpu.memref_slice %arg6[%arg0, %arg1, %mul3A_77, %dma_start3A_1594] : memref<2x16x80x128xi32, #tpu.memory_space<hbm>> -> memref<1x1x8x128xi32, #tpu.memory_space<hbm>>
        %dma_start3A_1596 = tpu.memref_squeeze %dma_start3A_1595 : memref<1x1x8x128xi32, #tpu.memory_space<hbm>> -> memref<8x128xi32, #tpu.memory_space<hbm>>
        tpu.enqueue_dma source(%dma_start3A_1596 : memref<8x128xi32, #tpu.memory_space<hbm>>) target(%arg12 : memref<8x128xi32, #tpu.memory_space<vmem>>) target_semaphore(%run_scoped3A_1590 : memref<!tpu.dma_semaphore, #tpu.memory_space<semaphore_mem>>)
        %dma_wait3A_1597 = arith.constant 0 : i32
        %dma_wait3A_1598 = tpu.memref_slice %arg6[%arg0, %arg1, %mul3A_77, %dma_wait3A_1597] : memref<2x16x80x128xi32, #tpu.memory_space<hbm>> -> memref<1x1x8x128xi32, #tpu.memory_space<hbm>>
        %dma_wait3A_1599 = tpu.memref_squeeze %dma_wait3A_1598 : memref<1x1x8x128xi32, #tpu.memory_space<hbm>> -> memref<8x128xi32, #tpu.memory_space<hbm>>
        %dma_wait3A_1600 = arith.constant 0 : i32
        %dma_wait3A_1601 = tpu.memref_slice %arg6[%arg0, %arg1, %mul3A_77, %dma_wait3A_1600] : memref<2x16x80x128xi32, #tpu.memory_space<hbm>> -> memref<1x1x8x128xi32, #tpu.memory_space<hbm>>
        %dma_wait3A_1602 = tpu.memref_squeeze %dma_wait3A_1601 : memref<1x1x8x128xi32, #tpu.memory_space<hbm>> -> memref<8x128xi32, #tpu.memory_space<hbm>>
        tpu.wait_dma2 semaphore(%run_scoped3A_1590 : memref<!tpu.dma_semaphore, #tpu.memory_space<semaphore_mem>>) src(%dma_wait3A_1602 : memref<8x128xi32, #tpu.memory_space<hbm>>) dst(%arg12 : memref<8x128xi32, #tpu.memory_space<vmem>>)
        tpu.yield
      }) : () -> ()
      %dma_start3A = arith.constant 0 : i32
      %dma_start3A_78 = arith.constant 0 : i32
      %dma_start3A_79 = tpu.memref_slice %arg12[%dma_start3A, %dma_start3A_78] : memref<8x128xi32, #tpu.memory_space<vmem>> -> memref<1x128xi32, #tpu.memory_space<vmem>>
      %dma_start3A_80 = tpu.memref_squeeze %dma_start3A_79 : memref<1x128xi32, #tpu.memory_space<vmem>> -> memref<128xi32, #tpu.memory_space<vmem>>
      %dma_start3A_81 = arith.constant 0 : i32
      %dma_start3A_82 = arith.constant 0 : i32
      %dma_start3A_83 = tpu.memref_slice %arg2[%dma_start3A_81, %dma_start3A_82] : memref<10000x128xf32, #tpu.memory_space<hbm>> -> memref<10000x128xf32, #tpu.memory_space<hbm>>
      tpu.enqueue_indirect_dma source(%dma_start3A_83 : memref<10000x128xf32, #tpu.memory_space<hbm>>) target(%arg15 : memref<128x128xf32, #tpu.memory_space<vmem>>) offsets(%dma_start3A_80 : memref<128xi32, #tpu.memory_space<vmem>>) semaphore(%arg19 : memref<!tpu.dma_semaphore, #tpu.memory_space<semaphore_mem>>)
      %dma_wait3A = arith.constant 0 : i32
      %dma_wait3A_84 = arith.constant 0 : i32
      %dma_wait3A_85 = tpu.memref_slice %arg12[%dma_wait3A, %dma_wait3A_84] : memref<8x128xi32, #tpu.memory_space<vmem>> -> memref<1x128xi32, #tpu.memory_space<vmem>>
      %dma_wait3A_86 = tpu.memref_squeeze %dma_wait3A_85 : memref<1x128xi32, #tpu.memory_space<vmem>> -> memref<128xi32, #tpu.memory_space<vmem>>
      %dma_wait3A_87 = arith.constant 0 : i32
      %dma_wait3A_88 = arith.constant 0 : i32
      %dma_wait3A_89 = tpu.memref_slice %arg2[%dma_wait3A_87, %dma_wait3A_88] : memref<10000x128xf32, #tpu.memory_space<hbm>> -> memref<10000x128xf32, #tpu.memory_space<hbm>>
      tpu.wait_indirect_dma semaphore(%arg19 : memref<!tpu.dma_semaphore, #tpu.memory_space<semaphore_mem>>) src(%dma_wait3A_89 : memref<10000x128xf32, #tpu.memory_space<hbm>>) dst(%arg15 : memref<128x128xf32, #tpu.memory_space<vmem>>)
      %get3A = arith.constant 0 : i32
      %get3A_90 = arith.index_cast %get3A : i32 to index
      %get3A_91 = arith.constant 0 : index
      %get3A_92 = tpu.vector_load %arg11[%get3A_90, %get3A_91] {strides = array<i32>} : memref<8x128xi32, #tpu.memory_space<vmem>>, vector<16xi32>,
      %get3A_93 = arith.constant 0 : i32
      %get3A_94 = arith.index_cast %get3A_93 : i32 to index
      %get3A_95 = arith.constant 0 : index
      %get3A_96 = tpu.vector_load %arg12[%get3A_94, %get3A_95] {strides = array<i32>} : memref<8x128xi32, #tpu.memory_space<vmem>>, vector<16xi32>,
      %gather3A = tpu.vector_load_idx %arg13[%get3A_92] : memref<10112xf32, #tpu.memory_space<vmem>>[vector<16xi32>], vector<16xf32>,
      %gather3A_97 = tpu.vector_load_idx %arg14[%get3A_96] : memref<10112xf32, #tpu.memory_space<vmem>>[vector<16xi32>], vector<16xf32>,
      %add3A_98 = arith.addf %gather3A, %gather3A_97 : vector<16xf32>
      %gt3A = arith.constant 0.000000e+00 : f32
      %gt3A_99 = vector.broadcast %gt3A : f32 to vector<16xf32>
      %gt3A_100 = arith.cmpf ogt, %add3A_98, %gt3A_99 : vector<16xf32>
      %mul3A_101 = arith.constant 2.000000e-01 : f32
      %mul3A_102 = vector.broadcast %mul3A_101 : f32 to vector<16xf32>
      %mul3A_103 = arith.mulf %mul3A_102, %add3A_98 : vector<16xf32>
      %select_n3A = arith.select %gt3A_100, %add3A_98, %mul3A_103 : vector<16xi1>, vector<16xf32>
      %exp3A = math.exp %select_n3A : vector<16xf32>
      %swap3A_104 = arith.constant 0 : index
      %swap3A_105 = tpu.vector_load %arg16[%swap3A_104] {strides = array<i32>} : memref<144xf32, #tpu.memory_space<vmem>>, vector<16xf32>,
      tpu.vector_store %arg16[%swap3A_104], %exp3A {strides = array<i32>} : memref<144xf32, #tpu.memory_space<vmem>>, vector<16xf32>,
      %get3A_106 = arith.constant 0 : i32
      %get3A_107 = arith.index_cast %get3A_106 : i32 to index
      %get3A_108 = arith.constant 16 : index
      %get3A_109 = tpu.vector_load %arg11[%get3A_107, %get3A_108] {strides = array<i32>} : memref<8x128xi32, #tpu.memory_space<vmem>>, vector<16xi32>,
      %get3A_110 = arith.constant 0 : i32
      %get3A_111 = arith.index_cast %get3A_110 : i32 to index
      %get3A_112 = arith.constant 16 : index
      %get3A_113 = tpu.vector_load %arg12[%get3A_111, %get3A_112] {strides = array<i32>} : memref<8x128xi32, #tpu.memory_space<vmem>>, vector<16xi32>,
      %gather3A_114 = tpu.vector_load_idx %arg13[%get3A_109] : memref<10112xf32, #tpu.memory_space<vmem>>[vector<16xi32>], vector<16xf32>,
      %gather3A_115 = tpu.vector_load_idx %arg14[%get3A_113] : memref<10112xf32, #tpu.memory_space<vmem>>[vector<16xi32>], vector<16xf32>,
      %add3A_116 = arith.addf %gather3A_114, %gather3A_115 : vector<16xf32>
      %gt3A_117 = arith.constant 0.000000e+00 : f32
      %gt3A_118 = vector.broadcast %gt3A_117 : f32 to vector<16xf32>
      %gt3A_119 = arith.cmpf ogt, %add3A_116, %gt3A_118 : vector<16xf32>
      %mul3A_120 = arith.constant 2.000000e-01 : f32
      %mul3A_121 = vector.broadcast %mul3A_120 : f32 to vector<16xf32>
      %mul3A_122 = arith.mulf %mul3A_121, %add3A_116 : vector<16xf32>
      %select_n3A_123 = arith.select %gt3A_119, %add3A_116, %mul3A_122 : vector<16xi1>, vector<16xf32>
      %exp3A_124 = math.exp %select_n3A_123 : vector<16xf32>
      %swap3A_125 = arith.constant 16 : index
      %swap3A_126 = tpu.vector_load %arg16[%swap3A_125] {strides = array<i32>} : memref<144xf32, #tpu.memory_space<vmem>>, vector<16xf32>,
      tpu.vector_store %arg16[%swap3A_125], %exp3A_124 {strides = array<i32>} : memref<144xf32, #tpu.memory_space<vmem>>, vector<16xf32>,
      %get3A_127 = arith.constant 0 : i32
      %get3A_128 = arith.index_cast %get3A_127 : i32 to index
      %get3A_129 = arith.constant 32 : index
      %get3A_130 = tpu.vector_load %arg11[%get3A_128, %get3A_129] {strides = array<i32>} : memref<8x128xi32, #tpu.memory_space<vmem>>, vector<16xi32>,
      %get3A_131 = arith.constant 0 : i32
      %get3A_132 = arith.index_cast %get3A_131 : i32 to index
      %get3A_133 = arith.constant 32 : index
      %get3A_134 = tpu.vector_load %arg12[%get3A_132, %get3A_133] {strides = array<i32>} : memref<8x128xi32, #tpu.memory_space<vmem>>, vector<16xi32>,
      %gather3A_135 = tpu.vector_load_idx %arg13[%get3A_130] : memref<10112xf32, #tpu.memory_space<vmem>>[vector<16xi32>], vector<16xf32>,
      %gather3A_136 = tpu.vector_load_idx %arg14[%get3A_134] : memref<10112xf32, #tpu.memory_space<vmem>>[vector<16xi32>], vector<16xf32>,
      %add3A_137 = arith.addf %gather3A_135, %gather3A_136 : vector<16xf32>
      %gt3A_138 = arith.constant 0.000000e+00 : f32
      %gt3A_139 = vector.broadcast %gt3A_138 : f32 to vector<16xf32>
      %gt3A_140 = arith.cmpf ogt, %add3A_137, %gt3A_139 : vector<16xf32>
      %mul3A_141 = arith.constant 2.000000e-01 : f32
      %mul3A_142 = vector.broadcast %mul3A_141 : f32 to vector<16xf32>
      %mul3A_143 = arith.mulf %mul3A_142, %add3A_137 : vector<16xf32>
      %select_n3A_144 = arith.select %gt3A_140, %add3A_137, %mul3A_143 : vector<16xi1>, vector<16xf32>
      %exp3A_145 = math.exp %select_n3A_144 : vector<16xf32>
      %swap3A_146 = arith.constant 32 : index
      %swap3A_147 = tpu.vector_load %arg16[%swap3A_146] {strides = array<i32>} : memref<144xf32, #tpu.memory_space<vmem>>, vector<16xf32>,
      tpu.vector_store %arg16[%swap3A_146], %exp3A_145 {strides = array<i32>} : memref<144xf32, #tpu.memory_space<vmem>>, vector<16xf32>,
      %get3A_148 = arith.constant 0 : i32
      %get3A_149 = arith.index_cast %get3A_148 : i32 to index
      %get3A_150 = arith.constant 48 : index
      %get3A_151 = tpu.vector_load %arg11[%get3A_149, %get3A_150] {strides = array<i32>} : memref<8x128xi32, #tpu.memory_space<vmem>>, vector<16xi32>,
      %get3A_152 = arith.constant 0 : i32
      %get3A_153 = arith.index_cast %get3A_152 : i32 to index
      %get3A_154 = arith.constant 48 : index
      %get3A_155 = tpu.vector_load %arg12[%get3A_153, %get3A_154] {strides = array<i32>} : memref<8x128xi32, #tpu.memory_space<vmem>>, vector<16xi32>,
      %gather3A_156 = tpu.vector_load_idx %arg13[%get3A_151] : memref<10112xf32, #tpu.memory_space<vmem>>[vector<16xi32>], vector<16xf32>,
      %gather3A_157 = tpu.vector_load_idx %arg14[%get3A_155] : memref<10112xf32, #tpu.memory_space<vmem>>[vector<16xi32>], vector<16xf32>,
      %add3A_158 = arith.addf %gather3A_156, %gather3A_157 : vector<16xf32>
      %gt3A_159 = arith.constant 0.000000e+00 : f32
      %gt3A_160 = vector.broadcast %gt3A_159 : f32 to vector<16xf32>
      %gt3A_161 = arith.cmpf ogt, %add3A_158, %gt3A_160 : vector<16xf32>
      %mul3A_162 = arith.constant 2.000000e-01 : f32
      %mul3A_163 = vector.broadcast %mul3A_162 : f32 to vector<16xf32>
      %mul3A_164 = arith.mulf %mul3A_163, %add3A_158 : vector<16xf32>
      %select_n3A_165 = arith.select %gt3A_161, %add3A_158, %mul3A_164 : vector<16xi1>, vector<16xf32>
      %exp3A_166 = math.exp %select_n3A_165 : vector<16xf32>
      %swap3A_167 = arith.constant 48 : index
      %swap3A_168 = tpu.vector_load %arg16[%swap3A_167] {strides = array<i32>} : memref<144xf32, #tpu.memory_space<vmem>>, vector<16xf32>,
      tpu.vector_store %arg16[%swap3A_167], %exp3A_166 {strides = array<i32>} : memref<144xf32, #tpu.memory_space<vmem>>, vector<16xf32>,
      %get3A_169 = arith.constant 0 : i32
      %get3A_170 = arith.index_cast %get3A_169 : i32 to index
      %get3A_171 = arith.constant 64 : index
      %get3A_172 = tpu.vector_load %arg11[%get3A_170, %get3A_171] {strides = array<i32>} : memref<8x128xi32, #tpu.memory_space<vmem>>, vector<16xi32>,
      %get3A_173 = arith.constant 0 : i32
      %get3A_174 = arith.index_cast %get3A_173 : i32 to index
      %get3A_175 = arith.constant 64 : index
      %get3A_176 = tpu.vector_load %arg12[%get3A_174, %get3A_175] {strides = array<i32>} : memref<8x128xi32, #tpu.memory_space<vmem>>, vector<16xi32>,
      %gather3A_177 = tpu.vector_load_idx %arg13[%get3A_172] : memref<10112xf32, #tpu.memory_space<vmem>>[vector<16xi32>], vector<16xf32>,
      %gather3A_178 = tpu.vector_load_idx %arg14[%get3A_176] : memref<10112xf32, #tpu.memory_space<vmem>>[vector<16xi32>], vector<16xf32>,
      %add3A_179 = arith.addf %gather3A_177, %gather3A_178 : vector<16xf32>
      %gt3A_180 = arith.constant 0.000000e+00 : f32
      %gt3A_181 = vector.broadcast %gt3A_180 : f32 to vector<16xf32>
      %gt3A_182 = arith.cmpf ogt, %add3A_179, %gt3A_181 : vector<16xf32>
      %mul3A_183 = arith.constant 2.000000e-01 : f32
      %mul3A_184 = vector.broadcast %mul3A_183 : f32 to vector<16xf32>
      %mul3A_185 = arith.mulf %mul3A_184, %add3A_179 : vector<16xf32>
      %select_n3A_186 = arith.select %gt3A_182, %add3A_179, %mul3A_185 : vector<16xi1>, vector<16xf32>
      %exp3A_187 = math.exp %select_n3A_186 : vector<16xf32>
      %swap3A_188 = arith.constant 64 : index
      %swap3A_189 = tpu.vector_load %arg16[%swap3A_188] {strides = array<i32>} : memref<144xf32, #tpu.memory_space<vmem>>, vector<16xf32>,
      tpu.vector_store %arg16[%swap3A_188], %exp3A_187 {strides = array<i32>} : memref<144xf32, #tpu.memory_space<vmem>>, vector<16xf32>,
      %get3A_190 = arith.constant 0 : i32
      %get3A_191 = arith.index_cast %get3A_190 : i32 to index
      %get3A_192 = arith.constant 80 : index
      %get3A_193 = tpu.vector_load %arg11[%get3A_191, %get3A_192] {strides = array<i32>} : memref<8x128xi32, #tpu.memory_space<vmem>>, vector<16xi32>,
      %get3A_194 = arith.constant 0 : i32
      %get3A_195 = arith.index_cast %get3A_194 : i32 to index
      %get3A_196 = arith.constant 80 : index
      %get3A_197 = tpu.vector_load %arg12[%get3A_195, %get3A_196] {strides = array<i32>} : memref<8x128xi32, #tpu.memory_space<vmem>>, vector<16xi32>,
      %gather3A_198 = tpu.vector_load_idx %arg13[%get3A_193] : memref<10112xf32, #tpu.memory_space<vmem>>[vector<16xi32>], vector<16xf32>,
      %gather3A_199 = tpu.vector_load_idx %arg14[%get3A_197] : memref<10112xf32, #tpu.memory_space<vmem>>[vector<16xi32>], vector<16xf32>,
      %add3A_200 = arith.addf %gather3A_198, %gather3A_199 : vector<16xf32>
      %gt3A_201 = arith.constant 0.000000e+00 : f32
      %gt3A_202 = vector.broadcast %gt3A_201 : f32 to vector<16xf32>
      %gt3A_203 = arith.cmpf ogt, %add3A_200, %gt3A_202 : vector<16xf32>
      %mul3A_204 = arith.constant 2.000000e-01 : f32
      %mul3A_205 = vector.broadcast %mul3A_204 : f32 to vector<16xf32>
      %mul3A_206 = arith.mulf %mul3A_205, %add3A_200 : vector<16xf32>
      %select_n3A_207 = arith.select %gt3A_203, %add3A_200, %mul3A_206 : vector<16xi1>, vector<16xf32>
      %exp3A_208 = math.exp %select_n3A_207 : vector<16xf32>
      %swap3A_209 = arith.constant 80 : index
      %swap3A_210 = tpu.vector_load %arg16[%swap3A_209] {strides = array<i32>} : memref<144xf32, #tpu.memory_space<vmem>>, vector<16xf32>,
      tpu.vector_store %arg16[%swap3A_209], %exp3A_208 {strides = array<i32>} : memref<144xf32, #tpu.memory_space<vmem>>, vector<16xf32>,
      %get3A_211 = arith.constant 0 : i32
      %get3A_212 = arith.index_cast %get3A_211 : i32 to index
      %get3A_213 = arith.constant 96 : index
      %get3A_214 = tpu.vector_load %arg11[%get3A_212, %get3A_213] {strides = array<i32>} : memref<8x128xi32, #tpu.memory_space<vmem>>, vector<16xi32>,
      %get3A_215 = arith.constant 0 : i32
      %get3A_216 = arith.index_cast %get3A_215 : i32 to index
      %get3A_217 = arith.constant 96 : index
      %get3A_218 = tpu.vector_load %arg12[%get3A_216, %get3A_217] {strides = array<i32>} : memref<8x128xi32, #tpu.memory_space<vmem>>, vector<16xi32>,
      %gather3A_219 = tpu.vector_load_idx %arg13[%get3A_214] : memref<10112xf32, #tpu.memory_space<vmem>>[vector<16xi32>], vector<16xf32>,
      %gather3A_220 = tpu.vector_load_idx %arg14[%get3A_218] : memref<10112xf32, #tpu.memory_space<vmem>>[vector<16xi32>], vector<16xf32>,
      %add3A_221 = arith.addf %gather3A_219, %gather3A_220 : vector<16xf32>
      %gt3A_222 = arith.constant 0.000000e+00 : f32
      %gt3A_223 = vector.broadcast %gt3A_222 : f32 to vector<16xf32>
      %gt3A_224 = arith.cmpf ogt, %add3A_221, %gt3A_223 : vector<16xf32>
      %mul3A_225 = arith.constant 2.000000e-01 : f32
      %mul3A_226 = vector.broadcast %mul3A_225 : f32 to vector<16xf32>
      %mul3A_227 = arith.mulf %mul3A_226, %add3A_221 : vector<16xf32>
      %select_n3A_228 = arith.select %gt3A_224, %add3A_221, %mul3A_227 : vector<16xi1>, vector<16xf32>
      %exp3A_229 = math.exp %select_n3A_228 : vector<16xf32>
      %swap3A_230 = arith.constant 96 : index
      %swap3A_231 = tpu.vector_load %arg16[%swap3A_230] {strides = array<i32>} : memref<144xf32, #tpu.memory_space<vmem>>, vector<16xf32>,
      tpu.vector_store %arg16[%swap3A_230], %exp3A_229 {strides = array<i32>} : memref<144xf32, #tpu.memory_space<vmem>>, vector<16xf32>,
      %get3A_232 = arith.constant 0 : i32
      %get3A_233 = arith.index_cast %get3A_232 : i32 to index
      %get3A_234 = arith.constant 112 : index
      %get3A_235 = tpu.vector_load %arg11[%get3A_233, %get3A_234] {strides = array<i32>} : memref<8x128xi32, #tpu.memory_space<vmem>>, vector<16xi32>,
      %get3A_236 = arith.constant 0 : i32
      %get3A_237 = arith.index_cast %get3A_236 : i32 to index
      %get3A_238 = arith.constant 112 : index
      %get3A_239 = tpu.vector_load %arg12[%get3A_237, %get3A_238] {strides = array<i32>} : memref<8x128xi32, #tpu.memory_space<vmem>>, vector<16xi32>,
      %gather3A_240 = tpu.vector_load_idx %arg13[%get3A_235] : memref<10112xf32, #tpu.memory_space<vmem>>[vector<16xi32>], vector<16xf32>,
      %gather3A_241 = tpu.vector_load_idx %arg14[%get3A_239] : memref<10112xf32, #tpu.memory_space<vmem>>[vector<16xi32>], vector<16xf32>,
      %add3A_242 = arith.addf %gather3A_240, %gather3A_241 : vector<16xf32>
      %gt3A_243 = arith.constant 0.000000e+00 : f32
      %gt3A_244 = vector.broadcast %gt3A_243 : f32 to vector<16xf32>
      %gt3A_245 = arith.cmpf ogt, %add3A_242, %gt3A_244 : vector<16xf32>
      %mul3A_246 = arith.constant 2.000000e-01 : f32
      %mul3A_247 = vector.broadcast %mul3A_246 : f32 to vector<16xf32>
      %mul3A_248 = arith.mulf %mul3A_247, %add3A_242 : vector<16xf32>
      %select_n3A_249 = arith.select %gt3A_245, %add3A_242, %mul3A_248 : vector<16xi1>, vector<16xf32>
      %exp3A_250 = math.exp %select_n3A_249 : vector<16xf32>
      %swap3A_251 = arith.constant 112 : index
      %swap3A_252 = tpu.vector_load %arg16[%swap3A_251] {strides = array<i32>} : memref<144xf32, #tpu.memory_space<vmem>>, vector<16xf32>,
      tpu.vector_store %arg16[%swap3A_251], %exp3A_250 {strides = array<i32>} : memref<144xf32, #tpu.memory_space<vmem>>, vector<16xf32>,
      %scan3A_253 = arith.constant 0 : i32
      %scan3A_254 = arith.constant 0 : i32
      %scan3A_255 = arith.constant 128 : i32
      %scan3A_256 = arith.addi %scan3A_254, %scan3A_255 : i32
      %scan3A_257 = arith.constant 1 : i32
      scf.for %scan3A_1590 = %scan3A_254 to %scan3A_256 step %scan3A_257  : i32 {
        %get3A_1591 = arith.index_cast %scan3A_1590 : i32 to index
        %get3A_1592 = tpu.vector_load %arg16[%get3A_1591] {strides = array<i32>} : memref<144xf32, #tpu.memory_space<vmem>>, vector<16xf32>,
        %slice3A = vector.extract_strided_slice %get3A_1592 {offsets = [0], sizes = [1], strides = [1]} : vector<16xf32> to vector<1xf32>
        %squeeze3A = vector.extract %slice3A[0] : f32 from vector<1xf32>
        %broadcast_in_dim3A_1593 = vector.broadcast %squeeze3A : f32 to vector<16xf32>
        %get3A_1594 = arith.index_cast %scan3A_1590 : i32 to index
        %get3A_1595 = arith.constant 0 : index
        %get3A_1596 = tpu.vector_load %arg15[%get3A_1594, %get3A_1595] {strides = array<i32>} : memref<128x128xf32, #tpu.memory_space<vmem>>, vector<16xf32>,
        %mul3A_1597 = arith.mulf %get3A_1596, %broadcast_in_dim3A_1593 : vector<16xf32>
        %swap3A_1598 = arith.index_cast %scan3A_1590 : i32 to index
        %swap3A_1599 = arith.constant 0 : index
        %swap3A_1600 = tpu.vector_load %arg15[%swap3A_1598, %swap3A_1599] {strides = array<i32>} : memref<128x128xf32, #tpu.memory_space<vmem>>, vector<16xf32>,
        tpu.vector_store %arg15[%swap3A_1598, %swap3A_1599], %mul3A_1597 {strides = array<i32>} : memref<128x128xf32, #tpu.memory_space<vmem>>, vector<16xf32>,
        %get3A_1601 = arith.index_cast %scan3A_1590 : i32 to index
        %get3A_1602 = arith.constant 16 : index
        %get3A_1603 = tpu.vector_load %arg15[%get3A_1601, %get3A_1602] {strides = array<i32>} : memref<128x128xf32, #tpu.memory_space<vmem>>, vector<16xf32>,
        %mul3A_1604 = arith.mulf %get3A_1603, %broadcast_in_dim3A_1593 : vector<16xf32>
        %swap3A_1605 = arith.index_cast %scan3A_1590 : i32 to index
        %swap3A_1606 = arith.constant 16 : index
        %swap3A_1607 = tpu.vector_load %arg15[%swap3A_1605, %swap3A_1606] {strides = array<i32>} : memref<128x128xf32, #tpu.memory_space<vmem>>, vector<16xf32>,
        tpu.vector_store %arg15[%swap3A_1605, %swap3A_1606], %mul3A_1604 {strides = array<i32>} : memref<128x128xf32, #tpu.memory_space<vmem>>, vector<16xf32>,
        %get3A_1608 = arith.index_cast %scan3A_1590 : i32 to index
        %get3A_1609 = arith.constant 32 : index
        %get3A_1610 = tpu.vector_load %arg15[%get3A_1608, %get3A_1609] {strides = array<i32>} : memref<128x128xf32, #tpu.memory_space<vmem>>, vector<16xf32>,
        %mul3A_1611 = arith.mulf %get3A_1610, %broadcast_in_dim3A_1593 : vector<16xf32>
        %swap3A_1612 = arith.index_cast %scan3A_1590 : i32 to index
        %swap3A_1613 = arith.constant 32 : index
        %swap3A_1614 = tpu.vector_load %arg15[%swap3A_1612, %swap3A_1613] {strides = array<i32>} : memref<128x128xf32, #tpu.memory_space<vmem>>, vector<16xf32>,
        tpu.vector_store %arg15[%swap3A_1612, %swap3A_1613], %mul3A_1611 {strides = array<i32>} : memref<128x128xf32, #tpu.memory_space<vmem>>, vector<16xf32>,
        %get3A_1615 = arith.index_cast %scan3A_1590 : i32 to index
        %get3A_1616 = arith.constant 48 : index
        %get3A_1617 = tpu.vector_load %arg15[%get3A_1615, %get3A_1616] {strides = array<i32>} : memref<128x128xf32, #tpu.memory_space<vmem>>, vector<16xf32>,
        %mul3A_1618 = arith.mulf %get3A_1617, %broadcast_in_dim3A_1593 : vector<16xf32>
        %swap3A_1619 = arith.index_cast %scan3A_1590 : i32 to index
        %swap3A_1620 = arith.constant 48 : index
        %swap3A_1621 = tpu.vector_load %arg15[%swap3A_1619, %swap3A_1620] {strides = array<i32>} : memref<128x128xf32, #tpu.memory_space<vmem>>, vector<16xf32>,
        tpu.vector_store %arg15[%swap3A_1619, %swap3A_1620], %mul3A_1618 {strides = array<i32>} : memref<128x128xf32, #tpu.memory_space<vmem>>, vector<16xf32>,
        %get3A_1622 = arith.index_cast %scan3A_1590 : i32 to index
        %get3A_1623 = arith.constant 64 : index
        %get3A_1624 = tpu.vector_load %arg15[%get3A_1622, %get3A_1623] {strides = array<i32>} : memref<128x128xf32, #tpu.memory_space<vmem>>, vector<16xf32>,
        %mul3A_1625 = arith.mulf %get3A_1624, %broadcast_in_dim3A_1593 : vector<16xf32>
        %swap3A_1626 = arith.index_cast %scan3A_1590 : i32 to index
        %swap3A_1627 = arith.constant 64 : index
        %swap3A_1628 = tpu.vector_load %arg15[%swap3A_1626, %swap3A_1627] {strides = array<i32>} : memref<128x128xf32, #tpu.memory_space<vmem>>, vector<16xf32>,
        tpu.vector_store %arg15[%swap3A_1626, %swap3A_1627], %mul3A_1625 {strides = array<i32>} : memref<128x128xf32, #tpu.memory_space<vmem>>, vector<16xf32>,
        %get3A_1629 = arith.index_cast %scan3A_1590 : i32 to index
        %get3A_1630 = arith.constant 80 : index
        %get3A_1631 = tpu.vector_load %arg15[%get3A_1629, %get3A_1630] {strides = array<i32>} : memref<128x128xf32, #tpu.memory_space<vmem>>, vector<16xf32>,
        %mul3A_1632 = arith.mulf %get3A_1631, %broadcast_in_dim3A_1593 : vector<16xf32>
        %swap3A_1633 = arith.index_cast %scan3A_1590 : i32 to index
        %swap3A_1634 = arith.constant 80 : index
        %swap3A_1635 = tpu.vector_load %arg15[%swap3A_1633, %swap3A_1634] {strides = array<i32>} : memref<128x128xf32, #tpu.memory_space<vmem>>, vector<16xf32>,
        tpu.vector_store %arg15[%swap3A_1633, %swap3A_1634], %mul3A_1632 {strides = array<i32>} : memref<128x128xf32, #tpu.memory_space<vmem>>, vector<16xf32>,
        %get3A_1636 = arith.index_cast %scan3A_1590 : i32 to index
        %get3A_1637 = arith.constant 96 : index
        %get3A_1638 = tpu.vector_load %arg15[%get3A_1636, %get3A_1637] {strides = array<i32>} : memref<128x128xf32, #tpu.memory_space<vmem>>, vector<16xf32>,
        %mul3A_1639 = arith.mulf %get3A_1638, %broadcast_in_dim3A_1593 : vector<16xf32>
        %swap3A_1640 = arith.index_cast %scan3A_1590 : i32 to index
        %swap3A_1641 = arith.constant 96 : index
        %swap3A_1642 = tpu.vector_load %arg15[%swap3A_1640, %swap3A_1641] {strides = array<i32>} : memref<128x128xf32, #tpu.memory_space<vmem>>, vector<16xf32>,
        tpu.vector_store %arg15[%swap3A_1640, %swap3A_1641], %mul3A_1639 {strides = array<i32>} : memref<128x128xf32, #tpu.memory_space<vmem>>, vector<16xf32>,
        %get3A_1643 = arith.index_cast %scan3A_1590 : i32 to index
        %get3A_1644 = arith.constant 112 : index
        %get3A_1645 = tpu.vector_load %arg15[%get3A_1643, %get3A_1644] {strides = array<i32>} : memref<128x128xf32, #tpu.memory_space<vmem>>, vector<16xf32>,
        %mul3A_1646 = arith.mulf %get3A_1645, %broadcast_in_dim3A_1593 : vector<16xf32>
        %swap3A_1647 = arith.index_cast %scan3A_1590 : i32 to index
        %swap3A_1648 = arith.constant 112 : index
        %swap3A_1649 = tpu.vector_load %arg15[%swap3A_1647, %swap3A_1648] {strides = array<i32>} : memref<128x128xf32, #tpu.memory_space<vmem>>, vector<16xf32>,
        tpu.vector_store %arg15[%swap3A_1647, %swap3A_1648], %mul3A_1646 {strides = array<i32>} : memref<128x128xf32, #tpu.memory_space<vmem>>, vector<16xf32>,
      }
      %scan3A_258 = arith.constant 128 : i32
      %run_scoped3A = arith.constant 0 : i32
      "tpu.region"() ({
        %run_scoped3A_1590 = tpu.sem_alloc : memref<!tpu.dma_semaphore, #tpu.memory_space<semaphore_mem>>
        %dma_start3A_1591 = arith.constant 0 : i32
        %dma_start3A_1592 = tpu.memref_slice %arg11[%run_scoped3A, %dma_start3A_1591] : memref<8x128xi32, #tpu.memory_space<vmem>> -> memref<1x128xi32, #tpu.memory_space<vmem>>
        %dma_start3A_1593 = tpu.memref_squeeze %dma_start3A_1592 : memref<1x128xi32, #tpu.memory_space<vmem>> -> memref<128xi32, #tpu.memory_space<vmem>>
        %dma_start3A_1594 = arith.constant 0 : i32
        %dma_start3A_1595 = arith.constant 0 : i32
        %dma_start3A_1596 = tpu.memref_slice %arg17[%dma_start3A_1594, %dma_start3A_1595] : memref<10112x128xf32, #tpu.memory_space<vmem_shared>> -> memref<10112x128xf32, #tpu.memory_space<vmem_shared>>
        tpu.enqueue_indirect_dma source(%arg15 : memref<128x128xf32, #tpu.memory_space<vmem>>) target(%dma_start3A_1596 : memref<10112x128xf32, #tpu.memory_space<vmem_shared>>) offsets(%dma_start3A_1593 : memref<128xi32, #tpu.memory_space<vmem>>) semaphore(%run_scoped3A_1590 : memref<!tpu.dma_semaphore, #tpu.memory_space<semaphore_mem>>) {add = true}
        %dma_wait3A_1597 = arith.constant 0 : i32
        %dma_wait3A_1598 = tpu.memref_slice %arg11[%run_scoped3A, %dma_wait3A_1597] : memref<8x128xi32, #tpu.memory_space<vmem>> -> memref<1x128xi32, #tpu.memory_space<vmem>>
        %dma_wait3A_1599 = tpu.memref_squeeze %dma_wait3A_1598 : memref<1x128xi32, #tpu.memory_space<vmem>> -> memref<128xi32, #tpu.memory_space<vmem>>
        %dma_wait3A_1600 = arith.constant 0 : i32
        %dma_wait3A_1601 = arith.constant 0 : i32
        %dma_wait3A_1602 = tpu.memref_slice %arg17[%dma_wait3A_1600, %dma_wait3A_1601] : memref<10112x128xf32, #tpu.memory_space<vmem_shared>> -> memref<10112x128xf32, #tpu.memory_space<vmem_shared>>
        tpu.wait_indirect_dma semaphore(%run_scoped3A_1590 : memref<!tpu.dma_semaphore, #tpu.memory_space<semaphore_mem>>) src(%arg15 : memref<128x128xf32, #tpu.memory_space<vmem>>) dst(%dma_wait3A_1602 : memref<10112x128xf32, #tpu.memory_space<vmem_shared>>)
        tpu.yield
      }) : () -> ()
      %run_scoped3A_259 = arith.constant 0 : i32
      "tpu.region"() ({
        %run_scoped3A_1590 = tpu.sem_alloc : memref<!tpu.dma_semaphore, #tpu.memory_space<semaphore_mem>>
        %dma_start3A_1591 = arith.constant 0 : i32
        %dma_start3A_1592 = tpu.memref_slice %arg16[%dma_start3A_1591] : memref<144xf32, #tpu.memory_space<vmem>> -> memref<128xf32, #tpu.memory_space<vmem>>
        %dma_start3A_1593 = arith.constant 0 : i32
        %dma_start3A_1594 = tpu.memref_slice %arg11[%run_scoped3A_259, %dma_start3A_1593] : memref<8x128xi32, #tpu.memory_space<vmem>> -> memref<1x128xi32, #tpu.memory_space<vmem>>
        %dma_start3A_1595 = tpu.memref_squeeze %dma_start3A_1594 : memref<1x128xi32, #tpu.memory_space<vmem>> -> memref<128xi32, #tpu.memory_space<vmem>>
        %dma_start3A_1596 = arith.constant 0 : i32
        %dma_start3A_1597 = tpu.memref_slice %arg18[%dma_start3A_1596] : memref<10112xf32, #tpu.memory_space<vmem_shared>> -> memref<10112xf32, #tpu.memory_space<vmem_shared>>
        tpu.enqueue_indirect_dma source(%dma_start3A_1592 : memref<128xf32, #tpu.memory_space<vmem>>) target(%dma_start3A_1597 : memref<10112xf32, #tpu.memory_space<vmem_shared>>) offsets(%dma_start3A_1595 : memref<128xi32, #tpu.memory_space<vmem>>) semaphore(%run_scoped3A_1590 : memref<!tpu.dma_semaphore, #tpu.memory_space<semaphore_mem>>) {add = true}
        %dma_wait3A_1598 = arith.constant 0 : i32
        %dma_wait3A_1599 = tpu.memref_slice %arg16[%dma_wait3A_1598] : memref<144xf32, #tpu.memory_space<vmem>> -> memref<128xf32, #tpu.memory_space<vmem>>
        %dma_wait3A_1600 = arith.constant 0 : i32
        %dma_wait3A_1601 = tpu.memref_slice %arg11[%run_scoped3A_259, %dma_wait3A_1600] : memref<8x128xi32, #tpu.memory_space<vmem>> -> memref<1x128xi32, #tpu.memory_space<vmem>>
        %dma_wait3A_1602 = tpu.memref_squeeze %dma_wait3A_1601 : memref<1x128xi32, #tpu.memory_space<vmem>> -> memref<128xi32, #tpu.memory_space<vmem>>
        %dma_wait3A_1603 = arith.constant 0 : i32
        %dma_wait3A_1604 = tpu.memref_slice %arg18[%dma_wait3A_1603] : memref<10112xf32, #tpu.memory_space<vmem_shared>> -> memref<10112xf32, #tpu.memory_space<vmem_shared>>
        tpu.wait_indirect_dma semaphore(%run_scoped3A_1590 : memref<!tpu.dma_semaphore, #tpu.memory_space<semaphore_mem>>) src(%dma_wait3A_1599 : memref<128xf32, #tpu.memory_space<vmem>>) dst(%dma_wait3A_1604 : memref<10112xf32, #tpu.memory_space<vmem_shared>>)
        tpu.yield
      }) : () -> ()
      %dma_start3A_260 = arith.constant 1 : i32
      %dma_start3A_261 = arith.constant 0 : i32
      %dma_start3A_262 = tpu.memref_slice %arg12[%dma_start3A_260, %dma_start3A_261] : memref<8x128xi32, #tpu.memory_space<vmem>> -> memref<1x128xi32, #tpu.memory_space<vmem>>
      %dma_start3A_263 = tpu.memref_squeeze %dma_start3A_262 : memref<1x128xi32, #tpu.memory_space<vmem>> -> memref<128xi32, #tpu.memory_space<vmem>>
      %dma_start3A_264 = arith.constant 0 : i32
      %dma_start3A_265 = arith.constant 0 : i32
      %dma_start3A_266 = tpu.memref_slice %arg2[%dma_start3A_264, %dma_start3A_265] : memref<10000x128xf32, #tpu.memory_space<hbm>> -> memref<10000x128xf32, #tpu.memory_space<hbm>>
      tpu.enqueue_indirect_dma source(%dma_start3A_266 : memref<10000x128xf32, #tpu.memory_space<hbm>>) target(%arg15 : memref<128x128xf32, #tpu.memory_space<vmem>>) offsets(%dma_start3A_263 : memref<128xi32, #tpu.memory_space<vmem>>) semaphore(%arg19 : memref<!tpu.dma_semaphore, #tpu.memory_space<semaphore_mem>>)
      %dma_wait3A_267 = arith.constant 1 : i32
      %dma_wait3A_268 = arith.constant 0 : i32
      %dma_wait3A_269 = tpu.memref_slice %arg12[%dma_wait3A_267, %dma_wait3A_268] : memref<8x128xi32, #tpu.memory_space<vmem>> -> memref<1x128xi32, #tpu.memory_space<vmem>>
      %dma_wait3A_270 = tpu.memref_squeeze %dma_wait3A_269 : memref<1x128xi32, #tpu.memory_space<vmem>> -> memref<128xi32, #tpu.memory_space<vmem>>
      %dma_wait3A_271 = arith.constant 0 : i32
      %dma_wait3A_272 = arith.constant 0 : i32
      %dma_wait3A_273 = tpu.memref_slice %arg2[%dma_wait3A_271, %dma_wait3A_272] : memref<10000x128xf32, #tpu.memory_space<hbm>> -> memref<10000x128xf32, #tpu.memory_space<hbm>>
      tpu.wait_indirect_dma semaphore(%arg19 : memref<!tpu.dma_semaphore, #tpu.memory_space<semaphore_mem>>) src(%dma_wait3A_273 : memref<10000x128xf32, #tpu.memory_space<hbm>>) dst(%arg15 : memref<128x128xf32, #tpu.memory_space<vmem>>)
      %get3A_274 = arith.constant 1 : i32
      %get3A_275 = arith.index_cast %get3A_274 : i32 to index
      %get3A_276 = arith.constant 0 : index
      %get3A_277 = tpu.vector_load %arg11[%get3A_275, %get3A_276] {strides = array<i32>} : memref<8x128xi32, #tpu.memory_space<vmem>>, vector<16xi32>,
      %get3A_278 = arith.constant 1 : i32
      %get3A_279 = arith.index_cast %get3A_278 : i32 to index
      %get3A_280 = arith.constant 0 : index
      %get3A_281 = tpu.vector_load %arg12[%get3A_279, %get3A_280] {strides = array<i32>} : memref<8x128xi32, #tpu.memory_space<vmem>>, vector<16xi32>,
      %gather3A_282 = tpu.vector_load_idx %arg13[%get3A_277] : memref<10112xf32, #tpu.memory_space<vmem>>[vector<16xi32>], vector<16xf32>,
      %gather3A_283 = tpu.vector_load_idx %arg14[%get3A_281] : memref<10112xf32, #tpu.memory_space<vmem>>[vector<16xi32>], vector<16xf32>,
      %add3A_284 = arith.addf %gather3A_282, %gather3A_283 : vector<16xf32>
      %gt3A_285 = arith.constant 0.000000e+00 : f32
      %gt3A_286 = vector.broadcast %gt3A_285 : f32 to vector<16xf32>
      %gt3A_287 = arith.cmpf ogt, %add3A_284, %gt3A_286 : vector<16xf32>
      %mul3A_288 = arith.constant 2.000000e-01 : f32
      %mul3A_289 = vector.broadcast %mul3A_288 : f32 to vector<16xf32>
      %mul3A_290 = arith.mulf %mul3A_289, %add3A_284 : vector<16xf32>
      %select_n3A_291 = arith.select %gt3A_287, %add3A_284, %mul3A_290 : vector<16xi1>, vector<16xf32>
      %exp3A_292 = math.exp %select_n3A_291 : vector<16xf32>
      %swap3A_293 = arith.constant 0 : index
      %swap3A_294 = tpu.vector_load %arg16[%swap3A_293] {strides = array<i32>} : memref<144xf32, #tpu.memory_space<vmem>>, vector<16xf32>,
      tpu.vector_store %arg16[%swap3A_293], %exp3A_292 {strides = array<i32>} : memref<144xf32, #tpu.memory_space<vmem>>, vector<16xf32>,
      %get3A_295 = arith.constant 1 : i32
      %get3A_296 = arith.index_cast %get3A_295 : i32 to index
      %get3A_297 = arith.constant 16 : index
      %get3A_298 = tpu.vector_load %arg11[%get3A_296, %get3A_297] {strides = array<i32>} : memref<8x128xi32, #tpu.memory_space<vmem>>, vector<16xi32>,
      %get3A_299 = arith.constant 1 : i32
      %get3A_300 = arith.index_cast %get3A_299 : i32 to index
      %get3A_301 = arith.constant 16 : index
      %get3A_302 = tpu.vector_load %arg12[%get3A_300, %get3A_301] {strides = array<i32>} : memref<8x128xi32, #tpu.memory_space<vmem>>, vector<16xi32>,
      %gather3A_303 = tpu.vector_load_idx %arg13[%get3A_298] : memref<10112xf32, #tpu.memory_space<vmem>>[vector<16xi32>], vector<16xf32>,
      %gather3A_304 = tpu.vector_load_idx %arg14[%get3A_302] : memref<10112xf32, #tpu.memory_space<vmem>>[vector<16xi32>], vector<16xf32>,
      %add3A_305 = arith.addf %gather3A_303, %gather3A_304 : vector<16xf32>
      %gt3A_306 = arith.constant 0.000000e+00 : f32
      %gt3A_307 = vector.broadcast %gt3A_306 : f32 to vector<16xf32>
      %gt3A_308 = arith.cmpf ogt, %add3A_305, %gt3A_307 : vector<16xf32>
      %mul3A_309 = arith.constant 2.000000e-01 : f32
      %mul3A_310 = vector.broadcast %mul3A_309 : f32 to vector<16xf32>
      %mul3A_311 = arith.mulf %mul3A_310, %add3A_305 : vector<16xf32>
      %select_n3A_312 = arith.select %gt3A_308, %add3A_305, %mul3A_311 : vector<16xi1>, vector<16xf32>
      %exp3A_313 = math.exp %select_n3A_312 : vector<16xf32>
      %swap3A_314 = arith.constant 16 : index
      %swap3A_315 = tpu.vector_load %arg16[%swap3A_314] {strides = array<i32>} : memref<144xf32, #tpu.memory_space<vmem>>, vector<16xf32>,
      tpu.vector_store %arg16[%swap3A_314], %exp3A_313 {strides = array<i32>} : memref<144xf32, #tpu.memory_space<vmem>>, vector<16xf32>,
      %get3A_316 = arith.constant 1 : i32
      %get3A_317 = arith.index_cast %get3A_316 : i32 to index
      %get3A_318 = arith.constant 32 : index
      %get3A_319 = tpu.vector_load %arg11[%get3A_317, %get3A_318] {strides = array<i32>} : memref<8x128xi32, #tpu.memory_space<vmem>>, vector<16xi32>,
      %get3A_320 = arith.constant 1 : i32
      %get3A_321 = arith.index_cast %get3A_320 : i32 to index
      %get3A_322 = arith.constant 32 : index
      %get3A_323 = tpu.vector_load %arg12[%get3A_321, %get3A_322] {strides = array<i32>} : memref<8x128xi32, #tpu.memory_space<vmem>>, vector<16xi32>,
      %gather3A_324 = tpu.vector_load_idx %arg13[%get3A_319] : memref<10112xf32, #tpu.memory_space<vmem>>[vector<16xi32>], vector<16xf32>,
      %gather3A_325 = tpu.vector_load_idx %arg14[%get3A_323] : memref<10112xf32, #tpu.memory_space<vmem>>[vector<16xi32>], vector<16xf32>,
      %add3A_326 = arith.addf %gather3A_324, %gather3A_325 : vector<16xf32>
      %gt3A_327 = arith.constant 0.000000e+00 : f32
      %gt3A_328 = vector.broadcast %gt3A_327 : f32 to vector<16xf32>
      %gt3A_329 = arith.cmpf ogt, %add3A_326, %gt3A_328 : vector<16xf32>
      %mul3A_330 = arith.constant 2.000000e-01 : f32
      %mul3A_331 = vector.broadcast %mul3A_330 : f32 to vector<16xf32>
      %mul3A_332 = arith.mulf %mul3A_331, %add3A_326 : vector<16xf32>
      %select_n3A_333 = arith.select %gt3A_329, %add3A_326, %mul3A_332 : vector<16xi1>, vector<16xf32>
      %exp3A_334 = math.exp %select_n3A_333 : vector<16xf32>
      %swap3A_335 = arith.constant 32 : index
      %swap3A_336 = tpu.vector_load %arg16[%swap3A_335] {strides = array<i32>} : memref<144xf32, #tpu.memory_space<vmem>>, vector<16xf32>,
      tpu.vector_store %arg16[%swap3A_335], %exp3A_334 {strides = array<i32>} : memref<144xf32, #tpu.memory_space<vmem>>, vector<16xf32>,
      %get3A_337 = arith.constant 1 : i32
      %get3A_338 = arith.index_cast %get3A_337 : i32 to index
      %get3A_339 = arith.constant 48 : index
      %get3A_340 = tpu.vector_load %arg11[%get3A_338, %get3A_339] {strides = array<i32>} : memref<8x128xi32, #tpu.memory_space<vmem>>, vector<16xi32>,
      %get3A_341 = arith.constant 1 : i32
      %get3A_342 = arith.index_cast %get3A_341 : i32 to index
      %get3A_343 = arith.constant 48 : index
      %get3A_344 = tpu.vector_load %arg12[%get3A_342, %get3A_343] {strides = array<i32>} : memref<8x128xi32, #tpu.memory_space<vmem>>, vector<16xi32>,
      %gather3A_345 = tpu.vector_load_idx %arg13[%get3A_340] : memref<10112xf32, #tpu.memory_space<vmem>>[vector<16xi32>], vector<16xf32>,
      %gather3A_346 = tpu.vector_load_idx %arg14[%get3A_344] : memref<10112xf32, #tpu.memory_space<vmem>>[vector<16xi32>], vector<16xf32>,
      %add3A_347 = arith.addf %gather3A_345, %gather3A_346 : vector<16xf32>
      %gt3A_348 = arith.constant 0.000000e+00 : f32
      %gt3A_349 = vector.broadcast %gt3A_348 : f32 to vector<16xf32>
      %gt3A_350 = arith.cmpf ogt, %add3A_347, %gt3A_349 : vector<16xf32>
      %mul3A_351 = arith.constant 2.000000e-01 : f32
      %mul3A_352 = vector.broadcast %mul3A_351 : f32 to vector<16xf32>
      %mul3A_353 = arith.mulf %mul3A_352, %add3A_347 : vector<16xf32>
      %select_n3A_354 = arith.select %gt3A_350, %add3A_347, %mul3A_353 : vector<16xi1>, vector<16xf32>
      %exp3A_355 = math.exp %select_n3A_354 : vector<16xf32>
      %swap3A_356 = arith.constant 48 : index
      %swap3A_357 = tpu.vector_load %arg16[%swap3A_356] {strides = array<i32>} : memref<144xf32, #tpu.memory_space<vmem>>, vector<16xf32>,
      tpu.vector_store %arg16[%swap3A_356], %exp3A_355 {strides = array<i32>} : memref<144xf32, #tpu.memory_space<vmem>>, vector<16xf32>,
      %get3A_358 = arith.constant 1 : i32
      %get3A_359 = arith.index_cast %get3A_358 : i32 to index
      %get3A_360 = arith.constant 64 : index
      %get3A_361 = tpu.vector_load %arg11[%get3A_359, %get3A_360] {strides = array<i32>} : memref<8x128xi32, #tpu.memory_space<vmem>>, vector<16xi32>,
      %get3A_362 = arith.constant 1 : i32
      %get3A_363 = arith.index_cast %get3A_362 : i32 to index
      %get3A_364 = arith.constant 64 : index
      %get3A_365 = tpu.vector_load %arg12[%get3A_363, %get3A_364] {strides = array<i32>} : memref<8x128xi32, #tpu.memory_space<vmem>>, vector<16xi32>,
      %gather3A_366 = tpu.vector_load_idx %arg13[%get3A_361] : memref<10112xf32, #tpu.memory_space<vmem>>[vector<16xi32>], vector<16xf32>,
      %gather3A_367 = tpu.vector_load_idx %arg14[%get3A_365] : memref<10112xf32, #tpu.memory_space<vmem>>[vector<16xi32>], vector<16xf32>,
      %add3A_368 = arith.addf %gather3A_366, %gather3A_367 : vector<16xf32>
      %gt3A_369 = arith.constant 0.000000e+00 : f32
      %gt3A_370 = vector.broadcast %gt3A_369 : f32 to vector<16xf32>
      %gt3A_371 = arith.cmpf ogt, %add3A_368, %gt3A_370 : vector<16xf32>
      %mul3A_372 = arith.constant 2.000000e-01 : f32
      %mul3A_373 = vector.broadcast %mul3A_372 : f32 to vector<16xf32>
      %mul3A_374 = arith.mulf %mul3A_373, %add3A_368 : vector<16xf32>
      %select_n3A_375 = arith.select %gt3A_371, %add3A_368, %mul3A_374 : vector<16xi1>, vector<16xf32>
      %exp3A_376 = math.exp %select_n3A_375 : vector<16xf32>
      %swap3A_377 = arith.constant 64 : index
      %swap3A_378 = tpu.vector_load %arg16[%swap3A_377] {strides = array<i32>} : memref<144xf32, #tpu.memory_space<vmem>>, vector<16xf32>,
      tpu.vector_store %arg16[%swap3A_377], %exp3A_376 {strides = array<i32>} : memref<144xf32, #tpu.memory_space<vmem>>, vector<16xf32>,
      %get3A_379 = arith.constant 1 : i32
      %get3A_380 = arith.index_cast %get3A_379 : i32 to index
      %get3A_381 = arith.constant 80 : index
      %get3A_382 = tpu.vector_load %arg11[%get3A_380, %get3A_381] {strides = array<i32>} : memref<8x128xi32, #tpu.memory_space<vmem>>, vector<16xi32>,
      %get3A_383 = arith.constant 1 : i32
      %get3A_384 = arith.index_cast %get3A_383 : i32 to index
      %get3A_385 = arith.constant 80 : index
      %get3A_386 = tpu.vector_load %arg12[%get3A_384, %get3A_385] {strides = array<i32>} : memref<8x128xi32, #tpu.memory_space<vmem>>, vector<16xi32>,
      %gather3A_387 = tpu.vector_load_idx %arg13[%get3A_382] : memref<10112xf32, #tpu.memory_space<vmem>>[vector<16xi32>], vector<16xf32>,
      %gather3A_388 = tpu.vector_load_idx %arg14[%get3A_386] : memref<10112xf32, #tpu.memory_space<vmem>>[vector<16xi32>], vector<16xf32>,
      %add3A_389 = arith.addf %gather3A_387, %gather3A_388 : vector<16xf32>
      %gt3A_390 = arith.constant 0.000000e+00 : f32
      %gt3A_391 = vector.broadcast %gt3A_390 : f32 to vector<16xf32>
      %gt3A_392 = arith.cmpf ogt, %add3A_389, %gt3A_391 : vector<16xf32>
      %mul3A_393 = arith.constant 2.000000e-01 : f32
      %mul3A_394 = vector.broadcast %mul3A_393 : f32 to vector<16xf32>
      %mul3A_395 = arith.mulf %mul3A_394, %add3A_389 : vector<16xf32>
      %select_n3A_396 = arith.select %gt3A_392, %add3A_389, %mul3A_395 : vector<16xi1>, vector<16xf32>
      %exp3A_397 = math.exp %select_n3A_396 : vector<16xf32>
      %swap3A_398 = arith.constant 80 : index
      %swap3A_399 = tpu.vector_load %arg16[%swap3A_398] {strides = array<i32>} : memref<144xf32, #tpu.memory_space<vmem>>, vector<16xf32>,
      tpu.vector_store %arg16[%swap3A_398], %exp3A_397 {strides = array<i32>} : memref<144xf32, #tpu.memory_space<vmem>>, vector<16xf32>,
      %get3A_400 = arith.constant 1 : i32
      %get3A_401 = arith.index_cast %get3A_400 : i32 to index
      %get3A_402 = arith.constant 96 : index
      %get3A_403 = tpu.vector_load %arg11[%get3A_401, %get3A_402] {strides = array<i32>} : memref<8x128xi32, #tpu.memory_space<vmem>>, vector<16xi32>,
      %get3A_404 = arith.constant 1 : i32
      %get3A_405 = arith.index_cast %get3A_404 : i32 to index
      %get3A_406 = arith.constant 96 : index
      %get3A_407 = tpu.vector_load %arg12[%get3A_405, %get3A_406] {strides = array<i32>} : memref<8x128xi32, #tpu.memory_space<vmem>>, vector<16xi32>,
      %gather3A_408 = tpu.vector_load_idx %arg13[%get3A_403] : memref<10112xf32, #tpu.memory_space<vmem>>[vector<16xi32>], vector<16xf32>,
      %gather3A_409 = tpu.vector_load_idx %arg14[%get3A_407] : memref<10112xf32, #tpu.memory_space<vmem>>[vector<16xi32>], vector<16xf32>,
      %add3A_410 = arith.addf %gather3A_408, %gather3A_409 : vector<16xf32>
      %gt3A_411 = arith.constant 0.000000e+00 : f32
      %gt3A_412 = vector.broadcast %gt3A_411 : f32 to vector<16xf32>
      %gt3A_413 = arith.cmpf ogt, %add3A_410, %gt3A_412 : vector<16xf32>
      %mul3A_414 = arith.constant 2.000000e-01 : f32
      %mul3A_415 = vector.broadcast %mul3A_414 : f32 to vector<16xf32>
      %mul3A_416 = arith.mulf %mul3A_415, %add3A_410 : vector<16xf32>
      %select_n3A_417 = arith.select %gt3A_413, %add3A_410, %mul3A_416 : vector<16xi1>, vector<16xf32>
      %exp3A_418 = math.exp %select_n3A_417 : vector<16xf32>
      %swap3A_419 = arith.constant 96 : index
      %swap3A_420 = tpu.vector_load %arg16[%swap3A_419] {strides = array<i32>} : memref<144xf32, #tpu.memory_space<vmem>>, vector<16xf32>,
      tpu.vector_store %arg16[%swap3A_419], %exp3A_418 {strides = array<i32>} : memref<144xf32, #tpu.memory_space<vmem>>, vector<16xf32>,
      %get3A_421 = arith.constant 1 : i32
      %get3A_422 = arith.index_cast %get3A_421 : i32 to index
      %get3A_423 = arith.constant 112 : index
      %get3A_424 = tpu.vector_load %arg11[%get3A_422, %get3A_423] {strides = array<i32>} : memref<8x128xi32, #tpu.memory_space<vmem>>, vector<16xi32>,
      %get3A_425 = arith.constant 1 : i32
      %get3A_426 = arith.index_cast %get3A_425 : i32 to index
      %get3A_427 = arith.constant 112 : index
      %get3A_428 = tpu.vector_load %arg12[%get3A_426, %get3A_427] {strides = array<i32>} : memref<8x128xi32, #tpu.memory_space<vmem>>, vector<16xi32>,
      %gather3A_429 = tpu.vector_load_idx %arg13[%get3A_424] : memref<10112xf32, #tpu.memory_space<vmem>>[vector<16xi32>], vector<16xf32>,
      %gather3A_430 = tpu.vector_load_idx %arg14[%get3A_428] : memref<10112xf32, #tpu.memory_space<vmem>>[vector<16xi32>], vector<16xf32>,
      %add3A_431 = arith.addf %gather3A_429, %gather3A_430 : vector<16xf32>
      %gt3A_432 = arith.constant 0.000000e+00 : f32
      %gt3A_433 = vector.broadcast %gt3A_432 : f32 to vector<16xf32>
      %gt3A_434 = arith.cmpf ogt, %add3A_431, %gt3A_433 : vector<16xf32>
      %mul3A_435 = arith.constant 2.000000e-01 : f32
      %mul3A_436 = vector.broadcast %mul3A_435 : f32 to vector<16xf32>
      %mul3A_437 = arith.mulf %mul3A_436, %add3A_431 : vector<16xf32>
      %select_n3A_438 = arith.select %gt3A_434, %add3A_431, %mul3A_437 : vector<16xi1>, vector<16xf32>
      %exp3A_439 = math.exp %select_n3A_438 : vector<16xf32>
      %swap3A_440 = arith.constant 112 : index
      %swap3A_441 = tpu.vector_load %arg16[%swap3A_440] {strides = array<i32>} : memref<144xf32, #tpu.memory_space<vmem>>, vector<16xf32>,
      tpu.vector_store %arg16[%swap3A_440], %exp3A_439 {strides = array<i32>} : memref<144xf32, #tpu.memory_space<vmem>>, vector<16xf32>,
      %scan3A_442 = arith.constant 0 : i32
      %scan3A_443 = arith.constant 0 : i32
      %scan3A_444 = arith.constant 128 : i32
      %scan3A_445 = arith.addi %scan3A_443, %scan3A_444 : i32
      %scan3A_446 = arith.constant 1 : i32
      scf.for %scan3A_1590 = %scan3A_443 to %scan3A_445 step %scan3A_446  : i32 {
        %get3A_1591 = arith.index_cast %scan3A_1590 : i32 to index
        %get3A_1592 = tpu.vector_load %arg16[%get3A_1591] {strides = array<i32>} : memref<144xf32, #tpu.memory_space<vmem>>, vector<16xf32>,
        %slice3A = vector.extract_strided_slice %get3A_1592 {offsets = [0], sizes = [1], strides = [1]} : vector<16xf32> to vector<1xf32>
        %squeeze3A = vector.extract %slice3A[0] : f32 from vector<1xf32>
        %broadcast_in_dim3A_1593 = vector.broadcast %squeeze3A : f32 to vector<16xf32>
        %get3A_1594 = arith.index_cast %scan3A_1590 : i32 to index
        %get3A_1595 = arith.constant 0 : index
        %get3A_1596 = tpu.vector_load %arg15[%get3A_1594, %get3A_1595] {strides = array<i32>} : memref<128x128xf32, #tpu.memory_space<vmem>>, vector<16xf32>,
        %mul3A_1597 = arith.mulf %get3A_1596, %broadcast_in_dim3A_1593 : vector<16xf32>
        %swap3A_1598 = arith.index_cast %scan3A_1590 : i32 to index
        %swap3A_1599 = arith.constant 0 : index
        %swap3A_1600 = tpu.vector_load %arg15[%swap3A_1598, %swap3A_1599] {strides = array<i32>} : memref<128x128xf32, #tpu.memory_space<vmem>>, vector<16xf32>,
        tpu.vector_store %arg15[%swap3A_1598, %swap3A_1599], %mul3A_1597 {strides = array<i32>} : memref<128x128xf32, #tpu.memory_space<vmem>>, vector<16xf32>,
        %get3A_1601 = arith.index_cast %scan3A_1590 : i32 to index
        %get3A_1602 = arith.constant 16 : index
        %get3A_1603 = tpu.vector_load %arg15[%get3A_1601, %get3A_1602] {strides = array<i32>} : memref<128x128xf32, #tpu.memory_space<vmem>>, vector<16xf32>,
        %mul3A_1604 = arith.mulf %get3A_1603, %broadcast_in_dim3A_1593 : vector<16xf32>
        %swap3A_1605 = arith.index_cast %scan3A_1590 : i32 to index
        %swap3A_1606 = arith.constant 16 : index
        %swap3A_1607 = tpu.vector_load %arg15[%swap3A_1605, %swap3A_1606] {strides = array<i32>} : memref<128x128xf32, #tpu.memory_space<vmem>>, vector<16xf32>,
        tpu.vector_store %arg15[%swap3A_1605, %swap3A_1606], %mul3A_1604 {strides = array<i32>} : memref<128x128xf32, #tpu.memory_space<vmem>>, vector<16xf32>,
        %get3A_1608 = arith.index_cast %scan3A_1590 : i32 to index
        %get3A_1609 = arith.constant 32 : index
        %get3A_1610 = tpu.vector_load %arg15[%get3A_1608, %get3A_1609] {strides = array<i32>} : memref<128x128xf32, #tpu.memory_space<vmem>>, vector<16xf32>,
        %mul3A_1611 = arith.mulf %get3A_1610, %broadcast_in_dim3A_1593 : vector<16xf32>
        %swap3A_1612 = arith.index_cast %scan3A_1590 : i32 to index
        %swap3A_1613 = arith.constant 32 : index
        %swap3A_1614 = tpu.vector_load %arg15[%swap3A_1612, %swap3A_1613] {strides = array<i32>} : memref<128x128xf32, #tpu.memory_space<vmem>>, vector<16xf32>,
        tpu.vector_store %arg15[%swap3A_1612, %swap3A_1613], %mul3A_1611 {strides = array<i32>} : memref<128x128xf32, #tpu.memory_space<vmem>>, vector<16xf32>,
        %get3A_1615 = arith.index_cast %scan3A_1590 : i32 to index
        %get3A_1616 = arith.constant 48 : index
        %get3A_1617 = tpu.vector_load %arg15[%get3A_1615, %get3A_1616] {strides = array<i32>} : memref<128x128xf32, #tpu.memory_space<vmem>>, vector<16xf32>,
        %mul3A_1618 = arith.mulf %get3A_1617, %broadcast_in_dim3A_1593 : vector<16xf32>
        %swap3A_1619 = arith.index_cast %scan3A_1590 : i32 to index
        %swap3A_1620 = arith.constant 48 : index
        %swap3A_1621 = tpu.vector_load %arg15[%swap3A_1619, %swap3A_1620] {strides = array<i32>} : memref<128x128xf32, #tpu.memory_space<vmem>>, vector<16xf32>,
        tpu.vector_store %arg15[%swap3A_1619, %swap3A_1620], %mul3A_1618 {strides = array<i32>} : memref<128x128xf32, #tpu.memory_space<vmem>>, vector<16xf32>,
        %get3A_1622 = arith.index_cast %scan3A_1590 : i32 to index
        %get3A_1623 = arith.constant 64 : index
        %get3A_1624 = tpu.vector_load %arg15[%get3A_1622, %get3A_1623] {strides = array<i32>} : memref<128x128xf32, #tpu.memory_space<vmem>>, vector<16xf32>,
        %mul3A_1625 = arith.mulf %get3A_1624, %broadcast_in_dim3A_1593 : vector<16xf32>
        %swap3A_1626 = arith.index_cast %scan3A_1590 : i32 to index
        %swap3A_1627 = arith.constant 64 : index
        %swap3A_1628 = tpu.vector_load %arg15[%swap3A_1626, %swap3A_1627] {strides = array<i32>} : memref<128x128xf32, #tpu.memory_space<vmem>>, vector<16xf32>,
        tpu.vector_store %arg15[%swap3A_1626, %swap3A_1627], %mul3A_1625 {strides = array<i32>} : memref<128x128xf32, #tpu.memory_space<vmem>>, vector<16xf32>,
        %get3A_1629 = arith.index_cast %scan3A_1590 : i32 to index
        %get3A_1630 = arith.constant 80 : index
        %get3A_1631 = tpu.vector_load %arg15[%get3A_1629, %get3A_1630] {strides = array<i32>} : memref<128x128xf32, #tpu.memory_space<vmem>>, vector<16xf32>,
        %mul3A_1632 = arith.mulf %get3A_1631, %broadcast_in_dim3A_1593 : vector<16xf32>
        %swap3A_1633 = arith.index_cast %scan3A_1590 : i32 to index
        %swap3A_1634 = arith.constant 80 : index
        %swap3A_1635 = tpu.vector_load %arg15[%swap3A_1633, %swap3A_1634] {strides = array<i32>} : memref<128x128xf32, #tpu.memory_space<vmem>>, vector<16xf32>,
        tpu.vector_store %arg15[%swap3A_1633, %swap3A_1634], %mul3A_1632 {strides = array<i32>} : memref<128x128xf32, #tpu.memory_space<vmem>>, vector<16xf32>,
        %get3A_1636 = arith.index_cast %scan3A_1590 : i32 to index
        %get3A_1637 = arith.constant 96 : index
        %get3A_1638 = tpu.vector_load %arg15[%get3A_1636, %get3A_1637] {strides = array<i32>} : memref<128x128xf32, #tpu.memory_space<vmem>>, vector<16xf32>,
        %mul3A_1639 = arith.mulf %get3A_1638, %broadcast_in_dim3A_1593 : vector<16xf32>
        %swap3A_1640 = arith.index_cast %scan3A_1590 : i32 to index
        %swap3A_1641 = arith.constant 96 : index
        %swap3A_1642 = tpu.vector_load %arg15[%swap3A_1640, %swap3A_1641] {strides = array<i32>} : memref<128x128xf32, #tpu.memory_space<vmem>>, vector<16xf32>,
        tpu.vector_store %arg15[%swap3A_1640, %swap3A_1641], %mul3A_1639 {strides = array<i32>} : memref<128x128xf32, #tpu.memory_space<vmem>>, vector<16xf32>,
        %get3A_1643 = arith.index_cast %scan3A_1590 : i32 to index
        %get3A_1644 = arith.constant 112 : index
        %get3A_1645 = tpu.vector_load %arg15[%get3A_1643, %get3A_1644] {strides = array<i32>} : memref<128x128xf32, #tpu.memory_space<vmem>>, vector<16xf32>,
        %mul3A_1646 = arith.mulf %get3A_1645, %broadcast_in_dim3A_1593 : vector<16xf32>
        %swap3A_1647 = arith.index_cast %scan3A_1590 : i32 to index
        %swap3A_1648 = arith.constant 112 : index
        %swap3A_1649 = tpu.vector_load %arg15[%swap3A_1647, %swap3A_1648] {strides = array<i32>} : memref<128x128xf32, #tpu.memory_space<vmem>>, vector<16xf32>,
        tpu.vector_store %arg15[%swap3A_1647, %swap3A_1648], %mul3A_1646 {strides = array<i32>} : memref<128x128xf32, #tpu.memory_space<vmem>>, vector<16xf32>,
      }
      %scan3A_447 = arith.constant 128 : i32
      %run_scoped3A_448 = arith.constant 1 : i32
      "tpu.region"() ({
        %run_scoped3A_1590 = tpu.sem_alloc : memref<!tpu.dma_semaphore, #tpu.memory_space<semaphore_mem>>
        %dma_start3A_1591 = arith.constant 0 : i32
        %dma_start3A_1592 = tpu.memref_slice %arg11[%run_scoped3A_448, %dma_start3A_1591] : memref<8x128xi32, #tpu.memory_space<vmem>> -> memref<1x128xi32, #tpu.memory_space<vmem>>
        %dma_start3A_1593 = tpu.memref_squeeze %dma_start3A_1592 : memref<1x128xi32, #tpu.memory_space<vmem>> -> memref<128xi32, #tpu.memory_space<vmem>>
        %dma_start3A_1594 = arith.constant 0 : i32
        %dma_start3A_1595 = arith.constant 0 : i32
        %dma_start3A_1596 = tpu.memref_slice %arg17[%dma_start3A_1594, %dma_start3A_1595] : memref<10112x128xf32, #tpu.memory_space<vmem_shared>> -> memref<10112x128xf32, #tpu.memory_space<vmem_shared>>
        tpu.enqueue_indirect_dma source(%arg15 : memref<128x128xf32, #tpu.memory_space<vmem>>) target(%dma_start3A_1596 : memref<10112x128xf32, #tpu.memory_space<vmem_shared>>) offsets(%dma_start3A_1593 : memref<128xi32, #tpu.memory_space<vmem>>) semaphore(%run_scoped3A_1590 : memref<!tpu.dma_semaphore, #tpu.memory_space<semaphore_mem>>) {add = true}
        %dma_wait3A_1597 = arith.constant 0 : i32
        %dma_wait3A_1598 = tpu.memref_slice %arg11[%run_scoped3A_448, %dma_wait3A_1597] : memref<8x128xi32, #tpu.memory_space<vmem>> -> memref<1x128xi32, #tpu.memory_space<vmem>>
        %dma_wait3A_1599 = tpu.memref_squeeze %dma_wait3A_1598 : memref<1x128xi32, #tpu.memory_space<vmem>> -> memref<128xi32, #tpu.memory_space<vmem>>
        %dma_wait3A_1600 = arith.constant 0 : i32
        %dma_wait3A_1601 = arith.constant 0 : i32
        %dma_wait3A_1602 = tpu.memref_slice %arg17[%dma_wait3A_1600, %dma_wait3A_1601] : memref<10112x128xf32, #tpu.memory_space<vmem_shared>> -> memref<10112x128xf32, #tpu.memory_space<vmem_shared>>
        tpu.wait_indirect_dma semaphore(%run_scoped3A_1590 : memref<!tpu.dma_semaphore, #tpu.memory_space<semaphore_mem>>) src(%arg15 : memref<128x128xf32, #tpu.memory_space<vmem>>) dst(%dma_wait3A_1602 : memref<10112x128xf32, #tpu.memory_space<vmem_shared>>)
        tpu.yield
      }) : () -> ()
      %run_scoped3A_449 = arith.constant 1 : i32
      "tpu.region"() ({
        %run_scoped3A_1590 = tpu.sem_alloc : memref<!tpu.dma_semaphore, #tpu.memory_space<semaphore_mem>>
        %dma_start3A_1591 = arith.constant 0 : i32
        %dma_start3A_1592 = tpu.memref_slice %arg16[%dma_start3A_1591] : memref<144xf32, #tpu.memory_space<vmem>> -> memref<128xf32, #tpu.memory_space<vmem>>
        %dma_start3A_1593 = arith.constant 0 : i32
        %dma_start3A_1594 = tpu.memref_slice %arg11[%run_scoped3A_449, %dma_start3A_1593] : memref<8x128xi32, #tpu.memory_space<vmem>> -> memref<1x128xi32, #tpu.memory_space<vmem>>
        %dma_start3A_1595 = tpu.memref_squeeze %dma_start3A_1594 : memref<1x128xi32, #tpu.memory_space<vmem>> -> memref<128xi32, #tpu.memory_space<vmem>>
        %dma_start3A_1596 = arith.constant 0 : i32
        %dma_start3A_1597 = tpu.memref_slice %arg18[%dma_start3A_1596] : memref<10112xf32, #tpu.memory_space<vmem_shared>> -> memref<10112xf32, #tpu.memory_space<vmem_shared>>
        tpu.enqueue_indirect_dma source(%dma_start3A_1592 : memref<128xf32, #tpu.memory_space<vmem>>) target(%dma_start3A_1597 : memref<10112xf32, #tpu.memory_space<vmem_shared>>) offsets(%dma_start3A_1595 : memref<128xi32, #tpu.memory_space<vmem>>) semaphore(%run_scoped3A_1590 : memref<!tpu.dma_semaphore, #tpu.memory_space<semaphore_mem>>) {add = true}
        %dma_wait3A_1598 = arith.constant 0 : i32
        %dma_wait3A_1599 = tpu.memref_slice %arg16[%dma_wait3A_1598] : memref<144xf32, #tpu.memory_space<vmem>> -> memref<128xf32, #tpu.memory_space<vmem>>
        %dma_wait3A_1600 = arith.constant 0 : i32
        %dma_wait3A_1601 = tpu.memref_slice %arg11[%run_scoped3A_449, %dma_wait3A_1600] : memref<8x128xi32, #tpu.memory_space<vmem>> -> memref<1x128xi32, #tpu.memory_space<vmem>>
        %dma_wait3A_1602 = tpu.memref_squeeze %dma_wait3A_1601 : memref<1x128xi32, #tpu.memory_space<vmem>> -> memref<128xi32, #tpu.memory_space<vmem>>
        %dma_wait3A_1603 = arith.constant 0 : i32
        %dma_wait3A_1604 = tpu.memref_slice %arg18[%dma_wait3A_1603] : memref<10112xf32, #tpu.memory_space<vmem_shared>> -> memref<10112xf32, #tpu.memory_space<vmem_shared>>
        tpu.wait_indirect_dma semaphore(%run_scoped3A_1590 : memref<!tpu.dma_semaphore, #tpu.memory_space<semaphore_mem>>) src(%dma_wait3A_1599 : memref<128xf32, #tpu.memory_space<vmem>>) dst(%dma_wait3A_1604 : memref<10112xf32, #tpu.memory_space<vmem_shared>>)
        tpu.yield
      }) : () -> ()
      %dma_start3A_450 = arith.constant 2 : i32
      %dma_start3A_451 = arith.constant 0 : i32
      %dma_start3A_452 = tpu.memref_slice %arg12[%dma_start3A_450, %dma_start3A_451] : memref<8x128xi32, #tpu.memory_space<vmem>> -> memref<1x128xi32, #tpu.memory_space<vmem>>
      %dma_start3A_453 = tpu.memref_squeeze %dma_start3A_452 : memref<1x128xi32, #tpu.memory_space<vmem>> -> memref<128xi32, #tpu.memory_space<vmem>>
      %dma_start3A_454 = arith.constant 0 : i32
      %dma_start3A_455 = arith.constant 0 : i32
      %dma_start3A_456 = tpu.memref_slice %arg2[%dma_start3A_454, %dma_start3A_455] : memref<10000x128xf32, #tpu.memory_space<hbm>> -> memref<10000x128xf32, #tpu.memory_space<hbm>>
      tpu.enqueue_indirect_dma source(%dma_start3A_456 : memref<10000x128xf32, #tpu.memory_space<hbm>>) target(%arg15 : memref<128x128xf32, #tpu.memory_space<vmem>>) offsets(%dma_start3A_453 : memref<128xi32, #tpu.memory_space<vmem>>) semaphore(%arg19 : memref<!tpu.dma_semaphore, #tpu.memory_space<semaphore_mem>>)
      %dma_wait3A_457 = arith.constant 2 : i32
      %dma_wait3A_458 = arith.constant 0 : i32
      %dma_wait3A_459 = tpu.memref_slice %arg12[%dma_wait3A_457, %dma_wait3A_458] : memref<8x128xi32, #tpu.memory_space<vmem>> -> memref<1x128xi32, #tpu.memory_space<vmem>>
      %dma_wait3A_460 = tpu.memref_squeeze %dma_wait3A_459 : memref<1x128xi32, #tpu.memory_space<vmem>> -> memref<128xi32, #tpu.memory_space<vmem>>
      %dma_wait3A_461 = arith.constant 0 : i32
      %dma_wait3A_462 = arith.constant 0 : i32
      %dma_wait3A_463 = tpu.memref_slice %arg2[%dma_wait3A_461, %dma_wait3A_462] : memref<10000x128xf32, #tpu.memory_space<hbm>> -> memref<10000x128xf32, #tpu.memory_space<hbm>>
      tpu.wait_indirect_dma semaphore(%arg19 : memref<!tpu.dma_semaphore, #tpu.memory_space<semaphore_mem>>) src(%dma_wait3A_463 : memref<10000x128xf32, #tpu.memory_space<hbm>>) dst(%arg15 : memref<128x128xf32, #tpu.memory_space<vmem>>)
      %get3A_464 = arith.constant 2 : i32
      %get3A_465 = arith.index_cast %get3A_464 : i32 to index
      %get3A_466 = arith.constant 0 : index
      %get3A_467 = tpu.vector_load %arg11[%get3A_465, %get3A_466] {strides = array<i32>} : memref<8x128xi32, #tpu.memory_space<vmem>>, vector<16xi32>,
      %get3A_468 = arith.constant 2 : i32
      %get3A_469 = arith.index_cast %get3A_468 : i32 to index
      %get3A_470 = arith.constant 0 : index
      %get3A_471 = tpu.vector_load %arg12[%get3A_469, %get3A_470] {strides = array<i32>} : memref<8x128xi32, #tpu.memory_space<vmem>>, vector<16xi32>,
      %gather3A_472 = tpu.vector_load_idx %arg13[%get3A_467] : memref<10112xf32, #tpu.memory_space<vmem>>[vector<16xi32>], vector<16xf32>,
      %gather3A_473 = tpu.vector_load_idx %arg14[%get3A_471] : memref<10112xf32, #tpu.memory_space<vmem>>[vector<16xi32>], vector<16xf32>,
      %add3A_474 = arith.addf %gather3A_472, %gather3A_473 : vector<16xf32>
      %gt3A_475 = arith.constant 0.000000e+00 : f32
      %gt3A_476 = vector.broadcast %gt3A_475 : f32 to vector<16xf32>
      %gt3A_477 = arith.cmpf ogt, %add3A_474, %gt3A_476 : vector<16xf32>
      %mul3A_478 = arith.constant 2.000000e-01 : f32
      %mul3A_479 = vector.broadcast %mul3A_478 : f32 to vector<16xf32>
      %mul3A_480 = arith.mulf %mul3A_479, %add3A_474 : vector<16xf32>
      %select_n3A_481 = arith.select %gt3A_477, %add3A_474, %mul3A_480 : vector<16xi1>, vector<16xf32>
      %exp3A_482 = math.exp %select_n3A_481 : vector<16xf32>
      %swap3A_483 = arith.constant 0 : index
      %swap3A_484 = tpu.vector_load %arg16[%swap3A_483] {strides = array<i32>} : memref<144xf32, #tpu.memory_space<vmem>>, vector<16xf32>,
      tpu.vector_store %arg16[%swap3A_483], %exp3A_482 {strides = array<i32>} : memref<144xf32, #tpu.memory_space<vmem>>, vector<16xf32>,
      %get3A_485 = arith.constant 2 : i32
      %get3A_486 = arith.index_cast %get3A_485 : i32 to index
      %get3A_487 = arith.constant 16 : index
      %get3A_488 = tpu.vector_load %arg11[%get3A_486, %get3A_487] {strides = array<i32>} : memref<8x128xi32, #tpu.memory_space<vmem>>, vector<16xi32>,
      %get3A_489 = arith.constant 2 : i32
      %get3A_490 = arith.index_cast %get3A_489 : i32 to index
      %get3A_491 = arith.constant 16 : index
      %get3A_492 = tpu.vector_load %arg12[%get3A_490, %get3A_491] {strides = array<i32>} : memref<8x128xi32, #tpu.memory_space<vmem>>, vector<16xi32>,
      %gather3A_493 = tpu.vector_load_idx %arg13[%get3A_488] : memref<10112xf32, #tpu.memory_space<vmem>>[vector<16xi32>], vector<16xf32>,
      %gather3A_494 = tpu.vector_load_idx %arg14[%get3A_492] : memref<10112xf32, #tpu.memory_space<vmem>>[vector<16xi32>], vector<16xf32>,
      %add3A_495 = arith.addf %gather3A_493, %gather3A_494 : vector<16xf32>
      %gt3A_496 = arith.constant 0.000000e+00 : f32
      %gt3A_497 = vector.broadcast %gt3A_496 : f32 to vector<16xf32>
      %gt3A_498 = arith.cmpf ogt, %add3A_495, %gt3A_497 : vector<16xf32>
      %mul3A_499 = arith.constant 2.000000e-01 : f32
      %mul3A_500 = vector.broadcast %mul3A_499 : f32 to vector<16xf32>
      %mul3A_501 = arith.mulf %mul3A_500, %add3A_495 : vector<16xf32>
      %select_n3A_502 = arith.select %gt3A_498, %add3A_495, %mul3A_501 : vector<16xi1>, vector<16xf32>
      %exp3A_503 = math.exp %select_n3A_502 : vector<16xf32>
      %swap3A_504 = arith.constant 16 : index
      %swap3A_505 = tpu.vector_load %arg16[%swap3A_504] {strides = array<i32>} : memref<144xf32, #tpu.memory_space<vmem>>, vector<16xf32>,
      tpu.vector_store %arg16[%swap3A_504], %exp3A_503 {strides = array<i32>} : memref<144xf32, #tpu.memory_space<vmem>>, vector<16xf32>,
      %get3A_506 = arith.constant 2 : i32
      %get3A_507 = arith.index_cast %get3A_506 : i32 to index
      %get3A_508 = arith.constant 32 : index
      %get3A_509 = tpu.vector_load %arg11[%get3A_507, %get3A_508] {strides = array<i32>} : memref<8x128xi32, #tpu.memory_space<vmem>>, vector<16xi32>,
      %get3A_510 = arith.constant 2 : i32
      %get3A_511 = arith.index_cast %get3A_510 : i32 to index
      %get3A_512 = arith.constant 32 : index
      %get3A_513 = tpu.vector_load %arg12[%get3A_511, %get3A_512] {strides = array<i32>} : memref<8x128xi32, #tpu.memory_space<vmem>>, vector<16xi32>,
      %gather3A_514 = tpu.vector_load_idx %arg13[%get3A_509] : memref<10112xf32, #tpu.memory_space<vmem>>[vector<16xi32>], vector<16xf32>,
      %gather3A_515 = tpu.vector_load_idx %arg14[%get3A_513] : memref<10112xf32, #tpu.memory_space<vmem>>[vector<16xi32>], vector<16xf32>,
      %add3A_516 = arith.addf %gather3A_514, %gather3A_515 : vector<16xf32>
      %gt3A_517 = arith.constant 0.000000e+00 : f32
      %gt3A_518 = vector.broadcast %gt3A_517 : f32 to vector<16xf32>
      %gt3A_519 = arith.cmpf ogt, %add3A_516, %gt3A_518 : vector<16xf32>
      %mul3A_520 = arith.constant 2.000000e-01 : f32
      %mul3A_521 = vector.broadcast %mul3A_520 : f32 to vector<16xf32>
      %mul3A_522 = arith.mulf %mul3A_521, %add3A_516 : vector<16xf32>
      %select_n3A_523 = arith.select %gt3A_519, %add3A_516, %mul3A_522 : vector<16xi1>, vector<16xf32>
      %exp3A_524 = math.exp %select_n3A_523 : vector<16xf32>
      %swap3A_525 = arith.constant 32 : index
      %swap3A_526 = tpu.vector_load %arg16[%swap3A_525] {strides = array<i32>} : memref<144xf32, #tpu.memory_space<vmem>>, vector<16xf32>,
      tpu.vector_store %arg16[%swap3A_525], %exp3A_524 {strides = array<i32>} : memref<144xf32, #tpu.memory_space<vmem>>, vector<16xf32>,
      %get3A_527 = arith.constant 2 : i32
      %get3A_528 = arith.index_cast %get3A_527 : i32 to index
      %get3A_529 = arith.constant 48 : index
      %get3A_530 = tpu.vector_load %arg11[%get3A_528, %get3A_529] {strides = array<i32>} : memref<8x128xi32, #tpu.memory_space<vmem>>, vector<16xi32>,
      %get3A_531 = arith.constant 2 : i32
      %get3A_532 = arith.index_cast %get3A_531 : i32 to index
      %get3A_533 = arith.constant 48 : index
      %get3A_534 = tpu.vector_load %arg12[%get3A_532, %get3A_533] {strides = array<i32>} : memref<8x128xi32, #tpu.memory_space<vmem>>, vector<16xi32>,
      %gather3A_535 = tpu.vector_load_idx %arg13[%get3A_530] : memref<10112xf32, #tpu.memory_space<vmem>>[vector<16xi32>], vector<16xf32>,
      %gather3A_536 = tpu.vector_load_idx %arg14[%get3A_534] : memref<10112xf32, #tpu.memory_space<vmem>>[vector<16xi32>], vector<16xf32>,
      %add3A_537 = arith.addf %gather3A_535, %gather3A_536 : vector<16xf32>
      %gt3A_538 = arith.constant 0.000000e+00 : f32
      %gt3A_539 = vector.broadcast %gt3A_538 : f32 to vector<16xf32>
      %gt3A_540 = arith.cmpf ogt, %add3A_537, %gt3A_539 : vector<16xf32>
      %mul3A_541 = arith.constant 2.000000e-01 : f32
      %mul3A_542 = vector.broadcast %mul3A_541 : f32 to vector<16xf32>
      %mul3A_543 = arith.mulf %mul3A_542, %add3A_537 : vector<16xf32>
      %select_n3A_544 = arith.select %gt3A_540, %add3A_537, %mul3A_543 : vector<16xi1>, vector<16xf32>
      %exp3A_545 = math.exp %select_n3A_544 : vector<16xf32>
      %swap3A_546 = arith.constant 48 : index
      %swap3A_547 = tpu.vector_load %arg16[%swap3A_546] {strides = array<i32>} : memref<144xf32, #tpu.memory_space<vmem>>, vector<16xf32>,
      tpu.vector_store %arg16[%swap3A_546], %exp3A_545 {strides = array<i32>} : memref<144xf32, #tpu.memory_space<vmem>>, vector<16xf32>,
      %get3A_548 = arith.constant 2 : i32
      %get3A_549 = arith.index_cast %get3A_548 : i32 to index
      %get3A_550 = arith.constant 64 : index
      %get3A_551 = tpu.vector_load %arg11[%get3A_549, %get3A_550] {strides = array<i32>} : memref<8x128xi32, #tpu.memory_space<vmem>>, vector<16xi32>,
      %get3A_552 = arith.constant 2 : i32
      %get3A_553 = arith.index_cast %get3A_552 : i32 to index
      %get3A_554 = arith.constant 64 : index
      %get3A_555 = tpu.vector_load %arg12[%get3A_553, %get3A_554] {strides = array<i32>} : memref<8x128xi32, #tpu.memory_space<vmem>>, vector<16xi32>,
      %gather3A_556 = tpu.vector_load_idx %arg13[%get3A_551] : memref<10112xf32, #tpu.memory_space<vmem>>[vector<16xi32>], vector<16xf32>,
      %gather3A_557 = tpu.vector_load_idx %arg14[%get3A_555] : memref<10112xf32, #tpu.memory_space<vmem>>[vector<16xi32>], vector<16xf32>,
      %add3A_558 = arith.addf %gather3A_556, %gather3A_557 : vector<16xf32>
      %gt3A_559 = arith.constant 0.000000e+00 : f32
      %gt3A_560 = vector.broadcast %gt3A_559 : f32 to vector<16xf32>
      %gt3A_561 = arith.cmpf ogt, %add3A_558, %gt3A_560 : vector<16xf32>
      %mul3A_562 = arith.constant 2.000000e-01 : f32
      %mul3A_563 = vector.broadcast %mul3A_562 : f32 to vector<16xf32>
      %mul3A_564 = arith.mulf %mul3A_563, %add3A_558 : vector<16xf32>
      %select_n3A_565 = arith.select %gt3A_561, %add3A_558, %mul3A_564 : vector<16xi1>, vector<16xf32>
      %exp3A_566 = math.exp %select_n3A_565 : vector<16xf32>
      %swap3A_567 = arith.constant 64 : index
      %swap3A_568 = tpu.vector_load %arg16[%swap3A_567] {strides = array<i32>} : memref<144xf32, #tpu.memory_space<vmem>>, vector<16xf32>,
      tpu.vector_store %arg16[%swap3A_567], %exp3A_566 {strides = array<i32>} : memref<144xf32, #tpu.memory_space<vmem>>, vector<16xf32>,
      %get3A_569 = arith.constant 2 : i32
      %get3A_570 = arith.index_cast %get3A_569 : i32 to index
      %get3A_571 = arith.constant 80 : index
      %get3A_572 = tpu.vector_load %arg11[%get3A_570, %get3A_571] {strides = array<i32>} : memref<8x128xi32, #tpu.memory_space<vmem>>, vector<16xi32>,
      %get3A_573 = arith.constant 2 : i32
      %get3A_574 = arith.index_cast %get3A_573 : i32 to index
      %get3A_575 = arith.constant 80 : index
      %get3A_576 = tpu.vector_load %arg12[%get3A_574, %get3A_575] {strides = array<i32>} : memref<8x128xi32, #tpu.memory_space<vmem>>, vector<16xi32>,
      %gather3A_577 = tpu.vector_load_idx %arg13[%get3A_572] : memref<10112xf32, #tpu.memory_space<vmem>>[vector<16xi32>], vector<16xf32>,
      %gather3A_578 = tpu.vector_load_idx %arg14[%get3A_576] : memref<10112xf32, #tpu.memory_space<vmem>>[vector<16xi32>], vector<16xf32>,
      %add3A_579 = arith.addf %gather3A_577, %gather3A_578 : vector<16xf32>
      %gt3A_580 = arith.constant 0.000000e+00 : f32
      %gt3A_581 = vector.broadcast %gt3A_580 : f32 to vector<16xf32>
      %gt3A_582 = arith.cmpf ogt, %add3A_579, %gt3A_581 : vector<16xf32>
      %mul3A_583 = arith.constant 2.000000e-01 : f32
      %mul3A_584 = vector.broadcast %mul3A_583 : f32 to vector<16xf32>
      %mul3A_585 = arith.mulf %mul3A_584, %add3A_579 : vector<16xf32>
      %select_n3A_586 = arith.select %gt3A_582, %add3A_579, %mul3A_585 : vector<16xi1>, vector<16xf32>
      %exp3A_587 = math.exp %select_n3A_586 : vector<16xf32>
      %swap3A_588 = arith.constant 80 : index
      %swap3A_589 = tpu.vector_load %arg16[%swap3A_588] {strides = array<i32>} : memref<144xf32, #tpu.memory_space<vmem>>, vector<16xf32>,
      tpu.vector_store %arg16[%swap3A_588], %exp3A_587 {strides = array<i32>} : memref<144xf32, #tpu.memory_space<vmem>>, vector<16xf32>,
      %get3A_590 = arith.constant 2 : i32
      %get3A_591 = arith.index_cast %get3A_590 : i32 to index
      %get3A_592 = arith.constant 96 : index
      %get3A_593 = tpu.vector_load %arg11[%get3A_591, %get3A_592] {strides = array<i32>} : memref<8x128xi32, #tpu.memory_space<vmem>>, vector<16xi32>,
      %get3A_594 = arith.constant 2 : i32
      %get3A_595 = arith.index_cast %get3A_594 : i32 to index
      %get3A_596 = arith.constant 96 : index
      %get3A_597 = tpu.vector_load %arg12[%get3A_595, %get3A_596] {strides = array<i32>} : memref<8x128xi32, #tpu.memory_space<vmem>>, vector<16xi32>,
      %gather3A_598 = tpu.vector_load_idx %arg13[%get3A_593] : memref<10112xf32, #tpu.memory_space<vmem>>[vector<16xi32>], vector<16xf32>,
      %gather3A_599 = tpu.vector_load_idx %arg14[%get3A_597] : memref<10112xf32, #tpu.memory_space<vmem>>[vector<16xi32>], vector<16xf32>,
      %add3A_600 = arith.addf %gather3A_598, %gather3A_599 : vector<16xf32>
      %gt3A_601 = arith.constant 0.000000e+00 : f32
      %gt3A_602 = vector.broadcast %gt3A_601 : f32 to vector<16xf32>
      %gt3A_603 = arith.cmpf ogt, %add3A_600, %gt3A_602 : vector<16xf32>
      %mul3A_604 = arith.constant 2.000000e-01 : f32
      %mul3A_605 = vector.broadcast %mul3A_604 : f32 to vector<16xf32>
      %mul3A_606 = arith.mulf %mul3A_605, %add3A_600 : vector<16xf32>
      %select_n3A_607 = arith.select %gt3A_603, %add3A_600, %mul3A_606 : vector<16xi1>, vector<16xf32>
      %exp3A_608 = math.exp %select_n3A_607 : vector<16xf32>
      %swap3A_609 = arith.constant 96 : index
      %swap3A_610 = tpu.vector_load %arg16[%swap3A_609] {strides = array<i32>} : memref<144xf32, #tpu.memory_space<vmem>>, vector<16xf32>,
      tpu.vector_store %arg16[%swap3A_609], %exp3A_608 {strides = array<i32>} : memref<144xf32, #tpu.memory_space<vmem>>, vector<16xf32>,
      %get3A_611 = arith.constant 2 : i32
      %get3A_612 = arith.index_cast %get3A_611 : i32 to index
      %get3A_613 = arith.constant 112 : index
      %get3A_614 = tpu.vector_load %arg11[%get3A_612, %get3A_613] {strides = array<i32>} : memref<8x128xi32, #tpu.memory_space<vmem>>, vector<16xi32>,
      %get3A_615 = arith.constant 2 : i32
      %get3A_616 = arith.index_cast %get3A_615 : i32 to index
      %get3A_617 = arith.constant 112 : index
      %get3A_618 = tpu.vector_load %arg12[%get3A_616, %get3A_617] {strides = array<i32>} : memref<8x128xi32, #tpu.memory_space<vmem>>, vector<16xi32>,
      %gather3A_619 = tpu.vector_load_idx %arg13[%get3A_614] : memref<10112xf32, #tpu.memory_space<vmem>>[vector<16xi32>], vector<16xf32>,
      %gather3A_620 = tpu.vector_load_idx %arg14[%get3A_618] : memref<10112xf32, #tpu.memory_space<vmem>>[vector<16xi32>], vector<16xf32>,
      %add3A_621 = arith.addf %gather3A_619, %gather3A_620 : vector<16xf32>
      %gt3A_622 = arith.constant 0.000000e+00 : f32
      %gt3A_623 = vector.broadcast %gt3A_622 : f32 to vector<16xf32>
      %gt3A_624 = arith.cmpf ogt, %add3A_621, %gt3A_623 : vector<16xf32>
      %mul3A_625 = arith.constant 2.000000e-01 : f32
      %mul3A_626 = vector.broadcast %mul3A_625 : f32 to vector<16xf32>
      %mul3A_627 = arith.mulf %mul3A_626, %add3A_621 : vector<16xf32>
      %select_n3A_628 = arith.select %gt3A_624, %add3A_621, %mul3A_627 : vector<16xi1>, vector<16xf32>
      %exp3A_629 = math.exp %select_n3A_628 : vector<16xf32>
      %swap3A_630 = arith.constant 112 : index
      %swap3A_631 = tpu.vector_load %arg16[%swap3A_630] {strides = array<i32>} : memref<144xf32, #tpu.memory_space<vmem>>, vector<16xf32>,
      tpu.vector_store %arg16[%swap3A_630], %exp3A_629 {strides = array<i32>} : memref<144xf32, #tpu.memory_space<vmem>>, vector<16xf32>,
      %scan3A_632 = arith.constant 0 : i32
      %scan3A_633 = arith.constant 0 : i32
      %scan3A_634 = arith.constant 128 : i32
      %scan3A_635 = arith.addi %scan3A_633, %scan3A_634 : i32
      %scan3A_636 = arith.constant 1 : i32
      scf.for %scan3A_1590 = %scan3A_633 to %scan3A_635 step %scan3A_636  : i32 {
        %get3A_1591 = arith.index_cast %scan3A_1590 : i32 to index
        %get3A_1592 = tpu.vector_load %arg16[%get3A_1591] {strides = array<i32>} : memref<144xf32, #tpu.memory_space<vmem>>, vector<16xf32>,
        %slice3A = vector.extract_strided_slice %get3A_1592 {offsets = [0], sizes = [1], strides = [1]} : vector<16xf32> to vector<1xf32>
        %squeeze3A = vector.extract %slice3A[0] : f32 from vector<1xf32>
        %broadcast_in_dim3A_1593 = vector.broadcast %squeeze3A : f32 to vector<16xf32>
        %get3A_1594 = arith.index_cast %scan3A_1590 : i32 to index
        %get3A_1595 = arith.constant 0 : index
        %get3A_1596 = tpu.vector_load %arg15[%get3A_1594, %get3A_1595] {strides = array<i32>} : memref<128x128xf32, #tpu.memory_space<vmem>>, vector<16xf32>,
        %mul3A_1597 = arith.mulf %get3A_1596, %broadcast_in_dim3A_1593 : vector<16xf32>
        %swap3A_1598 = arith.index_cast %scan3A_1590 : i32 to index
        %swap3A_1599 = arith.constant 0 : index
        %swap3A_1600 = tpu.vector_load %arg15[%swap3A_1598, %swap3A_1599] {strides = array<i32>} : memref<128x128xf32, #tpu.memory_space<vmem>>, vector<16xf32>,
        tpu.vector_store %arg15[%swap3A_1598, %swap3A_1599], %mul3A_1597 {strides = array<i32>} : memref<128x128xf32, #tpu.memory_space<vmem>>, vector<16xf32>,
        %get3A_1601 = arith.index_cast %scan3A_1590 : i32 to index
        %get3A_1602 = arith.constant 16 : index
        %get3A_1603 = tpu.vector_load %arg15[%get3A_1601, %get3A_1602] {strides = array<i32>} : memref<128x128xf32, #tpu.memory_space<vmem>>, vector<16xf32>,
        %mul3A_1604 = arith.mulf %get3A_1603, %broadcast_in_dim3A_1593 : vector<16xf32>
        %swap3A_1605 = arith.index_cast %scan3A_1590 : i32 to index
        %swap3A_1606 = arith.constant 16 : index
        %swap3A_1607 = tpu.vector_load %arg15[%swap3A_1605, %swap3A_1606] {strides = array<i32>} : memref<128x128xf32, #tpu.memory_space<vmem>>, vector<16xf32>,
        tpu.vector_store %arg15[%swap3A_1605, %swap3A_1606], %mul3A_1604 {strides = array<i32>} : memref<128x128xf32, #tpu.memory_space<vmem>>, vector<16xf32>,
        %get3A_1608 = arith.index_cast %scan3A_1590 : i32 to index
        %get3A_1609 = arith.constant 32 : index
        %get3A_1610 = tpu.vector_load %arg15[%get3A_1608, %get3A_1609] {strides = array<i32>} : memref<128x128xf32, #tpu.memory_space<vmem>>, vector<16xf32>,
        %mul3A_1611 = arith.mulf %get3A_1610, %broadcast_in_dim3A_1593 : vector<16xf32>
        %swap3A_1612 = arith.index_cast %scan3A_1590 : i32 to index
        %swap3A_1613 = arith.constant 32 : index
        %swap3A_1614 = tpu.vector_load %arg15[%swap3A_1612, %swap3A_1613] {strides = array<i32>} : memref<128x128xf32, #tpu.memory_space<vmem>>, vector<16xf32>,
        tpu.vector_store %arg15[%swap3A_1612, %swap3A_1613], %mul3A_1611 {strides = array<i32>} : memref<128x128xf32, #tpu.memory_space<vmem>>, vector<16xf32>,
        %get3A_1615 = arith.index_cast %scan3A_1590 : i32 to index
        %get3A_1616 = arith.constant 48 : index
        %get3A_1617 = tpu.vector_load %arg15[%get3A_1615, %get3A_1616] {strides = array<i32>} : memref<128x128xf32, #tpu.memory_space<vmem>>, vector<16xf32>,
        %mul3A_1618 = arith.mulf %get3A_1617, %broadcast_in_dim3A_1593 : vector<16xf32>
        %swap3A_1619 = arith.index_cast %scan3A_1590 : i32 to index
        %swap3A_1620 = arith.constant 48 : index
        %swap3A_1621 = tpu.vector_load %arg15[%swap3A_1619, %swap3A_1620] {strides = array<i32>} : memref<128x128xf32, #tpu.memory_space<vmem>>, vector<16xf32>,
        tpu.vector_store %arg15[%swap3A_1619, %swap3A_1620], %mul3A_1618 {strides = array<i32>} : memref<128x128xf32, #tpu.memory_space<vmem>>, vector<16xf32>,
        %get3A_1622 = arith.index_cast %scan3A_1590 : i32 to index
        %get3A_1623 = arith.constant 64 : index
        %get3A_1624 = tpu.vector_load %arg15[%get3A_1622, %get3A_1623] {strides = array<i32>} : memref<128x128xf32, #tpu.memory_space<vmem>>, vector<16xf32>,
        %mul3A_1625 = arith.mulf %get3A_1624, %broadcast_in_dim3A_1593 : vector<16xf32>
        %swap3A_1626 = arith.index_cast %scan3A_1590 : i32 to index
        %swap3A_1627 = arith.constant 64 : index
        %swap3A_1628 = tpu.vector_load %arg15[%swap3A_1626, %swap3A_1627] {strides = array<i32>} : memref<128x128xf32, #tpu.memory_space<vmem>>, vector<16xf32>,
        tpu.vector_store %arg15[%swap3A_1626, %swap3A_1627], %mul3A_1625 {strides = array<i32>} : memref<128x128xf32, #tpu.memory_space<vmem>>, vector<16xf32>,
        %get3A_1629 = arith.index_cast %scan3A_1590 : i32 to index
        %get3A_1630 = arith.constant 80 : index
        %get3A_1631 = tpu.vector_load %arg15[%get3A_1629, %get3A_1630] {strides = array<i32>} : memref<128x128xf32, #tpu.memory_space<vmem>>, vector<16xf32>,
        %mul3A_1632 = arith.mulf %get3A_1631, %broadcast_in_dim3A_1593 : vector<16xf32>
        %swap3A_1633 = arith.index_cast %scan3A_1590 : i32 to index
        %swap3A_1634 = arith.constant 80 : index
        %swap3A_1635 = tpu.vector_load %arg15[%swap3A_1633, %swap3A_1634] {strides = array<i32>} : memref<128x128xf32, #tpu.memory_space<vmem>>, vector<16xf32>,
        tpu.vector_store %arg15[%swap3A_1633, %swap3A_1634], %mul3A_1632 {strides = array<i32>} : memref<128x128xf32, #tpu.memory_space<vmem>>, vector<16xf32>,
        %get3A_1636 = arith.index_cast %scan3A_1590 : i32 to index
        %get3A_1637 = arith.constant 96 : index
        %get3A_1638 = tpu.vector_load %arg15[%get3A_1636, %get3A_1637] {strides = array<i32>} : memref<128x128xf32, #tpu.memory_space<vmem>>, vector<16xf32>,
        %mul3A_1639 = arith.mulf %get3A_1638, %broadcast_in_dim3A_1593 : vector<16xf32>
        %swap3A_1640 = arith.index_cast %scan3A_1590 : i32 to index
        %swap3A_1641 = arith.constant 96 : index
        %swap3A_1642 = tpu.vector_load %arg15[%swap3A_1640, %swap3A_1641] {strides = array<i32>} : memref<128x128xf32, #tpu.memory_space<vmem>>, vector<16xf32>,
        tpu.vector_store %arg15[%swap3A_1640, %swap3A_1641], %mul3A_1639 {strides = array<i32>} : memref<128x128xf32, #tpu.memory_space<vmem>>, vector<16xf32>,
        %get3A_1643 = arith.index_cast %scan3A_1590 : i32 to index
        %get3A_1644 = arith.constant 112 : index
        %get3A_1645 = tpu.vector_load %arg15[%get3A_1643, %get3A_1644] {strides = array<i32>} : memref<128x128xf32, #tpu.memory_space<vmem>>, vector<16xf32>,
        %mul3A_1646 = arith.mulf %get3A_1645, %broadcast_in_dim3A_1593 : vector<16xf32>
        %swap3A_1647 = arith.index_cast %scan3A_1590 : i32 to index
        %swap3A_1648 = arith.constant 112 : index
        %swap3A_1649 = tpu.vector_load %arg15[%swap3A_1647, %swap3A_1648] {strides = array<i32>} : memref<128x128xf32, #tpu.memory_space<vmem>>, vector<16xf32>,
        tpu.vector_store %arg15[%swap3A_1647, %swap3A_1648], %mul3A_1646 {strides = array<i32>} : memref<128x128xf32, #tpu.memory_space<vmem>>, vector<16xf32>,
      }
      %scan3A_637 = arith.constant 128 : i32
      %run_scoped3A_638 = arith.constant 2 : i32
      "tpu.region"() ({
        %run_scoped3A_1590 = tpu.sem_alloc : memref<!tpu.dma_semaphore, #tpu.memory_space<semaphore_mem>>
        %dma_start3A_1591 = arith.constant 0 : i32
        %dma_start3A_1592 = tpu.memref_slice %arg11[%run_scoped3A_638, %dma_start3A_1591] : memref<8x128xi32, #tpu.memory_space<vmem>> -> memref<1x128xi32, #tpu.memory_space<vmem>>
        %dma_start3A_1593 = tpu.memref_squeeze %dma_start3A_1592 : memref<1x128xi32, #tpu.memory_space<vmem>> -> memref<128xi32, #tpu.memory_space<vmem>>
        %dma_start3A_1594 = arith.constant 0 : i32
        %dma_start3A_1595 = arith.constant 0 : i32
        %dma_start3A_1596 = tpu.memref_slice %arg17[%dma_start3A_1594, %dma_start3A_1595] : memref<10112x128xf32, #tpu.memory_space<vmem_shared>> -> memref<10112x128xf32, #tpu.memory_space<vmem_shared>>
        tpu.enqueue_indirect_dma source(%arg15 : memref<128x128xf32, #tpu.memory_space<vmem>>) target(%dma_start3A_1596 : memref<10112x128xf32, #tpu.memory_space<vmem_shared>>) offsets(%dma_start3A_1593 : memref<128xi32, #tpu.memory_space<vmem>>) semaphore(%run_scoped3A_1590 : memref<!tpu.dma_semaphore, #tpu.memory_space<semaphore_mem>>) {add = true}
        %dma_wait3A_1597 = arith.constant 0 : i32
        %dma_wait3A_1598 = tpu.memref_slice %arg11[%run_scoped3A_638, %dma_wait3A_1597] : memref<8x128xi32, #tpu.memory_space<vmem>> -> memref<1x128xi32, #tpu.memory_space<vmem>>
        %dma_wait3A_1599 = tpu.memref_squeeze %dma_wait3A_1598 : memref<1x128xi32, #tpu.memory_space<vmem>> -> memref<128xi32, #tpu.memory_space<vmem>>
        %dma_wait3A_1600 = arith.constant 0 : i32
        %dma_wait3A_1601 = arith.constant 0 : i32
        %dma_wait3A_1602 = tpu.memref_slice %arg17[%dma_wait3A_1600, %dma_wait3A_1601] : memref<10112x128xf32, #tpu.memory_space<vmem_shared>> -> memref<10112x128xf32, #tpu.memory_space<vmem_shared>>
        tpu.wait_indirect_dma semaphore(%run_scoped3A_1590 : memref<!tpu.dma_semaphore, #tpu.memory_space<semaphore_mem>>) src(%arg15 : memref<128x128xf32, #tpu.memory_space<vmem>>) dst(%dma_wait3A_1602 : memref<10112x128xf32, #tpu.memory_space<vmem_shared>>)
        tpu.yield
      }) : () -> ()
      %run_scoped3A_639 = arith.constant 2 : i32
      "tpu.region"() ({
        %run_scoped3A_1590 = tpu.sem_alloc : memref<!tpu.dma_semaphore, #tpu.memory_space<semaphore_mem>>
        %dma_start3A_1591 = arith.constant 0 : i32
        %dma_start3A_1592 = tpu.memref_slice %arg16[%dma_start3A_1591] : memref<144xf32, #tpu.memory_space<vmem>> -> memref<128xf32, #tpu.memory_space<vmem>>
        %dma_start3A_1593 = arith.constant 0 : i32
        %dma_start3A_1594 = tpu.memref_slice %arg11[%run_scoped3A_639, %dma_start3A_1593] : memref<8x128xi32, #tpu.memory_space<vmem>> -> memref<1x128xi32, #tpu.memory_space<vmem>>
        %dma_start3A_1595 = tpu.memref_squeeze %dma_start3A_1594 : memref<1x128xi32, #tpu.memory_space<vmem>> -> memref<128xi32, #tpu.memory_space<vmem>>
        %dma_start3A_1596 = arith.constant 0 : i32
        %dma_start3A_1597 = tpu.memref_slice %arg18[%dma_start3A_1596] : memref<10112xf32, #tpu.memory_space<vmem_shared>> -> memref<10112xf32, #tpu.memory_space<vmem_shared>>
        tpu.enqueue_indirect_dma source(%dma_start3A_1592 : memref<128xf32, #tpu.memory_space<vmem>>) target(%dma_start3A_1597 : memref<10112xf32, #tpu.memory_space<vmem_shared>>) offsets(%dma_start3A_1595 : memref<128xi32, #tpu.memory_space<vmem>>) semaphore(%run_scoped3A_1590 : memref<!tpu.dma_semaphore, #tpu.memory_space<semaphore_mem>>) {add = true}
        %dma_wait3A_1598 = arith.constant 0 : i32
        %dma_wait3A_1599 = tpu.memref_slice %arg16[%dma_wait3A_1598] : memref<144xf32, #tpu.memory_space<vmem>> -> memref<128xf32, #tpu.memory_space<vmem>>
        %dma_wait3A_1600 = arith.constant 0 : i32
        %dma_wait3A_1601 = tpu.memref_slice %arg11[%run_scoped3A_639, %dma_wait3A_1600] : memref<8x128xi32, #tpu.memory_space<vmem>> -> memref<1x128xi32, #tpu.memory_space<vmem>>
        %dma_wait3A_1602 = tpu.memref_squeeze %dma_wait3A_1601 : memref<1x128xi32, #tpu.memory_space<vmem>> -> memref<128xi32, #tpu.memory_space<vmem>>
        %dma_wait3A_1603 = arith.constant 0 : i32
        %dma_wait3A_1604 = tpu.memref_slice %arg18[%dma_wait3A_1603] : memref<10112xf32, #tpu.memory_space<vmem_shared>> -> memref<10112xf32, #tpu.memory_space<vmem_shared>>
        tpu.wait_indirect_dma semaphore(%run_scoped3A_1590 : memref<!tpu.dma_semaphore, #tpu.memory_space<semaphore_mem>>) src(%dma_wait3A_1599 : memref<128xf32, #tpu.memory_space<vmem>>) dst(%dma_wait3A_1604 : memref<10112xf32, #tpu.memory_space<vmem_shared>>)
        tpu.yield
      }) : () -> ()
      %dma_start3A_640 = arith.constant 3 : i32
      %dma_start3A_641 = arith.constant 0 : i32
      %dma_start3A_642 = tpu.memref_slice %arg12[%dma_start3A_640, %dma_start3A_641] : memref<8x128xi32, #tpu.memory_space<vmem>> -> memref<1x128xi32, #tpu.memory_space<vmem>>
      %dma_start3A_643 = tpu.memref_squeeze %dma_start3A_642 : memref<1x128xi32, #tpu.memory_space<vmem>> -> memref<128xi32, #tpu.memory_space<vmem>>
      %dma_start3A_644 = arith.constant 0 : i32
      %dma_start3A_645 = arith.constant 0 : i32
      %dma_start3A_646 = tpu.memref_slice %arg2[%dma_start3A_644, %dma_start3A_645] : memref<10000x128xf32, #tpu.memory_space<hbm>> -> memref<10000x128xf32, #tpu.memory_space<hbm>>
      tpu.enqueue_indirect_dma source(%dma_start3A_646 : memref<10000x128xf32, #tpu.memory_space<hbm>>) target(%arg15 : memref<128x128xf32, #tpu.memory_space<vmem>>) offsets(%dma_start3A_643 : memref<128xi32, #tpu.memory_space<vmem>>) semaphore(%arg19 : memref<!tpu.dma_semaphore, #tpu.memory_space<semaphore_mem>>)
      %dma_wait3A_647 = arith.constant 3 : i32
      %dma_wait3A_648 = arith.constant 0 : i32
      %dma_wait3A_649 = tpu.memref_slice %arg12[%dma_wait3A_647, %dma_wait3A_648] : memref<8x128xi32, #tpu.memory_space<vmem>> -> memref<1x128xi32, #tpu.memory_space<vmem>>
      %dma_wait3A_650 = tpu.memref_squeeze %dma_wait3A_649 : memref<1x128xi32, #tpu.memory_space<vmem>> -> memref<128xi32, #tpu.memory_space<vmem>>
      %dma_wait3A_651 = arith.constant 0 : i32
      %dma_wait3A_652 = arith.constant 0 : i32
      %dma_wait3A_653 = tpu.memref_slice %arg2[%dma_wait3A_651, %dma_wait3A_652] : memref<10000x128xf32, #tpu.memory_space<hbm>> -> memref<10000x128xf32, #tpu.memory_space<hbm>>
      tpu.wait_indirect_dma semaphore(%arg19 : memref<!tpu.dma_semaphore, #tpu.memory_space<semaphore_mem>>) src(%dma_wait3A_653 : memref<10000x128xf32, #tpu.memory_space<hbm>>) dst(%arg15 : memref<128x128xf32, #tpu.memory_space<vmem>>)
      %get3A_654 = arith.constant 3 : i32
      %get3A_655 = arith.index_cast %get3A_654 : i32 to index
      %get3A_656 = arith.constant 0 : index
      %get3A_657 = tpu.vector_load %arg11[%get3A_655, %get3A_656] {strides = array<i32>} : memref<8x128xi32, #tpu.memory_space<vmem>>, vector<16xi32>,
      %get3A_658 = arith.constant 3 : i32
      %get3A_659 = arith.index_cast %get3A_658 : i32 to index
      %get3A_660 = arith.constant 0 : index
      %get3A_661 = tpu.vector_load %arg12[%get3A_659, %get3A_660] {strides = array<i32>} : memref<8x128xi32, #tpu.memory_space<vmem>>, vector<16xi32>,
      %gather3A_662 = tpu.vector_load_idx %arg13[%get3A_657] : memref<10112xf32, #tpu.memory_space<vmem>>[vector<16xi32>], vector<16xf32>,
      %gather3A_663 = tpu.vector_load_idx %arg14[%get3A_661] : memref<10112xf32, #tpu.memory_space<vmem>>[vector<16xi32>], vector<16xf32>,
      %add3A_664 = arith.addf %gather3A_662, %gather3A_663 : vector<16xf32>
      %gt3A_665 = arith.constant 0.000000e+00 : f32
      %gt3A_666 = vector.broadcast %gt3A_665 : f32 to vector<16xf32>
      %gt3A_667 = arith.cmpf ogt, %add3A_664, %gt3A_666 : vector<16xf32>
      %mul3A_668 = arith.constant 2.000000e-01 : f32
      %mul3A_669 = vector.broadcast %mul3A_668 : f32 to vector<16xf32>
      %mul3A_670 = arith.mulf %mul3A_669, %add3A_664 : vector<16xf32>
      %select_n3A_671 = arith.select %gt3A_667, %add3A_664, %mul3A_670 : vector<16xi1>, vector<16xf32>
      %exp3A_672 = math.exp %select_n3A_671 : vector<16xf32>
      %swap3A_673 = arith.constant 0 : index
      %swap3A_674 = tpu.vector_load %arg16[%swap3A_673] {strides = array<i32>} : memref<144xf32, #tpu.memory_space<vmem>>, vector<16xf32>,
      tpu.vector_store %arg16[%swap3A_673], %exp3A_672 {strides = array<i32>} : memref<144xf32, #tpu.memory_space<vmem>>, vector<16xf32>,
      %get3A_675 = arith.constant 3 : i32
      %get3A_676 = arith.index_cast %get3A_675 : i32 to index
      %get3A_677 = arith.constant 16 : index
      %get3A_678 = tpu.vector_load %arg11[%get3A_676, %get3A_677] {strides = array<i32>} : memref<8x128xi32, #tpu.memory_space<vmem>>, vector<16xi32>,
      %get3A_679 = arith.constant 3 : i32
      %get3A_680 = arith.index_cast %get3A_679 : i32 to index
      %get3A_681 = arith.constant 16 : index
      %get3A_682 = tpu.vector_load %arg12[%get3A_680, %get3A_681] {strides = array<i32>} : memref<8x128xi32, #tpu.memory_space<vmem>>, vector<16xi32>,
      %gather3A_683 = tpu.vector_load_idx %arg13[%get3A_678] : memref<10112xf32, #tpu.memory_space<vmem>>[vector<16xi32>], vector<16xf32>,
      %gather3A_684 = tpu.vector_load_idx %arg14[%get3A_682] : memref<10112xf32, #tpu.memory_space<vmem>>[vector<16xi32>], vector<16xf32>,
      %add3A_685 = arith.addf %gather3A_683, %gather3A_684 : vector<16xf32>
      %gt3A_686 = arith.constant 0.000000e+00 : f32
      %gt3A_687 = vector.broadcast %gt3A_686 : f32 to vector<16xf32>
      %gt3A_688 = arith.cmpf ogt, %add3A_685, %gt3A_687 : vector<16xf32>
      %mul3A_689 = arith.constant 2.000000e-01 : f32
      %mul3A_690 = vector.broadcast %mul3A_689 : f32 to vector<16xf32>
      %mul3A_691 = arith.mulf %mul3A_690, %add3A_685 : vector<16xf32>
      %select_n3A_692 = arith.select %gt3A_688, %add3A_685, %mul3A_691 : vector<16xi1>, vector<16xf32>
      %exp3A_693 = math.exp %select_n3A_692 : vector<16xf32>
      %swap3A_694 = arith.constant 16 : index
      %swap3A_695 = tpu.vector_load %arg16[%swap3A_694] {strides = array<i32>} : memref<144xf32, #tpu.memory_space<vmem>>, vector<16xf32>,
      tpu.vector_store %arg16[%swap3A_694], %exp3A_693 {strides = array<i32>} : memref<144xf32, #tpu.memory_space<vmem>>, vector<16xf32>,
      %get3A_696 = arith.constant 3 : i32
      %get3A_697 = arith.index_cast %get3A_696 : i32 to index
      %get3A_698 = arith.constant 32 : index
      %get3A_699 = tpu.vector_load %arg11[%get3A_697, %get3A_698] {strides = array<i32>} : memref<8x128xi32, #tpu.memory_space<vmem>>, vector<16xi32>,
      %get3A_700 = arith.constant 3 : i32
      %get3A_701 = arith.index_cast %get3A_700 : i32 to index
      %get3A_702 = arith.constant 32 : index
      %get3A_703 = tpu.vector_load %arg12[%get3A_701, %get3A_702] {strides = array<i32>} : memref<8x128xi32, #tpu.memory_space<vmem>>, vector<16xi32>,
      %gather3A_704 = tpu.vector_load_idx %arg13[%get3A_699] : memref<10112xf32, #tpu.memory_space<vmem>>[vector<16xi32>], vector<16xf32>,
      %gather3A_705 = tpu.vector_load_idx %arg14[%get3A_703] : memref<10112xf32, #tpu.memory_space<vmem>>[vector<16xi32>], vector<16xf32>,
      %add3A_706 = arith.addf %gather3A_704, %gather3A_705 : vector<16xf32>
      %gt3A_707 = arith.constant 0.000000e+00 : f32
      %gt3A_708 = vector.broadcast %gt3A_707 : f32 to vector<16xf32>
      %gt3A_709 = arith.cmpf ogt, %add3A_706, %gt3A_708 : vector<16xf32>
      %mul3A_710 = arith.constant 2.000000e-01 : f32
      %mul3A_711 = vector.broadcast %mul3A_710 : f32 to vector<16xf32>
      %mul3A_712 = arith.mulf %mul3A_711, %add3A_706 : vector<16xf32>
      %select_n3A_713 = arith.select %gt3A_709, %add3A_706, %mul3A_712 : vector<16xi1>, vector<16xf32>
      %exp3A_714 = math.exp %select_n3A_713 : vector<16xf32>
      %swap3A_715 = arith.constant 32 : index
      %swap3A_716 = tpu.vector_load %arg16[%swap3A_715] {strides = array<i32>} : memref<144xf32, #tpu.memory_space<vmem>>, vector<16xf32>,
      tpu.vector_store %arg16[%swap3A_715], %exp3A_714 {strides = array<i32>} : memref<144xf32, #tpu.memory_space<vmem>>, vector<16xf32>,
      %get3A_717 = arith.constant 3 : i32
      %get3A_718 = arith.index_cast %get3A_717 : i32 to index
      %get3A_719 = arith.constant 48 : index
      %get3A_720 = tpu.vector_load %arg11[%get3A_718, %get3A_719] {strides = array<i32>} : memref<8x128xi32, #tpu.memory_space<vmem>>, vector<16xi32>,
      %get3A_721 = arith.constant 3 : i32
      %get3A_722 = arith.index_cast %get3A_721 : i32 to index
      %get3A_723 = arith.constant 48 : index
      %get3A_724 = tpu.vector_load %arg12[%get3A_722, %get3A_723] {strides = array<i32>} : memref<8x128xi32, #tpu.memory_space<vmem>>, vector<16xi32>,
      %gather3A_725 = tpu.vector_load_idx %arg13[%get3A_720] : memref<10112xf32, #tpu.memory_space<vmem>>[vector<16xi32>], vector<16xf32>,
      %gather3A_726 = tpu.vector_load_idx %arg14[%get3A_724] : memref<10112xf32, #tpu.memory_space<vmem>>[vector<16xi32>], vector<16xf32>,
      %add3A_727 = arith.addf %gather3A_725, %gather3A_726 : vector<16xf32>
      %gt3A_728 = arith.constant 0.000000e+00 : f32
      %gt3A_729 = vector.broadcast %gt3A_728 : f32 to vector<16xf32>
      %gt3A_730 = arith.cmpf ogt, %add3A_727, %gt3A_729 : vector<16xf32>
      %mul3A_731 = arith.constant 2.000000e-01 : f32
      %mul3A_732 = vector.broadcast %mul3A_731 : f32 to vector<16xf32>
      %mul3A_733 = arith.mulf %mul3A_732, %add3A_727 : vector<16xf32>
      %select_n3A_734 = arith.select %gt3A_730, %add3A_727, %mul3A_733 : vector<16xi1>, vector<16xf32>
      %exp3A_735 = math.exp %select_n3A_734 : vector<16xf32>
      %swap3A_736 = arith.constant 48 : index
      %swap3A_737 = tpu.vector_load %arg16[%swap3A_736] {strides = array<i32>} : memref<144xf32, #tpu.memory_space<vmem>>, vector<16xf32>,
      tpu.vector_store %arg16[%swap3A_736], %exp3A_735 {strides = array<i32>} : memref<144xf32, #tpu.memory_space<vmem>>, vector<16xf32>,
      %get3A_738 = arith.constant 3 : i32
      %get3A_739 = arith.index_cast %get3A_738 : i32 to index
      %get3A_740 = arith.constant 64 : index
      %get3A_741 = tpu.vector_load %arg11[%get3A_739, %get3A_740] {strides = array<i32>} : memref<8x128xi32, #tpu.memory_space<vmem>>, vector<16xi32>,
      %get3A_742 = arith.constant 3 : i32
      %get3A_743 = arith.index_cast %get3A_742 : i32 to index
      %get3A_744 = arith.constant 64 : index
      %get3A_745 = tpu.vector_load %arg12[%get3A_743, %get3A_744] {strides = array<i32>} : memref<8x128xi32, #tpu.memory_space<vmem>>, vector<16xi32>,
      %gather3A_746 = tpu.vector_load_idx %arg13[%get3A_741] : memref<10112xf32, #tpu.memory_space<vmem>>[vector<16xi32>], vector<16xf32>,
      %gather3A_747 = tpu.vector_load_idx %arg14[%get3A_745] : memref<10112xf32, #tpu.memory_space<vmem>>[vector<16xi32>], vector<16xf32>,
      %add3A_748 = arith.addf %gather3A_746, %gather3A_747 : vector<16xf32>
      %gt3A_749 = arith.constant 0.000000e+00 : f32
      %gt3A_750 = vector.broadcast %gt3A_749 : f32 to vector<16xf32>
      %gt3A_751 = arith.cmpf ogt, %add3A_748, %gt3A_750 : vector<16xf32>
      %mul3A_752 = arith.constant 2.000000e-01 : f32
      %mul3A_753 = vector.broadcast %mul3A_752 : f32 to vector<16xf32>
      %mul3A_754 = arith.mulf %mul3A_753, %add3A_748 : vector<16xf32>
      %select_n3A_755 = arith.select %gt3A_751, %add3A_748, %mul3A_754 : vector<16xi1>, vector<16xf32>
      %exp3A_756 = math.exp %select_n3A_755 : vector<16xf32>
      %swap3A_757 = arith.constant 64 : index
      %swap3A_758 = tpu.vector_load %arg16[%swap3A_757] {strides = array<i32>} : memref<144xf32, #tpu.memory_space<vmem>>, vector<16xf32>,
      tpu.vector_store %arg16[%swap3A_757], %exp3A_756 {strides = array<i32>} : memref<144xf32, #tpu.memory_space<vmem>>, vector<16xf32>,
      %get3A_759 = arith.constant 3 : i32
      %get3A_760 = arith.index_cast %get3A_759 : i32 to index
      %get3A_761 = arith.constant 80 : index
      %get3A_762 = tpu.vector_load %arg11[%get3A_760, %get3A_761] {strides = array<i32>} : memref<8x128xi32, #tpu.memory_space<vmem>>, vector<16xi32>,
      %get3A_763 = arith.constant 3 : i32
      %get3A_764 = arith.index_cast %get3A_763 : i32 to index
      %get3A_765 = arith.constant 80 : index
      %get3A_766 = tpu.vector_load %arg12[%get3A_764, %get3A_765] {strides = array<i32>} : memref<8x128xi32, #tpu.memory_space<vmem>>, vector<16xi32>,
      %gather3A_767 = tpu.vector_load_idx %arg13[%get3A_762] : memref<10112xf32, #tpu.memory_space<vmem>>[vector<16xi32>], vector<16xf32>,
      %gather3A_768 = tpu.vector_load_idx %arg14[%get3A_766] : memref<10112xf32, #tpu.memory_space<vmem>>[vector<16xi32>], vector<16xf32>,
      %add3A_769 = arith.addf %gather3A_767, %gather3A_768 : vector<16xf32>
      %gt3A_770 = arith.constant 0.000000e+00 : f32
      %gt3A_771 = vector.broadcast %gt3A_770 : f32 to vector<16xf32>
      %gt3A_772 = arith.cmpf ogt, %add3A_769, %gt3A_771 : vector<16xf32>
      %mul3A_773 = arith.constant 2.000000e-01 : f32
      %mul3A_774 = vector.broadcast %mul3A_773 : f32 to vector<16xf32>
      %mul3A_775 = arith.mulf %mul3A_774, %add3A_769 : vector<16xf32>
      %select_n3A_776 = arith.select %gt3A_772, %add3A_769, %mul3A_775 : vector<16xi1>, vector<16xf32>
      %exp3A_777 = math.exp %select_n3A_776 : vector<16xf32>
      %swap3A_778 = arith.constant 80 : index
      %swap3A_779 = tpu.vector_load %arg16[%swap3A_778] {strides = array<i32>} : memref<144xf32, #tpu.memory_space<vmem>>, vector<16xf32>,
      tpu.vector_store %arg16[%swap3A_778], %exp3A_777 {strides = array<i32>} : memref<144xf32, #tpu.memory_space<vmem>>, vector<16xf32>,
      %get3A_780 = arith.constant 3 : i32
      %get3A_781 = arith.index_cast %get3A_780 : i32 to index
      %get3A_782 = arith.constant 96 : index
      %get3A_783 = tpu.vector_load %arg11[%get3A_781, %get3A_782] {strides = array<i32>} : memref<8x128xi32, #tpu.memory_space<vmem>>, vector<16xi32>,
      %get3A_784 = arith.constant 3 : i32
      %get3A_785 = arith.index_cast %get3A_784 : i32 to index
      %get3A_786 = arith.constant 96 : index
      %get3A_787 = tpu.vector_load %arg12[%get3A_785, %get3A_786] {strides = array<i32>} : memref<8x128xi32, #tpu.memory_space<vmem>>, vector<16xi32>,
      %gather3A_788 = tpu.vector_load_idx %arg13[%get3A_783] : memref<10112xf32, #tpu.memory_space<vmem>>[vector<16xi32>], vector<16xf32>,
      %gather3A_789 = tpu.vector_load_idx %arg14[%get3A_787] : memref<10112xf32, #tpu.memory_space<vmem>>[vector<16xi32>], vector<16xf32>,
      %add3A_790 = arith.addf %gather3A_788, %gather3A_789 : vector<16xf32>
      %gt3A_791 = arith.constant 0.000000e+00 : f32
      %gt3A_792 = vector.broadcast %gt3A_791 : f32 to vector<16xf32>
      %gt3A_793 = arith.cmpf ogt, %add3A_790, %gt3A_792 : vector<16xf32>
      %mul3A_794 = arith.constant 2.000000e-01 : f32
      %mul3A_795 = vector.broadcast %mul3A_794 : f32 to vector<16xf32>
      %mul3A_796 = arith.mulf %mul3A_795, %add3A_790 : vector<16xf32>
      %select_n3A_797 = arith.select %gt3A_793, %add3A_790, %mul3A_796 : vector<16xi1>, vector<16xf32>
      %exp3A_798 = math.exp %select_n3A_797 : vector<16xf32>
      %swap3A_799 = arith.constant 96 : index
      %swap3A_800 = tpu.vector_load %arg16[%swap3A_799] {strides = array<i32>} : memref<144xf32, #tpu.memory_space<vmem>>, vector<16xf32>,
      tpu.vector_store %arg16[%swap3A_799], %exp3A_798 {strides = array<i32>} : memref<144xf32, #tpu.memory_space<vmem>>, vector<16xf32>,
      %get3A_801 = arith.constant 3 : i32
      %get3A_802 = arith.index_cast %get3A_801 : i32 to index
      %get3A_803 = arith.constant 112 : index
      %get3A_804 = tpu.vector_load %arg11[%get3A_802, %get3A_803] {strides = array<i32>} : memref<8x128xi32, #tpu.memory_space<vmem>>, vector<16xi32>,
      %get3A_805 = arith.constant 3 : i32
      %get3A_806 = arith.index_cast %get3A_805 : i32 to index
      %get3A_807 = arith.constant 112 : index
      %get3A_808 = tpu.vector_load %arg12[%get3A_806, %get3A_807] {strides = array<i32>} : memref<8x128xi32, #tpu.memory_space<vmem>>, vector<16xi32>,
      %gather3A_809 = tpu.vector_load_idx %arg13[%get3A_804] : memref<10112xf32, #tpu.memory_space<vmem>>[vector<16xi32>], vector<16xf32>,
      %gather3A_810 = tpu.vector_load_idx %arg14[%get3A_808] : memref<10112xf32, #tpu.memory_space<vmem>>[vector<16xi32>], vector<16xf32>,
      %add3A_811 = arith.addf %gather3A_809, %gather3A_810 : vector<16xf32>
      %gt3A_812 = arith.constant 0.000000e+00 : f32
      %gt3A_813 = vector.broadcast %gt3A_812 : f32 to vector<16xf32>
      %gt3A_814 = arith.cmpf ogt, %add3A_811, %gt3A_813 : vector<16xf32>
      %mul3A_815 = arith.constant 2.000000e-01 : f32
      %mul3A_816 = vector.broadcast %mul3A_815 : f32 to vector<16xf32>
      %mul3A_817 = arith.mulf %mul3A_816, %add3A_811 : vector<16xf32>
      %select_n3A_818 = arith.select %gt3A_814, %add3A_811, %mul3A_817 : vector<16xi1>, vector<16xf32>
      %exp3A_819 = math.exp %select_n3A_818 : vector<16xf32>
      %swap3A_820 = arith.constant 112 : index
      %swap3A_821 = tpu.vector_load %arg16[%swap3A_820] {strides = array<i32>} : memref<144xf32, #tpu.memory_space<vmem>>, vector<16xf32>,
      tpu.vector_store %arg16[%swap3A_820], %exp3A_819 {strides = array<i32>} : memref<144xf32, #tpu.memory_space<vmem>>, vector<16xf32>,
      %scan3A_822 = arith.constant 0 : i32
      %scan3A_823 = arith.constant 0 : i32
      %scan3A_824 = arith.constant 128 : i32
      %scan3A_825 = arith.addi %scan3A_823, %scan3A_824 : i32
      %scan3A_826 = arith.constant 1 : i32
      scf.for %scan3A_1590 = %scan3A_823 to %scan3A_825 step %scan3A_826  : i32 {
        %get3A_1591 = arith.index_cast %scan3A_1590 : i32 to index
        %get3A_1592 = tpu.vector_load %arg16[%get3A_1591] {strides = array<i32>} : memref<144xf32, #tpu.memory_space<vmem>>, vector<16xf32>,
        %slice3A = vector.extract_strided_slice %get3A_1592 {offsets = [0], sizes = [1], strides = [1]} : vector<16xf32> to vector<1xf32>
        %squeeze3A = vector.extract %slice3A[0] : f32 from vector<1xf32>
        %broadcast_in_dim3A_1593 = vector.broadcast %squeeze3A : f32 to vector<16xf32>
        %get3A_1594 = arith.index_cast %scan3A_1590 : i32 to index
        %get3A_1595 = arith.constant 0 : index
        %get3A_1596 = tpu.vector_load %arg15[%get3A_1594, %get3A_1595] {strides = array<i32>} : memref<128x128xf32, #tpu.memory_space<vmem>>, vector<16xf32>,
        %mul3A_1597 = arith.mulf %get3A_1596, %broadcast_in_dim3A_1593 : vector<16xf32>
        %swap3A_1598 = arith.index_cast %scan3A_1590 : i32 to index
        %swap3A_1599 = arith.constant 0 : index
        %swap3A_1600 = tpu.vector_load %arg15[%swap3A_1598, %swap3A_1599] {strides = array<i32>} : memref<128x128xf32, #tpu.memory_space<vmem>>, vector<16xf32>,
        tpu.vector_store %arg15[%swap3A_1598, %swap3A_1599], %mul3A_1597 {strides = array<i32>} : memref<128x128xf32, #tpu.memory_space<vmem>>, vector<16xf32>,
        %get3A_1601 = arith.index_cast %scan3A_1590 : i32 to index
        %get3A_1602 = arith.constant 16 : index
        %get3A_1603 = tpu.vector_load %arg15[%get3A_1601, %get3A_1602] {strides = array<i32>} : memref<128x128xf32, #tpu.memory_space<vmem>>, vector<16xf32>,
        %mul3A_1604 = arith.mulf %get3A_1603, %broadcast_in_dim3A_1593 : vector<16xf32>
        %swap3A_1605 = arith.index_cast %scan3A_1590 : i32 to index
        %swap3A_1606 = arith.constant 16 : index
        %swap3A_1607 = tpu.vector_load %arg15[%swap3A_1605, %swap3A_1606] {strides = array<i32>} : memref<128x128xf32, #tpu.memory_space<vmem>>, vector<16xf32>,
        tpu.vector_store %arg15[%swap3A_1605, %swap3A_1606], %mul3A_1604 {strides = array<i32>} : memref<128x128xf32, #tpu.memory_space<vmem>>, vector<16xf32>,
        %get3A_1608 = arith.index_cast %scan3A_1590 : i32 to index
        %get3A_1609 = arith.constant 32 : index
        %get3A_1610 = tpu.vector_load %arg15[%get3A_1608, %get3A_1609] {strides = array<i32>} : memref<128x128xf32, #tpu.memory_space<vmem>>, vector<16xf32>,
        %mul3A_1611 = arith.mulf %get3A_1610, %broadcast_in_dim3A_1593 : vector<16xf32>
        %swap3A_1612 = arith.index_cast %scan3A_1590 : i32 to index
        %swap3A_1613 = arith.constant 32 : index
        %swap3A_1614 = tpu.vector_load %arg15[%swap3A_1612, %swap3A_1613] {strides = array<i32>} : memref<128x128xf32, #tpu.memory_space<vmem>>, vector<16xf32>,
        tpu.vector_store %arg15[%swap3A_1612, %swap3A_1613], %mul3A_1611 {strides = array<i32>} : memref<128x128xf32, #tpu.memory_space<vmem>>, vector<16xf32>,
        %get3A_1615 = arith.index_cast %scan3A_1590 : i32 to index
        %get3A_1616 = arith.constant 48 : index
        %get3A_1617 = tpu.vector_load %arg15[%get3A_1615, %get3A_1616] {strides = array<i32>} : memref<128x128xf32, #tpu.memory_space<vmem>>, vector<16xf32>,
        %mul3A_1618 = arith.mulf %get3A_1617, %broadcast_in_dim3A_1593 : vector<16xf32>
        %swap3A_1619 = arith.index_cast %scan3A_1590 : i32 to index
        %swap3A_1620 = arith.constant 48 : index
        %swap3A_1621 = tpu.vector_load %arg15[%swap3A_1619, %swap3A_1620] {strides = array<i32>} : memref<128x128xf32, #tpu.memory_space<vmem>>, vector<16xf32>,
        tpu.vector_store %arg15[%swap3A_1619, %swap3A_1620], %mul3A_1618 {strides = array<i32>} : memref<128x128xf32, #tpu.memory_space<vmem>>, vector<16xf32>,
        %get3A_1622 = arith.index_cast %scan3A_1590 : i32 to index
        %get3A_1623 = arith.constant 64 : index
        %get3A_1624 = tpu.vector_load %arg15[%get3A_1622, %get3A_1623] {strides = array<i32>} : memref<128x128xf32, #tpu.memory_space<vmem>>, vector<16xf32>,
        %mul3A_1625 = arith.mulf %get3A_1624, %broadcast_in_dim3A_1593 : vector<16xf32>
        %swap3A_1626 = arith.index_cast %scan3A_1590 : i32 to index
        %swap3A_1627 = arith.constant 64 : index
        %swap3A_1628 = tpu.vector_load %arg15[%swap3A_1626, %swap3A_1627] {strides = array<i32>} : memref<128x128xf32, #tpu.memory_space<vmem>>, vector<16xf32>,
        tpu.vector_store %arg15[%swap3A_1626, %swap3A_1627], %mul3A_1625 {strides = array<i32>} : memref<128x128xf32, #tpu.memory_space<vmem>>, vector<16xf32>,
        %get3A_1629 = arith.index_cast %scan3A_1590 : i32 to index
        %get3A_1630 = arith.constant 80 : index
        %get3A_1631 = tpu.vector_load %arg15[%get3A_1629, %get3A_1630] {strides = array<i32>} : memref<128x128xf32, #tpu.memory_space<vmem>>, vector<16xf32>,
        %mul3A_1632 = arith.mulf %get3A_1631, %broadcast_in_dim3A_1593 : vector<16xf32>
        %swap3A_1633 = arith.index_cast %scan3A_1590 : i32 to index
        %swap3A_1634 = arith.constant 80 : index
        %swap3A_1635 = tpu.vector_load %arg15[%swap3A_1633, %swap3A_1634] {strides = array<i32>} : memref<128x128xf32, #tpu.memory_space<vmem>>, vector<16xf32>,
        tpu.vector_store %arg15[%swap3A_1633, %swap3A_1634], %mul3A_1632 {strides = array<i32>} : memref<128x128xf32, #tpu.memory_space<vmem>>, vector<16xf32>,
        %get3A_1636 = arith.index_cast %scan3A_1590 : i32 to index
        %get3A_1637 = arith.constant 96 : index
        %get3A_1638 = tpu.vector_load %arg15[%get3A_1636, %get3A_1637] {strides = array<i32>} : memref<128x128xf32, #tpu.memory_space<vmem>>, vector<16xf32>,
        %mul3A_1639 = arith.mulf %get3A_1638, %broadcast_in_dim3A_1593 : vector<16xf32>
        %swap3A_1640 = arith.index_cast %scan3A_1590 : i32 to index
        %swap3A_1641 = arith.constant 96 : index
        %swap3A_1642 = tpu.vector_load %arg15[%swap3A_1640, %swap3A_1641] {strides = array<i32>} : memref<128x128xf32, #tpu.memory_space<vmem>>, vector<16xf32>,
        tpu.vector_store %arg15[%swap3A_1640, %swap3A_1641], %mul3A_1639 {strides = array<i32>} : memref<128x128xf32, #tpu.memory_space<vmem>>, vector<16xf32>,
        %get3A_1643 = arith.index_cast %scan3A_1590 : i32 to index
        %get3A_1644 = arith.constant 112 : index
        %get3A_1645 = tpu.vector_load %arg15[%get3A_1643, %get3A_1644] {strides = array<i32>} : memref<128x128xf32, #tpu.memory_space<vmem>>, vector<16xf32>,
        %mul3A_1646 = arith.mulf %get3A_1645, %broadcast_in_dim3A_1593 : vector<16xf32>
        %swap3A_1647 = arith.index_cast %scan3A_1590 : i32 to index
        %swap3A_1648 = arith.constant 112 : index
        %swap3A_1649 = tpu.vector_load %arg15[%swap3A_1647, %swap3A_1648] {strides = array<i32>} : memref<128x128xf32, #tpu.memory_space<vmem>>, vector<16xf32>,
        tpu.vector_store %arg15[%swap3A_1647, %swap3A_1648], %mul3A_1646 {strides = array<i32>} : memref<128x128xf32, #tpu.memory_space<vmem>>, vector<16xf32>,
      }
      %scan3A_827 = arith.constant 128 : i32
      %run_scoped3A_828 = arith.constant 3 : i32
      "tpu.region"() ({
        %run_scoped3A_1590 = tpu.sem_alloc : memref<!tpu.dma_semaphore, #tpu.memory_space<semaphore_mem>>
        %dma_start3A_1591 = arith.constant 0 : i32
        %dma_start3A_1592 = tpu.memref_slice %arg11[%run_scoped3A_828, %dma_start3A_1591] : memref<8x128xi32, #tpu.memory_space<vmem>> -> memref<1x128xi32, #tpu.memory_space<vmem>>
        %dma_start3A_1593 = tpu.memref_squeeze %dma_start3A_1592 : memref<1x128xi32, #tpu.memory_space<vmem>> -> memref<128xi32, #tpu.memory_space<vmem>>
        %dma_start3A_1594 = arith.constant 0 : i32
        %dma_start3A_1595 = arith.constant 0 : i32
        %dma_start3A_1596 = tpu.memref_slice %arg17[%dma_start3A_1594, %dma_start3A_1595] : memref<10112x128xf32, #tpu.memory_space<vmem_shared>> -> memref<10112x128xf32, #tpu.memory_space<vmem_shared>>
        tpu.enqueue_indirect_dma source(%arg15 : memref<128x128xf32, #tpu.memory_space<vmem>>) target(%dma_start3A_1596 : memref<10112x128xf32, #tpu.memory_space<vmem_shared>>) offsets(%dma_start3A_1593 : memref<128xi32, #tpu.memory_space<vmem>>) semaphore(%run_scoped3A_1590 : memref<!tpu.dma_semaphore, #tpu.memory_space<semaphore_mem>>) {add = true}
        %dma_wait3A_1597 = arith.constant 0 : i32
        %dma_wait3A_1598 = tpu.memref_slice %arg11[%run_scoped3A_828, %dma_wait3A_1597] : memref<8x128xi32, #tpu.memory_space<vmem>> -> memref<1x128xi32, #tpu.memory_space<vmem>>
        %dma_wait3A_1599 = tpu.memref_squeeze %dma_wait3A_1598 : memref<1x128xi32, #tpu.memory_space<vmem>> -> memref<128xi32, #tpu.memory_space<vmem>>
        %dma_wait3A_1600 = arith.constant 0 : i32
        %dma_wait3A_1601 = arith.constant 0 : i32
        %dma_wait3A_1602 = tpu.memref_slice %arg17[%dma_wait3A_1600, %dma_wait3A_1601] : memref<10112x128xf32, #tpu.memory_space<vmem_shared>> -> memref<10112x128xf32, #tpu.memory_space<vmem_shared>>
        tpu.wait_indirect_dma semaphore(%run_scoped3A_1590 : memref<!tpu.dma_semaphore, #tpu.memory_space<semaphore_mem>>) src(%arg15 : memref<128x128xf32, #tpu.memory_space<vmem>>) dst(%dma_wait3A_1602 : memref<10112x128xf32, #tpu.memory_space<vmem_shared>>)
        tpu.yield
      }) : () -> ()
      %run_scoped3A_829 = arith.constant 3 : i32
      "tpu.region"() ({
        %run_scoped3A_1590 = tpu.sem_alloc : memref<!tpu.dma_semaphore, #tpu.memory_space<semaphore_mem>>
        %dma_start3A_1591 = arith.constant 0 : i32
        %dma_start3A_1592 = tpu.memref_slice %arg16[%dma_start3A_1591] : memref<144xf32, #tpu.memory_space<vmem>> -> memref<128xf32, #tpu.memory_space<vmem>>
        %dma_start3A_1593 = arith.constant 0 : i32
        %dma_start3A_1594 = tpu.memref_slice %arg11[%run_scoped3A_829, %dma_start3A_1593] : memref<8x128xi32, #tpu.memory_space<vmem>> -> memref<1x128xi32, #tpu.memory_space<vmem>>
        %dma_start3A_1595 = tpu.memref_squeeze %dma_start3A_1594 : memref<1x128xi32, #tpu.memory_space<vmem>> -> memref<128xi32, #tpu.memory_space<vmem>>
        %dma_start3A_1596 = arith.constant 0 : i32
        %dma_start3A_1597 = tpu.memref_slice %arg18[%dma_start3A_1596] : memref<10112xf32, #tpu.memory_space<vmem_shared>> -> memref<10112xf32, #tpu.memory_space<vmem_shared>>
        tpu.enqueue_indirect_dma source(%dma_start3A_1592 : memref<128xf32, #tpu.memory_space<vmem>>) target(%dma_start3A_1597 : memref<10112xf32, #tpu.memory_space<vmem_shared>>) offsets(%dma_start3A_1595 : memref<128xi32, #tpu.memory_space<vmem>>) semaphore(%run_scoped3A_1590 : memref<!tpu.dma_semaphore, #tpu.memory_space<semaphore_mem>>) {add = true}
        %dma_wait3A_1598 = arith.constant 0 : i32
        %dma_wait3A_1599 = tpu.memref_slice %arg16[%dma_wait3A_1598] : memref<144xf32, #tpu.memory_space<vmem>> -> memref<128xf32, #tpu.memory_space<vmem>>
        %dma_wait3A_1600 = arith.constant 0 : i32
        %dma_wait3A_1601 = tpu.memref_slice %arg11[%run_scoped3A_829, %dma_wait3A_1600] : memref<8x128xi32, #tpu.memory_space<vmem>> -> memref<1x128xi32, #tpu.memory_space<vmem>>
        %dma_wait3A_1602 = tpu.memref_squeeze %dma_wait3A_1601 : memref<1x128xi32, #tpu.memory_space<vmem>> -> memref<128xi32, #tpu.memory_space<vmem>>
        %dma_wait3A_1603 = arith.constant 0 : i32
        %dma_wait3A_1604 = tpu.memref_slice %arg18[%dma_wait3A_1603] : memref<10112xf32, #tpu.memory_space<vmem_shared>> -> memref<10112xf32, #tpu.memory_space<vmem_shared>>
        tpu.wait_indirect_dma semaphore(%run_scoped3A_1590 : memref<!tpu.dma_semaphore, #tpu.memory_space<semaphore_mem>>) src(%dma_wait3A_1599 : memref<128xf32, #tpu.memory_space<vmem>>) dst(%dma_wait3A_1604 : memref<10112xf32, #tpu.memory_space<vmem_shared>>)
        tpu.yield
      }) : () -> ()
      %dma_start3A_830 = arith.constant 4 : i32
      %dma_start3A_831 = arith.constant 0 : i32
      %dma_start3A_832 = tpu.memref_slice %arg12[%dma_start3A_830, %dma_start3A_831] : memref<8x128xi32, #tpu.memory_space<vmem>> -> memref<1x128xi32, #tpu.memory_space<vmem>>
      %dma_start3A_833 = tpu.memref_squeeze %dma_start3A_832 : memref<1x128xi32, #tpu.memory_space<vmem>> -> memref<128xi32, #tpu.memory_space<vmem>>
      %dma_start3A_834 = arith.constant 0 : i32
      %dma_start3A_835 = arith.constant 0 : i32
      %dma_start3A_836 = tpu.memref_slice %arg2[%dma_start3A_834, %dma_start3A_835] : memref<10000x128xf32, #tpu.memory_space<hbm>> -> memref<10000x128xf32, #tpu.memory_space<hbm>>
      tpu.enqueue_indirect_dma source(%dma_start3A_836 : memref<10000x128xf32, #tpu.memory_space<hbm>>) target(%arg15 : memref<128x128xf32, #tpu.memory_space<vmem>>) offsets(%dma_start3A_833 : memref<128xi32, #tpu.memory_space<vmem>>) semaphore(%arg19 : memref<!tpu.dma_semaphore, #tpu.memory_space<semaphore_mem>>)
      %dma_wait3A_837 = arith.constant 4 : i32
      %dma_wait3A_838 = arith.constant 0 : i32
      %dma_wait3A_839 = tpu.memref_slice %arg12[%dma_wait3A_837, %dma_wait3A_838] : memref<8x128xi32, #tpu.memory_space<vmem>> -> memref<1x128xi32, #tpu.memory_space<vmem>>
      %dma_wait3A_840 = tpu.memref_squeeze %dma_wait3A_839 : memref<1x128xi32, #tpu.memory_space<vmem>> -> memref<128xi32, #tpu.memory_space<vmem>>
      %dma_wait3A_841 = arith.constant 0 : i32
      %dma_wait3A_842 = arith.constant 0 : i32
      %dma_wait3A_843 = tpu.memref_slice %arg2[%dma_wait3A_841, %dma_wait3A_842] : memref<10000x128xf32, #tpu.memory_space<hbm>> -> memref<10000x128xf32, #tpu.memory_space<hbm>>
      tpu.wait_indirect_dma semaphore(%arg19 : memref<!tpu.dma_semaphore, #tpu.memory_space<semaphore_mem>>) src(%dma_wait3A_843 : memref<10000x128xf32, #tpu.memory_space<hbm>>) dst(%arg15 : memref<128x128xf32, #tpu.memory_space<vmem>>)
      %get3A_844 = arith.constant 4 : i32
      %get3A_845 = arith.index_cast %get3A_844 : i32 to index
      %get3A_846 = arith.constant 0 : index
      %get3A_847 = tpu.vector_load %arg11[%get3A_845, %get3A_846] {strides = array<i32>} : memref<8x128xi32, #tpu.memory_space<vmem>>, vector<16xi32>,
      %get3A_848 = arith.constant 4 : i32
      %get3A_849 = arith.index_cast %get3A_848 : i32 to index
      %get3A_850 = arith.constant 0 : index
      %get3A_851 = tpu.vector_load %arg12[%get3A_849, %get3A_850] {strides = array<i32>} : memref<8x128xi32, #tpu.memory_space<vmem>>, vector<16xi32>,
      %gather3A_852 = tpu.vector_load_idx %arg13[%get3A_847] : memref<10112xf32, #tpu.memory_space<vmem>>[vector<16xi32>], vector<16xf32>,
      %gather3A_853 = tpu.vector_load_idx %arg14[%get3A_851] : memref<10112xf32, #tpu.memory_space<vmem>>[vector<16xi32>], vector<16xf32>,
      %add3A_854 = arith.addf %gather3A_852, %gather3A_853 : vector<16xf32>
      %gt3A_855 = arith.constant 0.000000e+00 : f32
      %gt3A_856 = vector.broadcast %gt3A_855 : f32 to vector<16xf32>
      %gt3A_857 = arith.cmpf ogt, %add3A_854, %gt3A_856 : vector<16xf32>
      %mul3A_858 = arith.constant 2.000000e-01 : f32
      %mul3A_859 = vector.broadcast %mul3A_858 : f32 to vector<16xf32>
      %mul3A_860 = arith.mulf %mul3A_859, %add3A_854 : vector<16xf32>
      %select_n3A_861 = arith.select %gt3A_857, %add3A_854, %mul3A_860 : vector<16xi1>, vector<16xf32>
      %exp3A_862 = math.exp %select_n3A_861 : vector<16xf32>
      %swap3A_863 = arith.constant 0 : index
      %swap3A_864 = tpu.vector_load %arg16[%swap3A_863] {strides = array<i32>} : memref<144xf32, #tpu.memory_space<vmem>>, vector<16xf32>,
      tpu.vector_store %arg16[%swap3A_863], %exp3A_862 {strides = array<i32>} : memref<144xf32, #tpu.memory_space<vmem>>, vector<16xf32>,
      %get3A_865 = arith.constant 4 : i32
      %get3A_866 = arith.index_cast %get3A_865 : i32 to index
      %get3A_867 = arith.constant 16 : index
      %get3A_868 = tpu.vector_load %arg11[%get3A_866, %get3A_867] {strides = array<i32>} : memref<8x128xi32, #tpu.memory_space<vmem>>, vector<16xi32>,
      %get3A_869 = arith.constant 4 : i32
      %get3A_870 = arith.index_cast %get3A_869 : i32 to index
      %get3A_871 = arith.constant 16 : index
      %get3A_872 = tpu.vector_load %arg12[%get3A_870, %get3A_871] {strides = array<i32>} : memref<8x128xi32, #tpu.memory_space<vmem>>, vector<16xi32>,
      %gather3A_873 = tpu.vector_load_idx %arg13[%get3A_868] : memref<10112xf32, #tpu.memory_space<vmem>>[vector<16xi32>], vector<16xf32>,
      %gather3A_874 = tpu.vector_load_idx %arg14[%get3A_872] : memref<10112xf32, #tpu.memory_space<vmem>>[vector<16xi32>], vector<16xf32>,
      %add3A_875 = arith.addf %gather3A_873, %gather3A_874 : vector<16xf32>
      %gt3A_876 = arith.constant 0.000000e+00 : f32
      %gt3A_877 = vector.broadcast %gt3A_876 : f32 to vector<16xf32>
      %gt3A_878 = arith.cmpf ogt, %add3A_875, %gt3A_877 : vector<16xf32>
      %mul3A_879 = arith.constant 2.000000e-01 : f32
      %mul3A_880 = vector.broadcast %mul3A_879 : f32 to vector<16xf32>
      %mul3A_881 = arith.mulf %mul3A_880, %add3A_875 : vector<16xf32>
      %select_n3A_882 = arith.select %gt3A_878, %add3A_875, %mul3A_881 : vector<16xi1>, vector<16xf32>
      %exp3A_883 = math.exp %select_n3A_882 : vector<16xf32>
      %swap3A_884 = arith.constant 16 : index
      %swap3A_885 = tpu.vector_load %arg16[%swap3A_884] {strides = array<i32>} : memref<144xf32, #tpu.memory_space<vmem>>, vector<16xf32>,
      tpu.vector_store %arg16[%swap3A_884], %exp3A_883 {strides = array<i32>} : memref<144xf32, #tpu.memory_space<vmem>>, vector<16xf32>,
      %get3A_886 = arith.constant 4 : i32
      %get3A_887 = arith.index_cast %get3A_886 : i32 to index
      %get3A_888 = arith.constant 32 : index
      %get3A_889 = tpu.vector_load %arg11[%get3A_887, %get3A_888] {strides = array<i32>} : memref<8x128xi32, #tpu.memory_space<vmem>>, vector<16xi32>,
      %get3A_890 = arith.constant 4 : i32
      %get3A_891 = arith.index_cast %get3A_890 : i32 to index
      %get3A_892 = arith.constant 32 : index
      %get3A_893 = tpu.vector_load %arg12[%get3A_891, %get3A_892] {strides = array<i32>} : memref<8x128xi32, #tpu.memory_space<vmem>>, vector<16xi32>,
      %gather3A_894 = tpu.vector_load_idx %arg13[%get3A_889] : memref<10112xf32, #tpu.memory_space<vmem>>[vector<16xi32>], vector<16xf32>,
      %gather3A_895 = tpu.vector_load_idx %arg14[%get3A_893] : memref<10112xf32, #tpu.memory_space<vmem>>[vector<16xi32>], vector<16xf32>,
      %add3A_896 = arith.addf %gather3A_894, %gather3A_895 : vector<16xf32>
      %gt3A_897 = arith.constant 0.000000e+00 : f32
      %gt3A_898 = vector.broadcast %gt3A_897 : f32 to vector<16xf32>
      %gt3A_899 = arith.cmpf ogt, %add3A_896, %gt3A_898 : vector<16xf32>
      %mul3A_900 = arith.constant 2.000000e-01 : f32
      %mul3A_901 = vector.broadcast %mul3A_900 : f32 to vector<16xf32>
      %mul3A_902 = arith.mulf %mul3A_901, %add3A_896 : vector<16xf32>
      %select_n3A_903 = arith.select %gt3A_899, %add3A_896, %mul3A_902 : vector<16xi1>, vector<16xf32>
      %exp3A_904 = math.exp %select_n3A_903 : vector<16xf32>
      %swap3A_905 = arith.constant 32 : index
      %swap3A_906 = tpu.vector_load %arg16[%swap3A_905] {strides = array<i32>} : memref<144xf32, #tpu.memory_space<vmem>>, vector<16xf32>,
      tpu.vector_store %arg16[%swap3A_905], %exp3A_904 {strides = array<i32>} : memref<144xf32, #tpu.memory_space<vmem>>, vector<16xf32>,
      %get3A_907 = arith.constant 4 : i32
      %get3A_908 = arith.index_cast %get3A_907 : i32 to index
      %get3A_909 = arith.constant 48 : index
      %get3A_910 = tpu.vector_load %arg11[%get3A_908, %get3A_909] {strides = array<i32>} : memref<8x128xi32, #tpu.memory_space<vmem>>, vector<16xi32>,
      %get3A_911 = arith.constant 4 : i32
      %get3A_912 = arith.index_cast %get3A_911 : i32 to index
      %get3A_913 = arith.constant 48 : index
      %get3A_914 = tpu.vector_load %arg12[%get3A_912, %get3A_913] {strides = array<i32>} : memref<8x128xi32, #tpu.memory_space<vmem>>, vector<16xi32>,
      %gather3A_915 = tpu.vector_load_idx %arg13[%get3A_910] : memref<10112xf32, #tpu.memory_space<vmem>>[vector<16xi32>], vector<16xf32>,
      %gather3A_916 = tpu.vector_load_idx %arg14[%get3A_914] : memref<10112xf32, #tpu.memory_space<vmem>>[vector<16xi32>], vector<16xf32>,
      %add3A_917 = arith.addf %gather3A_915, %gather3A_916 : vector<16xf32>
      %gt3A_918 = arith.constant 0.000000e+00 : f32
      %gt3A_919 = vector.broadcast %gt3A_918 : f32 to vector<16xf32>
      %gt3A_920 = arith.cmpf ogt, %add3A_917, %gt3A_919 : vector<16xf32>
      %mul3A_921 = arith.constant 2.000000e-01 : f32
      %mul3A_922 = vector.broadcast %mul3A_921 : f32 to vector<16xf32>
      %mul3A_923 = arith.mulf %mul3A_922, %add3A_917 : vector<16xf32>
      %select_n3A_924 = arith.select %gt3A_920, %add3A_917, %mul3A_923 : vector<16xi1>, vector<16xf32>
      %exp3A_925 = math.exp %select_n3A_924 : vector<16xf32>
      %swap3A_926 = arith.constant 48 : index
      %swap3A_927 = tpu.vector_load %arg16[%swap3A_926] {strides = array<i32>} : memref<144xf32, #tpu.memory_space<vmem>>, vector<16xf32>,
      tpu.vector_store %arg16[%swap3A_926], %exp3A_925 {strides = array<i32>} : memref<144xf32, #tpu.memory_space<vmem>>, vector<16xf32>,
      %get3A_928 = arith.constant 4 : i32
      %get3A_929 = arith.index_cast %get3A_928 : i32 to index
      %get3A_930 = arith.constant 64 : index
      %get3A_931 = tpu.vector_load %arg11[%get3A_929, %get3A_930] {strides = array<i32>} : memref<8x128xi32, #tpu.memory_space<vmem>>, vector<16xi32>,
      %get3A_932 = arith.constant 4 : i32
      %get3A_933 = arith.index_cast %get3A_932 : i32 to index
      %get3A_934 = arith.constant 64 : index
      %get3A_935 = tpu.vector_load %arg12[%get3A_933, %get3A_934] {strides = array<i32>} : memref<8x128xi32, #tpu.memory_space<vmem>>, vector<16xi32>,
      %gather3A_936 = tpu.vector_load_idx %arg13[%get3A_931] : memref<10112xf32, #tpu.memory_space<vmem>>[vector<16xi32>], vector<16xf32>,
      %gather3A_937 = tpu.vector_load_idx %arg14[%get3A_935] : memref<10112xf32, #tpu.memory_space<vmem>>[vector<16xi32>], vector<16xf32>,
      %add3A_938 = arith.addf %gather3A_936, %gather3A_937 : vector<16xf32>
      %gt3A_939 = arith.constant 0.000000e+00 : f32
      %gt3A_940 = vector.broadcast %gt3A_939 : f32 to vector<16xf32>
      %gt3A_941 = arith.cmpf ogt, %add3A_938, %gt3A_940 : vector<16xf32>
      %mul3A_942 = arith.constant 2.000000e-01 : f32
      %mul3A_943 = vector.broadcast %mul3A_942 : f32 to vector<16xf32>
      %mul3A_944 = arith.mulf %mul3A_943, %add3A_938 : vector<16xf32>
      %select_n3A_945 = arith.select %gt3A_941, %add3A_938, %mul3A_944 : vector<16xi1>, vector<16xf32>
      %exp3A_946 = math.exp %select_n3A_945 : vector<16xf32>
      %swap3A_947 = arith.constant 64 : index
      %swap3A_948 = tpu.vector_load %arg16[%swap3A_947] {strides = array<i32>} : memref<144xf32, #tpu.memory_space<vmem>>, vector<16xf32>,
      tpu.vector_store %arg16[%swap3A_947], %exp3A_946 {strides = array<i32>} : memref<144xf32, #tpu.memory_space<vmem>>, vector<16xf32>,
      %get3A_949 = arith.constant 4 : i32
      %get3A_950 = arith.index_cast %get3A_949 : i32 to index
      %get3A_951 = arith.constant 80 : index
      %get3A_952 = tpu.vector_load %arg11[%get3A_950, %get3A_951] {strides = array<i32>} : memref<8x128xi32, #tpu.memory_space<vmem>>, vector<16xi32>,
      %get3A_953 = arith.constant 4 : i32
      %get3A_954 = arith.index_cast %get3A_953 : i32 to index
      %get3A_955 = arith.constant 80 : index
      %get3A_956 = tpu.vector_load %arg12[%get3A_954, %get3A_955] {strides = array<i32>} : memref<8x128xi32, #tpu.memory_space<vmem>>, vector<16xi32>,
      %gather3A_957 = tpu.vector_load_idx %arg13[%get3A_952] : memref<10112xf32, #tpu.memory_space<vmem>>[vector<16xi32>], vector<16xf32>,
      %gather3A_958 = tpu.vector_load_idx %arg14[%get3A_956] : memref<10112xf32, #tpu.memory_space<vmem>>[vector<16xi32>], vector<16xf32>,
      %add3A_959 = arith.addf %gather3A_957, %gather3A_958 : vector<16xf32>
      %gt3A_960 = arith.constant 0.000000e+00 : f32
      %gt3A_961 = vector.broadcast %gt3A_960 : f32 to vector<16xf32>
      %gt3A_962 = arith.cmpf ogt, %add3A_959, %gt3A_961 : vector<16xf32>
      %mul3A_963 = arith.constant 2.000000e-01 : f32
      %mul3A_964 = vector.broadcast %mul3A_963 : f32 to vector<16xf32>
      %mul3A_965 = arith.mulf %mul3A_964, %add3A_959 : vector<16xf32>
      %select_n3A_966 = arith.select %gt3A_962, %add3A_959, %mul3A_965 : vector<16xi1>, vector<16xf32>
      %exp3A_967 = math.exp %select_n3A_966 : vector<16xf32>
      %swap3A_968 = arith.constant 80 : index
      %swap3A_969 = tpu.vector_load %arg16[%swap3A_968] {strides = array<i32>} : memref<144xf32, #tpu.memory_space<vmem>>, vector<16xf32>,
      tpu.vector_store %arg16[%swap3A_968], %exp3A_967 {strides = array<i32>} : memref<144xf32, #tpu.memory_space<vmem>>, vector<16xf32>,
      %get3A_970 = arith.constant 4 : i32
      %get3A_971 = arith.index_cast %get3A_970 : i32 to index
      %get3A_972 = arith.constant 96 : index
      %get3A_973 = tpu.vector_load %arg11[%get3A_971, %get3A_972] {strides = array<i32>} : memref<8x128xi32, #tpu.memory_space<vmem>>, vector<16xi32>,
      %get3A_974 = arith.constant 4 : i32
      %get3A_975 = arith.index_cast %get3A_974 : i32 to index
      %get3A_976 = arith.constant 96 : index
      %get3A_977 = tpu.vector_load %arg12[%get3A_975, %get3A_976] {strides = array<i32>} : memref<8x128xi32, #tpu.memory_space<vmem>>, vector<16xi32>,
      %gather3A_978 = tpu.vector_load_idx %arg13[%get3A_973] : memref<10112xf32, #tpu.memory_space<vmem>>[vector<16xi32>], vector<16xf32>,
      %gather3A_979 = tpu.vector_load_idx %arg14[%get3A_977] : memref<10112xf32, #tpu.memory_space<vmem>>[vector<16xi32>], vector<16xf32>,
      %add3A_980 = arith.addf %gather3A_978, %gather3A_979 : vector<16xf32>
      %gt3A_981 = arith.constant 0.000000e+00 : f32
      %gt3A_982 = vector.broadcast %gt3A_981 : f32 to vector<16xf32>
      %gt3A_983 = arith.cmpf ogt, %add3A_980, %gt3A_982 : vector<16xf32>
      %mul3A_984 = arith.constant 2.000000e-01 : f32
      %mul3A_985 = vector.broadcast %mul3A_984 : f32 to vector<16xf32>
      %mul3A_986 = arith.mulf %mul3A_985, %add3A_980 : vector<16xf32>
      %select_n3A_987 = arith.select %gt3A_983, %add3A_980, %mul3A_986 : vector<16xi1>, vector<16xf32>
      %exp3A_988 = math.exp %select_n3A_987 : vector<16xf32>
      %swap3A_989 = arith.constant 96 : index
      %swap3A_990 = tpu.vector_load %arg16[%swap3A_989] {strides = array<i32>} : memref<144xf32, #tpu.memory_space<vmem>>, vector<16xf32>,
      tpu.vector_store %arg16[%swap3A_989], %exp3A_988 {strides = array<i32>} : memref<144xf32, #tpu.memory_space<vmem>>, vector<16xf32>,
      %get3A_991 = arith.constant 4 : i32
      %get3A_992 = arith.index_cast %get3A_991 : i32 to index
      %get3A_993 = arith.constant 112 : index
      %get3A_994 = tpu.vector_load %arg11[%get3A_992, %get3A_993] {strides = array<i32>} : memref<8x128xi32, #tpu.memory_space<vmem>>, vector<16xi32>,
      %get3A_995 = arith.constant 4 : i32
      %get3A_996 = arith.index_cast %get3A_995 : i32 to index
      %get3A_997 = arith.constant 112 : index
      %get3A_998 = tpu.vector_load %arg12[%get3A_996, %get3A_997] {strides = array<i32>} : memref<8x128xi32, #tpu.memory_space<vmem>>, vector<16xi32>,
      %gather3A_999 = tpu.vector_load_idx %arg13[%get3A_994] : memref<10112xf32, #tpu.memory_space<vmem>>[vector<16xi32>], vector<16xf32>,
      %gather3A_1000 = tpu.vector_load_idx %arg14[%get3A_998] : memref<10112xf32, #tpu.memory_space<vmem>>[vector<16xi32>], vector<16xf32>,
      %add3A_1001 = arith.addf %gather3A_999, %gather3A_1000 : vector<16xf32>
      %gt3A_1002 = arith.constant 0.000000e+00 : f32
      %gt3A_1003 = vector.broadcast %gt3A_1002 : f32 to vector<16xf32>
      %gt3A_1004 = arith.cmpf ogt, %add3A_1001, %gt3A_1003 : vector<16xf32>
      %mul3A_1005 = arith.constant 2.000000e-01 : f32
      %mul3A_1006 = vector.broadcast %mul3A_1005 : f32 to vector<16xf32>
      %mul3A_1007 = arith.mulf %mul3A_1006, %add3A_1001 : vector<16xf32>
      %select_n3A_1008 = arith.select %gt3A_1004, %add3A_1001, %mul3A_1007 : vector<16xi1>, vector<16xf32>
      %exp3A_1009 = math.exp %select_n3A_1008 : vector<16xf32>
      %swap3A_1010 = arith.constant 112 : index
      %swap3A_1011 = tpu.vector_load %arg16[%swap3A_1010] {strides = array<i32>} : memref<144xf32, #tpu.memory_space<vmem>>, vector<16xf32>,
      tpu.vector_store %arg16[%swap3A_1010], %exp3A_1009 {strides = array<i32>} : memref<144xf32, #tpu.memory_space<vmem>>, vector<16xf32>,
      %scan3A_1012 = arith.constant 0 : i32
      %scan3A_1013 = arith.constant 0 : i32
      %scan3A_1014 = arith.constant 128 : i32
      %scan3A_1015 = arith.addi %scan3A_1013, %scan3A_1014 : i32
      %scan3A_1016 = arith.constant 1 : i32
      scf.for %scan3A_1590 = %scan3A_1013 to %scan3A_1015 step %scan3A_1016  : i32 {
        %get3A_1591 = arith.index_cast %scan3A_1590 : i32 to index
        %get3A_1592 = tpu.vector_load %arg16[%get3A_1591] {strides = array<i32>} : memref<144xf32, #tpu.memory_space<vmem>>, vector<16xf32>,
        %slice3A = vector.extract_strided_slice %get3A_1592 {offsets = [0], sizes = [1], strides = [1]} : vector<16xf32> to vector<1xf32>
        %squeeze3A = vector.extract %slice3A[0] : f32 from vector<1xf32>
        %broadcast_in_dim3A_1593 = vector.broadcast %squeeze3A : f32 to vector<16xf32>
        %get3A_1594 = arith.index_cast %scan3A_1590 : i32 to index
        %get3A_1595 = arith.constant 0 : index
        %get3A_1596 = tpu.vector_load %arg15[%get3A_1594, %get3A_1595] {strides = array<i32>} : memref<128x128xf32, #tpu.memory_space<vmem>>, vector<16xf32>,
        %mul3A_1597 = arith.mulf %get3A_1596, %broadcast_in_dim3A_1593 : vector<16xf32>
        %swap3A_1598 = arith.index_cast %scan3A_1590 : i32 to index
        %swap3A_1599 = arith.constant 0 : index
        %swap3A_1600 = tpu.vector_load %arg15[%swap3A_1598, %swap3A_1599] {strides = array<i32>} : memref<128x128xf32, #tpu.memory_space<vmem>>, vector<16xf32>,
        tpu.vector_store %arg15[%swap3A_1598, %swap3A_1599], %mul3A_1597 {strides = array<i32>} : memref<128x128xf32, #tpu.memory_space<vmem>>, vector<16xf32>,
        %get3A_1601 = arith.index_cast %scan3A_1590 : i32 to index
        %get3A_1602 = arith.constant 16 : index
        %get3A_1603 = tpu.vector_load %arg15[%get3A_1601, %get3A_1602] {strides = array<i32>} : memref<128x128xf32, #tpu.memory_space<vmem>>, vector<16xf32>,
        %mul3A_1604 = arith.mulf %get3A_1603, %broadcast_in_dim3A_1593 : vector<16xf32>
        %swap3A_1605 = arith.index_cast %scan3A_1590 : i32 to index
        %swap3A_1606 = arith.constant 16 : index
        %swap3A_1607 = tpu.vector_load %arg15[%swap3A_1605, %swap3A_1606] {strides = array<i32>} : memref<128x128xf32, #tpu.memory_space<vmem>>, vector<16xf32>,
        tpu.vector_store %arg15[%swap3A_1605, %swap3A_1606], %mul3A_1604 {strides = array<i32>} : memref<128x128xf32, #tpu.memory_space<vmem>>, vector<16xf32>,
        %get3A_1608 = arith.index_cast %scan3A_1590 : i32 to index
        %get3A_1609 = arith.constant 32 : index
        %get3A_1610 = tpu.vector_load %arg15[%get3A_1608, %get3A_1609] {strides = array<i32>} : memref<128x128xf32, #tpu.memory_space<vmem>>, vector<16xf32>,
        %mul3A_1611 = arith.mulf %get3A_1610, %broadcast_in_dim3A_1593 : vector<16xf32>
        %swap3A_1612 = arith.index_cast %scan3A_1590 : i32 to index
        %swap3A_1613 = arith.constant 32 : index
        %swap3A_1614 = tpu.vector_load %arg15[%swap3A_1612, %swap3A_1613] {strides = array<i32>} : memref<128x128xf32, #tpu.memory_space<vmem>>, vector<16xf32>,
        tpu.vector_store %arg15[%swap3A_1612, %swap3A_1613], %mul3A_1611 {strides = array<i32>} : memref<128x128xf32, #tpu.memory_space<vmem>>, vector<16xf32>,
        %get3A_1615 = arith.index_cast %scan3A_1590 : i32 to index
        %get3A_1616 = arith.constant 48 : index
        %get3A_1617 = tpu.vector_load %arg15[%get3A_1615, %get3A_1616] {strides = array<i32>} : memref<128x128xf32, #tpu.memory_space<vmem>>, vector<16xf32>,
        %mul3A_1618 = arith.mulf %get3A_1617, %broadcast_in_dim3A_1593 : vector<16xf32>
        %swap3A_1619 = arith.index_cast %scan3A_1590 : i32 to index
        %swap3A_1620 = arith.constant 48 : index
        %swap3A_1621 = tpu.vector_load %arg15[%swap3A_1619, %swap3A_1620] {strides = array<i32>} : memref<128x128xf32, #tpu.memory_space<vmem>>, vector<16xf32>,
        tpu.vector_store %arg15[%swap3A_1619, %swap3A_1620], %mul3A_1618 {strides = array<i32>} : memref<128x128xf32, #tpu.memory_space<vmem>>, vector<16xf32>,
        %get3A_1622 = arith.index_cast %scan3A_1590 : i32 to index
        %get3A_1623 = arith.constant 64 : index
        %get3A_1624 = tpu.vector_load %arg15[%get3A_1622, %get3A_1623] {strides = array<i32>} : memref<128x128xf32, #tpu.memory_space<vmem>>, vector<16xf32>,
        %mul3A_1625 = arith.mulf %get3A_1624, %broadcast_in_dim3A_1593 : vector<16xf32>
        %swap3A_1626 = arith.index_cast %scan3A_1590 : i32 to index
        %swap3A_1627 = arith.constant 64 : index
        %swap3A_1628 = tpu.vector_load %arg15[%swap3A_1626, %swap3A_1627] {strides = array<i32>} : memref<128x128xf32, #tpu.memory_space<vmem>>, vector<16xf32>,
        tpu.vector_store %arg15[%swap3A_1626, %swap3A_1627], %mul3A_1625 {strides = array<i32>} : memref<128x128xf32, #tpu.memory_space<vmem>>, vector<16xf32>,
        %get3A_1629 = arith.index_cast %scan3A_1590 : i32 to index
        %get3A_1630 = arith.constant 80 : index
        %get3A_1631 = tpu.vector_load %arg15[%get3A_1629, %get3A_1630] {strides = array<i32>} : memref<128x128xf32, #tpu.memory_space<vmem>>, vector<16xf32>,
        %mul3A_1632 = arith.mulf %get3A_1631, %broadcast_in_dim3A_1593 : vector<16xf32>
        %swap3A_1633 = arith.index_cast %scan3A_1590 : i32 to index
        %swap3A_1634 = arith.constant 80 : index
        %swap3A_1635 = tpu.vector_load %arg15[%swap3A_1633, %swap3A_1634] {strides = array<i32>} : memref<128x128xf32, #tpu.memory_space<vmem>>, vector<16xf32>,
        tpu.vector_store %arg15[%swap3A_1633, %swap3A_1634], %mul3A_1632 {strides = array<i32>} : memref<128x128xf32, #tpu.memory_space<vmem>>, vector<16xf32>,
        %get3A_1636 = arith.index_cast %scan3A_1590 : i32 to index
        %get3A_1637 = arith.constant 96 : index
        %get3A_1638 = tpu.vector_load %arg15[%get3A_1636, %get3A_1637] {strides = array<i32>} : memref<128x128xf32, #tpu.memory_space<vmem>>, vector<16xf32>,
        %mul3A_1639 = arith.mulf %get3A_1638, %broadcast_in_dim3A_1593 : vector<16xf32>
        %swap3A_1640 = arith.index_cast %scan3A_1590 : i32 to index
        %swap3A_1641 = arith.constant 96 : index
        %swap3A_1642 = tpu.vector_load %arg15[%swap3A_1640, %swap3A_1641] {strides = array<i32>} : memref<128x128xf32, #tpu.memory_space<vmem>>, vector<16xf32>,
        tpu.vector_store %arg15[%swap3A_1640, %swap3A_1641], %mul3A_1639 {strides = array<i32>} : memref<128x128xf32, #tpu.memory_space<vmem>>, vector<16xf32>,
        %get3A_1643 = arith.index_cast %scan3A_1590 : i32 to index
        %get3A_1644 = arith.constant 112 : index
        %get3A_1645 = tpu.vector_load %arg15[%get3A_1643, %get3A_1644] {strides = array<i32>} : memref<128x128xf32, #tpu.memory_space<vmem>>, vector<16xf32>,
        %mul3A_1646 = arith.mulf %get3A_1645, %broadcast_in_dim3A_1593 : vector<16xf32>
        %swap3A_1647 = arith.index_cast %scan3A_1590 : i32 to index
        %swap3A_1648 = arith.constant 112 : index
        %swap3A_1649 = tpu.vector_load %arg15[%swap3A_1647, %swap3A_1648] {strides = array<i32>} : memref<128x128xf32, #tpu.memory_space<vmem>>, vector<16xf32>,
        tpu.vector_store %arg15[%swap3A_1647, %swap3A_1648], %mul3A_1646 {strides = array<i32>} : memref<128x128xf32, #tpu.memory_space<vmem>>, vector<16xf32>,
      }
      %scan3A_1017 = arith.constant 128 : i32
      %run_scoped3A_1018 = arith.constant 4 : i32
      "tpu.region"() ({
        %run_scoped3A_1590 = tpu.sem_alloc : memref<!tpu.dma_semaphore, #tpu.memory_space<semaphore_mem>>
        %dma_start3A_1591 = arith.constant 0 : i32
        %dma_start3A_1592 = tpu.memref_slice %arg11[%run_scoped3A_1018, %dma_start3A_1591] : memref<8x128xi32, #tpu.memory_space<vmem>> -> memref<1x128xi32, #tpu.memory_space<vmem>>
        %dma_start3A_1593 = tpu.memref_squeeze %dma_start3A_1592 : memref<1x128xi32, #tpu.memory_space<vmem>> -> memref<128xi32, #tpu.memory_space<vmem>>
        %dma_start3A_1594 = arith.constant 0 : i32
        %dma_start3A_1595 = arith.constant 0 : i32
        %dma_start3A_1596 = tpu.memref_slice %arg17[%dma_start3A_1594, %dma_start3A_1595] : memref<10112x128xf32, #tpu.memory_space<vmem_shared>> -> memref<10112x128xf32, #tpu.memory_space<vmem_shared>>
        tpu.enqueue_indirect_dma source(%arg15 : memref<128x128xf32, #tpu.memory_space<vmem>>) target(%dma_start3A_1596 : memref<10112x128xf32, #tpu.memory_space<vmem_shared>>) offsets(%dma_start3A_1593 : memref<128xi32, #tpu.memory_space<vmem>>) semaphore(%run_scoped3A_1590 : memref<!tpu.dma_semaphore, #tpu.memory_space<semaphore_mem>>) {add = true}
        %dma_wait3A_1597 = arith.constant 0 : i32
        %dma_wait3A_1598 = tpu.memref_slice %arg11[%run_scoped3A_1018, %dma_wait3A_1597] : memref<8x128xi32, #tpu.memory_space<vmem>> -> memref<1x128xi32, #tpu.memory_space<vmem>>
        %dma_wait3A_1599 = tpu.memref_squeeze %dma_wait3A_1598 : memref<1x128xi32, #tpu.memory_space<vmem>> -> memref<128xi32, #tpu.memory_space<vmem>>
        %dma_wait3A_1600 = arith.constant 0 : i32
        %dma_wait3A_1601 = arith.constant 0 : i32
        %dma_wait3A_1602 = tpu.memref_slice %arg17[%dma_wait3A_1600, %dma_wait3A_1601] : memref<10112x128xf32, #tpu.memory_space<vmem_shared>> -> memref<10112x128xf32, #tpu.memory_space<vmem_shared>>
        tpu.wait_indirect_dma semaphore(%run_scoped3A_1590 : memref<!tpu.dma_semaphore, #tpu.memory_space<semaphore_mem>>) src(%arg15 : memref<128x128xf32, #tpu.memory_space<vmem>>) dst(%dma_wait3A_1602 : memref<10112x128xf32, #tpu.memory_space<vmem_shared>>)
        tpu.yield
      }) : () -> ()
      %run_scoped3A_1019 = arith.constant 4 : i32
      "tpu.region"() ({
        %run_scoped3A_1590 = tpu.sem_alloc : memref<!tpu.dma_semaphore, #tpu.memory_space<semaphore_mem>>
        %dma_start3A_1591 = arith.constant 0 : i32
        %dma_start3A_1592 = tpu.memref_slice %arg16[%dma_start3A_1591] : memref<144xf32, #tpu.memory_space<vmem>> -> memref<128xf32, #tpu.memory_space<vmem>>
        %dma_start3A_1593 = arith.constant 0 : i32
        %dma_start3A_1594 = tpu.memref_slice %arg11[%run_scoped3A_1019, %dma_start3A_1593] : memref<8x128xi32, #tpu.memory_space<vmem>> -> memref<1x128xi32, #tpu.memory_space<vmem>>
        %dma_start3A_1595 = tpu.memref_squeeze %dma_start3A_1594 : memref<1x128xi32, #tpu.memory_space<vmem>> -> memref<128xi32, #tpu.memory_space<vmem>>
        %dma_start3A_1596 = arith.constant 0 : i32
        %dma_start3A_1597 = tpu.memref_slice %arg18[%dma_start3A_1596] : memref<10112xf32, #tpu.memory_space<vmem_shared>> -> memref<10112xf32, #tpu.memory_space<vmem_shared>>
        tpu.enqueue_indirect_dma source(%dma_start3A_1592 : memref<128xf32, #tpu.memory_space<vmem>>) target(%dma_start3A_1597 : memref<10112xf32, #tpu.memory_space<vmem_shared>>) offsets(%dma_start3A_1595 : memref<128xi32, #tpu.memory_space<vmem>>) semaphore(%run_scoped3A_1590 : memref<!tpu.dma_semaphore, #tpu.memory_space<semaphore_mem>>) {add = true}
        %dma_wait3A_1598 = arith.constant 0 : i32
        %dma_wait3A_1599 = tpu.memref_slice %arg16[%dma_wait3A_1598] : memref<144xf32, #tpu.memory_space<vmem>> -> memref<128xf32, #tpu.memory_space<vmem>>
        %dma_wait3A_1600 = arith.constant 0 : i32
        %dma_wait3A_1601 = tpu.memref_slice %arg11[%run_scoped3A_1019, %dma_wait3A_1600] : memref<8x128xi32, #tpu.memory_space<vmem>> -> memref<1x128xi32, #tpu.memory_space<vmem>>
        %dma_wait3A_1602 = tpu.memref_squeeze %dma_wait3A_1601 : memref<1x128xi32, #tpu.memory_space<vmem>> -> memref<128xi32, #tpu.memory_space<vmem>>
        %dma_wait3A_1603 = arith.constant 0 : i32
        %dma_wait3A_1604 = tpu.memref_slice %arg18[%dma_wait3A_1603] : memref<10112xf32, #tpu.memory_space<vmem_shared>> -> memref<10112xf32, #tpu.memory_space<vmem_shared>>
        tpu.wait_indirect_dma semaphore(%run_scoped3A_1590 : memref<!tpu.dma_semaphore, #tpu.memory_space<semaphore_mem>>) src(%dma_wait3A_1599 : memref<128xf32, #tpu.memory_space<vmem>>) dst(%dma_wait3A_1604 : memref<10112xf32, #tpu.memory_space<vmem_shared>>)
        tpu.yield
      }) : () -> ()
      %dma_start3A_1020 = arith.constant 5 : i32
      %dma_start3A_1021 = arith.constant 0 : i32
      %dma_start3A_1022 = tpu.memref_slice %arg12[%dma_start3A_1020, %dma_start3A_1021] : memref<8x128xi32, #tpu.memory_space<vmem>> -> memref<1x128xi32, #tpu.memory_space<vmem>>
      %dma_start3A_1023 = tpu.memref_squeeze %dma_start3A_1022 : memref<1x128xi32, #tpu.memory_space<vmem>> -> memref<128xi32, #tpu.memory_space<vmem>>
      %dma_start3A_1024 = arith.constant 0 : i32
      %dma_start3A_1025 = arith.constant 0 : i32
      %dma_start3A_1026 = tpu.memref_slice %arg2[%dma_start3A_1024, %dma_start3A_1025] : memref<10000x128xf32, #tpu.memory_space<hbm>> -> memref<10000x128xf32, #tpu.memory_space<hbm>>
      tpu.enqueue_indirect_dma source(%dma_start3A_1026 : memref<10000x128xf32, #tpu.memory_space<hbm>>) target(%arg15 : memref<128x128xf32, #tpu.memory_space<vmem>>) offsets(%dma_start3A_1023 : memref<128xi32, #tpu.memory_space<vmem>>) semaphore(%arg19 : memref<!tpu.dma_semaphore, #tpu.memory_space<semaphore_mem>>)
      %dma_wait3A_1027 = arith.constant 5 : i32
      %dma_wait3A_1028 = arith.constant 0 : i32
      %dma_wait3A_1029 = tpu.memref_slice %arg12[%dma_wait3A_1027, %dma_wait3A_1028] : memref<8x128xi32, #tpu.memory_space<vmem>> -> memref<1x128xi32, #tpu.memory_space<vmem>>
      %dma_wait3A_1030 = tpu.memref_squeeze %dma_wait3A_1029 : memref<1x128xi32, #tpu.memory_space<vmem>> -> memref<128xi32, #tpu.memory_space<vmem>>
      %dma_wait3A_1031 = arith.constant 0 : i32
      %dma_wait3A_1032 = arith.constant 0 : i32
      %dma_wait3A_1033 = tpu.memref_slice %arg2[%dma_wait3A_1031, %dma_wait3A_1032] : memref<10000x128xf32, #tpu.memory_space<hbm>> -> memref<10000x128xf32, #tpu.memory_space<hbm>>
      tpu.wait_indirect_dma semaphore(%arg19 : memref<!tpu.dma_semaphore, #tpu.memory_space<semaphore_mem>>) src(%dma_wait3A_1033 : memref<10000x128xf32, #tpu.memory_space<hbm>>) dst(%arg15 : memref<128x128xf32, #tpu.memory_space<vmem>>)
      %get3A_1034 = arith.constant 5 : i32
      %get3A_1035 = arith.index_cast %get3A_1034 : i32 to index
      %get3A_1036 = arith.constant 0 : index
      %get3A_1037 = tpu.vector_load %arg11[%get3A_1035, %get3A_1036] {strides = array<i32>} : memref<8x128xi32, #tpu.memory_space<vmem>>, vector<16xi32>,
      %get3A_1038 = arith.constant 5 : i32
      %get3A_1039 = arith.index_cast %get3A_1038 : i32 to index
      %get3A_1040 = arith.constant 0 : index
      %get3A_1041 = tpu.vector_load %arg12[%get3A_1039, %get3A_1040] {strides = array<i32>} : memref<8x128xi32, #tpu.memory_space<vmem>>, vector<16xi32>,
      %gather3A_1042 = tpu.vector_load_idx %arg13[%get3A_1037] : memref<10112xf32, #tpu.memory_space<vmem>>[vector<16xi32>], vector<16xf32>,
      %gather3A_1043 = tpu.vector_load_idx %arg14[%get3A_1041] : memref<10112xf32, #tpu.memory_space<vmem>>[vector<16xi32>], vector<16xf32>,
      %add3A_1044 = arith.addf %gather3A_1042, %gather3A_1043 : vector<16xf32>
      %gt3A_1045 = arith.constant 0.000000e+00 : f32
      %gt3A_1046 = vector.broadcast %gt3A_1045 : f32 to vector<16xf32>
      %gt3A_1047 = arith.cmpf ogt, %add3A_1044, %gt3A_1046 : vector<16xf32>
      %mul3A_1048 = arith.constant 2.000000e-01 : f32
      %mul3A_1049 = vector.broadcast %mul3A_1048 : f32 to vector<16xf32>
      %mul3A_1050 = arith.mulf %mul3A_1049, %add3A_1044 : vector<16xf32>
      %select_n3A_1051 = arith.select %gt3A_1047, %add3A_1044, %mul3A_1050 : vector<16xi1>, vector<16xf32>
      %exp3A_1052 = math.exp %select_n3A_1051 : vector<16xf32>
      %swap3A_1053 = arith.constant 0 : index
      %swap3A_1054 = tpu.vector_load %arg16[%swap3A_1053] {strides = array<i32>} : memref<144xf32, #tpu.memory_space<vmem>>, vector<16xf32>,
      tpu.vector_store %arg16[%swap3A_1053], %exp3A_1052 {strides = array<i32>} : memref<144xf32, #tpu.memory_space<vmem>>, vector<16xf32>,
      %get3A_1055 = arith.constant 5 : i32
      %get3A_1056 = arith.index_cast %get3A_1055 : i32 to index
      %get3A_1057 = arith.constant 16 : index
      %get3A_1058 = tpu.vector_load %arg11[%get3A_1056, %get3A_1057] {strides = array<i32>} : memref<8x128xi32, #tpu.memory_space<vmem>>, vector<16xi32>,
      %get3A_1059 = arith.constant 5 : i32
      %get3A_1060 = arith.index_cast %get3A_1059 : i32 to index
      %get3A_1061 = arith.constant 16 : index
      %get3A_1062 = tpu.vector_load %arg12[%get3A_1060, %get3A_1061] {strides = array<i32>} : memref<8x128xi32, #tpu.memory_space<vmem>>, vector<16xi32>,
      %gather3A_1063 = tpu.vector_load_idx %arg13[%get3A_1058] : memref<10112xf32, #tpu.memory_space<vmem>>[vector<16xi32>], vector<16xf32>,
      %gather3A_1064 = tpu.vector_load_idx %arg14[%get3A_1062] : memref<10112xf32, #tpu.memory_space<vmem>>[vector<16xi32>], vector<16xf32>,
      %add3A_1065 = arith.addf %gather3A_1063, %gather3A_1064 : vector<16xf32>
      %gt3A_1066 = arith.constant 0.000000e+00 : f32
      %gt3A_1067 = vector.broadcast %gt3A_1066 : f32 to vector<16xf32>
      %gt3A_1068 = arith.cmpf ogt, %add3A_1065, %gt3A_1067 : vector<16xf32>
      %mul3A_1069 = arith.constant 2.000000e-01 : f32
      %mul3A_1070 = vector.broadcast %mul3A_1069 : f32 to vector<16xf32>
      %mul3A_1071 = arith.mulf %mul3A_1070, %add3A_1065 : vector<16xf32>
      %select_n3A_1072 = arith.select %gt3A_1068, %add3A_1065, %mul3A_1071 : vector<16xi1>, vector<16xf32>
      %exp3A_1073 = math.exp %select_n3A_1072 : vector<16xf32>
      %swap3A_1074 = arith.constant 16 : index
      %swap3A_1075 = tpu.vector_load %arg16[%swap3A_1074] {strides = array<i32>} : memref<144xf32, #tpu.memory_space<vmem>>, vector<16xf32>,
      tpu.vector_store %arg16[%swap3A_1074], %exp3A_1073 {strides = array<i32>} : memref<144xf32, #tpu.memory_space<vmem>>, vector<16xf32>,
      %get3A_1076 = arith.constant 5 : i32
      %get3A_1077 = arith.index_cast %get3A_1076 : i32 to index
      %get3A_1078 = arith.constant 32 : index
      %get3A_1079 = tpu.vector_load %arg11[%get3A_1077, %get3A_1078] {strides = array<i32>} : memref<8x128xi32, #tpu.memory_space<vmem>>, vector<16xi32>,
      %get3A_1080 = arith.constant 5 : i32
      %get3A_1081 = arith.index_cast %get3A_1080 : i32 to index
      %get3A_1082 = arith.constant 32 : index
      %get3A_1083 = tpu.vector_load %arg12[%get3A_1081, %get3A_1082] {strides = array<i32>} : memref<8x128xi32, #tpu.memory_space<vmem>>, vector<16xi32>,
      %gather3A_1084 = tpu.vector_load_idx %arg13[%get3A_1079] : memref<10112xf32, #tpu.memory_space<vmem>>[vector<16xi32>], vector<16xf32>,
      %gather3A_1085 = tpu.vector_load_idx %arg14[%get3A_1083] : memref<10112xf32, #tpu.memory_space<vmem>>[vector<16xi32>], vector<16xf32>,
      %add3A_1086 = arith.addf %gather3A_1084, %gather3A_1085 : vector<16xf32>
      %gt3A_1087 = arith.constant 0.000000e+00 : f32
      %gt3A_1088 = vector.broadcast %gt3A_1087 : f32 to vector<16xf32>
      %gt3A_1089 = arith.cmpf ogt, %add3A_1086, %gt3A_1088 : vector<16xf32>
      %mul3A_1090 = arith.constant 2.000000e-01 : f32
      %mul3A_1091 = vector.broadcast %mul3A_1090 : f32 to vector<16xf32>
      %mul3A_1092 = arith.mulf %mul3A_1091, %add3A_1086 : vector<16xf32>
      %select_n3A_1093 = arith.select %gt3A_1089, %add3A_1086, %mul3A_1092 : vector<16xi1>, vector<16xf32>
      %exp3A_1094 = math.exp %select_n3A_1093 : vector<16xf32>
      %swap3A_1095 = arith.constant 32 : index
      %swap3A_1096 = tpu.vector_load %arg16[%swap3A_1095] {strides = array<i32>} : memref<144xf32, #tpu.memory_space<vmem>>, vector<16xf32>,
      tpu.vector_store %arg16[%swap3A_1095], %exp3A_1094 {strides = array<i32>} : memref<144xf32, #tpu.memory_space<vmem>>, vector<16xf32>,
      %get3A_1097 = arith.constant 5 : i32
      %get3A_1098 = arith.index_cast %get3A_1097 : i32 to index
      %get3A_1099 = arith.constant 48 : index
      %get3A_1100 = tpu.vector_load %arg11[%get3A_1098, %get3A_1099] {strides = array<i32>} : memref<8x128xi32, #tpu.memory_space<vmem>>, vector<16xi32>,
      %get3A_1101 = arith.constant 5 : i32
      %get3A_1102 = arith.index_cast %get3A_1101 : i32 to index
      %get3A_1103 = arith.constant 48 : index
      %get3A_1104 = tpu.vector_load %arg12[%get3A_1102, %get3A_1103] {strides = array<i32>} : memref<8x128xi32, #tpu.memory_space<vmem>>, vector<16xi32>,
      %gather3A_1105 = tpu.vector_load_idx %arg13[%get3A_1100] : memref<10112xf32, #tpu.memory_space<vmem>>[vector<16xi32>], vector<16xf32>,
      %gather3A_1106 = tpu.vector_load_idx %arg14[%get3A_1104] : memref<10112xf32, #tpu.memory_space<vmem>>[vector<16xi32>], vector<16xf32>,
      %add3A_1107 = arith.addf %gather3A_1105, %gather3A_1106 : vector<16xf32>
      %gt3A_1108 = arith.constant 0.000000e+00 : f32
      %gt3A_1109 = vector.broadcast %gt3A_1108 : f32 to vector<16xf32>
      %gt3A_1110 = arith.cmpf ogt, %add3A_1107, %gt3A_1109 : vector<16xf32>
      %mul3A_1111 = arith.constant 2.000000e-01 : f32
      %mul3A_1112 = vector.broadcast %mul3A_1111 : f32 to vector<16xf32>
      %mul3A_1113 = arith.mulf %mul3A_1112, %add3A_1107 : vector<16xf32>
      %select_n3A_1114 = arith.select %gt3A_1110, %add3A_1107, %mul3A_1113 : vector<16xi1>, vector<16xf32>
      %exp3A_1115 = math.exp %select_n3A_1114 : vector<16xf32>
      %swap3A_1116 = arith.constant 48 : index
      %swap3A_1117 = tpu.vector_load %arg16[%swap3A_1116] {strides = array<i32>} : memref<144xf32, #tpu.memory_space<vmem>>, vector<16xf32>,
      tpu.vector_store %arg16[%swap3A_1116], %exp3A_1115 {strides = array<i32>} : memref<144xf32, #tpu.memory_space<vmem>>, vector<16xf32>,
      %get3A_1118 = arith.constant 5 : i32
      %get3A_1119 = arith.index_cast %get3A_1118 : i32 to index
      %get3A_1120 = arith.constant 64 : index
      %get3A_1121 = tpu.vector_load %arg11[%get3A_1119, %get3A_1120] {strides = array<i32>} : memref<8x128xi32, #tpu.memory_space<vmem>>, vector<16xi32>,
      %get3A_1122 = arith.constant 5 : i32
      %get3A_1123 = arith.index_cast %get3A_1122 : i32 to index
      %get3A_1124 = arith.constant 64 : index
      %get3A_1125 = tpu.vector_load %arg12[%get3A_1123, %get3A_1124] {strides = array<i32>} : memref<8x128xi32, #tpu.memory_space<vmem>>, vector<16xi32>,
      %gather3A_1126 = tpu.vector_load_idx %arg13[%get3A_1121] : memref<10112xf32, #tpu.memory_space<vmem>>[vector<16xi32>], vector<16xf32>,
      %gather3A_1127 = tpu.vector_load_idx %arg14[%get3A_1125] : memref<10112xf32, #tpu.memory_space<vmem>>[vector<16xi32>], vector<16xf32>,
      %add3A_1128 = arith.addf %gather3A_1126, %gather3A_1127 : vector<16xf32>
      %gt3A_1129 = arith.constant 0.000000e+00 : f32
      %gt3A_1130 = vector.broadcast %gt3A_1129 : f32 to vector<16xf32>
      %gt3A_1131 = arith.cmpf ogt, %add3A_1128, %gt3A_1130 : vector<16xf32>
      %mul3A_1132 = arith.constant 2.000000e-01 : f32
      %mul3A_1133 = vector.broadcast %mul3A_1132 : f32 to vector<16xf32>
      %mul3A_1134 = arith.mulf %mul3A_1133, %add3A_1128 : vector<16xf32>
      %select_n3A_1135 = arith.select %gt3A_1131, %add3A_1128, %mul3A_1134 : vector<16xi1>, vector<16xf32>
      %exp3A_1136 = math.exp %select_n3A_1135 : vector<16xf32>
      %swap3A_1137 = arith.constant 64 : index
      %swap3A_1138 = tpu.vector_load %arg16[%swap3A_1137] {strides = array<i32>} : memref<144xf32, #tpu.memory_space<vmem>>, vector<16xf32>,
      tpu.vector_store %arg16[%swap3A_1137], %exp3A_1136 {strides = array<i32>} : memref<144xf32, #tpu.memory_space<vmem>>, vector<16xf32>,
      %get3A_1139 = arith.constant 5 : i32
      %get3A_1140 = arith.index_cast %get3A_1139 : i32 to index
      %get3A_1141 = arith.constant 80 : index
      %get3A_1142 = tpu.vector_load %arg11[%get3A_1140, %get3A_1141] {strides = array<i32>} : memref<8x128xi32, #tpu.memory_space<vmem>>, vector<16xi32>,
      %get3A_1143 = arith.constant 5 : i32
      %get3A_1144 = arith.index_cast %get3A_1143 : i32 to index
      %get3A_1145 = arith.constant 80 : index
      %get3A_1146 = tpu.vector_load %arg12[%get3A_1144, %get3A_1145] {strides = array<i32>} : memref<8x128xi32, #tpu.memory_space<vmem>>, vector<16xi32>,
      %gather3A_1147 = tpu.vector_load_idx %arg13[%get3A_1142] : memref<10112xf32, #tpu.memory_space<vmem>>[vector<16xi32>], vector<16xf32>,
      %gather3A_1148 = tpu.vector_load_idx %arg14[%get3A_1146] : memref<10112xf32, #tpu.memory_space<vmem>>[vector<16xi32>], vector<16xf32>,
      %add3A_1149 = arith.addf %gather3A_1147, %gather3A_1148 : vector<16xf32>
      %gt3A_1150 = arith.constant 0.000000e+00 : f32
      %gt3A_1151 = vector.broadcast %gt3A_1150 : f32 to vector<16xf32>
      %gt3A_1152 = arith.cmpf ogt, %add3A_1149, %gt3A_1151 : vector<16xf32>
      %mul3A_1153 = arith.constant 2.000000e-01 : f32
      %mul3A_1154 = vector.broadcast %mul3A_1153 : f32 to vector<16xf32>
      %mul3A_1155 = arith.mulf %mul3A_1154, %add3A_1149 : vector<16xf32>
      %select_n3A_1156 = arith.select %gt3A_1152, %add3A_1149, %mul3A_1155 : vector<16xi1>, vector<16xf32>
      %exp3A_1157 = math.exp %select_n3A_1156 : vector<16xf32>
      %swap3A_1158 = arith.constant 80 : index
      %swap3A_1159 = tpu.vector_load %arg16[%swap3A_1158] {strides = array<i32>} : memref<144xf32, #tpu.memory_space<vmem>>, vector<16xf32>,
      tpu.vector_store %arg16[%swap3A_1158], %exp3A_1157 {strides = array<i32>} : memref<144xf32, #tpu.memory_space<vmem>>, vector<16xf32>,
      %get3A_1160 = arith.constant 5 : i32
      %get3A_1161 = arith.index_cast %get3A_1160 : i32 to index
      %get3A_1162 = arith.constant 96 : index
      %get3A_1163 = tpu.vector_load %arg11[%get3A_1161, %get3A_1162] {strides = array<i32>} : memref<8x128xi32, #tpu.memory_space<vmem>>, vector<16xi32>,
      %get3A_1164 = arith.constant 5 : i32
      %get3A_1165 = arith.index_cast %get3A_1164 : i32 to index
      %get3A_1166 = arith.constant 96 : index
      %get3A_1167 = tpu.vector_load %arg12[%get3A_1165, %get3A_1166] {strides = array<i32>} : memref<8x128xi32, #tpu.memory_space<vmem>>, vector<16xi32>,
      %gather3A_1168 = tpu.vector_load_idx %arg13[%get3A_1163] : memref<10112xf32, #tpu.memory_space<vmem>>[vector<16xi32>], vector<16xf32>,
      %gather3A_1169 = tpu.vector_load_idx %arg14[%get3A_1167] : memref<10112xf32, #tpu.memory_space<vmem>>[vector<16xi32>], vector<16xf32>,
      %add3A_1170 = arith.addf %gather3A_1168, %gather3A_1169 : vector<16xf32>
      %gt3A_1171 = arith.constant 0.000000e+00 : f32
      %gt3A_1172 = vector.broadcast %gt3A_1171 : f32 to vector<16xf32>
      %gt3A_1173 = arith.cmpf ogt, %add3A_1170, %gt3A_1172 : vector<16xf32>
      %mul3A_1174 = arith.constant 2.000000e-01 : f32
      %mul3A_1175 = vector.broadcast %mul3A_1174 : f32 to vector<16xf32>
      %mul3A_1176 = arith.mulf %mul3A_1175, %add3A_1170 : vector<16xf32>
      %select_n3A_1177 = arith.select %gt3A_1173, %add3A_1170, %mul3A_1176 : vector<16xi1>, vector<16xf32>
      %exp3A_1178 = math.exp %select_n3A_1177 : vector<16xf32>
      %swap3A_1179 = arith.constant 96 : index
      %swap3A_1180 = tpu.vector_load %arg16[%swap3A_1179] {strides = array<i32>} : memref<144xf32, #tpu.memory_space<vmem>>, vector<16xf32>,
      tpu.vector_store %arg16[%swap3A_1179], %exp3A_1178 {strides = array<i32>} : memref<144xf32, #tpu.memory_space<vmem>>, vector<16xf32>,
      %get3A_1181 = arith.constant 5 : i32
      %get3A_1182 = arith.index_cast %get3A_1181 : i32 to index
      %get3A_1183 = arith.constant 112 : index
      %get3A_1184 = tpu.vector_load %arg11[%get3A_1182, %get3A_1183] {strides = array<i32>} : memref<8x128xi32, #tpu.memory_space<vmem>>, vector<16xi32>,
      %get3A_1185 = arith.constant 5 : i32
      %get3A_1186 = arith.index_cast %get3A_1185 : i32 to index
      %get3A_1187 = arith.constant 112 : index
      %get3A_1188 = tpu.vector_load %arg12[%get3A_1186, %get3A_1187] {strides = array<i32>} : memref<8x128xi32, #tpu.memory_space<vmem>>, vector<16xi32>,
      %gather3A_1189 = tpu.vector_load_idx %arg13[%get3A_1184] : memref<10112xf32, #tpu.memory_space<vmem>>[vector<16xi32>], vector<16xf32>,
      %gather3A_1190 = tpu.vector_load_idx %arg14[%get3A_1188] : memref<10112xf32, #tpu.memory_space<vmem>>[vector<16xi32>], vector<16xf32>,
      %add3A_1191 = arith.addf %gather3A_1189, %gather3A_1190 : vector<16xf32>
      %gt3A_1192 = arith.constant 0.000000e+00 : f32
      %gt3A_1193 = vector.broadcast %gt3A_1192 : f32 to vector<16xf32>
      %gt3A_1194 = arith.cmpf ogt, %add3A_1191, %gt3A_1193 : vector<16xf32>
      %mul3A_1195 = arith.constant 2.000000e-01 : f32
      %mul3A_1196 = vector.broadcast %mul3A_1195 : f32 to vector<16xf32>
      %mul3A_1197 = arith.mulf %mul3A_1196, %add3A_1191 : vector<16xf32>
      %select_n3A_1198 = arith.select %gt3A_1194, %add3A_1191, %mul3A_1197 : vector<16xi1>, vector<16xf32>
      %exp3A_1199 = math.exp %select_n3A_1198 : vector<16xf32>
      %swap3A_1200 = arith.constant 112 : index
      %swap3A_1201 = tpu.vector_load %arg16[%swap3A_1200] {strides = array<i32>} : memref<144xf32, #tpu.memory_space<vmem>>, vector<16xf32>,
      tpu.vector_store %arg16[%swap3A_1200], %exp3A_1199 {strides = array<i32>} : memref<144xf32, #tpu.memory_space<vmem>>, vector<16xf32>,
      %scan3A_1202 = arith.constant 0 : i32
      %scan3A_1203 = arith.constant 0 : i32
      %scan3A_1204 = arith.constant 128 : i32
      %scan3A_1205 = arith.addi %scan3A_1203, %scan3A_1204 : i32
      %scan3A_1206 = arith.constant 1 : i32
      scf.for %scan3A_1590 = %scan3A_1203 to %scan3A_1205 step %scan3A_1206  : i32 {
        %get3A_1591 = arith.index_cast %scan3A_1590 : i32 to index
        %get3A_1592 = tpu.vector_load %arg16[%get3A_1591] {strides = array<i32>} : memref<144xf32, #tpu.memory_space<vmem>>, vector<16xf32>,
        %slice3A = vector.extract_strided_slice %get3A_1592 {offsets = [0], sizes = [1], strides = [1]} : vector<16xf32> to vector<1xf32>
        %squeeze3A = vector.extract %slice3A[0] : f32 from vector<1xf32>
        %broadcast_in_dim3A_1593 = vector.broadcast %squeeze3A : f32 to vector<16xf32>
        %get3A_1594 = arith.index_cast %scan3A_1590 : i32 to index
        %get3A_1595 = arith.constant 0 : index
        %get3A_1596 = tpu.vector_load %arg15[%get3A_1594, %get3A_1595] {strides = array<i32>} : memref<128x128xf32, #tpu.memory_space<vmem>>, vector<16xf32>,
        %mul3A_1597 = arith.mulf %get3A_1596, %broadcast_in_dim3A_1593 : vector<16xf32>
        %swap3A_1598 = arith.index_cast %scan3A_1590 : i32 to index
        %swap3A_1599 = arith.constant 0 : index
        %swap3A_1600 = tpu.vector_load %arg15[%swap3A_1598, %swap3A_1599] {strides = array<i32>} : memref<128x128xf32, #tpu.memory_space<vmem>>, vector<16xf32>,
        tpu.vector_store %arg15[%swap3A_1598, %swap3A_1599], %mul3A_1597 {strides = array<i32>} : memref<128x128xf32, #tpu.memory_space<vmem>>, vector<16xf32>,
        %get3A_1601 = arith.index_cast %scan3A_1590 : i32 to index
        %get3A_1602 = arith.constant 16 : index
        %get3A_1603 = tpu.vector_load %arg15[%get3A_1601, %get3A_1602] {strides = array<i32>} : memref<128x128xf32, #tpu.memory_space<vmem>>, vector<16xf32>,
        %mul3A_1604 = arith.mulf %get3A_1603, %broadcast_in_dim3A_1593 : vector<16xf32>
        %swap3A_1605 = arith.index_cast %scan3A_1590 : i32 to index
        %swap3A_1606 = arith.constant 16 : index
        %swap3A_1607 = tpu.vector_load %arg15[%swap3A_1605, %swap3A_1606] {strides = array<i32>} : memref<128x128xf32, #tpu.memory_space<vmem>>, vector<16xf32>,
        tpu.vector_store %arg15[%swap3A_1605, %swap3A_1606], %mul3A_1604 {strides = array<i32>} : memref<128x128xf32, #tpu.memory_space<vmem>>, vector<16xf32>,
        %get3A_1608 = arith.index_cast %scan3A_1590 : i32 to index
        %get3A_1609 = arith.constant 32 : index
        %get3A_1610 = tpu.vector_load %arg15[%get3A_1608, %get3A_1609] {strides = array<i32>} : memref<128x128xf32, #tpu.memory_space<vmem>>, vector<16xf32>,
        %mul3A_1611 = arith.mulf %get3A_1610, %broadcast_in_dim3A_1593 : vector<16xf32>
        %swap3A_1612 = arith.index_cast %scan3A_1590 : i32 to index
        %swap3A_1613 = arith.constant 32 : index
        %swap3A_1614 = tpu.vector_load %arg15[%swap3A_1612, %swap3A_1613] {strides = array<i32>} : memref<128x128xf32, #tpu.memory_space<vmem>>, vector<16xf32>,
        tpu.vector_store %arg15[%swap3A_1612, %swap3A_1613], %mul3A_1611 {strides = array<i32>} : memref<128x128xf32, #tpu.memory_space<vmem>>, vector<16xf32>,
        %get3A_1615 = arith.index_cast %scan3A_1590 : i32 to index
        %get3A_1616 = arith.constant 48 : index
        %get3A_1617 = tpu.vector_load %arg15[%get3A_1615, %get3A_1616] {strides = array<i32>} : memref<128x128xf32, #tpu.memory_space<vmem>>, vector<16xf32>,
        %mul3A_1618 = arith.mulf %get3A_1617, %broadcast_in_dim3A_1593 : vector<16xf32>
        %swap3A_1619 = arith.index_cast %scan3A_1590 : i32 to index
        %swap3A_1620 = arith.constant 48 : index
        %swap3A_1621 = tpu.vector_load %arg15[%swap3A_1619, %swap3A_1620] {strides = array<i32>} : memref<128x128xf32, #tpu.memory_space<vmem>>, vector<16xf32>,
        tpu.vector_store %arg15[%swap3A_1619, %swap3A_1620], %mul3A_1618 {strides = array<i32>} : memref<128x128xf32, #tpu.memory_space<vmem>>, vector<16xf32>,
        %get3A_1622 = arith.index_cast %scan3A_1590 : i32 to index
        %get3A_1623 = arith.constant 64 : index
        %get3A_1624 = tpu.vector_load %arg15[%get3A_1622, %get3A_1623] {strides = array<i32>} : memref<128x128xf32, #tpu.memory_space<vmem>>, vector<16xf32>,
        %mul3A_1625 = arith.mulf %get3A_1624, %broadcast_in_dim3A_1593 : vector<16xf32>
        %swap3A_1626 = arith.index_cast %scan3A_1590 : i32 to index
        %swap3A_1627 = arith.constant 64 : index
        %swap3A_1628 = tpu.vector_load %arg15[%swap3A_1626, %swap3A_1627] {strides = array<i32>} : memref<128x128xf32, #tpu.memory_space<vmem>>, vector<16xf32>,
        tpu.vector_store %arg15[%swap3A_1626, %swap3A_1627], %mul3A_1625 {strides = array<i32>} : memref<128x128xf32, #tpu.memory_space<vmem>>, vector<16xf32>,
        %get3A_1629 = arith.index_cast %scan3A_1590 : i32 to index
        %get3A_1630 = arith.constant 80 : index
        %get3A_1631 = tpu.vector_load %arg15[%get3A_1629, %get3A_1630] {strides = array<i32>} : memref<128x128xf32, #tpu.memory_space<vmem>>, vector<16xf32>,
        %mul3A_1632 = arith.mulf %get3A_1631, %broadcast_in_dim3A_1593 : vector<16xf32>
        %swap3A_1633 = arith.index_cast %scan3A_1590 : i32 to index
        %swap3A_1634 = arith.constant 80 : index
        %swap3A_1635 = tpu.vector_load %arg15[%swap3A_1633, %swap3A_1634] {strides = array<i32>} : memref<128x128xf32, #tpu.memory_space<vmem>>, vector<16xf32>,
        tpu.vector_store %arg15[%swap3A_1633, %swap3A_1634], %mul3A_1632 {strides = array<i32>} : memref<128x128xf32, #tpu.memory_space<vmem>>, vector<16xf32>,
        %get3A_1636 = arith.index_cast %scan3A_1590 : i32 to index
        %get3A_1637 = arith.constant 96 : index
        %get3A_1638 = tpu.vector_load %arg15[%get3A_1636, %get3A_1637] {strides = array<i32>} : memref<128x128xf32, #tpu.memory_space<vmem>>, vector<16xf32>,
        %mul3A_1639 = arith.mulf %get3A_1638, %broadcast_in_dim3A_1593 : vector<16xf32>
        %swap3A_1640 = arith.index_cast %scan3A_1590 : i32 to index
        %swap3A_1641 = arith.constant 96 : index
        %swap3A_1642 = tpu.vector_load %arg15[%swap3A_1640, %swap3A_1641] {strides = array<i32>} : memref<128x128xf32, #tpu.memory_space<vmem>>, vector<16xf32>,
        tpu.vector_store %arg15[%swap3A_1640, %swap3A_1641], %mul3A_1639 {strides = array<i32>} : memref<128x128xf32, #tpu.memory_space<vmem>>, vector<16xf32>,
        %get3A_1643 = arith.index_cast %scan3A_1590 : i32 to index
        %get3A_1644 = arith.constant 112 : index
        %get3A_1645 = tpu.vector_load %arg15[%get3A_1643, %get3A_1644] {strides = array<i32>} : memref<128x128xf32, #tpu.memory_space<vmem>>, vector<16xf32>,
        %mul3A_1646 = arith.mulf %get3A_1645, %broadcast_in_dim3A_1593 : vector<16xf32>
        %swap3A_1647 = arith.index_cast %scan3A_1590 : i32 to index
        %swap3A_1648 = arith.constant 112 : index
        %swap3A_1649 = tpu.vector_load %arg15[%swap3A_1647, %swap3A_1648] {strides = array<i32>} : memref<128x128xf32, #tpu.memory_space<vmem>>, vector<16xf32>,
        tpu.vector_store %arg15[%swap3A_1647, %swap3A_1648], %mul3A_1646 {strides = array<i32>} : memref<128x128xf32, #tpu.memory_space<vmem>>, vector<16xf32>,
      }
      %scan3A_1207 = arith.constant 128 : i32
      %run_scoped3A_1208 = arith.constant 5 : i32
      "tpu.region"() ({
        %run_scoped3A_1590 = tpu.sem_alloc : memref<!tpu.dma_semaphore, #tpu.memory_space<semaphore_mem>>
        %dma_start3A_1591 = arith.constant 0 : i32
        %dma_start3A_1592 = tpu.memref_slice %arg11[%run_scoped3A_1208, %dma_start3A_1591] : memref<8x128xi32, #tpu.memory_space<vmem>> -> memref<1x128xi32, #tpu.memory_space<vmem>>
        %dma_start3A_1593 = tpu.memref_squeeze %dma_start3A_1592 : memref<1x128xi32, #tpu.memory_space<vmem>> -> memref<128xi32, #tpu.memory_space<vmem>>
        %dma_start3A_1594 = arith.constant 0 : i32
        %dma_start3A_1595 = arith.constant 0 : i32
        %dma_start3A_1596 = tpu.memref_slice %arg17[%dma_start3A_1594, %dma_start3A_1595] : memref<10112x128xf32, #tpu.memory_space<vmem_shared>> -> memref<10112x128xf32, #tpu.memory_space<vmem_shared>>
        tpu.enqueue_indirect_dma source(%arg15 : memref<128x128xf32, #tpu.memory_space<vmem>>) target(%dma_start3A_1596 : memref<10112x128xf32, #tpu.memory_space<vmem_shared>>) offsets(%dma_start3A_1593 : memref<128xi32, #tpu.memory_space<vmem>>) semaphore(%run_scoped3A_1590 : memref<!tpu.dma_semaphore, #tpu.memory_space<semaphore_mem>>) {add = true}
        %dma_wait3A_1597 = arith.constant 0 : i32
        %dma_wait3A_1598 = tpu.memref_slice %arg11[%run_scoped3A_1208, %dma_wait3A_1597] : memref<8x128xi32, #tpu.memory_space<vmem>> -> memref<1x128xi32, #tpu.memory_space<vmem>>
        %dma_wait3A_1599 = tpu.memref_squeeze %dma_wait3A_1598 : memref<1x128xi32, #tpu.memory_space<vmem>> -> memref<128xi32, #tpu.memory_space<vmem>>
        %dma_wait3A_1600 = arith.constant 0 : i32
        %dma_wait3A_1601 = arith.constant 0 : i32
        %dma_wait3A_1602 = tpu.memref_slice %arg17[%dma_wait3A_1600, %dma_wait3A_1601] : memref<10112x128xf32, #tpu.memory_space<vmem_shared>> -> memref<10112x128xf32, #tpu.memory_space<vmem_shared>>
        tpu.wait_indirect_dma semaphore(%run_scoped3A_1590 : memref<!tpu.dma_semaphore, #tpu.memory_space<semaphore_mem>>) src(%arg15 : memref<128x128xf32, #tpu.memory_space<vmem>>) dst(%dma_wait3A_1602 : memref<10112x128xf32, #tpu.memory_space<vmem_shared>>)
        tpu.yield
      }) : () -> ()
      %run_scoped3A_1209 = arith.constant 5 : i32
      "tpu.region"() ({
        %run_scoped3A_1590 = tpu.sem_alloc : memref<!tpu.dma_semaphore, #tpu.memory_space<semaphore_mem>>
        %dma_start3A_1591 = arith.constant 0 : i32
        %dma_start3A_1592 = tpu.memref_slice %arg16[%dma_start3A_1591] : memref<144xf32, #tpu.memory_space<vmem>> -> memref<128xf32, #tpu.memory_space<vmem>>
        %dma_start3A_1593 = arith.constant 0 : i32
        %dma_start3A_1594 = tpu.memref_slice %arg11[%run_scoped3A_1209, %dma_start3A_1593] : memref<8x128xi32, #tpu.memory_space<vmem>> -> memref<1x128xi32, #tpu.memory_space<vmem>>
        %dma_start3A_1595 = tpu.memref_squeeze %dma_start3A_1594 : memref<1x128xi32, #tpu.memory_space<vmem>> -> memref<128xi32, #tpu.memory_space<vmem>>
        %dma_start3A_1596 = arith.constant 0 : i32
        %dma_start3A_1597 = tpu.memref_slice %arg18[%dma_start3A_1596] : memref<10112xf32, #tpu.memory_space<vmem_shared>> -> memref<10112xf32, #tpu.memory_space<vmem_shared>>
        tpu.enqueue_indirect_dma source(%dma_start3A_1592 : memref<128xf32, #tpu.memory_space<vmem>>) target(%dma_start3A_1597 : memref<10112xf32, #tpu.memory_space<vmem_shared>>) offsets(%dma_start3A_1595 : memref<128xi32, #tpu.memory_space<vmem>>) semaphore(%run_scoped3A_1590 : memref<!tpu.dma_semaphore, #tpu.memory_space<semaphore_mem>>) {add = true}
        %dma_wait3A_1598 = arith.constant 0 : i32
        %dma_wait3A_1599 = tpu.memref_slice %arg16[%dma_wait3A_1598] : memref<144xf32, #tpu.memory_space<vmem>> -> memref<128xf32, #tpu.memory_space<vmem>>
        %dma_wait3A_1600 = arith.constant 0 : i32
        %dma_wait3A_1601 = tpu.memref_slice %arg11[%run_scoped3A_1209, %dma_wait3A_1600] : memref<8x128xi32, #tpu.memory_space<vmem>> -> memref<1x128xi32, #tpu.memory_space<vmem>>
        %dma_wait3A_1602 = tpu.memref_squeeze %dma_wait3A_1601 : memref<1x128xi32, #tpu.memory_space<vmem>> -> memref<128xi32, #tpu.memory_space<vmem>>
        %dma_wait3A_1603 = arith.constant 0 : i32
        %dma_wait3A_1604 = tpu.memref_slice %arg18[%dma_wait3A_1603] : memref<10112xf32, #tpu.memory_space<vmem_shared>> -> memref<10112xf32, #tpu.memory_space<vmem_shared>>
        tpu.wait_indirect_dma semaphore(%run_scoped3A_1590 : memref<!tpu.dma_semaphore, #tpu.memory_space<semaphore_mem>>) src(%dma_wait3A_1599 : memref<128xf32, #tpu.memory_space<vmem>>) dst(%dma_wait3A_1604 : memref<10112xf32, #tpu.memory_space<vmem_shared>>)
        tpu.yield
      }) : () -> ()
      %dma_start3A_1210 = arith.constant 6 : i32
      %dma_start3A_1211 = arith.constant 0 : i32
      %dma_start3A_1212 = tpu.memref_slice %arg12[%dma_start3A_1210, %dma_start3A_1211] : memref<8x128xi32, #tpu.memory_space<vmem>> -> memref<1x128xi32, #tpu.memory_space<vmem>>
      %dma_start3A_1213 = tpu.memref_squeeze %dma_start3A_1212 : memref<1x128xi32, #tpu.memory_space<vmem>> -> memref<128xi32, #tpu.memory_space<vmem>>
      %dma_start3A_1214 = arith.constant 0 : i32
      %dma_start3A_1215 = arith.constant 0 : i32
      %dma_start3A_1216 = tpu.memref_slice %arg2[%dma_start3A_1214, %dma_start3A_1215] : memref<10000x128xf32, #tpu.memory_space<hbm>> -> memref<10000x128xf32, #tpu.memory_space<hbm>>
      tpu.enqueue_indirect_dma source(%dma_start3A_1216 : memref<10000x128xf32, #tpu.memory_space<hbm>>) target(%arg15 : memref<128x128xf32, #tpu.memory_space<vmem>>) offsets(%dma_start3A_1213 : memref<128xi32, #tpu.memory_space<vmem>>) semaphore(%arg19 : memref<!tpu.dma_semaphore, #tpu.memory_space<semaphore_mem>>)
      %dma_wait3A_1217 = arith.constant 6 : i32
      %dma_wait3A_1218 = arith.constant 0 : i32
      %dma_wait3A_1219 = tpu.memref_slice %arg12[%dma_wait3A_1217, %dma_wait3A_1218] : memref<8x128xi32, #tpu.memory_space<vmem>> -> memref<1x128xi32, #tpu.memory_space<vmem>>
      %dma_wait3A_1220 = tpu.memref_squeeze %dma_wait3A_1219 : memref<1x128xi32, #tpu.memory_space<vmem>> -> memref<128xi32, #tpu.memory_space<vmem>>
      %dma_wait3A_1221 = arith.constant 0 : i32
      %dma_wait3A_1222 = arith.constant 0 : i32
      %dma_wait3A_1223 = tpu.memref_slice %arg2[%dma_wait3A_1221, %dma_wait3A_1222] : memref<10000x128xf32, #tpu.memory_space<hbm>> -> memref<10000x128xf32, #tpu.memory_space<hbm>>
      tpu.wait_indirect_dma semaphore(%arg19 : memref<!tpu.dma_semaphore, #tpu.memory_space<semaphore_mem>>) src(%dma_wait3A_1223 : memref<10000x128xf32, #tpu.memory_space<hbm>>) dst(%arg15 : memref<128x128xf32, #tpu.memory_space<vmem>>)
      %get3A_1224 = arith.constant 6 : i32
      %get3A_1225 = arith.index_cast %get3A_1224 : i32 to index
      %get3A_1226 = arith.constant 0 : index
      %get3A_1227 = tpu.vector_load %arg11[%get3A_1225, %get3A_1226] {strides = array<i32>} : memref<8x128xi32, #tpu.memory_space<vmem>>, vector<16xi32>,
      %get3A_1228 = arith.constant 6 : i32
      %get3A_1229 = arith.index_cast %get3A_1228 : i32 to index
      %get3A_1230 = arith.constant 0 : index
      %get3A_1231 = tpu.vector_load %arg12[%get3A_1229, %get3A_1230] {strides = array<i32>} : memref<8x128xi32, #tpu.memory_space<vmem>>, vector<16xi32>,
      %gather3A_1232 = tpu.vector_load_idx %arg13[%get3A_1227] : memref<10112xf32, #tpu.memory_space<vmem>>[vector<16xi32>], vector<16xf32>,
      %gather3A_1233 = tpu.vector_load_idx %arg14[%get3A_1231] : memref<10112xf32, #tpu.memory_space<vmem>>[vector<16xi32>], vector<16xf32>,
      %add3A_1234 = arith.addf %gather3A_1232, %gather3A_1233 : vector<16xf32>
      %gt3A_1235 = arith.constant 0.000000e+00 : f32
      %gt3A_1236 = vector.broadcast %gt3A_1235 : f32 to vector<16xf32>
      %gt3A_1237 = arith.cmpf ogt, %add3A_1234, %gt3A_1236 : vector<16xf32>
      %mul3A_1238 = arith.constant 2.000000e-01 : f32
      %mul3A_1239 = vector.broadcast %mul3A_1238 : f32 to vector<16xf32>
      %mul3A_1240 = arith.mulf %mul3A_1239, %add3A_1234 : vector<16xf32>
      %select_n3A_1241 = arith.select %gt3A_1237, %add3A_1234, %mul3A_1240 : vector<16xi1>, vector<16xf32>
      %exp3A_1242 = math.exp %select_n3A_1241 : vector<16xf32>
      %swap3A_1243 = arith.constant 0 : index
      %swap3A_1244 = tpu.vector_load %arg16[%swap3A_1243] {strides = array<i32>} : memref<144xf32, #tpu.memory_space<vmem>>, vector<16xf32>,
      tpu.vector_store %arg16[%swap3A_1243], %exp3A_1242 {strides = array<i32>} : memref<144xf32, #tpu.memory_space<vmem>>, vector<16xf32>,
      %get3A_1245 = arith.constant 6 : i32
      %get3A_1246 = arith.index_cast %get3A_1245 : i32 to index
      %get3A_1247 = arith.constant 16 : index
      %get3A_1248 = tpu.vector_load %arg11[%get3A_1246, %get3A_1247] {strides = array<i32>} : memref<8x128xi32, #tpu.memory_space<vmem>>, vector<16xi32>,
      %get3A_1249 = arith.constant 6 : i32
      %get3A_1250 = arith.index_cast %get3A_1249 : i32 to index
      %get3A_1251 = arith.constant 16 : index
      %get3A_1252 = tpu.vector_load %arg12[%get3A_1250, %get3A_1251] {strides = array<i32>} : memref<8x128xi32, #tpu.memory_space<vmem>>, vector<16xi32>,
      %gather3A_1253 = tpu.vector_load_idx %arg13[%get3A_1248] : memref<10112xf32, #tpu.memory_space<vmem>>[vector<16xi32>], vector<16xf32>,
      %gather3A_1254 = tpu.vector_load_idx %arg14[%get3A_1252] : memref<10112xf32, #tpu.memory_space<vmem>>[vector<16xi32>], vector<16xf32>,
      %add3A_1255 = arith.addf %gather3A_1253, %gather3A_1254 : vector<16xf32>
      %gt3A_1256 = arith.constant 0.000000e+00 : f32
      %gt3A_1257 = vector.broadcast %gt3A_1256 : f32 to vector<16xf32>
      %gt3A_1258 = arith.cmpf ogt, %add3A_1255, %gt3A_1257 : vector<16xf32>
      %mul3A_1259 = arith.constant 2.000000e-01 : f32
      %mul3A_1260 = vector.broadcast %mul3A_1259 : f32 to vector<16xf32>
      %mul3A_1261 = arith.mulf %mul3A_1260, %add3A_1255 : vector<16xf32>
      %select_n3A_1262 = arith.select %gt3A_1258, %add3A_1255, %mul3A_1261 : vector<16xi1>, vector<16xf32>
      %exp3A_1263 = math.exp %select_n3A_1262 : vector<16xf32>
      %swap3A_1264 = arith.constant 16 : index
      %swap3A_1265 = tpu.vector_load %arg16[%swap3A_1264] {strides = array<i32>} : memref<144xf32, #tpu.memory_space<vmem>>, vector<16xf32>,
      tpu.vector_store %arg16[%swap3A_1264], %exp3A_1263 {strides = array<i32>} : memref<144xf32, #tpu.memory_space<vmem>>, vector<16xf32>,
      %get3A_1266 = arith.constant 6 : i32
      %get3A_1267 = arith.index_cast %get3A_1266 : i32 to index
      %get3A_1268 = arith.constant 32 : index
      %get3A_1269 = tpu.vector_load %arg11[%get3A_1267, %get3A_1268] {strides = array<i32>} : memref<8x128xi32, #tpu.memory_space<vmem>>, vector<16xi32>,
      %get3A_1270 = arith.constant 6 : i32
      %get3A_1271 = arith.index_cast %get3A_1270 : i32 to index
      %get3A_1272 = arith.constant 32 : index
      %get3A_1273 = tpu.vector_load %arg12[%get3A_1271, %get3A_1272] {strides = array<i32>} : memref<8x128xi32, #tpu.memory_space<vmem>>, vector<16xi32>,
      %gather3A_1274 = tpu.vector_load_idx %arg13[%get3A_1269] : memref<10112xf32, #tpu.memory_space<vmem>>[vector<16xi32>], vector<16xf32>,
      %gather3A_1275 = tpu.vector_load_idx %arg14[%get3A_1273] : memref<10112xf32, #tpu.memory_space<vmem>>[vector<16xi32>], vector<16xf32>,
      %add3A_1276 = arith.addf %gather3A_1274, %gather3A_1275 : vector<16xf32>
      %gt3A_1277 = arith.constant 0.000000e+00 : f32
      %gt3A_1278 = vector.broadcast %gt3A_1277 : f32 to vector<16xf32>
      %gt3A_1279 = arith.cmpf ogt, %add3A_1276, %gt3A_1278 : vector<16xf32>
      %mul3A_1280 = arith.constant 2.000000e-01 : f32
      %mul3A_1281 = vector.broadcast %mul3A_1280 : f32 to vector<16xf32>
      %mul3A_1282 = arith.mulf %mul3A_1281, %add3A_1276 : vector<16xf32>
      %select_n3A_1283 = arith.select %gt3A_1279, %add3A_1276, %mul3A_1282 : vector<16xi1>, vector<16xf32>
      %exp3A_1284 = math.exp %select_n3A_1283 : vector<16xf32>
      %swap3A_1285 = arith.constant 32 : index
      %swap3A_1286 = tpu.vector_load %arg16[%swap3A_1285] {strides = array<i32>} : memref<144xf32, #tpu.memory_space<vmem>>, vector<16xf32>,
      tpu.vector_store %arg16[%swap3A_1285], %exp3A_1284 {strides = array<i32>} : memref<144xf32, #tpu.memory_space<vmem>>, vector<16xf32>,
      %get3A_1287 = arith.constant 6 : i32
      %get3A_1288 = arith.index_cast %get3A_1287 : i32 to index
      %get3A_1289 = arith.constant 48 : index
      %get3A_1290 = tpu.vector_load %arg11[%get3A_1288, %get3A_1289] {strides = array<i32>} : memref<8x128xi32, #tpu.memory_space<vmem>>, vector<16xi32>,
      %get3A_1291 = arith.constant 6 : i32
      %get3A_1292 = arith.index_cast %get3A_1291 : i32 to index
      %get3A_1293 = arith.constant 48 : index
      %get3A_1294 = tpu.vector_load %arg12[%get3A_1292, %get3A_1293] {strides = array<i32>} : memref<8x128xi32, #tpu.memory_space<vmem>>, vector<16xi32>,
      %gather3A_1295 = tpu.vector_load_idx %arg13[%get3A_1290] : memref<10112xf32, #tpu.memory_space<vmem>>[vector<16xi32>], vector<16xf32>,
      %gather3A_1296 = tpu.vector_load_idx %arg14[%get3A_1294] : memref<10112xf32, #tpu.memory_space<vmem>>[vector<16xi32>], vector<16xf32>,
      %add3A_1297 = arith.addf %gather3A_1295, %gather3A_1296 : vector<16xf32>
      %gt3A_1298 = arith.constant 0.000000e+00 : f32
      %gt3A_1299 = vector.broadcast %gt3A_1298 : f32 to vector<16xf32>
      %gt3A_1300 = arith.cmpf ogt, %add3A_1297, %gt3A_1299 : vector<16xf32>
      %mul3A_1301 = arith.constant 2.000000e-01 : f32
      %mul3A_1302 = vector.broadcast %mul3A_1301 : f32 to vector<16xf32>
      %mul3A_1303 = arith.mulf %mul3A_1302, %add3A_1297 : vector<16xf32>
      %select_n3A_1304 = arith.select %gt3A_1300, %add3A_1297, %mul3A_1303 : vector<16xi1>, vector<16xf32>
      %exp3A_1305 = math.exp %select_n3A_1304 : vector<16xf32>
      %swap3A_1306 = arith.constant 48 : index
      %swap3A_1307 = tpu.vector_load %arg16[%swap3A_1306] {strides = array<i32>} : memref<144xf32, #tpu.memory_space<vmem>>, vector<16xf32>,
      tpu.vector_store %arg16[%swap3A_1306], %exp3A_1305 {strides = array<i32>} : memref<144xf32, #tpu.memory_space<vmem>>, vector<16xf32>,
      %get3A_1308 = arith.constant 6 : i32
      %get3A_1309 = arith.index_cast %get3A_1308 : i32 to index
      %get3A_1310 = arith.constant 64 : index
      %get3A_1311 = tpu.vector_load %arg11[%get3A_1309, %get3A_1310] {strides = array<i32>} : memref<8x128xi32, #tpu.memory_space<vmem>>, vector<16xi32>,
      %get3A_1312 = arith.constant 6 : i32
      %get3A_1313 = arith.index_cast %get3A_1312 : i32 to index
      %get3A_1314 = arith.constant 64 : index
      %get3A_1315 = tpu.vector_load %arg12[%get3A_1313, %get3A_1314] {strides = array<i32>} : memref<8x128xi32, #tpu.memory_space<vmem>>, vector<16xi32>,
      %gather3A_1316 = tpu.vector_load_idx %arg13[%get3A_1311] : memref<10112xf32, #tpu.memory_space<vmem>>[vector<16xi32>], vector<16xf32>,
      %gather3A_1317 = tpu.vector_load_idx %arg14[%get3A_1315] : memref<10112xf32, #tpu.memory_space<vmem>>[vector<16xi32>], vector<16xf32>,
      %add3A_1318 = arith.addf %gather3A_1316, %gather3A_1317 : vector<16xf32>
      %gt3A_1319 = arith.constant 0.000000e+00 : f32
      %gt3A_1320 = vector.broadcast %gt3A_1319 : f32 to vector<16xf32>
      %gt3A_1321 = arith.cmpf ogt, %add3A_1318, %gt3A_1320 : vector<16xf32>
      %mul3A_1322 = arith.constant 2.000000e-01 : f32
      %mul3A_1323 = vector.broadcast %mul3A_1322 : f32 to vector<16xf32>
      %mul3A_1324 = arith.mulf %mul3A_1323, %add3A_1318 : vector<16xf32>
      %select_n3A_1325 = arith.select %gt3A_1321, %add3A_1318, %mul3A_1324 : vector<16xi1>, vector<16xf32>
      %exp3A_1326 = math.exp %select_n3A_1325 : vector<16xf32>
      %swap3A_1327 = arith.constant 64 : index
      %swap3A_1328 = tpu.vector_load %arg16[%swap3A_1327] {strides = array<i32>} : memref<144xf32, #tpu.memory_space<vmem>>, vector<16xf32>,
      tpu.vector_store %arg16[%swap3A_1327], %exp3A_1326 {strides = array<i32>} : memref<144xf32, #tpu.memory_space<vmem>>, vector<16xf32>,
      %get3A_1329 = arith.constant 6 : i32
      %get3A_1330 = arith.index_cast %get3A_1329 : i32 to index
      %get3A_1331 = arith.constant 80 : index
      %get3A_1332 = tpu.vector_load %arg11[%get3A_1330, %get3A_1331] {strides = array<i32>} : memref<8x128xi32, #tpu.memory_space<vmem>>, vector<16xi32>,
      %get3A_1333 = arith.constant 6 : i32
      %get3A_1334 = arith.index_cast %get3A_1333 : i32 to index
      %get3A_1335 = arith.constant 80 : index
      %get3A_1336 = tpu.vector_load %arg12[%get3A_1334, %get3A_1335] {strides = array<i32>} : memref<8x128xi32, #tpu.memory_space<vmem>>, vector<16xi32>,
      %gather3A_1337 = tpu.vector_load_idx %arg13[%get3A_1332] : memref<10112xf32, #tpu.memory_space<vmem>>[vector<16xi32>], vector<16xf32>,
      %gather3A_1338 = tpu.vector_load_idx %arg14[%get3A_1336] : memref<10112xf32, #tpu.memory_space<vmem>>[vector<16xi32>], vector<16xf32>,
      %add3A_1339 = arith.addf %gather3A_1337, %gather3A_1338 : vector<16xf32>
      %gt3A_1340 = arith.constant 0.000000e+00 : f32
      %gt3A_1341 = vector.broadcast %gt3A_1340 : f32 to vector<16xf32>
      %gt3A_1342 = arith.cmpf ogt, %add3A_1339, %gt3A_1341 : vector<16xf32>
      %mul3A_1343 = arith.constant 2.000000e-01 : f32
      %mul3A_1344 = vector.broadcast %mul3A_1343 : f32 to vector<16xf32>
      %mul3A_1345 = arith.mulf %mul3A_1344, %add3A_1339 : vector<16xf32>
      %select_n3A_1346 = arith.select %gt3A_1342, %add3A_1339, %mul3A_1345 : vector<16xi1>, vector<16xf32>
      %exp3A_1347 = math.exp %select_n3A_1346 : vector<16xf32>
      %swap3A_1348 = arith.constant 80 : index
      %swap3A_1349 = tpu.vector_load %arg16[%swap3A_1348] {strides = array<i32>} : memref<144xf32, #tpu.memory_space<vmem>>, vector<16xf32>,
      tpu.vector_store %arg16[%swap3A_1348], %exp3A_1347 {strides = array<i32>} : memref<144xf32, #tpu.memory_space<vmem>>, vector<16xf32>,
      %get3A_1350 = arith.constant 6 : i32
      %get3A_1351 = arith.index_cast %get3A_1350 : i32 to index
      %get3A_1352 = arith.constant 96 : index
      %get3A_1353 = tpu.vector_load %arg11[%get3A_1351, %get3A_1352] {strides = array<i32>} : memref<8x128xi32, #tpu.memory_space<vmem>>, vector<16xi32>,
      %get3A_1354 = arith.constant 6 : i32
      %get3A_1355 = arith.index_cast %get3A_1354 : i32 to index
      %get3A_1356 = arith.constant 96 : index
      %get3A_1357 = tpu.vector_load %arg12[%get3A_1355, %get3A_1356] {strides = array<i32>} : memref<8x128xi32, #tpu.memory_space<vmem>>, vector<16xi32>,
      %gather3A_1358 = tpu.vector_load_idx %arg13[%get3A_1353] : memref<10112xf32, #tpu.memory_space<vmem>>[vector<16xi32>], vector<16xf32>,
      %gather3A_1359 = tpu.vector_load_idx %arg14[%get3A_1357] : memref<10112xf32, #tpu.memory_space<vmem>>[vector<16xi32>], vector<16xf32>,
      %add3A_1360 = arith.addf %gather3A_1358, %gather3A_1359 : vector<16xf32>
      %gt3A_1361 = arith.constant 0.000000e+00 : f32
      %gt3A_1362 = vector.broadcast %gt3A_1361 : f32 to vector<16xf32>
      %gt3A_1363 = arith.cmpf ogt, %add3A_1360, %gt3A_1362 : vector<16xf32>
      %mul3A_1364 = arith.constant 2.000000e-01 : f32
      %mul3A_1365 = vector.broadcast %mul3A_1364 : f32 to vector<16xf32>
      %mul3A_1366 = arith.mulf %mul3A_1365, %add3A_1360 : vector<16xf32>
      %select_n3A_1367 = arith.select %gt3A_1363, %add3A_1360, %mul3A_1366 : vector<16xi1>, vector<16xf32>
      %exp3A_1368 = math.exp %select_n3A_1367 : vector<16xf32>
      %swap3A_1369 = arith.constant 96 : index
      %swap3A_1370 = tpu.vector_load %arg16[%swap3A_1369] {strides = array<i32>} : memref<144xf32, #tpu.memory_space<vmem>>, vector<16xf32>,
      tpu.vector_store %arg16[%swap3A_1369], %exp3A_1368 {strides = array<i32>} : memref<144xf32, #tpu.memory_space<vmem>>, vector<16xf32>,
      %get3A_1371 = arith.constant 6 : i32
      %get3A_1372 = arith.index_cast %get3A_1371 : i32 to index
      %get3A_1373 = arith.constant 112 : index
      %get3A_1374 = tpu.vector_load %arg11[%get3A_1372, %get3A_1373] {strides = array<i32>} : memref<8x128xi32, #tpu.memory_space<vmem>>, vector<16xi32>,
      %get3A_1375 = arith.constant 6 : i32
      %get3A_1376 = arith.index_cast %get3A_1375 : i32 to index
      %get3A_1377 = arith.constant 112 : index
      %get3A_1378 = tpu.vector_load %arg12[%get3A_1376, %get3A_1377] {strides = array<i32>} : memref<8x128xi32, #tpu.memory_space<vmem>>, vector<16xi32>,
      %gather3A_1379 = tpu.vector_load_idx %arg13[%get3A_1374] : memref<10112xf32, #tpu.memory_space<vmem>>[vector<16xi32>], vector<16xf32>,
      %gather3A_1380 = tpu.vector_load_idx %arg14[%get3A_1378] : memref<10112xf32, #tpu.memory_space<vmem>>[vector<16xi32>], vector<16xf32>,
      %add3A_1381 = arith.addf %gather3A_1379, %gather3A_1380 : vector<16xf32>
      %gt3A_1382 = arith.constant 0.000000e+00 : f32
      %gt3A_1383 = vector.broadcast %gt3A_1382 : f32 to vector<16xf32>
      %gt3A_1384 = arith.cmpf ogt, %add3A_1381, %gt3A_1383 : vector<16xf32>
      %mul3A_1385 = arith.constant 2.000000e-01 : f32
      %mul3A_1386 = vector.broadcast %mul3A_1385 : f32 to vector<16xf32>
      %mul3A_1387 = arith.mulf %mul3A_1386, %add3A_1381 : vector<16xf32>
      %select_n3A_1388 = arith.select %gt3A_1384, %add3A_1381, %mul3A_1387 : vector<16xi1>, vector<16xf32>
      %exp3A_1389 = math.exp %select_n3A_1388 : vector<16xf32>
      %swap3A_1390 = arith.constant 112 : index
      %swap3A_1391 = tpu.vector_load %arg16[%swap3A_1390] {strides = array<i32>} : memref<144xf32, #tpu.memory_space<vmem>>, vector<16xf32>,
      tpu.vector_store %arg16[%swap3A_1390], %exp3A_1389 {strides = array<i32>} : memref<144xf32, #tpu.memory_space<vmem>>, vector<16xf32>,
      %scan3A_1392 = arith.constant 0 : i32
      %scan3A_1393 = arith.constant 0 : i32
      %scan3A_1394 = arith.constant 128 : i32
      %scan3A_1395 = arith.addi %scan3A_1393, %scan3A_1394 : i32
      %scan3A_1396 = arith.constant 1 : i32
      scf.for %scan3A_1590 = %scan3A_1393 to %scan3A_1395 step %scan3A_1396  : i32 {
        %get3A_1591 = arith.index_cast %scan3A_1590 : i32 to index
        %get3A_1592 = tpu.vector_load %arg16[%get3A_1591] {strides = array<i32>} : memref<144xf32, #tpu.memory_space<vmem>>, vector<16xf32>,
        %slice3A = vector.extract_strided_slice %get3A_1592 {offsets = [0], sizes = [1], strides = [1]} : vector<16xf32> to vector<1xf32>
        %squeeze3A = vector.extract %slice3A[0] : f32 from vector<1xf32>
        %broadcast_in_dim3A_1593 = vector.broadcast %squeeze3A : f32 to vector<16xf32>
        %get3A_1594 = arith.index_cast %scan3A_1590 : i32 to index
        %get3A_1595 = arith.constant 0 : index
        %get3A_1596 = tpu.vector_load %arg15[%get3A_1594, %get3A_1595] {strides = array<i32>} : memref<128x128xf32, #tpu.memory_space<vmem>>, vector<16xf32>,
        %mul3A_1597 = arith.mulf %get3A_1596, %broadcast_in_dim3A_1593 : vector<16xf32>
        %swap3A_1598 = arith.index_cast %scan3A_1590 : i32 to index
        %swap3A_1599 = arith.constant 0 : index
        %swap3A_1600 = tpu.vector_load %arg15[%swap3A_1598, %swap3A_1599] {strides = array<i32>} : memref<128x128xf32, #tpu.memory_space<vmem>>, vector<16xf32>,
        tpu.vector_store %arg15[%swap3A_1598, %swap3A_1599], %mul3A_1597 {strides = array<i32>} : memref<128x128xf32, #tpu.memory_space<vmem>>, vector<16xf32>,
        %get3A_1601 = arith.index_cast %scan3A_1590 : i32 to index
        %get3A_1602 = arith.constant 16 : index
        %get3A_1603 = tpu.vector_load %arg15[%get3A_1601, %get3A_1602] {strides = array<i32>} : memref<128x128xf32, #tpu.memory_space<vmem>>, vector<16xf32>,
        %mul3A_1604 = arith.mulf %get3A_1603, %broadcast_in_dim3A_1593 : vector<16xf32>
        %swap3A_1605 = arith.index_cast %scan3A_1590 : i32 to index
        %swap3A_1606 = arith.constant 16 : index
        %swap3A_1607 = tpu.vector_load %arg15[%swap3A_1605, %swap3A_1606] {strides = array<i32>} : memref<128x128xf32, #tpu.memory_space<vmem>>, vector<16xf32>,
        tpu.vector_store %arg15[%swap3A_1605, %swap3A_1606], %mul3A_1604 {strides = array<i32>} : memref<128x128xf32, #tpu.memory_space<vmem>>, vector<16xf32>,
        %get3A_1608 = arith.index_cast %scan3A_1590 : i32 to index
        %get3A_1609 = arith.constant 32 : index
        %get3A_1610 = tpu.vector_load %arg15[%get3A_1608, %get3A_1609] {strides = array<i32>} : memref<128x128xf32, #tpu.memory_space<vmem>>, vector<16xf32>,
        %mul3A_1611 = arith.mulf %get3A_1610, %broadcast_in_dim3A_1593 : vector<16xf32>
        %swap3A_1612 = arith.index_cast %scan3A_1590 : i32 to index
        %swap3A_1613 = arith.constant 32 : index
        %swap3A_1614 = tpu.vector_load %arg15[%swap3A_1612, %swap3A_1613] {strides = array<i32>} : memref<128x128xf32, #tpu.memory_space<vmem>>, vector<16xf32>,
        tpu.vector_store %arg15[%swap3A_1612, %swap3A_1613], %mul3A_1611 {strides = array<i32>} : memref<128x128xf32, #tpu.memory_space<vmem>>, vector<16xf32>,
        %get3A_1615 = arith.index_cast %scan3A_1590 : i32 to index
        %get3A_1616 = arith.constant 48 : index
        %get3A_1617 = tpu.vector_load %arg15[%get3A_1615, %get3A_1616] {strides = array<i32>} : memref<128x128xf32, #tpu.memory_space<vmem>>, vector<16xf32>,
        %mul3A_1618 = arith.mulf %get3A_1617, %broadcast_in_dim3A_1593 : vector<16xf32>
        %swap3A_1619 = arith.index_cast %scan3A_1590 : i32 to index
        %swap3A_1620 = arith.constant 48 : index
        %swap3A_1621 = tpu.vector_load %arg15[%swap3A_1619, %swap3A_1620] {strides = array<i32>} : memref<128x128xf32, #tpu.memory_space<vmem>>, vector<16xf32>,
        tpu.vector_store %arg15[%swap3A_1619, %swap3A_1620], %mul3A_1618 {strides = array<i32>} : memref<128x128xf32, #tpu.memory_space<vmem>>, vector<16xf32>,
        %get3A_1622 = arith.index_cast %scan3A_1590 : i32 to index
        %get3A_1623 = arith.constant 64 : index
        %get3A_1624 = tpu.vector_load %arg15[%get3A_1622, %get3A_1623] {strides = array<i32>} : memref<128x128xf32, #tpu.memory_space<vmem>>, vector<16xf32>,
        %mul3A_1625 = arith.mulf %get3A_1624, %broadcast_in_dim3A_1593 : vector<16xf32>
        %swap3A_1626 = arith.index_cast %scan3A_1590 : i32 to index
        %swap3A_1627 = arith.constant 64 : index
        %swap3A_1628 = tpu.vector_load %arg15[%swap3A_1626, %swap3A_1627] {strides = array<i32>} : memref<128x128xf32, #tpu.memory_space<vmem>>, vector<16xf32>,
        tpu.vector_store %arg15[%swap3A_1626, %swap3A_1627], %mul3A_1625 {strides = array<i32>} : memref<128x128xf32, #tpu.memory_space<vmem>>, vector<16xf32>,
        %get3A_1629 = arith.index_cast %scan3A_1590 : i32 to index
        %get3A_1630 = arith.constant 80 : index
        %get3A_1631 = tpu.vector_load %arg15[%get3A_1629, %get3A_1630] {strides = array<i32>} : memref<128x128xf32, #tpu.memory_space<vmem>>, vector<16xf32>,
        %mul3A_1632 = arith.mulf %get3A_1631, %broadcast_in_dim3A_1593 : vector<16xf32>
        %swap3A_1633 = arith.index_cast %scan3A_1590 : i32 to index
        %swap3A_1634 = arith.constant 80 : index
        %swap3A_1635 = tpu.vector_load %arg15[%swap3A_1633, %swap3A_1634] {strides = array<i32>} : memref<128x128xf32, #tpu.memory_space<vmem>>, vector<16xf32>,
        tpu.vector_store %arg15[%swap3A_1633, %swap3A_1634], %mul3A_1632 {strides = array<i32>} : memref<128x128xf32, #tpu.memory_space<vmem>>, vector<16xf32>,
        %get3A_1636 = arith.index_cast %scan3A_1590 : i32 to index
        %get3A_1637 = arith.constant 96 : index
        %get3A_1638 = tpu.vector_load %arg15[%get3A_1636, %get3A_1637] {strides = array<i32>} : memref<128x128xf32, #tpu.memory_space<vmem>>, vector<16xf32>,
        %mul3A_1639 = arith.mulf %get3A_1638, %broadcast_in_dim3A_1593 : vector<16xf32>
        %swap3A_1640 = arith.index_cast %scan3A_1590 : i32 to index
        %swap3A_1641 = arith.constant 96 : index
        %swap3A_1642 = tpu.vector_load %arg15[%swap3A_1640, %swap3A_1641] {strides = array<i32>} : memref<128x128xf32, #tpu.memory_space<vmem>>, vector<16xf32>,
        tpu.vector_store %arg15[%swap3A_1640, %swap3A_1641], %mul3A_1639 {strides = array<i32>} : memref<128x128xf32, #tpu.memory_space<vmem>>, vector<16xf32>,
        %get3A_1643 = arith.index_cast %scan3A_1590 : i32 to index
        %get3A_1644 = arith.constant 112 : index
        %get3A_1645 = tpu.vector_load %arg15[%get3A_1643, %get3A_1644] {strides = array<i32>} : memref<128x128xf32, #tpu.memory_space<vmem>>, vector<16xf32>,
        %mul3A_1646 = arith.mulf %get3A_1645, %broadcast_in_dim3A_1593 : vector<16xf32>
        %swap3A_1647 = arith.index_cast %scan3A_1590 : i32 to index
        %swap3A_1648 = arith.constant 112 : index
        %swap3A_1649 = tpu.vector_load %arg15[%swap3A_1647, %swap3A_1648] {strides = array<i32>} : memref<128x128xf32, #tpu.memory_space<vmem>>, vector<16xf32>,
        tpu.vector_store %arg15[%swap3A_1647, %swap3A_1648], %mul3A_1646 {strides = array<i32>} : memref<128x128xf32, #tpu.memory_space<vmem>>, vector<16xf32>,
      }
      %scan3A_1397 = arith.constant 128 : i32
      %run_scoped3A_1398 = arith.constant 6 : i32
      "tpu.region"() ({
        %run_scoped3A_1590 = tpu.sem_alloc : memref<!tpu.dma_semaphore, #tpu.memory_space<semaphore_mem>>
        %dma_start3A_1591 = arith.constant 0 : i32
        %dma_start3A_1592 = tpu.memref_slice %arg11[%run_scoped3A_1398, %dma_start3A_1591] : memref<8x128xi32, #tpu.memory_space<vmem>> -> memref<1x128xi32, #tpu.memory_space<vmem>>
        %dma_start3A_1593 = tpu.memref_squeeze %dma_start3A_1592 : memref<1x128xi32, #tpu.memory_space<vmem>> -> memref<128xi32, #tpu.memory_space<vmem>>
        %dma_start3A_1594 = arith.constant 0 : i32
        %dma_start3A_1595 = arith.constant 0 : i32
        %dma_start3A_1596 = tpu.memref_slice %arg17[%dma_start3A_1594, %dma_start3A_1595] : memref<10112x128xf32, #tpu.memory_space<vmem_shared>> -> memref<10112x128xf32, #tpu.memory_space<vmem_shared>>
        tpu.enqueue_indirect_dma source(%arg15 : memref<128x128xf32, #tpu.memory_space<vmem>>) target(%dma_start3A_1596 : memref<10112x128xf32, #tpu.memory_space<vmem_shared>>) offsets(%dma_start3A_1593 : memref<128xi32, #tpu.memory_space<vmem>>) semaphore(%run_scoped3A_1590 : memref<!tpu.dma_semaphore, #tpu.memory_space<semaphore_mem>>) {add = true}
        %dma_wait3A_1597 = arith.constant 0 : i32
        %dma_wait3A_1598 = tpu.memref_slice %arg11[%run_scoped3A_1398, %dma_wait3A_1597] : memref<8x128xi32, #tpu.memory_space<vmem>> -> memref<1x128xi32, #tpu.memory_space<vmem>>
        %dma_wait3A_1599 = tpu.memref_squeeze %dma_wait3A_1598 : memref<1x128xi32, #tpu.memory_space<vmem>> -> memref<128xi32, #tpu.memory_space<vmem>>
        %dma_wait3A_1600 = arith.constant 0 : i32
        %dma_wait3A_1601 = arith.constant 0 : i32
        %dma_wait3A_1602 = tpu.memref_slice %arg17[%dma_wait3A_1600, %dma_wait3A_1601] : memref<10112x128xf32, #tpu.memory_space<vmem_shared>> -> memref<10112x128xf32, #tpu.memory_space<vmem_shared>>
        tpu.wait_indirect_dma semaphore(%run_scoped3A_1590 : memref<!tpu.dma_semaphore, #tpu.memory_space<semaphore_mem>>) src(%arg15 : memref<128x128xf32, #tpu.memory_space<vmem>>) dst(%dma_wait3A_1602 : memref<10112x128xf32, #tpu.memory_space<vmem_shared>>)
        tpu.yield
      }) : () -> ()
      %run_scoped3A_1399 = arith.constant 6 : i32
      "tpu.region"() ({
        %run_scoped3A_1590 = tpu.sem_alloc : memref<!tpu.dma_semaphore, #tpu.memory_space<semaphore_mem>>
        %dma_start3A_1591 = arith.constant 0 : i32
        %dma_start3A_1592 = tpu.memref_slice %arg16[%dma_start3A_1591] : memref<144xf32, #tpu.memory_space<vmem>> -> memref<128xf32, #tpu.memory_space<vmem>>
        %dma_start3A_1593 = arith.constant 0 : i32
        %dma_start3A_1594 = tpu.memref_slice %arg11[%run_scoped3A_1399, %dma_start3A_1593] : memref<8x128xi32, #tpu.memory_space<vmem>> -> memref<1x128xi32, #tpu.memory_space<vmem>>
        %dma_start3A_1595 = tpu.memref_squeeze %dma_start3A_1594 : memref<1x128xi32, #tpu.memory_space<vmem>> -> memref<128xi32, #tpu.memory_space<vmem>>
        %dma_start3A_1596 = arith.constant 0 : i32
        %dma_start3A_1597 = tpu.memref_slice %arg18[%dma_start3A_1596] : memref<10112xf32, #tpu.memory_space<vmem_shared>> -> memref<10112xf32, #tpu.memory_space<vmem_shared>>
        tpu.enqueue_indirect_dma source(%dma_start3A_1592 : memref<128xf32, #tpu.memory_space<vmem>>) target(%dma_start3A_1597 : memref<10112xf32, #tpu.memory_space<vmem_shared>>) offsets(%dma_start3A_1595 : memref<128xi32, #tpu.memory_space<vmem>>) semaphore(%run_scoped3A_1590 : memref<!tpu.dma_semaphore, #tpu.memory_space<semaphore_mem>>) {add = true}
        %dma_wait3A_1598 = arith.constant 0 : i32
        %dma_wait3A_1599 = tpu.memref_slice %arg16[%dma_wait3A_1598] : memref<144xf32, #tpu.memory_space<vmem>> -> memref<128xf32, #tpu.memory_space<vmem>>
        %dma_wait3A_1600 = arith.constant 0 : i32
        %dma_wait3A_1601 = tpu.memref_slice %arg11[%run_scoped3A_1399, %dma_wait3A_1600] : memref<8x128xi32, #tpu.memory_space<vmem>> -> memref<1x128xi32, #tpu.memory_space<vmem>>
        %dma_wait3A_1602 = tpu.memref_squeeze %dma_wait3A_1601 : memref<1x128xi32, #tpu.memory_space<vmem>> -> memref<128xi32, #tpu.memory_space<vmem>>
        %dma_wait3A_1603 = arith.constant 0 : i32
        %dma_wait3A_1604 = tpu.memref_slice %arg18[%dma_wait3A_1603] : memref<10112xf32, #tpu.memory_space<vmem_shared>> -> memref<10112xf32, #tpu.memory_space<vmem_shared>>
        tpu.wait_indirect_dma semaphore(%run_scoped3A_1590 : memref<!tpu.dma_semaphore, #tpu.memory_space<semaphore_mem>>) src(%dma_wait3A_1599 : memref<128xf32, #tpu.memory_space<vmem>>) dst(%dma_wait3A_1604 : memref<10112xf32, #tpu.memory_space<vmem_shared>>)
        tpu.yield
      }) : () -> ()
      %dma_start3A_1400 = arith.constant 7 : i32
      %dma_start3A_1401 = arith.constant 0 : i32
      %dma_start3A_1402 = tpu.memref_slice %arg12[%dma_start3A_1400, %dma_start3A_1401] : memref<8x128xi32, #tpu.memory_space<vmem>> -> memref<1x128xi32, #tpu.memory_space<vmem>>
      %dma_start3A_1403 = tpu.memref_squeeze %dma_start3A_1402 : memref<1x128xi32, #tpu.memory_space<vmem>> -> memref<128xi32, #tpu.memory_space<vmem>>
      %dma_start3A_1404 = arith.constant 0 : i32
      %dma_start3A_1405 = arith.constant 0 : i32
      %dma_start3A_1406 = tpu.memref_slice %arg2[%dma_start3A_1404, %dma_start3A_1405] : memref<10000x128xf32, #tpu.memory_space<hbm>> -> memref<10000x128xf32, #tpu.memory_space<hbm>>
      tpu.enqueue_indirect_dma source(%dma_start3A_1406 : memref<10000x128xf32, #tpu.memory_space<hbm>>) target(%arg15 : memref<128x128xf32, #tpu.memory_space<vmem>>) offsets(%dma_start3A_1403 : memref<128xi32, #tpu.memory_space<vmem>>) semaphore(%arg19 : memref<!tpu.dma_semaphore, #tpu.memory_space<semaphore_mem>>)
      %dma_wait3A_1407 = arith.constant 7 : i32
      %dma_wait3A_1408 = arith.constant 0 : i32
      %dma_wait3A_1409 = tpu.memref_slice %arg12[%dma_wait3A_1407, %dma_wait3A_1408] : memref<8x128xi32, #tpu.memory_space<vmem>> -> memref<1x128xi32, #tpu.memory_space<vmem>>
      %dma_wait3A_1410 = tpu.memref_squeeze %dma_wait3A_1409 : memref<1x128xi32, #tpu.memory_space<vmem>> -> memref<128xi32, #tpu.memory_space<vmem>>
      %dma_wait3A_1411 = arith.constant 0 : i32
      %dma_wait3A_1412 = arith.constant 0 : i32
      %dma_wait3A_1413 = tpu.memref_slice %arg2[%dma_wait3A_1411, %dma_wait3A_1412] : memref<10000x128xf32, #tpu.memory_space<hbm>> -> memref<10000x128xf32, #tpu.memory_space<hbm>>
      tpu.wait_indirect_dma semaphore(%arg19 : memref<!tpu.dma_semaphore, #tpu.memory_space<semaphore_mem>>) src(%dma_wait3A_1413 : memref<10000x128xf32, #tpu.memory_space<hbm>>) dst(%arg15 : memref<128x128xf32, #tpu.memory_space<vmem>>)
      %get3A_1414 = arith.constant 7 : i32
      %get3A_1415 = arith.index_cast %get3A_1414 : i32 to index
      %get3A_1416 = arith.constant 0 : index
      %get3A_1417 = tpu.vector_load %arg11[%get3A_1415, %get3A_1416] {strides = array<i32>} : memref<8x128xi32, #tpu.memory_space<vmem>>, vector<16xi32>,
      %get3A_1418 = arith.constant 7 : i32
      %get3A_1419 = arith.index_cast %get3A_1418 : i32 to index
      %get3A_1420 = arith.constant 0 : index
      %get3A_1421 = tpu.vector_load %arg12[%get3A_1419, %get3A_1420] {strides = array<i32>} : memref<8x128xi32, #tpu.memory_space<vmem>>, vector<16xi32>,
      %gather3A_1422 = tpu.vector_load_idx %arg13[%get3A_1417] : memref<10112xf32, #tpu.memory_space<vmem>>[vector<16xi32>], vector<16xf32>,
      %gather3A_1423 = tpu.vector_load_idx %arg14[%get3A_1421] : memref<10112xf32, #tpu.memory_space<vmem>>[vector<16xi32>], vector<16xf32>,
      %add3A_1424 = arith.addf %gather3A_1422, %gather3A_1423 : vector<16xf32>
      %gt3A_1425 = arith.constant 0.000000e+00 : f32
      %gt3A_1426 = vector.broadcast %gt3A_1425 : f32 to vector<16xf32>
      %gt3A_1427 = arith.cmpf ogt, %add3A_1424, %gt3A_1426 : vector<16xf32>
      %mul3A_1428 = arith.constant 2.000000e-01 : f32
      %mul3A_1429 = vector.broadcast %mul3A_1428 : f32 to vector<16xf32>
      %mul3A_1430 = arith.mulf %mul3A_1429, %add3A_1424 : vector<16xf32>
      %select_n3A_1431 = arith.select %gt3A_1427, %add3A_1424, %mul3A_1430 : vector<16xi1>, vector<16xf32>
      %exp3A_1432 = math.exp %select_n3A_1431 : vector<16xf32>
      %swap3A_1433 = arith.constant 0 : index
      %swap3A_1434 = tpu.vector_load %arg16[%swap3A_1433] {strides = array<i32>} : memref<144xf32, #tpu.memory_space<vmem>>, vector<16xf32>,
      tpu.vector_store %arg16[%swap3A_1433], %exp3A_1432 {strides = array<i32>} : memref<144xf32, #tpu.memory_space<vmem>>, vector<16xf32>,
      %get3A_1435 = arith.constant 7 : i32
      %get3A_1436 = arith.index_cast %get3A_1435 : i32 to index
      %get3A_1437 = arith.constant 16 : index
      %get3A_1438 = tpu.vector_load %arg11[%get3A_1436, %get3A_1437] {strides = array<i32>} : memref<8x128xi32, #tpu.memory_space<vmem>>, vector<16xi32>,
      %get3A_1439 = arith.constant 7 : i32
      %get3A_1440 = arith.index_cast %get3A_1439 : i32 to index
      %get3A_1441 = arith.constant 16 : index
      %get3A_1442 = tpu.vector_load %arg12[%get3A_1440, %get3A_1441] {strides = array<i32>} : memref<8x128xi32, #tpu.memory_space<vmem>>, vector<16xi32>,
      %gather3A_1443 = tpu.vector_load_idx %arg13[%get3A_1438] : memref<10112xf32, #tpu.memory_space<vmem>>[vector<16xi32>], vector<16xf32>,
      %gather3A_1444 = tpu.vector_load_idx %arg14[%get3A_1442] : memref<10112xf32, #tpu.memory_space<vmem>>[vector<16xi32>], vector<16xf32>,
      %add3A_1445 = arith.addf %gather3A_1443, %gather3A_1444 : vector<16xf32>
      %gt3A_1446 = arith.constant 0.000000e+00 : f32
      %gt3A_1447 = vector.broadcast %gt3A_1446 : f32 to vector<16xf32>
      %gt3A_1448 = arith.cmpf ogt, %add3A_1445, %gt3A_1447 : vector<16xf32>
      %mul3A_1449 = arith.constant 2.000000e-01 : f32
      %mul3A_1450 = vector.broadcast %mul3A_1449 : f32 to vector<16xf32>
      %mul3A_1451 = arith.mulf %mul3A_1450, %add3A_1445 : vector<16xf32>
      %select_n3A_1452 = arith.select %gt3A_1448, %add3A_1445, %mul3A_1451 : vector<16xi1>, vector<16xf32>
      %exp3A_1453 = math.exp %select_n3A_1452 : vector<16xf32>
      %swap3A_1454 = arith.constant 16 : index
      %swap3A_1455 = tpu.vector_load %arg16[%swap3A_1454] {strides = array<i32>} : memref<144xf32, #tpu.memory_space<vmem>>, vector<16xf32>,
      tpu.vector_store %arg16[%swap3A_1454], %exp3A_1453 {strides = array<i32>} : memref<144xf32, #tpu.memory_space<vmem>>, vector<16xf32>,
      %get3A_1456 = arith.constant 7 : i32
      %get3A_1457 = arith.index_cast %get3A_1456 : i32 to index
      %get3A_1458 = arith.constant 32 : index
      %get3A_1459 = tpu.vector_load %arg11[%get3A_1457, %get3A_1458] {strides = array<i32>} : memref<8x128xi32, #tpu.memory_space<vmem>>, vector<16xi32>,
      %get3A_1460 = arith.constant 7 : i32
      %get3A_1461 = arith.index_cast %get3A_1460 : i32 to index
      %get3A_1462 = arith.constant 32 : index
      %get3A_1463 = tpu.vector_load %arg12[%get3A_1461, %get3A_1462] {strides = array<i32>} : memref<8x128xi32, #tpu.memory_space<vmem>>, vector<16xi32>,
      %gather3A_1464 = tpu.vector_load_idx %arg13[%get3A_1459] : memref<10112xf32, #tpu.memory_space<vmem>>[vector<16xi32>], vector<16xf32>,
      %gather3A_1465 = tpu.vector_load_idx %arg14[%get3A_1463] : memref<10112xf32, #tpu.memory_space<vmem>>[vector<16xi32>], vector<16xf32>,
      %add3A_1466 = arith.addf %gather3A_1464, %gather3A_1465 : vector<16xf32>
      %gt3A_1467 = arith.constant 0.000000e+00 : f32
      %gt3A_1468 = vector.broadcast %gt3A_1467 : f32 to vector<16xf32>
      %gt3A_1469 = arith.cmpf ogt, %add3A_1466, %gt3A_1468 : vector<16xf32>
      %mul3A_1470 = arith.constant 2.000000e-01 : f32
      %mul3A_1471 = vector.broadcast %mul3A_1470 : f32 to vector<16xf32>
      %mul3A_1472 = arith.mulf %mul3A_1471, %add3A_1466 : vector<16xf32>
      %select_n3A_1473 = arith.select %gt3A_1469, %add3A_1466, %mul3A_1472 : vector<16xi1>, vector<16xf32>
      %exp3A_1474 = math.exp %select_n3A_1473 : vector<16xf32>
      %swap3A_1475 = arith.constant 32 : index
      %swap3A_1476 = tpu.vector_load %arg16[%swap3A_1475] {strides = array<i32>} : memref<144xf32, #tpu.memory_space<vmem>>, vector<16xf32>,
      tpu.vector_store %arg16[%swap3A_1475], %exp3A_1474 {strides = array<i32>} : memref<144xf32, #tpu.memory_space<vmem>>, vector<16xf32>,
      %get3A_1477 = arith.constant 7 : i32
      %get3A_1478 = arith.index_cast %get3A_1477 : i32 to index
      %get3A_1479 = arith.constant 48 : index
      %get3A_1480 = tpu.vector_load %arg11[%get3A_1478, %get3A_1479] {strides = array<i32>} : memref<8x128xi32, #tpu.memory_space<vmem>>, vector<16xi32>,
      %get3A_1481 = arith.constant 7 : i32
      %get3A_1482 = arith.index_cast %get3A_1481 : i32 to index
      %get3A_1483 = arith.constant 48 : index
      %get3A_1484 = tpu.vector_load %arg12[%get3A_1482, %get3A_1483] {strides = array<i32>} : memref<8x128xi32, #tpu.memory_space<vmem>>, vector<16xi32>,
      %gather3A_1485 = tpu.vector_load_idx %arg13[%get3A_1480] : memref<10112xf32, #tpu.memory_space<vmem>>[vector<16xi32>], vector<16xf32>,
      %gather3A_1486 = tpu.vector_load_idx %arg14[%get3A_1484] : memref<10112xf32, #tpu.memory_space<vmem>>[vector<16xi32>], vector<16xf32>,
      %add3A_1487 = arith.addf %gather3A_1485, %gather3A_1486 : vector<16xf32>
      %gt3A_1488 = arith.constant 0.000000e+00 : f32
      %gt3A_1489 = vector.broadcast %gt3A_1488 : f32 to vector<16xf32>
      %gt3A_1490 = arith.cmpf ogt, %add3A_1487, %gt3A_1489 : vector<16xf32>
      %mul3A_1491 = arith.constant 2.000000e-01 : f32
      %mul3A_1492 = vector.broadcast %mul3A_1491 : f32 to vector<16xf32>
      %mul3A_1493 = arith.mulf %mul3A_1492, %add3A_1487 : vector<16xf32>
      %select_n3A_1494 = arith.select %gt3A_1490, %add3A_1487, %mul3A_1493 : vector<16xi1>, vector<16xf32>
      %exp3A_1495 = math.exp %select_n3A_1494 : vector<16xf32>
      %swap3A_1496 = arith.constant 48 : index
      %swap3A_1497 = tpu.vector_load %arg16[%swap3A_1496] {strides = array<i32>} : memref<144xf32, #tpu.memory_space<vmem>>, vector<16xf32>,
      tpu.vector_store %arg16[%swap3A_1496], %exp3A_1495 {strides = array<i32>} : memref<144xf32, #tpu.memory_space<vmem>>, vector<16xf32>,
      %get3A_1498 = arith.constant 7 : i32
      %get3A_1499 = arith.index_cast %get3A_1498 : i32 to index
      %get3A_1500 = arith.constant 64 : index
      %get3A_1501 = tpu.vector_load %arg11[%get3A_1499, %get3A_1500] {strides = array<i32>} : memref<8x128xi32, #tpu.memory_space<vmem>>, vector<16xi32>,
      %get3A_1502 = arith.constant 7 : i32
      %get3A_1503 = arith.index_cast %get3A_1502 : i32 to index
      %get3A_1504 = arith.constant 64 : index
      %get3A_1505 = tpu.vector_load %arg12[%get3A_1503, %get3A_1504] {strides = array<i32>} : memref<8x128xi32, #tpu.memory_space<vmem>>, vector<16xi32>,
      %gather3A_1506 = tpu.vector_load_idx %arg13[%get3A_1501] : memref<10112xf32, #tpu.memory_space<vmem>>[vector<16xi32>], vector<16xf32>,
      %gather3A_1507 = tpu.vector_load_idx %arg14[%get3A_1505] : memref<10112xf32, #tpu.memory_space<vmem>>[vector<16xi32>], vector<16xf32>,
      %add3A_1508 = arith.addf %gather3A_1506, %gather3A_1507 : vector<16xf32>
      %gt3A_1509 = arith.constant 0.000000e+00 : f32
      %gt3A_1510 = vector.broadcast %gt3A_1509 : f32 to vector<16xf32>
      %gt3A_1511 = arith.cmpf ogt, %add3A_1508, %gt3A_1510 : vector<16xf32>
      %mul3A_1512 = arith.constant 2.000000e-01 : f32
      %mul3A_1513 = vector.broadcast %mul3A_1512 : f32 to vector<16xf32>
      %mul3A_1514 = arith.mulf %mul3A_1513, %add3A_1508 : vector<16xf32>
      %select_n3A_1515 = arith.select %gt3A_1511, %add3A_1508, %mul3A_1514 : vector<16xi1>, vector<16xf32>
      %exp3A_1516 = math.exp %select_n3A_1515 : vector<16xf32>
      %swap3A_1517 = arith.constant 64 : index
      %swap3A_1518 = tpu.vector_load %arg16[%swap3A_1517] {strides = array<i32>} : memref<144xf32, #tpu.memory_space<vmem>>, vector<16xf32>,
      tpu.vector_store %arg16[%swap3A_1517], %exp3A_1516 {strides = array<i32>} : memref<144xf32, #tpu.memory_space<vmem>>, vector<16xf32>,
      %get3A_1519 = arith.constant 7 : i32
      %get3A_1520 = arith.index_cast %get3A_1519 : i32 to index
      %get3A_1521 = arith.constant 80 : index
      %get3A_1522 = tpu.vector_load %arg11[%get3A_1520, %get3A_1521] {strides = array<i32>} : memref<8x128xi32, #tpu.memory_space<vmem>>, vector<16xi32>,
      %get3A_1523 = arith.constant 7 : i32
      %get3A_1524 = arith.index_cast %get3A_1523 : i32 to index
      %get3A_1525 = arith.constant 80 : index
      %get3A_1526 = tpu.vector_load %arg12[%get3A_1524, %get3A_1525] {strides = array<i32>} : memref<8x128xi32, #tpu.memory_space<vmem>>, vector<16xi32>,
      %gather3A_1527 = tpu.vector_load_idx %arg13[%get3A_1522] : memref<10112xf32, #tpu.memory_space<vmem>>[vector<16xi32>], vector<16xf32>,
      %gather3A_1528 = tpu.vector_load_idx %arg14[%get3A_1526] : memref<10112xf32, #tpu.memory_space<vmem>>[vector<16xi32>], vector<16xf32>,
      %add3A_1529 = arith.addf %gather3A_1527, %gather3A_1528 : vector<16xf32>
      %gt3A_1530 = arith.constant 0.000000e+00 : f32
      %gt3A_1531 = vector.broadcast %gt3A_1530 : f32 to vector<16xf32>
      %gt3A_1532 = arith.cmpf ogt, %add3A_1529, %gt3A_1531 : vector<16xf32>
      %mul3A_1533 = arith.constant 2.000000e-01 : f32
      %mul3A_1534 = vector.broadcast %mul3A_1533 : f32 to vector<16xf32>
      %mul3A_1535 = arith.mulf %mul3A_1534, %add3A_1529 : vector<16xf32>
      %select_n3A_1536 = arith.select %gt3A_1532, %add3A_1529, %mul3A_1535 : vector<16xi1>, vector<16xf32>
      %exp3A_1537 = math.exp %select_n3A_1536 : vector<16xf32>
      %swap3A_1538 = arith.constant 80 : index
      %swap3A_1539 = tpu.vector_load %arg16[%swap3A_1538] {strides = array<i32>} : memref<144xf32, #tpu.memory_space<vmem>>, vector<16xf32>,
      tpu.vector_store %arg16[%swap3A_1538], %exp3A_1537 {strides = array<i32>} : memref<144xf32, #tpu.memory_space<vmem>>, vector<16xf32>,
      %get3A_1540 = arith.constant 7 : i32
      %get3A_1541 = arith.index_cast %get3A_1540 : i32 to index
      %get3A_1542 = arith.constant 96 : index
      %get3A_1543 = tpu.vector_load %arg11[%get3A_1541, %get3A_1542] {strides = array<i32>} : memref<8x128xi32, #tpu.memory_space<vmem>>, vector<16xi32>,
      %get3A_1544 = arith.constant 7 : i32
      %get3A_1545 = arith.index_cast %get3A_1544 : i32 to index
      %get3A_1546 = arith.constant 96 : index
      %get3A_1547 = tpu.vector_load %arg12[%get3A_1545, %get3A_1546] {strides = array<i32>} : memref<8x128xi32, #tpu.memory_space<vmem>>, vector<16xi32>,
      %gather3A_1548 = tpu.vector_load_idx %arg13[%get3A_1543] : memref<10112xf32, #tpu.memory_space<vmem>>[vector<16xi32>], vector<16xf32>,
      %gather3A_1549 = tpu.vector_load_idx %arg14[%get3A_1547] : memref<10112xf32, #tpu.memory_space<vmem>>[vector<16xi32>], vector<16xf32>,
      %add3A_1550 = arith.addf %gather3A_1548, %gather3A_1549 : vector<16xf32>
      %gt3A_1551 = arith.constant 0.000000e+00 : f32
      %gt3A_1552 = vector.broadcast %gt3A_1551 : f32 to vector<16xf32>
      %gt3A_1553 = arith.cmpf ogt, %add3A_1550, %gt3A_1552 : vector<16xf32>
      %mul3A_1554 = arith.constant 2.000000e-01 : f32
      %mul3A_1555 = vector.broadcast %mul3A_1554 : f32 to vector<16xf32>
      %mul3A_1556 = arith.mulf %mul3A_1555, %add3A_1550 : vector<16xf32>
      %select_n3A_1557 = arith.select %gt3A_1553, %add3A_1550, %mul3A_1556 : vector<16xi1>, vector<16xf32>
      %exp3A_1558 = math.exp %select_n3A_1557 : vector<16xf32>
      %swap3A_1559 = arith.constant 96 : index
      %swap3A_1560 = tpu.vector_load %arg16[%swap3A_1559] {strides = array<i32>} : memref<144xf32, #tpu.memory_space<vmem>>, vector<16xf32>,
      tpu.vector_store %arg16[%swap3A_1559], %exp3A_1558 {strides = array<i32>} : memref<144xf32, #tpu.memory_space<vmem>>, vector<16xf32>,
      %get3A_1561 = arith.constant 7 : i32
      %get3A_1562 = arith.index_cast %get3A_1561 : i32 to index
      %get3A_1563 = arith.constant 112 : index
      %get3A_1564 = tpu.vector_load %arg11[%get3A_1562, %get3A_1563] {strides = array<i32>} : memref<8x128xi32, #tpu.memory_space<vmem>>, vector<16xi32>,
      %get3A_1565 = arith.constant 7 : i32
      %get3A_1566 = arith.index_cast %get3A_1565 : i32 to index
      %get3A_1567 = arith.constant 112 : index
      %get3A_1568 = tpu.vector_load %arg12[%get3A_1566, %get3A_1567] {strides = array<i32>} : memref<8x128xi32, #tpu.memory_space<vmem>>, vector<16xi32>,
      %gather3A_1569 = tpu.vector_load_idx %arg13[%get3A_1564] : memref<10112xf32, #tpu.memory_space<vmem>>[vector<16xi32>], vector<16xf32>,
      %gather3A_1570 = tpu.vector_load_idx %arg14[%get3A_1568] : memref<10112xf32, #tpu.memory_space<vmem>>[vector<16xi32>], vector<16xf32>,
      %add3A_1571 = arith.addf %gather3A_1569, %gather3A_1570 : vector<16xf32>
      %gt3A_1572 = arith.constant 0.000000e+00 : f32
      %gt3A_1573 = vector.broadcast %gt3A_1572 : f32 to vector<16xf32>
      %gt3A_1574 = arith.cmpf ogt, %add3A_1571, %gt3A_1573 : vector<16xf32>
      %mul3A_1575 = arith.constant 2.000000e-01 : f32
      %mul3A_1576 = vector.broadcast %mul3A_1575 : f32 to vector<16xf32>
      %mul3A_1577 = arith.mulf %mul3A_1576, %add3A_1571 : vector<16xf32>
      %select_n3A_1578 = arith.select %gt3A_1574, %add3A_1571, %mul3A_1577 : vector<16xi1>, vector<16xf32>
      %exp3A_1579 = math.exp %select_n3A_1578 : vector<16xf32>
      %swap3A_1580 = arith.constant 112 : index
      %swap3A_1581 = tpu.vector_load %arg16[%swap3A_1580] {strides = array<i32>} : memref<144xf32, #tpu.memory_space<vmem>>, vector<16xf32>,
      tpu.vector_store %arg16[%swap3A_1580], %exp3A_1579 {strides = array<i32>} : memref<144xf32, #tpu.memory_space<vmem>>, vector<16xf32>,
      %scan3A_1582 = arith.constant 0 : i32
      %scan3A_1583 = arith.constant 0 : i32
      %scan3A_1584 = arith.constant 128 : i32
      %scan3A_1585 = arith.addi %scan3A_1583, %scan3A_1584 : i32
      %scan3A_1586 = arith.constant 1 : i32
      scf.for %scan3A_1590 = %scan3A_1583 to %scan3A_1585 step %scan3A_1586  : i32 {
        %get3A_1591 = arith.index_cast %scan3A_1590 : i32 to index
        %get3A_1592 = tpu.vector_load %arg16[%get3A_1591] {strides = array<i32>} : memref<144xf32, #tpu.memory_space<vmem>>, vector<16xf32>,
        %slice3A = vector.extract_strided_slice %get3A_1592 {offsets = [0], sizes = [1], strides = [1]} : vector<16xf32> to vector<1xf32>
        %squeeze3A = vector.extract %slice3A[0] : f32 from vector<1xf32>
        %broadcast_in_dim3A_1593 = vector.broadcast %squeeze3A : f32 to vector<16xf32>
        %get3A_1594 = arith.index_cast %scan3A_1590 : i32 to index
        %get3A_1595 = arith.constant 0 : index
        %get3A_1596 = tpu.vector_load %arg15[%get3A_1594, %get3A_1595] {strides = array<i32>} : memref<128x128xf32, #tpu.memory_space<vmem>>, vector<16xf32>,
        %mul3A_1597 = arith.mulf %get3A_1596, %broadcast_in_dim3A_1593 : vector<16xf32>
        %swap3A_1598 = arith.index_cast %scan3A_1590 : i32 to index
        %swap3A_1599 = arith.constant 0 : index
        %swap3A_1600 = tpu.vector_load %arg15[%swap3A_1598, %swap3A_1599] {strides = array<i32>} : memref<128x128xf32, #tpu.memory_space<vmem>>, vector<16xf32>,
        tpu.vector_store %arg15[%swap3A_1598, %swap3A_1599], %mul3A_1597 {strides = array<i32>} : memref<128x128xf32, #tpu.memory_space<vmem>>, vector<16xf32>,
        %get3A_1601 = arith.index_cast %scan3A_1590 : i32 to index
        %get3A_1602 = arith.constant 16 : index
        %get3A_1603 = tpu.vector_load %arg15[%get3A_1601, %get3A_1602] {strides = array<i32>} : memref<128x128xf32, #tpu.memory_space<vmem>>, vector<16xf32>,
        %mul3A_1604 = arith.mulf %get3A_1603, %broadcast_in_dim3A_1593 : vector<16xf32>
        %swap3A_1605 = arith.index_cast %scan3A_1590 : i32 to index
        %swap3A_1606 = arith.constant 16 : index
        %swap3A_1607 = tpu.vector_load %arg15[%swap3A_1605, %swap3A_1606] {strides = array<i32>} : memref<128x128xf32, #tpu.memory_space<vmem>>, vector<16xf32>,
        tpu.vector_store %arg15[%swap3A_1605, %swap3A_1606], %mul3A_1604 {strides = array<i32>} : memref<128x128xf32, #tpu.memory_space<vmem>>, vector<16xf32>,
        %get3A_1608 = arith.index_cast %scan3A_1590 : i32 to index
        %get3A_1609 = arith.constant 32 : index
        %get3A_1610 = tpu.vector_load %arg15[%get3A_1608, %get3A_1609] {strides = array<i32>} : memref<128x128xf32, #tpu.memory_space<vmem>>, vector<16xf32>,
        %mul3A_1611 = arith.mulf %get3A_1610, %broadcast_in_dim3A_1593 : vector<16xf32>
        %swap3A_1612 = arith.index_cast %scan3A_1590 : i32 to index
        %swap3A_1613 = arith.constant 32 : index
        %swap3A_1614 = tpu.vector_load %arg15[%swap3A_1612, %swap3A_1613] {strides = array<i32>} : memref<128x128xf32, #tpu.memory_space<vmem>>, vector<16xf32>,
        tpu.vector_store %arg15[%swap3A_1612, %swap3A_1613], %mul3A_1611 {strides = array<i32>} : memref<128x128xf32, #tpu.memory_space<vmem>>, vector<16xf32>,
        %get3A_1615 = arith.index_cast %scan3A_1590 : i32 to index
        %get3A_1616 = arith.constant 48 : index
        %get3A_1617 = tpu.vector_load %arg15[%get3A_1615, %get3A_1616] {strides = array<i32>} : memref<128x128xf32, #tpu.memory_space<vmem>>, vector<16xf32>,
        %mul3A_1618 = arith.mulf %get3A_1617, %broadcast_in_dim3A_1593 : vector<16xf32>
        %swap3A_1619 = arith.index_cast %scan3A_1590 : i32 to index
        %swap3A_1620 = arith.constant 48 : index
        %swap3A_1621 = tpu.vector_load %arg15[%swap3A_1619, %swap3A_1620] {strides = array<i32>} : memref<128x128xf32, #tpu.memory_space<vmem>>, vector<16xf32>,
        tpu.vector_store %arg15[%swap3A_1619, %swap3A_1620], %mul3A_1618 {strides = array<i32>} : memref<128x128xf32, #tpu.memory_space<vmem>>, vector<16xf32>,
        %get3A_1622 = arith.index_cast %scan3A_1590 : i32 to index
        %get3A_1623 = arith.constant 64 : index
        %get3A_1624 = tpu.vector_load %arg15[%get3A_1622, %get3A_1623] {strides = array<i32>} : memref<128x128xf32, #tpu.memory_space<vmem>>, vector<16xf32>,
        %mul3A_1625 = arith.mulf %get3A_1624, %broadcast_in_dim3A_1593 : vector<16xf32>
        %swap3A_1626 = arith.index_cast %scan3A_1590 : i32 to index
        %swap3A_1627 = arith.constant 64 : index
        %swap3A_1628 = tpu.vector_load %arg15[%swap3A_1626, %swap3A_1627] {strides = array<i32>} : memref<128x128xf32, #tpu.memory_space<vmem>>, vector<16xf32>,
        tpu.vector_store %arg15[%swap3A_1626, %swap3A_1627], %mul3A_1625 {strides = array<i32>} : memref<128x128xf32, #tpu.memory_space<vmem>>, vector<16xf32>,
        %get3A_1629 = arith.index_cast %scan3A_1590 : i32 to index
        %get3A_1630 = arith.constant 80 : index
        %get3A_1631 = tpu.vector_load %arg15[%get3A_1629, %get3A_1630] {strides = array<i32>} : memref<128x128xf32, #tpu.memory_space<vmem>>, vector<16xf32>,
        %mul3A_1632 = arith.mulf %get3A_1631, %broadcast_in_dim3A_1593 : vector<16xf32>
        %swap3A_1633 = arith.index_cast %scan3A_1590 : i32 to index
        %swap3A_1634 = arith.constant 80 : index
        %swap3A_1635 = tpu.vector_load %arg15[%swap3A_1633, %swap3A_1634] {strides = array<i32>} : memref<128x128xf32, #tpu.memory_space<vmem>>, vector<16xf32>,
        tpu.vector_store %arg15[%swap3A_1633, %swap3A_1634], %mul3A_1632 {strides = array<i32>} : memref<128x128xf32, #tpu.memory_space<vmem>>, vector<16xf32>,
        %get3A_1636 = arith.index_cast %scan3A_1590 : i32 to index
        %get3A_1637 = arith.constant 96 : index
        %get3A_1638 = tpu.vector_load %arg15[%get3A_1636, %get3A_1637] {strides = array<i32>} : memref<128x128xf32, #tpu.memory_space<vmem>>, vector<16xf32>,
        %mul3A_1639 = arith.mulf %get3A_1638, %broadcast_in_dim3A_1593 : vector<16xf32>
        %swap3A_1640 = arith.index_cast %scan3A_1590 : i32 to index
        %swap3A_1641 = arith.constant 96 : index
        %swap3A_1642 = tpu.vector_load %arg15[%swap3A_1640, %swap3A_1641] {strides = array<i32>} : memref<128x128xf32, #tpu.memory_space<vmem>>, vector<16xf32>,
        tpu.vector_store %arg15[%swap3A_1640, %swap3A_1641], %mul3A_1639 {strides = array<i32>} : memref<128x128xf32, #tpu.memory_space<vmem>>, vector<16xf32>,
        %get3A_1643 = arith.index_cast %scan3A_1590 : i32 to index
        %get3A_1644 = arith.constant 112 : index
        %get3A_1645 = tpu.vector_load %arg15[%get3A_1643, %get3A_1644] {strides = array<i32>} : memref<128x128xf32, #tpu.memory_space<vmem>>, vector<16xf32>,
        %mul3A_1646 = arith.mulf %get3A_1645, %broadcast_in_dim3A_1593 : vector<16xf32>
        %swap3A_1647 = arith.index_cast %scan3A_1590 : i32 to index
        %swap3A_1648 = arith.constant 112 : index
        %swap3A_1649 = tpu.vector_load %arg15[%swap3A_1647, %swap3A_1648] {strides = array<i32>} : memref<128x128xf32, #tpu.memory_space<vmem>>, vector<16xf32>,
        tpu.vector_store %arg15[%swap3A_1647, %swap3A_1648], %mul3A_1646 {strides = array<i32>} : memref<128x128xf32, #tpu.memory_space<vmem>>, vector<16xf32>,
      }
      %scan3A_1587 = arith.constant 128 : i32
      %run_scoped3A_1588 = arith.constant 7 : i32
      "tpu.region"() ({
        %run_scoped3A_1590 = tpu.sem_alloc : memref<!tpu.dma_semaphore, #tpu.memory_space<semaphore_mem>>
        %dma_start3A_1591 = arith.constant 0 : i32
        %dma_start3A_1592 = tpu.memref_slice %arg11[%run_scoped3A_1588, %dma_start3A_1591] : memref<8x128xi32, #tpu.memory_space<vmem>> -> memref<1x128xi32, #tpu.memory_space<vmem>>
        %dma_start3A_1593 = tpu.memref_squeeze %dma_start3A_1592 : memref<1x128xi32, #tpu.memory_space<vmem>> -> memref<128xi32, #tpu.memory_space<vmem>>
        %dma_start3A_1594 = arith.constant 0 : i32
        %dma_start3A_1595 = arith.constant 0 : i32
        %dma_start3A_1596 = tpu.memref_slice %arg17[%dma_start3A_1594, %dma_start3A_1595] : memref<10112x128xf32, #tpu.memory_space<vmem_shared>> -> memref<10112x128xf32, #tpu.memory_space<vmem_shared>>
        tpu.enqueue_indirect_dma source(%arg15 : memref<128x128xf32, #tpu.memory_space<vmem>>) target(%dma_start3A_1596 : memref<10112x128xf32, #tpu.memory_space<vmem_shared>>) offsets(%dma_start3A_1593 : memref<128xi32, #tpu.memory_space<vmem>>) semaphore(%run_scoped3A_1590 : memref<!tpu.dma_semaphore, #tpu.memory_space<semaphore_mem>>) {add = true}
        %dma_wait3A_1597 = arith.constant 0 : i32
        %dma_wait3A_1598 = tpu.memref_slice %arg11[%run_scoped3A_1588, %dma_wait3A_1597] : memref<8x128xi32, #tpu.memory_space<vmem>> -> memref<1x128xi32, #tpu.memory_space<vmem>>
        %dma_wait3A_1599 = tpu.memref_squeeze %dma_wait3A_1598 : memref<1x128xi32, #tpu.memory_space<vmem>> -> memref<128xi32, #tpu.memory_space<vmem>>
        %dma_wait3A_1600 = arith.constant 0 : i32
        %dma_wait3A_1601 = arith.constant 0 : i32
        %dma_wait3A_1602 = tpu.memref_slice %arg17[%dma_wait3A_1600, %dma_wait3A_1601] : memref<10112x128xf32, #tpu.memory_space<vmem_shared>> -> memref<10112x128xf32, #tpu.memory_space<vmem_shared>>
        tpu.wait_indirect_dma semaphore(%run_scoped3A_1590 : memref<!tpu.dma_semaphore, #tpu.memory_space<semaphore_mem>>) src(%arg15 : memref<128x128xf32, #tpu.memory_space<vmem>>) dst(%dma_wait3A_1602 : memref<10112x128xf32, #tpu.memory_space<vmem_shared>>)
        tpu.yield
      }) : () -> ()
      %run_scoped3A_1589 = arith.constant 7 : i32
      "tpu.region"() ({
        %run_scoped3A_1590 = tpu.sem_alloc : memref<!tpu.dma_semaphore, #tpu.memory_space<semaphore_mem>>
        %dma_start3A_1591 = arith.constant 0 : i32
        %dma_start3A_1592 = tpu.memref_slice %arg16[%dma_start3A_1591] : memref<144xf32, #tpu.memory_space<vmem>> -> memref<128xf32, #tpu.memory_space<vmem>>
        %dma_start3A_1593 = arith.constant 0 : i32
        %dma_start3A_1594 = tpu.memref_slice %arg11[%run_scoped3A_1589, %dma_start3A_1593] : memref<8x128xi32, #tpu.memory_space<vmem>> -> memref<1x128xi32, #tpu.memory_space<vmem>>
        %dma_start3A_1595 = tpu.memref_squeeze %dma_start3A_1594 : memref<1x128xi32, #tpu.memory_space<vmem>> -> memref<128xi32, #tpu.memory_space<vmem>>
        %dma_start3A_1596 = arith.constant 0 : i32
        %dma_start3A_1597 = tpu.memref_slice %arg18[%dma_start3A_1596] : memref<10112xf32, #tpu.memory_space<vmem_shared>> -> memref<10112xf32, #tpu.memory_space<vmem_shared>>
        tpu.enqueue_indirect_dma source(%dma_start3A_1592 : memref<128xf32, #tpu.memory_space<vmem>>) target(%dma_start3A_1597 : memref<10112xf32, #tpu.memory_space<vmem_shared>>) offsets(%dma_start3A_1595 : memref<128xi32, #tpu.memory_space<vmem>>) semaphore(%run_scoped3A_1590 : memref<!tpu.dma_semaphore, #tpu.memory_space<semaphore_mem>>) {add = true}
        %dma_wait3A_1598 = arith.constant 0 : i32
        %dma_wait3A_1599 = tpu.memref_slice %arg16[%dma_wait3A_1598] : memref<144xf32, #tpu.memory_space<vmem>> -> memref<128xf32, #tpu.memory_space<vmem>>
        %dma_wait3A_1600 = arith.constant 0 : i32
        %dma_wait3A_1601 = tpu.memref_slice %arg11[%run_scoped3A_1589, %dma_wait3A_1600] : memref<8x128xi32, #tpu.memory_space<vmem>> -> memref<1x128xi32, #tpu.memory_space<vmem>>
        %dma_wait3A_1602 = tpu.memref_squeeze %dma_wait3A_1601 : memref<1x128xi32, #tpu.memory_space<vmem>> -> memref<128xi32, #tpu.memory_space<vmem>>
        %dma_wait3A_1603 = arith.constant 0 : i32
        %dma_wait3A_1604 = tpu.memref_slice %arg18[%dma_wait3A_1603] : memref<10112xf32, #tpu.memory_space<vmem_shared>> -> memref<10112xf32, #tpu.memory_space<vmem_shared>>
        tpu.wait_indirect_dma semaphore(%run_scoped3A_1590 : memref<!tpu.dma_semaphore, #tpu.memory_space<semaphore_mem>>) src(%dma_wait3A_1599 : memref<128xf32, #tpu.memory_space<vmem>>) dst(%dma_wait3A_1604 : memref<10112xf32, #tpu.memory_space<vmem_shared>>)
        tpu.yield
      }) : () -> ()
    }
    %scan3A_64 = arith.constant 10 : i32
    %barrier3A_65 = arith.constant 0 : index
    tpu.barrier barrier_id(%barrier3A_65)
    %eq3A = arith.constant 0 : i32
    %eq3A_66 = arith.cmpi eq, %arg0, %eq3A : i32
    %convert_element_type3A = arith.extui %eq3A_66 : i1 to i32
    %cond3A = arith.constant 0 : i32
    %cond3A_67 = arith.cmpi ne, %convert_element_type3A, %cond3A : i32
    scf.if %cond3A_67 {
      %add3A_73 = arith.constant 0 : i32
      %add3A_74 = arith.addi %mul3A_39, %add3A_73 : i32
      %add3A_75 = arith.constant 0 : i32
      %add3A_76 = arith.addi %mul3A_39, %add3A_75 : i32
      "tpu.region"() ({
        %run_scoped3A = tpu.sem_alloc : memref<!tpu.dma_semaphore, #tpu.memory_space<semaphore_mem>>
        %dma_start3A = arith.constant 0 : i32
        %dma_start3A_113 = tpu.memref_slice %arg7[%add3A_76, %dma_start3A] : memref<10112x128xf32, #tpu.memory_space<hbm>> -> memref<128x128xf32, #tpu.memory_space<hbm>>
        %dma_start3A_114 = arith.constant 0 : i32
        %dma_start3A_115 = tpu.memref_slice %arg17[%add3A_74, %dma_start3A_114] : memref<10112x128xf32, #tpu.memory_space<vmem_shared>> -> memref<128x128xf32, #tpu.memory_space<vmem_shared>>
        tpu.enqueue_dma source(%dma_start3A_115 : memref<128x128xf32, #tpu.memory_space<vmem_shared>>) target(%dma_start3A_113 : memref<128x128xf32, #tpu.memory_space<hbm>>) target_semaphore(%run_scoped3A : memref<!tpu.dma_semaphore, #tpu.memory_space<semaphore_mem>>)
        %dma_wait3A = arith.constant 0 : i32
        %dma_wait3A_116 = tpu.memref_slice %arg7[%add3A_76, %dma_wait3A] : memref<10112x128xf32, #tpu.memory_space<hbm>> -> memref<128x128xf32, #tpu.memory_space<hbm>>
        %dma_wait3A_117 = arith.constant 0 : i32
        %dma_wait3A_118 = tpu.memref_slice %arg17[%add3A_74, %dma_wait3A_117] : memref<10112x128xf32, #tpu.memory_space<vmem_shared>> -> memref<128x128xf32, #tpu.memory_space<vmem_shared>>
        tpu.wait_dma2 semaphore(%run_scoped3A : memref<!tpu.dma_semaphore, #tpu.memory_space<semaphore_mem>>) src(%dma_wait3A_118 : memref<128x128xf32, #tpu.memory_space<vmem_shared>>) dst(%dma_wait3A_116 : memref<128x128xf32, #tpu.memory_space<hbm>>)
        tpu.yield
      }) : () -> ()
      %add3A_77 = arith.constant 0 : i32
      %add3A_78 = arith.addi %mul3A_39, %add3A_77 : i32
      "tpu.region"() ({
        %run_scoped3A = tpu.sem_alloc : memref<!tpu.dma_semaphore, #tpu.memory_space<semaphore_mem>>
        %dma_start3A = arith.constant 0 : i32
        %dma_start3A_113 = tpu.memref_slice %arg16[%dma_start3A] : memref<144xf32, #tpu.memory_space<vmem>> -> memref<128xf32, #tpu.memory_space<vmem>>
        %dma_start3A_114 = tpu.memref_slice %arg18[%add3A_78] : memref<10112xf32, #tpu.memory_space<vmem_shared>> -> memref<128xf32, #tpu.memory_space<vmem_shared>>
        %dma_start3A_115 = arith.constant 0 : i32
        %dma_start3A_116 = tpu.memref_slice %arg16[%dma_start3A_115] : memref<144xf32, #tpu.memory_space<vmem>> -> memref<128xf32, #tpu.memory_space<vmem>>
        %dma_start3A_117 = tpu.memref_slice %arg18[%add3A_78] : memref<10112xf32, #tpu.memory_space<vmem_shared>> -> memref<128xf32, #tpu.memory_space<vmem_shared>>
        tpu.enqueue_dma source(%dma_start3A_117 : memref<128xf32, #tpu.memory_space<vmem_shared>>) target(%dma_start3A_116 : memref<128xf32, #tpu.memory_space<vmem>>) target_semaphore(%run_scoped3A : memref<!tpu.dma_semaphore, #tpu.memory_space<semaphore_mem>>)
        %dma_wait3A = arith.constant 0 : i32
        %dma_wait3A_118 = tpu.memref_slice %arg16[%dma_wait3A] : memref<144xf32, #tpu.memory_space<vmem>> -> memref<128xf32, #tpu.memory_space<vmem>>
        %dma_wait3A_119 = tpu.memref_slice %arg18[%add3A_78] : memref<10112xf32, #tpu.memory_space<vmem_shared>> -> memref<128xf32, #tpu.memory_space<vmem_shared>>
        %dma_wait3A_120 = arith.constant 0 : i32
        %dma_wait3A_121 = tpu.memref_slice %arg16[%dma_wait3A_120] : memref<144xf32, #tpu.memory_space<vmem>> -> memref<128xf32, #tpu.memory_space<vmem>>
        %dma_wait3A_122 = tpu.memref_slice %arg18[%add3A_78] : memref<10112xf32, #tpu.memory_space<vmem_shared>> -> memref<128xf32, #tpu.memory_space<vmem_shared>>
        tpu.wait_dma2 semaphore(%run_scoped3A : memref<!tpu.dma_semaphore, #tpu.memory_space<semaphore_mem>>) src(%dma_wait3A_122 : memref<128xf32, #tpu.memory_space<vmem_shared>>) dst(%dma_wait3A_121 : memref<128xf32, #tpu.memory_space<vmem>>)
        tpu.yield
      }) : () -> ()
      %add3A_79 = arith.constant 0 : i32
      %add3A_80 = arith.addi %mul3A_39, %add3A_79 : i32
      "tpu.region"() ({
        %run_scoped3A = tpu.sem_alloc : memref<!tpu.dma_semaphore, #tpu.memory_space<semaphore_mem>>
        %dma_start3A = arith.constant 0 : i32
        %dma_start3A_113 = tpu.memref_slice %arg16[%dma_start3A] : memref<144xf32, #tpu.memory_space<vmem>> -> memref<128xf32, #tpu.memory_space<vmem>>
        %dma_start3A_114 = tpu.memref_slice %arg9[%add3A_80] : memref<10112xf32, #tpu.memory_space<hbm>> -> memref<128xf32, #tpu.memory_space<hbm>>
        %dma_start3A_115 = tpu.memref_slice %arg9[%add3A_80] : memref<10112xf32, #tpu.memory_space<hbm>> -> memref<128xf32, #tpu.memory_space<hbm>>
        %dma_start3A_116 = arith.constant 0 : i32
        %dma_start3A_117 = tpu.memref_slice %arg16[%dma_start3A_116] : memref<144xf32, #tpu.memory_space<vmem>> -> memref<128xf32, #tpu.memory_space<vmem>>
        tpu.enqueue_dma source(%dma_start3A_117 : memref<128xf32, #tpu.memory_space<vmem>>) target(%dma_start3A_115 : memref<128xf32, #tpu.memory_space<hbm>>) target_semaphore(%run_scoped3A : memref<!tpu.dma_semaphore, #tpu.memory_space<semaphore_mem>>)
        %dma_wait3A = arith.constant 0 : i32
        %dma_wait3A_118 = tpu.memref_slice %arg16[%dma_wait3A] : memref<144xf32, #tpu.memory_space<vmem>> -> memref<128xf32, #tpu.memory_space<vmem>>
        %dma_wait3A_119 = tpu.memref_slice %arg9[%add3A_80] : memref<10112xf32, #tpu.memory_space<hbm>> -> memref<128xf32, #tpu.memory_space<hbm>>
        %dma_wait3A_120 = tpu.memref_slice %arg9[%add3A_80] : memref<10112xf32, #tpu.memory_space<hbm>> -> memref<128xf32, #tpu.memory_space<hbm>>
        %dma_wait3A_121 = arith.constant 0 : i32
        %dma_wait3A_122 = tpu.memref_slice %arg16[%dma_wait3A_121] : memref<144xf32, #tpu.memory_space<vmem>> -> memref<128xf32, #tpu.memory_space<vmem>>
        tpu.wait_dma2 semaphore(%run_scoped3A : memref<!tpu.dma_semaphore, #tpu.memory_space<semaphore_mem>>) src(%dma_wait3A_122 : memref<128xf32, #tpu.memory_space<vmem>>) dst(%dma_wait3A_120 : memref<128xf32, #tpu.memory_space<hbm>>)
        tpu.yield
      }) : () -> ()
      %add3A_81 = arith.constant 128 : i32
      %add3A_82 = arith.addi %mul3A_39, %add3A_81 : i32
      %add3A_83 = arith.constant 128 : i32
      %add3A_84 = arith.addi %mul3A_39, %add3A_83 : i32
      "tpu.region"() ({
        %run_scoped3A = tpu.sem_alloc : memref<!tpu.dma_semaphore, #tpu.memory_space<semaphore_mem>>
        %dma_start3A = arith.constant 0 : i32
        %dma_start3A_113 = tpu.memref_slice %arg7[%add3A_84, %dma_start3A] : memref<10112x128xf32, #tpu.memory_space<hbm>> -> memref<128x128xf32, #tpu.memory_space<hbm>>
        %dma_start3A_114 = arith.constant 0 : i32
        %dma_start3A_115 = tpu.memref_slice %arg17[%add3A_82, %dma_start3A_114] : memref<10112x128xf32, #tpu.memory_space<vmem_shared>> -> memref<128x128xf32, #tpu.memory_space<vmem_shared>>
        tpu.enqueue_dma source(%dma_start3A_115 : memref<128x128xf32, #tpu.memory_space<vmem_shared>>) target(%dma_start3A_113 : memref<128x128xf32, #tpu.memory_space<hbm>>) target_semaphore(%run_scoped3A : memref<!tpu.dma_semaphore, #tpu.memory_space<semaphore_mem>>)
        %dma_wait3A = arith.constant 0 : i32
        %dma_wait3A_116 = tpu.memref_slice %arg7[%add3A_84, %dma_wait3A] : memref<10112x128xf32, #tpu.memory_space<hbm>> -> memref<128x128xf32, #tpu.memory_space<hbm>>
        %dma_wait3A_117 = arith.constant 0 : i32
        %dma_wait3A_118 = tpu.memref_slice %arg17[%add3A_82, %dma_wait3A_117] : memref<10112x128xf32, #tpu.memory_space<vmem_shared>> -> memref<128x128xf32, #tpu.memory_space<vmem_shared>>
        tpu.wait_dma2 semaphore(%run_scoped3A : memref<!tpu.dma_semaphore, #tpu.memory_space<semaphore_mem>>) src(%dma_wait3A_118 : memref<128x128xf32, #tpu.memory_space<vmem_shared>>) dst(%dma_wait3A_116 : memref<128x128xf32, #tpu.memory_space<hbm>>)
        tpu.yield
      }) : () -> ()
      %add3A_85 = arith.constant 128 : i32
      %add3A_86 = arith.addi %mul3A_39, %add3A_85 : i32
      "tpu.region"() ({
        %run_scoped3A = tpu.sem_alloc : memref<!tpu.dma_semaphore, #tpu.memory_space<semaphore_mem>>
        %dma_start3A = arith.constant 0 : i32
        %dma_start3A_113 = tpu.memref_slice %arg16[%dma_start3A] : memref<144xf32, #tpu.memory_space<vmem>> -> memref<128xf32, #tpu.memory_space<vmem>>
        %dma_start3A_114 = tpu.memref_slice %arg18[%add3A_86] : memref<10112xf32, #tpu.memory_space<vmem_shared>> -> memref<128xf32, #tpu.memory_space<vmem_shared>>
        %dma_start3A_115 = arith.constant 0 : i32
        %dma_start3A_116 = tpu.memref_slice %arg16[%dma_start3A_115] : memref<144xf32, #tpu.memory_space<vmem>> -> memref<128xf32, #tpu.memory_space<vmem>>
        %dma_start3A_117 = tpu.memref_slice %arg18[%add3A_86] : memref<10112xf32, #tpu.memory_space<vmem_shared>> -> memref<128xf32, #tpu.memory_space<vmem_shared>>
        tpu.enqueue_dma source(%dma_start3A_117 : memref<128xf32, #tpu.memory_space<vmem_shared>>) target(%dma_start3A_116 : memref<128xf32, #tpu.memory_space<vmem>>) target_semaphore(%run_scoped3A : memref<!tpu.dma_semaphore, #tpu.memory_space<semaphore_mem>>)
        %dma_wait3A = arith.constant 0 : i32
        %dma_wait3A_118 = tpu.memref_slice %arg16[%dma_wait3A] : memref<144xf32, #tpu.memory_space<vmem>> -> memref<128xf32, #tpu.memory_space<vmem>>
        %dma_wait3A_119 = tpu.memref_slice %arg18[%add3A_86] : memref<10112xf32, #tpu.memory_space<vmem_shared>> -> memref<128xf32, #tpu.memory_space<vmem_shared>>
        %dma_wait3A_120 = arith.constant 0 : i32
        %dma_wait3A_121 = tpu.memref_slice %arg16[%dma_wait3A_120] : memref<144xf32, #tpu.memory_space<vmem>> -> memref<128xf32, #tpu.memory_space<vmem>>
        %dma_wait3A_122 = tpu.memref_slice %arg18[%add3A_86] : memref<10112xf32, #tpu.memory_space<vmem_shared>> -> memref<128xf32, #tpu.memory_space<vmem_shared>>
        tpu.wait_dma2 semaphore(%run_scoped3A : memref<!tpu.dma_semaphore, #tpu.memory_space<semaphore_mem>>) src(%dma_wait3A_122 : memref<128xf32, #tpu.memory_space<vmem_shared>>) dst(%dma_wait3A_121 : memref<128xf32, #tpu.memory_space<vmem>>)
        tpu.yield
      }) : () -> ()
      %add3A_87 = arith.constant 128 : i32
      %add3A_88 = arith.addi %mul3A_39, %add3A_87 : i32
      "tpu.region"() ({
        %run_scoped3A = tpu.sem_alloc : memref<!tpu.dma_semaphore, #tpu.memory_space<semaphore_mem>>
        %dma_start3A = arith.constant 0 : i32
        %dma_start3A_113 = tpu.memref_slice %arg16[%dma_start3A] : memref<144xf32, #tpu.memory_space<vmem>> -> memref<128xf32, #tpu.memory_space<vmem>>
        %dma_start3A_114 = tpu.memref_slice %arg9[%add3A_88] : memref<10112xf32, #tpu.memory_space<hbm>> -> memref<128xf32, #tpu.memory_space<hbm>>
        %dma_start3A_115 = tpu.memref_slice %arg9[%add3A_88] : memref<10112xf32, #tpu.memory_space<hbm>> -> memref<128xf32, #tpu.memory_space<hbm>>
        %dma_start3A_116 = arith.constant 0 : i32
        %dma_start3A_117 = tpu.memref_slice %arg16[%dma_start3A_116] : memref<144xf32, #tpu.memory_space<vmem>> -> memref<128xf32, #tpu.memory_space<vmem>>
        tpu.enqueue_dma source(%dma_start3A_117 : memref<128xf32, #tpu.memory_space<vmem>>) target(%dma_start3A_115 : memref<128xf32, #tpu.memory_space<hbm>>) target_semaphore(%run_scoped3A : memref<!tpu.dma_semaphore, #tpu.memory_space<semaphore_mem>>)
        %dma_wait3A = arith.constant 0 : i32
        %dma_wait3A_118 = tpu.memref_slice %arg16[%dma_wait3A] : memref<144xf32, #tpu.memory_space<vmem>> -> memref<128xf32, #tpu.memory_space<vmem>>
        %dma_wait3A_119 = tpu.memref_slice %arg9[%add3A_88] : memref<10112xf32, #tpu.memory_space<hbm>> -> memref<128xf32, #tpu.memory_space<hbm>>
        %dma_wait3A_120 = tpu.memref_slice %arg9[%add3A_88] : memref<10112xf32, #tpu.memory_space<hbm>> -> memref<128xf32, #tpu.memory_space<hbm>>
        %dma_wait3A_121 = arith.constant 0 : i32
        %dma_wait3A_122 = tpu.memref_slice %arg16[%dma_wait3A_121] : memref<144xf32, #tpu.memory_space<vmem>> -> memref<128xf32, #tpu.memory_space<vmem>>
        tpu.wait_dma2 semaphore(%run_scoped3A : memref<!tpu.dma_semaphore, #tpu.memory_space<semaphore_mem>>) src(%dma_wait3A_122 : memref<128xf32, #tpu.memory_space<vmem>>) dst(%dma_wait3A_120 : memref<128xf32, #tpu.memory_space<hbm>>)
        tpu.yield
      }) : () -> ()
      %add3A_89 = arith.constant 256 : i32
      %add3A_90 = arith.addi %mul3A_39, %add3A_89 : i32
      %add3A_91 = arith.constant 256 : i32
      %add3A_92 = arith.addi %mul3A_39, %add3A_91 : i32
      "tpu.region"() ({
        %run_scoped3A = tpu.sem_alloc : memref<!tpu.dma_semaphore, #tpu.memory_space<semaphore_mem>>
        %dma_start3A = arith.constant 0 : i32
        %dma_start3A_113 = tpu.memref_slice %arg7[%add3A_92, %dma_start3A] : memref<10112x128xf32, #tpu.memory_space<hbm>> -> memref<128x128xf32, #tpu.memory_space<hbm>>
        %dma_start3A_114 = arith.constant 0 : i32
        %dma_start3A_115 = tpu.memref_slice %arg17[%add3A_90, %dma_start3A_114] : memref<10112x128xf32, #tpu.memory_space<vmem_shared>> -> memref<128x128xf32, #tpu.memory_space<vmem_shared>>
        tpu.enqueue_dma source(%dma_start3A_115 : memref<128x128xf32, #tpu.memory_space<vmem_shared>>) target(%dma_start3A_113 : memref<128x128xf32, #tpu.memory_space<hbm>>) target_semaphore(%run_scoped3A : memref<!tpu.dma_semaphore, #tpu.memory_space<semaphore_mem>>)
        %dma_wait3A = arith.constant 0 : i32
        %dma_wait3A_116 = tpu.memref_slice %arg7[%add3A_92, %dma_wait3A] : memref<10112x128xf32, #tpu.memory_space<hbm>> -> memref<128x128xf32, #tpu.memory_space<hbm>>
        %dma_wait3A_117 = arith.constant 0 : i32
        %dma_wait3A_118 = tpu.memref_slice %arg17[%add3A_90, %dma_wait3A_117] : memref<10112x128xf32, #tpu.memory_space<vmem_shared>> -> memref<128x128xf32, #tpu.memory_space<vmem_shared>>
        tpu.wait_dma2 semaphore(%run_scoped3A : memref<!tpu.dma_semaphore, #tpu.memory_space<semaphore_mem>>) src(%dma_wait3A_118 : memref<128x128xf32, #tpu.memory_space<vmem_shared>>) dst(%dma_wait3A_116 : memref<128x128xf32, #tpu.memory_space<hbm>>)
        tpu.yield
      }) : () -> ()
      %add3A_93 = arith.constant 256 : i32
      %add3A_94 = arith.addi %mul3A_39, %add3A_93 : i32
      "tpu.region"() ({
        %run_scoped3A = tpu.sem_alloc : memref<!tpu.dma_semaphore, #tpu.memory_space<semaphore_mem>>
        %dma_start3A = arith.constant 0 : i32
        %dma_start3A_113 = tpu.memref_slice %arg16[%dma_start3A] : memref<144xf32, #tpu.memory_space<vmem>> -> memref<128xf32, #tpu.memory_space<vmem>>
        %dma_start3A_114 = tpu.memref_slice %arg18[%add3A_94] : memref<10112xf32, #tpu.memory_space<vmem_shared>> -> memref<128xf32, #tpu.memory_space<vmem_shared>>
        %dma_start3A_115 = arith.constant 0 : i32
        %dma_start3A_116 = tpu.memref_slice %arg16[%dma_start3A_115] : memref<144xf32, #tpu.memory_space<vmem>> -> memref<128xf32, #tpu.memory_space<vmem>>
        %dma_start3A_117 = tpu.memref_slice %arg18[%add3A_94] : memref<10112xf32, #tpu.memory_space<vmem_shared>> -> memref<128xf32, #tpu.memory_space<vmem_shared>>
        tpu.enqueue_dma source(%dma_start3A_117 : memref<128xf32, #tpu.memory_space<vmem_shared>>) target(%dma_start3A_116 : memref<128xf32, #tpu.memory_space<vmem>>) target_semaphore(%run_scoped3A : memref<!tpu.dma_semaphore, #tpu.memory_space<semaphore_mem>>)
        %dma_wait3A = arith.constant 0 : i32
        %dma_wait3A_118 = tpu.memref_slice %arg16[%dma_wait3A] : memref<144xf32, #tpu.memory_space<vmem>> -> memref<128xf32, #tpu.memory_space<vmem>>
        %dma_wait3A_119 = tpu.memref_slice %arg18[%add3A_94] : memref<10112xf32, #tpu.memory_space<vmem_shared>> -> memref<128xf32, #tpu.memory_space<vmem_shared>>
        %dma_wait3A_120 = arith.constant 0 : i32
        %dma_wait3A_121 = tpu.memref_slice %arg16[%dma_wait3A_120] : memref<144xf32, #tpu.memory_space<vmem>> -> memref<128xf32, #tpu.memory_space<vmem>>
        %dma_wait3A_122 = tpu.memref_slice %arg18[%add3A_94] : memref<10112xf32, #tpu.memory_space<vmem_shared>> -> memref<128xf32, #tpu.memory_space<vmem_shared>>
        tpu.wait_dma2 semaphore(%run_scoped3A : memref<!tpu.dma_semaphore, #tpu.memory_space<semaphore_mem>>) src(%dma_wait3A_122 : memref<128xf32, #tpu.memory_space<vmem_shared>>) dst(%dma_wait3A_121 : memref<128xf32, #tpu.memory_space<vmem>>)
        tpu.yield
      }) : () -> ()
      %add3A_95 = arith.constant 256 : i32
      %add3A_96 = arith.addi %mul3A_39, %add3A_95 : i32
      "tpu.region"() ({
        %run_scoped3A = tpu.sem_alloc : memref<!tpu.dma_semaphore, #tpu.memory_space<semaphore_mem>>
        %dma_start3A = arith.constant 0 : i32
        %dma_start3A_113 = tpu.memref_slice %arg16[%dma_start3A] : memref<144xf32, #tpu.memory_space<vmem>> -> memref<128xf32, #tpu.memory_space<vmem>>
        %dma_start3A_114 = tpu.memref_slice %arg9[%add3A_96] : memref<10112xf32, #tpu.memory_space<hbm>> -> memref<128xf32, #tpu.memory_space<hbm>>
        %dma_start3A_115 = tpu.memref_slice %arg9[%add3A_96] : memref<10112xf32, #tpu.memory_space<hbm>> -> memref<128xf32, #tpu.memory_space<hbm>>
        %dma_start3A_116 = arith.constant 0 : i32
        %dma_start3A_117 = tpu.memref_slice %arg16[%dma_start3A_116] : memref<144xf32, #tpu.memory_space<vmem>> -> memref<128xf32, #tpu.memory_space<vmem>>
        tpu.enqueue_dma source(%dma_start3A_117 : memref<128xf32, #tpu.memory_space<vmem>>) target(%dma_start3A_115 : memref<128xf32, #tpu.memory_space<hbm>>) target_semaphore(%run_scoped3A : memref<!tpu.dma_semaphore, #tpu.memory_space<semaphore_mem>>)
        %dma_wait3A = arith.constant 0 : i32
        %dma_wait3A_118 = tpu.memref_slice %arg16[%dma_wait3A] : memref<144xf32, #tpu.memory_space<vmem>> -> memref<128xf32, #tpu.memory_space<vmem>>
        %dma_wait3A_119 = tpu.memref_slice %arg9[%add3A_96] : memref<10112xf32, #tpu.memory_space<hbm>> -> memref<128xf32, #tpu.memory_space<hbm>>
        %dma_wait3A_120 = tpu.memref_slice %arg9[%add3A_96] : memref<10112xf32, #tpu.memory_space<hbm>> -> memref<128xf32, #tpu.memory_space<hbm>>
        %dma_wait3A_121 = arith.constant 0 : i32
        %dma_wait3A_122 = tpu.memref_slice %arg16[%dma_wait3A_121] : memref<144xf32, #tpu.memory_space<vmem>> -> memref<128xf32, #tpu.memory_space<vmem>>
        tpu.wait_dma2 semaphore(%run_scoped3A : memref<!tpu.dma_semaphore, #tpu.memory_space<semaphore_mem>>) src(%dma_wait3A_122 : memref<128xf32, #tpu.memory_space<vmem>>) dst(%dma_wait3A_120 : memref<128xf32, #tpu.memory_space<hbm>>)
        tpu.yield
      }) : () -> ()
      %add3A_97 = arith.constant 384 : i32
      %add3A_98 = arith.addi %mul3A_39, %add3A_97 : i32
      %add3A_99 = arith.constant 384 : i32
      %add3A_100 = arith.addi %mul3A_39, %add3A_99 : i32
      "tpu.region"() ({
        %run_scoped3A = tpu.sem_alloc : memref<!tpu.dma_semaphore, #tpu.memory_space<semaphore_mem>>
        %dma_start3A = arith.constant 0 : i32
        %dma_start3A_113 = tpu.memref_slice %arg7[%add3A_100, %dma_start3A] : memref<10112x128xf32, #tpu.memory_space<hbm>> -> memref<128x128xf32, #tpu.memory_space<hbm>>
        %dma_start3A_114 = arith.constant 0 : i32
        %dma_start3A_115 = tpu.memref_slice %arg17[%add3A_98, %dma_start3A_114] : memref<10112x128xf32, #tpu.memory_space<vmem_shared>> -> memref<128x128xf32, #tpu.memory_space<vmem_shared>>
        tpu.enqueue_dma source(%dma_start3A_115 : memref<128x128xf32, #tpu.memory_space<vmem_shared>>) target(%dma_start3A_113 : memref<128x128xf32, #tpu.memory_space<hbm>>) target_semaphore(%run_scoped3A : memref<!tpu.dma_semaphore, #tpu.memory_space<semaphore_mem>>)
        %dma_wait3A = arith.constant 0 : i32
        %dma_wait3A_116 = tpu.memref_slice %arg7[%add3A_100, %dma_wait3A] : memref<10112x128xf32, #tpu.memory_space<hbm>> -> memref<128x128xf32, #tpu.memory_space<hbm>>
        %dma_wait3A_117 = arith.constant 0 : i32
        %dma_wait3A_118 = tpu.memref_slice %arg17[%add3A_98, %dma_wait3A_117] : memref<10112x128xf32, #tpu.memory_space<vmem_shared>> -> memref<128x128xf32, #tpu.memory_space<vmem_shared>>
        tpu.wait_dma2 semaphore(%run_scoped3A : memref<!tpu.dma_semaphore, #tpu.memory_space<semaphore_mem>>) src(%dma_wait3A_118 : memref<128x128xf32, #tpu.memory_space<vmem_shared>>) dst(%dma_wait3A_116 : memref<128x128xf32, #tpu.memory_space<hbm>>)
        tpu.yield
      }) : () -> ()
      %add3A_101 = arith.constant 384 : i32
      %add3A_102 = arith.addi %mul3A_39, %add3A_101 : i32
      "tpu.region"() ({
        %run_scoped3A = tpu.sem_alloc : memref<!tpu.dma_semaphore, #tpu.memory_space<semaphore_mem>>
        %dma_start3A = arith.constant 0 : i32
        %dma_start3A_113 = tpu.memref_slice %arg16[%dma_start3A] : memref<144xf32, #tpu.memory_space<vmem>> -> memref<128xf32, #tpu.memory_space<vmem>>
        %dma_start3A_114 = tpu.memref_slice %arg18[%add3A_102] : memref<10112xf32, #tpu.memory_space<vmem_shared>> -> memref<128xf32, #tpu.memory_space<vmem_shared>>
        %dma_start3A_115 = arith.constant 0 : i32
        %dma_start3A_116 = tpu.memref_slice %arg16[%dma_start3A_115] : memref<144xf32, #tpu.memory_space<vmem>> -> memref<128xf32, #tpu.memory_space<vmem>>
        %dma_start3A_117 = tpu.memref_slice %arg18[%add3A_102] : memref<10112xf32, #tpu.memory_space<vmem_shared>> -> memref<128xf32, #tpu.memory_space<vmem_shared>>
        tpu.enqueue_dma source(%dma_start3A_117 : memref<128xf32, #tpu.memory_space<vmem_shared>>) target(%dma_start3A_116 : memref<128xf32, #tpu.memory_space<vmem>>) target_semaphore(%run_scoped3A : memref<!tpu.dma_semaphore, #tpu.memory_space<semaphore_mem>>)
        %dma_wait3A = arith.constant 0 : i32
        %dma_wait3A_118 = tpu.memref_slice %arg16[%dma_wait3A] : memref<144xf32, #tpu.memory_space<vmem>> -> memref<128xf32, #tpu.memory_space<vmem>>
        %dma_wait3A_119 = tpu.memref_slice %arg18[%add3A_102] : memref<10112xf32, #tpu.memory_space<vmem_shared>> -> memref<128xf32, #tpu.memory_space<vmem_shared>>
        %dma_wait3A_120 = arith.constant 0 : i32
        %dma_wait3A_121 = tpu.memref_slice %arg16[%dma_wait3A_120] : memref<144xf32, #tpu.memory_space<vmem>> -> memref<128xf32, #tpu.memory_space<vmem>>
        %dma_wait3A_122 = tpu.memref_slice %arg18[%add3A_102] : memref<10112xf32, #tpu.memory_space<vmem_shared>> -> memref<128xf32, #tpu.memory_space<vmem_shared>>
        tpu.wait_dma2 semaphore(%run_scoped3A : memref<!tpu.dma_semaphore, #tpu.memory_space<semaphore_mem>>) src(%dma_wait3A_122 : memref<128xf32, #tpu.memory_space<vmem_shared>>) dst(%dma_wait3A_121 : memref<128xf32, #tpu.memory_space<vmem>>)
        tpu.yield
      }) : () -> ()
      %add3A_103 = arith.constant 384 : i32
      %add3A_104 = arith.addi %mul3A_39, %add3A_103 : i32
      "tpu.region"() ({
        %run_scoped3A = tpu.sem_alloc : memref<!tpu.dma_semaphore, #tpu.memory_space<semaphore_mem>>
        %dma_start3A = arith.constant 0 : i32
        %dma_start3A_113 = tpu.memref_slice %arg16[%dma_start3A] : memref<144xf32, #tpu.memory_space<vmem>> -> memref<128xf32, #tpu.memory_space<vmem>>
        %dma_start3A_114 = tpu.memref_slice %arg9[%add3A_104] : memref<10112xf32, #tpu.memory_space<hbm>> -> memref<128xf32, #tpu.memory_space<hbm>>
        %dma_start3A_115 = tpu.memref_slice %arg9[%add3A_104] : memref<10112xf32, #tpu.memory_space<hbm>> -> memref<128xf32, #tpu.memory_space<hbm>>
        %dma_start3A_116 = arith.constant 0 : i32
        %dma_start3A_117 = tpu.memref_slice %arg16[%dma_start3A_116] : memref<144xf32, #tpu.memory_space<vmem>> -> memref<128xf32, #tpu.memory_space<vmem>>
        tpu.enqueue_dma source(%dma_start3A_117 : memref<128xf32, #tpu.memory_space<vmem>>) target(%dma_start3A_115 : memref<128xf32, #tpu.memory_space<hbm>>) target_semaphore(%run_scoped3A : memref<!tpu.dma_semaphore, #tpu.memory_space<semaphore_mem>>)
        %dma_wait3A = arith.constant 0 : i32
        %dma_wait3A_118 = tpu.memref_slice %arg16[%dma_wait3A] : memref<144xf32, #tpu.memory_space<vmem>> -> memref<128xf32, #tpu.memory_space<vmem>>
        %dma_wait3A_119 = tpu.memref_slice %arg9[%add3A_104] : memref<10112xf32, #tpu.memory_space<hbm>> -> memref<128xf32, #tpu.memory_space<hbm>>
        %dma_wait3A_120 = tpu.memref_slice %arg9[%add3A_104] : memref<10112xf32, #tpu.memory_space<hbm>> -> memref<128xf32, #tpu.memory_space<hbm>>
        %dma_wait3A_121 = arith.constant 0 : i32
        %dma_wait3A_122 = tpu.memref_slice %arg16[%dma_wait3A_121] : memref<144xf32, #tpu.memory_space<vmem>> -> memref<128xf32, #tpu.memory_space<vmem>>
        tpu.wait_dma2 semaphore(%run_scoped3A : memref<!tpu.dma_semaphore, #tpu.memory_space<semaphore_mem>>) src(%dma_wait3A_122 : memref<128xf32, #tpu.memory_space<vmem>>) dst(%dma_wait3A_120 : memref<128xf32, #tpu.memory_space<hbm>>)
        tpu.yield
      }) : () -> ()
      %add3A_105 = arith.constant 512 : i32
      %add3A_106 = arith.addi %mul3A_39, %add3A_105 : i32
      %add3A_107 = arith.constant 512 : i32
      %add3A_108 = arith.addi %mul3A_39, %add3A_107 : i32
      "tpu.region"() ({
        %run_scoped3A = tpu.sem_alloc : memref<!tpu.dma_semaphore, #tpu.memory_space<semaphore_mem>>
        %dma_start3A = arith.constant 0 : i32
        %dma_start3A_113 = tpu.memref_slice %arg7[%add3A_108, %dma_start3A] : memref<10112x128xf32, #tpu.memory_space<hbm>> -> memref<120x128xf32, #tpu.memory_space<hbm>>
        %dma_start3A_114 = arith.constant 0 : i32
        %dma_start3A_115 = tpu.memref_slice %arg17[%add3A_106, %dma_start3A_114] : memref<10112x128xf32, #tpu.memory_space<vmem_shared>> -> memref<120x128xf32, #tpu.memory_space<vmem_shared>>
        tpu.enqueue_dma source(%dma_start3A_115 : memref<120x128xf32, #tpu.memory_space<vmem_shared>>) target(%dma_start3A_113 : memref<120x128xf32, #tpu.memory_space<hbm>>) target_semaphore(%run_scoped3A : memref<!tpu.dma_semaphore, #tpu.memory_space<semaphore_mem>>)
        %dma_wait3A = arith.constant 0 : i32
        %dma_wait3A_116 = tpu.memref_slice %arg7[%add3A_108, %dma_wait3A] : memref<10112x128xf32, #tpu.memory_space<hbm>> -> memref<120x128xf32, #tpu.memory_space<hbm>>
        %dma_wait3A_117 = arith.constant 0 : i32
        %dma_wait3A_118 = tpu.memref_slice %arg17[%add3A_106, %dma_wait3A_117] : memref<10112x128xf32, #tpu.memory_space<vmem_shared>> -> memref<120x128xf32, #tpu.memory_space<vmem_shared>>
        tpu.wait_dma2 semaphore(%run_scoped3A : memref<!tpu.dma_semaphore, #tpu.memory_space<semaphore_mem>>) src(%dma_wait3A_118 : memref<120x128xf32, #tpu.memory_space<vmem_shared>>) dst(%dma_wait3A_116 : memref<120x128xf32, #tpu.memory_space<hbm>>)
        tpu.yield
      }) : () -> ()
      %add3A_109 = arith.constant 512 : i32
      %add3A_110 = arith.addi %mul3A_39, %add3A_109 : i32
      "tpu.region"() ({
        %run_scoped3A = tpu.sem_alloc : memref<!tpu.dma_semaphore, #tpu.memory_space<semaphore_mem>>
        %dma_start3A = arith.constant 0 : i32
        %dma_start3A_113 = tpu.memref_slice %arg16[%dma_start3A] : memref<144xf32, #tpu.memory_space<vmem>> -> memref<120xf32, #tpu.memory_space<vmem>>
        %dma_start3A_114 = tpu.memref_slice %arg18[%add3A_110] : memref<10112xf32, #tpu.memory_space<vmem_shared>> -> memref<120xf32, #tpu.memory_space<vmem_shared>>
        %dma_start3A_115 = arith.constant 0 : i32
        %dma_start3A_116 = tpu.memref_slice %arg16[%dma_start3A_115] : memref<144xf32, #tpu.memory_space<vmem>> -> memref<120xf32, #tpu.memory_space<vmem>>
        %dma_start3A_117 = tpu.memref_slice %arg18[%add3A_110] : memref<10112xf32, #tpu.memory_space<vmem_shared>> -> memref<120xf32, #tpu.memory_space<vmem_shared>>
        tpu.enqueue_dma source(%dma_start3A_117 : memref<120xf32, #tpu.memory_space<vmem_shared>>) target(%dma_start3A_116 : memref<120xf32, #tpu.memory_space<vmem>>) target_semaphore(%run_scoped3A : memref<!tpu.dma_semaphore, #tpu.memory_space<semaphore_mem>>)
        %dma_wait3A = arith.constant 0 : i32
        %dma_wait3A_118 = tpu.memref_slice %arg16[%dma_wait3A] : memref<144xf32, #tpu.memory_space<vmem>> -> memref<120xf32, #tpu.memory_space<vmem>>
        %dma_wait3A_119 = tpu.memref_slice %arg18[%add3A_110] : memref<10112xf32, #tpu.memory_space<vmem_shared>> -> memref<120xf32, #tpu.memory_space<vmem_shared>>
        %dma_wait3A_120 = arith.constant 0 : i32
        %dma_wait3A_121 = tpu.memref_slice %arg16[%dma_wait3A_120] : memref<144xf32, #tpu.memory_space<vmem>> -> memref<120xf32, #tpu.memory_space<vmem>>
        %dma_wait3A_122 = tpu.memref_slice %arg18[%add3A_110] : memref<10112xf32, #tpu.memory_space<vmem_shared>> -> memref<120xf32, #tpu.memory_space<vmem_shared>>
        tpu.wait_dma2 semaphore(%run_scoped3A : memref<!tpu.dma_semaphore, #tpu.memory_space<semaphore_mem>>) src(%dma_wait3A_122 : memref<120xf32, #tpu.memory_space<vmem_shared>>) dst(%dma_wait3A_121 : memref<120xf32, #tpu.memory_space<vmem>>)
        tpu.yield
      }) : () -> ()
      %add3A_111 = arith.constant 512 : i32
      %add3A_112 = arith.addi %mul3A_39, %add3A_111 : i32
      "tpu.region"() ({
        %run_scoped3A = tpu.sem_alloc : memref<!tpu.dma_semaphore, #tpu.memory_space<semaphore_mem>>
        %dma_start3A = arith.constant 0 : i32
        %dma_start3A_113 = tpu.memref_slice %arg16[%dma_start3A] : memref<144xf32, #tpu.memory_space<vmem>> -> memref<120xf32, #tpu.memory_space<vmem>>
        %dma_start3A_114 = tpu.memref_slice %arg9[%add3A_112] : memref<10112xf32, #tpu.memory_space<hbm>> -> memref<120xf32, #tpu.memory_space<hbm>>
        %dma_start3A_115 = tpu.memref_slice %arg9[%add3A_112] : memref<10112xf32, #tpu.memory_space<hbm>> -> memref<120xf32, #tpu.memory_space<hbm>>
        %dma_start3A_116 = arith.constant 0 : i32
        %dma_start3A_117 = tpu.memref_slice %arg16[%dma_start3A_116] : memref<144xf32, #tpu.memory_space<vmem>> -> memref<120xf32, #tpu.memory_space<vmem>>
        tpu.enqueue_dma source(%dma_start3A_117 : memref<120xf32, #tpu.memory_space<vmem>>) target(%dma_start3A_115 : memref<120xf32, #tpu.memory_space<hbm>>) target_semaphore(%run_scoped3A : memref<!tpu.dma_semaphore, #tpu.memory_space<semaphore_mem>>)
        %dma_wait3A = arith.constant 0 : i32
        %dma_wait3A_118 = tpu.memref_slice %arg16[%dma_wait3A] : memref<144xf32, #tpu.memory_space<vmem>> -> memref<120xf32, #tpu.memory_space<vmem>>
        %dma_wait3A_119 = tpu.memref_slice %arg9[%add3A_112] : memref<10112xf32, #tpu.memory_space<hbm>> -> memref<120xf32, #tpu.memory_space<hbm>>
        %dma_wait3A_120 = tpu.memref_slice %arg9[%add3A_112] : memref<10112xf32, #tpu.memory_space<hbm>> -> memref<120xf32, #tpu.memory_space<hbm>>
        %dma_wait3A_121 = arith.constant 0 : i32
        %dma_wait3A_122 = tpu.memref_slice %arg16[%dma_wait3A_121] : memref<144xf32, #tpu.memory_space<vmem>> -> memref<120xf32, #tpu.memory_space<vmem>>
        tpu.wait_dma2 semaphore(%run_scoped3A : memref<!tpu.dma_semaphore, #tpu.memory_space<semaphore_mem>>) src(%dma_wait3A_122 : memref<120xf32, #tpu.memory_space<vmem>>) dst(%dma_wait3A_120 : memref<120xf32, #tpu.memory_space<hbm>>)
        tpu.yield
      }) : () -> ()
    } else {
    }
    %eq3A_68 = arith.constant 1 : i32
    %eq3A_69 = arith.cmpi eq, %arg0, %eq3A_68 : i32
    %convert_element_type3A_70 = arith.extui %eq3A_69 : i1 to i32
    %cond3A_71 = arith.constant 0 : i32
    %cond3A_72 = arith.cmpi ne, %convert_element_type3A_70, %cond3A_71 : i32
    scf.if %cond3A_72 {
      %add3A_73 = arith.constant 0 : i32
      %add3A_74 = arith.addi %mul3A_39, %add3A_73 : i32
      %add3A_75 = arith.constant 0 : i32
      %add3A_76 = arith.addi %mul3A_39, %add3A_75 : i32
      "tpu.region"() ({
        %run_scoped3A = tpu.sem_alloc : memref<!tpu.dma_semaphore, #tpu.memory_space<semaphore_mem>>
        %dma_start3A = arith.constant 0 : i32
        %dma_start3A_113 = tpu.memref_slice %arg8[%add3A_76, %dma_start3A] : memref<10112x128xf32, #tpu.memory_space<hbm>> -> memref<128x128xf32, #tpu.memory_space<hbm>>
        %dma_start3A_114 = arith.constant 0 : i32
        %dma_start3A_115 = tpu.memref_slice %arg17[%add3A_74, %dma_start3A_114] : memref<10112x128xf32, #tpu.memory_space<vmem_shared>> -> memref<128x128xf32, #tpu.memory_space<vmem_shared>>
        tpu.enqueue_dma source(%dma_start3A_115 : memref<128x128xf32, #tpu.memory_space<vmem_shared>>) target(%dma_start3A_113 : memref<128x128xf32, #tpu.memory_space<hbm>>) target_semaphore(%run_scoped3A : memref<!tpu.dma_semaphore, #tpu.memory_space<semaphore_mem>>)
        %dma_wait3A = arith.constant 0 : i32
        %dma_wait3A_116 = tpu.memref_slice %arg8[%add3A_76, %dma_wait3A] : memref<10112x128xf32, #tpu.memory_space<hbm>> -> memref<128x128xf32, #tpu.memory_space<hbm>>
        %dma_wait3A_117 = arith.constant 0 : i32
        %dma_wait3A_118 = tpu.memref_slice %arg17[%add3A_74, %dma_wait3A_117] : memref<10112x128xf32, #tpu.memory_space<vmem_shared>> -> memref<128x128xf32, #tpu.memory_space<vmem_shared>>
        tpu.wait_dma2 semaphore(%run_scoped3A : memref<!tpu.dma_semaphore, #tpu.memory_space<semaphore_mem>>) src(%dma_wait3A_118 : memref<128x128xf32, #tpu.memory_space<vmem_shared>>) dst(%dma_wait3A_116 : memref<128x128xf32, #tpu.memory_space<hbm>>)
        tpu.yield
      }) : () -> ()
      %add3A_77 = arith.constant 0 : i32
      %add3A_78 = arith.addi %mul3A_39, %add3A_77 : i32
      "tpu.region"() ({
        %run_scoped3A = tpu.sem_alloc : memref<!tpu.dma_semaphore, #tpu.memory_space<semaphore_mem>>
        %dma_start3A = arith.constant 0 : i32
        %dma_start3A_113 = tpu.memref_slice %arg16[%dma_start3A] : memref<144xf32, #tpu.memory_space<vmem>> -> memref<128xf32, #tpu.memory_space<vmem>>
        %dma_start3A_114 = tpu.memref_slice %arg18[%add3A_78] : memref<10112xf32, #tpu.memory_space<vmem_shared>> -> memref<128xf32, #tpu.memory_space<vmem_shared>>
        %dma_start3A_115 = arith.constant 0 : i32
        %dma_start3A_116 = tpu.memref_slice %arg16[%dma_start3A_115] : memref<144xf32, #tpu.memory_space<vmem>> -> memref<128xf32, #tpu.memory_space<vmem>>
        %dma_start3A_117 = tpu.memref_slice %arg18[%add3A_78] : memref<10112xf32, #tpu.memory_space<vmem_shared>> -> memref<128xf32, #tpu.memory_space<vmem_shared>>
        tpu.enqueue_dma source(%dma_start3A_117 : memref<128xf32, #tpu.memory_space<vmem_shared>>) target(%dma_start3A_116 : memref<128xf32, #tpu.memory_space<vmem>>) target_semaphore(%run_scoped3A : memref<!tpu.dma_semaphore, #tpu.memory_space<semaphore_mem>>)
        %dma_wait3A = arith.constant 0 : i32
        %dma_wait3A_118 = tpu.memref_slice %arg16[%dma_wait3A] : memref<144xf32, #tpu.memory_space<vmem>> -> memref<128xf32, #tpu.memory_space<vmem>>
        %dma_wait3A_119 = tpu.memref_slice %arg18[%add3A_78] : memref<10112xf32, #tpu.memory_space<vmem_shared>> -> memref<128xf32, #tpu.memory_space<vmem_shared>>
        %dma_wait3A_120 = arith.constant 0 : i32
        %dma_wait3A_121 = tpu.memref_slice %arg16[%dma_wait3A_120] : memref<144xf32, #tpu.memory_space<vmem>> -> memref<128xf32, #tpu.memory_space<vmem>>
        %dma_wait3A_122 = tpu.memref_slice %arg18[%add3A_78] : memref<10112xf32, #tpu.memory_space<vmem_shared>> -> memref<128xf32, #tpu.memory_space<vmem_shared>>
        tpu.wait_dma2 semaphore(%run_scoped3A : memref<!tpu.dma_semaphore, #tpu.memory_space<semaphore_mem>>) src(%dma_wait3A_122 : memref<128xf32, #tpu.memory_space<vmem_shared>>) dst(%dma_wait3A_121 : memref<128xf32, #tpu.memory_space<vmem>>)
        tpu.yield
      }) : () -> ()
      %add3A_79 = arith.constant 0 : i32
      %add3A_80 = arith.addi %mul3A_39, %add3A_79 : i32
      "tpu.region"() ({
        %run_scoped3A = tpu.sem_alloc : memref<!tpu.dma_semaphore, #tpu.memory_space<semaphore_mem>>
        %dma_start3A = arith.constant 0 : i32
        %dma_start3A_113 = tpu.memref_slice %arg16[%dma_start3A] : memref<144xf32, #tpu.memory_space<vmem>> -> memref<128xf32, #tpu.memory_space<vmem>>
        %dma_start3A_114 = tpu.memref_slice %arg10[%add3A_80] : memref<10112xf32, #tpu.memory_space<hbm>> -> memref<128xf32, #tpu.memory_space<hbm>>
        %dma_start3A_115 = tpu.memref_slice %arg10[%add3A_80] : memref<10112xf32, #tpu.memory_space<hbm>> -> memref<128xf32, #tpu.memory_space<hbm>>
        %dma_start3A_116 = arith.constant 0 : i32
        %dma_start3A_117 = tpu.memref_slice %arg16[%dma_start3A_116] : memref<144xf32, #tpu.memory_space<vmem>> -> memref<128xf32, #tpu.memory_space<vmem>>
        tpu.enqueue_dma source(%dma_start3A_117 : memref<128xf32, #tpu.memory_space<vmem>>) target(%dma_start3A_115 : memref<128xf32, #tpu.memory_space<hbm>>) target_semaphore(%run_scoped3A : memref<!tpu.dma_semaphore, #tpu.memory_space<semaphore_mem>>)
        %dma_wait3A = arith.constant 0 : i32
        %dma_wait3A_118 = tpu.memref_slice %arg16[%dma_wait3A] : memref<144xf32, #tpu.memory_space<vmem>> -> memref<128xf32, #tpu.memory_space<vmem>>
        %dma_wait3A_119 = tpu.memref_slice %arg10[%add3A_80] : memref<10112xf32, #tpu.memory_space<hbm>> -> memref<128xf32, #tpu.memory_space<hbm>>
        %dma_wait3A_120 = tpu.memref_slice %arg10[%add3A_80] : memref<10112xf32, #tpu.memory_space<hbm>> -> memref<128xf32, #tpu.memory_space<hbm>>
        %dma_wait3A_121 = arith.constant 0 : i32
        %dma_wait3A_122 = tpu.memref_slice %arg16[%dma_wait3A_121] : memref<144xf32, #tpu.memory_space<vmem>> -> memref<128xf32, #tpu.memory_space<vmem>>
        tpu.wait_dma2 semaphore(%run_scoped3A : memref<!tpu.dma_semaphore, #tpu.memory_space<semaphore_mem>>) src(%dma_wait3A_122 : memref<128xf32, #tpu.memory_space<vmem>>) dst(%dma_wait3A_120 : memref<128xf32, #tpu.memory_space<hbm>>)
        tpu.yield
      }) : () -> ()
      %add3A_81 = arith.constant 128 : i32
      %add3A_82 = arith.addi %mul3A_39, %add3A_81 : i32
      %add3A_83 = arith.constant 128 : i32
      %add3A_84 = arith.addi %mul3A_39, %add3A_83 : i32
      "tpu.region"() ({
        %run_scoped3A = tpu.sem_alloc : memref<!tpu.dma_semaphore, #tpu.memory_space<semaphore_mem>>
        %dma_start3A = arith.constant 0 : i32
        %dma_start3A_113 = tpu.memref_slice %arg8[%add3A_84, %dma_start3A] : memref<10112x128xf32, #tpu.memory_space<hbm>> -> memref<128x128xf32, #tpu.memory_space<hbm>>
        %dma_start3A_114 = arith.constant 0 : i32
        %dma_start3A_115 = tpu.memref_slice %arg17[%add3A_82, %dma_start3A_114] : memref<10112x128xf32, #tpu.memory_space<vmem_shared>> -> memref<128x128xf32, #tpu.memory_space<vmem_shared>>
        tpu.enqueue_dma source(%dma_start3A_115 : memref<128x128xf32, #tpu.memory_space<vmem_shared>>) target(%dma_start3A_113 : memref<128x128xf32, #tpu.memory_space<hbm>>) target_semaphore(%run_scoped3A : memref<!tpu.dma_semaphore, #tpu.memory_space<semaphore_mem>>)
        %dma_wait3A = arith.constant 0 : i32
        %dma_wait3A_116 = tpu.memref_slice %arg8[%add3A_84, %dma_wait3A] : memref<10112x128xf32, #tpu.memory_space<hbm>> -> memref<128x128xf32, #tpu.memory_space<hbm>>
        %dma_wait3A_117 = arith.constant 0 : i32
        %dma_wait3A_118 = tpu.memref_slice %arg17[%add3A_82, %dma_wait3A_117] : memref<10112x128xf32, #tpu.memory_space<vmem_shared>> -> memref<128x128xf32, #tpu.memory_space<vmem_shared>>
        tpu.wait_dma2 semaphore(%run_scoped3A : memref<!tpu.dma_semaphore, #tpu.memory_space<semaphore_mem>>) src(%dma_wait3A_118 : memref<128x128xf32, #tpu.memory_space<vmem_shared>>) dst(%dma_wait3A_116 : memref<128x128xf32, #tpu.memory_space<hbm>>)
        tpu.yield
      }) : () -> ()
      %add3A_85 = arith.constant 128 : i32
      %add3A_86 = arith.addi %mul3A_39, %add3A_85 : i32
      "tpu.region"() ({
        %run_scoped3A = tpu.sem_alloc : memref<!tpu.dma_semaphore, #tpu.memory_space<semaphore_mem>>
        %dma_start3A = arith.constant 0 : i32
        %dma_start3A_113 = tpu.memref_slice %arg16[%dma_start3A] : memref<144xf32, #tpu.memory_space<vmem>> -> memref<128xf32, #tpu.memory_space<vmem>>
        %dma_start3A_114 = tpu.memref_slice %arg18[%add3A_86] : memref<10112xf32, #tpu.memory_space<vmem_shared>> -> memref<128xf32, #tpu.memory_space<vmem_shared>>
        %dma_start3A_115 = arith.constant 0 : i32
        %dma_start3A_116 = tpu.memref_slice %arg16[%dma_start3A_115] : memref<144xf32, #tpu.memory_space<vmem>> -> memref<128xf32, #tpu.memory_space<vmem>>
        %dma_start3A_117 = tpu.memref_slice %arg18[%add3A_86] : memref<10112xf32, #tpu.memory_space<vmem_shared>> -> memref<128xf32, #tpu.memory_space<vmem_shared>>
        tpu.enqueue_dma source(%dma_start3A_117 : memref<128xf32, #tpu.memory_space<vmem_shared>>) target(%dma_start3A_116 : memref<128xf32, #tpu.memory_space<vmem>>) target_semaphore(%run_scoped3A : memref<!tpu.dma_semaphore, #tpu.memory_space<semaphore_mem>>)
        %dma_wait3A = arith.constant 0 : i32
        %dma_wait3A_118 = tpu.memref_slice %arg16[%dma_wait3A] : memref<144xf32, #tpu.memory_space<vmem>> -> memref<128xf32, #tpu.memory_space<vmem>>
        %dma_wait3A_119 = tpu.memref_slice %arg18[%add3A_86] : memref<10112xf32, #tpu.memory_space<vmem_shared>> -> memref<128xf32, #tpu.memory_space<vmem_shared>>
        %dma_wait3A_120 = arith.constant 0 : i32
        %dma_wait3A_121 = tpu.memref_slice %arg16[%dma_wait3A_120] : memref<144xf32, #tpu.memory_space<vmem>> -> memref<128xf32, #tpu.memory_space<vmem>>
        %dma_wait3A_122 = tpu.memref_slice %arg18[%add3A_86] : memref<10112xf32, #tpu.memory_space<vmem_shared>> -> memref<128xf32, #tpu.memory_space<vmem_shared>>
        tpu.wait_dma2 semaphore(%run_scoped3A : memref<!tpu.dma_semaphore, #tpu.memory_space<semaphore_mem>>) src(%dma_wait3A_122 : memref<128xf32, #tpu.memory_space<vmem_shared>>) dst(%dma_wait3A_121 : memref<128xf32, #tpu.memory_space<vmem>>)
        tpu.yield
      }) : () -> ()
      %add3A_87 = arith.constant 128 : i32
      %add3A_88 = arith.addi %mul3A_39, %add3A_87 : i32
      "tpu.region"() ({
        %run_scoped3A = tpu.sem_alloc : memref<!tpu.dma_semaphore, #tpu.memory_space<semaphore_mem>>
        %dma_start3A = arith.constant 0 : i32
        %dma_start3A_113 = tpu.memref_slice %arg16[%dma_start3A] : memref<144xf32, #tpu.memory_space<vmem>> -> memref<128xf32, #tpu.memory_space<vmem>>
        %dma_start3A_114 = tpu.memref_slice %arg10[%add3A_88] : memref<10112xf32, #tpu.memory_space<hbm>> -> memref<128xf32, #tpu.memory_space<hbm>>
        %dma_start3A_115 = tpu.memref_slice %arg10[%add3A_88] : memref<10112xf32, #tpu.memory_space<hbm>> -> memref<128xf32, #tpu.memory_space<hbm>>
        %dma_start3A_116 = arith.constant 0 : i32
        %dma_start3A_117 = tpu.memref_slice %arg16[%dma_start3A_116] : memref<144xf32, #tpu.memory_space<vmem>> -> memref<128xf32, #tpu.memory_space<vmem>>
        tpu.enqueue_dma source(%dma_start3A_117 : memref<128xf32, #tpu.memory_space<vmem>>) target(%dma_start3A_115 : memref<128xf32, #tpu.memory_space<hbm>>) target_semaphore(%run_scoped3A : memref<!tpu.dma_semaphore, #tpu.memory_space<semaphore_mem>>)
        %dma_wait3A = arith.constant 0 : i32
        %dma_wait3A_118 = tpu.memref_slice %arg16[%dma_wait3A] : memref<144xf32, #tpu.memory_space<vmem>> -> memref<128xf32, #tpu.memory_space<vmem>>
        %dma_wait3A_119 = tpu.memref_slice %arg10[%add3A_88] : memref<10112xf32, #tpu.memory_space<hbm>> -> memref<128xf32, #tpu.memory_space<hbm>>
        %dma_wait3A_120 = tpu.memref_slice %arg10[%add3A_88] : memref<10112xf32, #tpu.memory_space<hbm>> -> memref<128xf32, #tpu.memory_space<hbm>>
        %dma_wait3A_121 = arith.constant 0 : i32
        %dma_wait3A_122 = tpu.memref_slice %arg16[%dma_wait3A_121] : memref<144xf32, #tpu.memory_space<vmem>> -> memref<128xf32, #tpu.memory_space<vmem>>
        tpu.wait_dma2 semaphore(%run_scoped3A : memref<!tpu.dma_semaphore, #tpu.memory_space<semaphore_mem>>) src(%dma_wait3A_122 : memref<128xf32, #tpu.memory_space<vmem>>) dst(%dma_wait3A_120 : memref<128xf32, #tpu.memory_space<hbm>>)
        tpu.yield
      }) : () -> ()
      %add3A_89 = arith.constant 256 : i32
      %add3A_90 = arith.addi %mul3A_39, %add3A_89 : i32
      %add3A_91 = arith.constant 256 : i32
      %add3A_92 = arith.addi %mul3A_39, %add3A_91 : i32
      "tpu.region"() ({
        %run_scoped3A = tpu.sem_alloc : memref<!tpu.dma_semaphore, #tpu.memory_space<semaphore_mem>>
        %dma_start3A = arith.constant 0 : i32
        %dma_start3A_113 = tpu.memref_slice %arg8[%add3A_92, %dma_start3A] : memref<10112x128xf32, #tpu.memory_space<hbm>> -> memref<128x128xf32, #tpu.memory_space<hbm>>
        %dma_start3A_114 = arith.constant 0 : i32
        %dma_start3A_115 = tpu.memref_slice %arg17[%add3A_90, %dma_start3A_114] : memref<10112x128xf32, #tpu.memory_space<vmem_shared>> -> memref<128x128xf32, #tpu.memory_space<vmem_shared>>
        tpu.enqueue_dma source(%dma_start3A_115 : memref<128x128xf32, #tpu.memory_space<vmem_shared>>) target(%dma_start3A_113 : memref<128x128xf32, #tpu.memory_space<hbm>>) target_semaphore(%run_scoped3A : memref<!tpu.dma_semaphore, #tpu.memory_space<semaphore_mem>>)
        %dma_wait3A = arith.constant 0 : i32
        %dma_wait3A_116 = tpu.memref_slice %arg8[%add3A_92, %dma_wait3A] : memref<10112x128xf32, #tpu.memory_space<hbm>> -> memref<128x128xf32, #tpu.memory_space<hbm>>
        %dma_wait3A_117 = arith.constant 0 : i32
        %dma_wait3A_118 = tpu.memref_slice %arg17[%add3A_90, %dma_wait3A_117] : memref<10112x128xf32, #tpu.memory_space<vmem_shared>> -> memref<128x128xf32, #tpu.memory_space<vmem_shared>>
        tpu.wait_dma2 semaphore(%run_scoped3A : memref<!tpu.dma_semaphore, #tpu.memory_space<semaphore_mem>>) src(%dma_wait3A_118 : memref<128x128xf32, #tpu.memory_space<vmem_shared>>) dst(%dma_wait3A_116 : memref<128x128xf32, #tpu.memory_space<hbm>>)
        tpu.yield
      }) : () -> ()
      %add3A_93 = arith.constant 256 : i32
      %add3A_94 = arith.addi %mul3A_39, %add3A_93 : i32
      "tpu.region"() ({
        %run_scoped3A = tpu.sem_alloc : memref<!tpu.dma_semaphore, #tpu.memory_space<semaphore_mem>>
        %dma_start3A = arith.constant 0 : i32
        %dma_start3A_113 = tpu.memref_slice %arg16[%dma_start3A] : memref<144xf32, #tpu.memory_space<vmem>> -> memref<128xf32, #tpu.memory_space<vmem>>
        %dma_start3A_114 = tpu.memref_slice %arg18[%add3A_94] : memref<10112xf32, #tpu.memory_space<vmem_shared>> -> memref<128xf32, #tpu.memory_space<vmem_shared>>
        %dma_start3A_115 = arith.constant 0 : i32
        %dma_start3A_116 = tpu.memref_slice %arg16[%dma_start3A_115] : memref<144xf32, #tpu.memory_space<vmem>> -> memref<128xf32, #tpu.memory_space<vmem>>
        %dma_start3A_117 = tpu.memref_slice %arg18[%add3A_94] : memref<10112xf32, #tpu.memory_space<vmem_shared>> -> memref<128xf32, #tpu.memory_space<vmem_shared>>
        tpu.enqueue_dma source(%dma_start3A_117 : memref<128xf32, #tpu.memory_space<vmem_shared>>) target(%dma_start3A_116 : memref<128xf32, #tpu.memory_space<vmem>>) target_semaphore(%run_scoped3A : memref<!tpu.dma_semaphore, #tpu.memory_space<semaphore_mem>>)
        %dma_wait3A = arith.constant 0 : i32
        %dma_wait3A_118 = tpu.memref_slice %arg16[%dma_wait3A] : memref<144xf32, #tpu.memory_space<vmem>> -> memref<128xf32, #tpu.memory_space<vmem>>
        %dma_wait3A_119 = tpu.memref_slice %arg18[%add3A_94] : memref<10112xf32, #tpu.memory_space<vmem_shared>> -> memref<128xf32, #tpu.memory_space<vmem_shared>>
        %dma_wait3A_120 = arith.constant 0 : i32
        %dma_wait3A_121 = tpu.memref_slice %arg16[%dma_wait3A_120] : memref<144xf32, #tpu.memory_space<vmem>> -> memref<128xf32, #tpu.memory_space<vmem>>
        %dma_wait3A_122 = tpu.memref_slice %arg18[%add3A_94] : memref<10112xf32, #tpu.memory_space<vmem_shared>> -> memref<128xf32, #tpu.memory_space<vmem_shared>>
        tpu.wait_dma2 semaphore(%run_scoped3A : memref<!tpu.dma_semaphore, #tpu.memory_space<semaphore_mem>>) src(%dma_wait3A_122 : memref<128xf32, #tpu.memory_space<vmem_shared>>) dst(%dma_wait3A_121 : memref<128xf32, #tpu.memory_space<vmem>>)
        tpu.yield
      }) : () -> ()
      %add3A_95 = arith.constant 256 : i32
      %add3A_96 = arith.addi %mul3A_39, %add3A_95 : i32
      "tpu.region"() ({
        %run_scoped3A = tpu.sem_alloc : memref<!tpu.dma_semaphore, #tpu.memory_space<semaphore_mem>>
        %dma_start3A = arith.constant 0 : i32
        %dma_start3A_113 = tpu.memref_slice %arg16[%dma_start3A] : memref<144xf32, #tpu.memory_space<vmem>> -> memref<128xf32, #tpu.memory_space<vmem>>
        %dma_start3A_114 = tpu.memref_slice %arg10[%add3A_96] : memref<10112xf32, #tpu.memory_space<hbm>> -> memref<128xf32, #tpu.memory_space<hbm>>
        %dma_start3A_115 = tpu.memref_slice %arg10[%add3A_96] : memref<10112xf32, #tpu.memory_space<hbm>> -> memref<128xf32, #tpu.memory_space<hbm>>
        %dma_start3A_116 = arith.constant 0 : i32
        %dma_start3A_117 = tpu.memref_slice %arg16[%dma_start3A_116] : memref<144xf32, #tpu.memory_space<vmem>> -> memref<128xf32, #tpu.memory_space<vmem>>
        tpu.enqueue_dma source(%dma_start3A_117 : memref<128xf32, #tpu.memory_space<vmem>>) target(%dma_start3A_115 : memref<128xf32, #tpu.memory_space<hbm>>) target_semaphore(%run_scoped3A : memref<!tpu.dma_semaphore, #tpu.memory_space<semaphore_mem>>)
        %dma_wait3A = arith.constant 0 : i32
        %dma_wait3A_118 = tpu.memref_slice %arg16[%dma_wait3A] : memref<144xf32, #tpu.memory_space<vmem>> -> memref<128xf32, #tpu.memory_space<vmem>>
        %dma_wait3A_119 = tpu.memref_slice %arg10[%add3A_96] : memref<10112xf32, #tpu.memory_space<hbm>> -> memref<128xf32, #tpu.memory_space<hbm>>
        %dma_wait3A_120 = tpu.memref_slice %arg10[%add3A_96] : memref<10112xf32, #tpu.memory_space<hbm>> -> memref<128xf32, #tpu.memory_space<hbm>>
        %dma_wait3A_121 = arith.constant 0 : i32
        %dma_wait3A_122 = tpu.memref_slice %arg16[%dma_wait3A_121] : memref<144xf32, #tpu.memory_space<vmem>> -> memref<128xf32, #tpu.memory_space<vmem>>
        tpu.wait_dma2 semaphore(%run_scoped3A : memref<!tpu.dma_semaphore, #tpu.memory_space<semaphore_mem>>) src(%dma_wait3A_122 : memref<128xf32, #tpu.memory_space<vmem>>) dst(%dma_wait3A_120 : memref<128xf32, #tpu.memory_space<hbm>>)
        tpu.yield
      }) : () -> ()
      %add3A_97 = arith.constant 384 : i32
      %add3A_98 = arith.addi %mul3A_39, %add3A_97 : i32
      %add3A_99 = arith.constant 384 : i32
      %add3A_100 = arith.addi %mul3A_39, %add3A_99 : i32
      "tpu.region"() ({
        %run_scoped3A = tpu.sem_alloc : memref<!tpu.dma_semaphore, #tpu.memory_space<semaphore_mem>>
        %dma_start3A = arith.constant 0 : i32
        %dma_start3A_113 = tpu.memref_slice %arg8[%add3A_100, %dma_start3A] : memref<10112x128xf32, #tpu.memory_space<hbm>> -> memref<128x128xf32, #tpu.memory_space<hbm>>
        %dma_start3A_114 = arith.constant 0 : i32
        %dma_start3A_115 = tpu.memref_slice %arg17[%add3A_98, %dma_start3A_114] : memref<10112x128xf32, #tpu.memory_space<vmem_shared>> -> memref<128x128xf32, #tpu.memory_space<vmem_shared>>
        tpu.enqueue_dma source(%dma_start3A_115 : memref<128x128xf32, #tpu.memory_space<vmem_shared>>) target(%dma_start3A_113 : memref<128x128xf32, #tpu.memory_space<hbm>>) target_semaphore(%run_scoped3A : memref<!tpu.dma_semaphore, #tpu.memory_space<semaphore_mem>>)
        %dma_wait3A = arith.constant 0 : i32
        %dma_wait3A_116 = tpu.memref_slice %arg8[%add3A_100, %dma_wait3A] : memref<10112x128xf32, #tpu.memory_space<hbm>> -> memref<128x128xf32, #tpu.memory_space<hbm>>
        %dma_wait3A_117 = arith.constant 0 : i32
        %dma_wait3A_118 = tpu.memref_slice %arg17[%add3A_98, %dma_wait3A_117] : memref<10112x128xf32, #tpu.memory_space<vmem_shared>> -> memref<128x128xf32, #tpu.memory_space<vmem_shared>>
        tpu.wait_dma2 semaphore(%run_scoped3A : memref<!tpu.dma_semaphore, #tpu.memory_space<semaphore_mem>>) src(%dma_wait3A_118 : memref<128x128xf32, #tpu.memory_space<vmem_shared>>) dst(%dma_wait3A_116 : memref<128x128xf32, #tpu.memory_space<hbm>>)
        tpu.yield
      }) : () -> ()
      %add3A_101 = arith.constant 384 : i32
      %add3A_102 = arith.addi %mul3A_39, %add3A_101 : i32
      "tpu.region"() ({
        %run_scoped3A = tpu.sem_alloc : memref<!tpu.dma_semaphore, #tpu.memory_space<semaphore_mem>>
        %dma_start3A = arith.constant 0 : i32
        %dma_start3A_113 = tpu.memref_slice %arg16[%dma_start3A] : memref<144xf32, #tpu.memory_space<vmem>> -> memref<128xf32, #tpu.memory_space<vmem>>
        %dma_start3A_114 = tpu.memref_slice %arg18[%add3A_102] : memref<10112xf32, #tpu.memory_space<vmem_shared>> -> memref<128xf32, #tpu.memory_space<vmem_shared>>
        %dma_start3A_115 = arith.constant 0 : i32
        %dma_start3A_116 = tpu.memref_slice %arg16[%dma_start3A_115] : memref<144xf32, #tpu.memory_space<vmem>> -> memref<128xf32, #tpu.memory_space<vmem>>
        %dma_start3A_117 = tpu.memref_slice %arg18[%add3A_102] : memref<10112xf32, #tpu.memory_space<vmem_shared>> -> memref<128xf32, #tpu.memory_space<vmem_shared>>
        tpu.enqueue_dma source(%dma_start3A_117 : memref<128xf32, #tpu.memory_space<vmem_shared>>) target(%dma_start3A_116 : memref<128xf32, #tpu.memory_space<vmem>>) target_semaphore(%run_scoped3A : memref<!tpu.dma_semaphore, #tpu.memory_space<semaphore_mem>>)
        %dma_wait3A = arith.constant 0 : i32
        %dma_wait3A_118 = tpu.memref_slice %arg16[%dma_wait3A] : memref<144xf32, #tpu.memory_space<vmem>> -> memref<128xf32, #tpu.memory_space<vmem>>
        %dma_wait3A_119 = tpu.memref_slice %arg18[%add3A_102] : memref<10112xf32, #tpu.memory_space<vmem_shared>> -> memref<128xf32, #tpu.memory_space<vmem_shared>>
        %dma_wait3A_120 = arith.constant 0 : i32
        %dma_wait3A_121 = tpu.memref_slice %arg16[%dma_wait3A_120] : memref<144xf32, #tpu.memory_space<vmem>> -> memref<128xf32, #tpu.memory_space<vmem>>
        %dma_wait3A_122 = tpu.memref_slice %arg18[%add3A_102] : memref<10112xf32, #tpu.memory_space<vmem_shared>> -> memref<128xf32, #tpu.memory_space<vmem_shared>>
        tpu.wait_dma2 semaphore(%run_scoped3A : memref<!tpu.dma_semaphore, #tpu.memory_space<semaphore_mem>>) src(%dma_wait3A_122 : memref<128xf32, #tpu.memory_space<vmem_shared>>) dst(%dma_wait3A_121 : memref<128xf32, #tpu.memory_space<vmem>>)
        tpu.yield
      }) : () -> ()
      %add3A_103 = arith.constant 384 : i32
      %add3A_104 = arith.addi %mul3A_39, %add3A_103 : i32
      "tpu.region"() ({
        %run_scoped3A = tpu.sem_alloc : memref<!tpu.dma_semaphore, #tpu.memory_space<semaphore_mem>>
        %dma_start3A = arith.constant 0 : i32
        %dma_start3A_113 = tpu.memref_slice %arg16[%dma_start3A] : memref<144xf32, #tpu.memory_space<vmem>> -> memref<128xf32, #tpu.memory_space<vmem>>
        %dma_start3A_114 = tpu.memref_slice %arg10[%add3A_104] : memref<10112xf32, #tpu.memory_space<hbm>> -> memref<128xf32, #tpu.memory_space<hbm>>
        %dma_start3A_115 = tpu.memref_slice %arg10[%add3A_104] : memref<10112xf32, #tpu.memory_space<hbm>> -> memref<128xf32, #tpu.memory_space<hbm>>
        %dma_start3A_116 = arith.constant 0 : i32
        %dma_start3A_117 = tpu.memref_slice %arg16[%dma_start3A_116] : memref<144xf32, #tpu.memory_space<vmem>> -> memref<128xf32, #tpu.memory_space<vmem>>
        tpu.enqueue_dma source(%dma_start3A_117 : memref<128xf32, #tpu.memory_space<vmem>>) target(%dma_start3A_115 : memref<128xf32, #tpu.memory_space<hbm>>) target_semaphore(%run_scoped3A : memref<!tpu.dma_semaphore, #tpu.memory_space<semaphore_mem>>)
        %dma_wait3A = arith.constant 0 : i32
        %dma_wait3A_118 = tpu.memref_slice %arg16[%dma_wait3A] : memref<144xf32, #tpu.memory_space<vmem>> -> memref<128xf32, #tpu.memory_space<vmem>>
        %dma_wait3A_119 = tpu.memref_slice %arg10[%add3A_104] : memref<10112xf32, #tpu.memory_space<hbm>> -> memref<128xf32, #tpu.memory_space<hbm>>
        %dma_wait3A_120 = tpu.memref_slice %arg10[%add3A_104] : memref<10112xf32, #tpu.memory_space<hbm>> -> memref<128xf32, #tpu.memory_space<hbm>>
        %dma_wait3A_121 = arith.constant 0 : i32
        %dma_wait3A_122 = tpu.memref_slice %arg16[%dma_wait3A_121] : memref<144xf32, #tpu.memory_space<vmem>> -> memref<128xf32, #tpu.memory_space<vmem>>
        tpu.wait_dma2 semaphore(%run_scoped3A : memref<!tpu.dma_semaphore, #tpu.memory_space<semaphore_mem>>) src(%dma_wait3A_122 : memref<128xf32, #tpu.memory_space<vmem>>) dst(%dma_wait3A_120 : memref<128xf32, #tpu.memory_space<hbm>>)
        tpu.yield
      }) : () -> ()
      %add3A_105 = arith.constant 512 : i32
      %add3A_106 = arith.addi %mul3A_39, %add3A_105 : i32
      %add3A_107 = arith.constant 512 : i32
      %add3A_108 = arith.addi %mul3A_39, %add3A_107 : i32
      "tpu.region"() ({
        %run_scoped3A = tpu.sem_alloc : memref<!tpu.dma_semaphore, #tpu.memory_space<semaphore_mem>>
        %dma_start3A = arith.constant 0 : i32
        %dma_start3A_113 = tpu.memref_slice %arg8[%add3A_108, %dma_start3A] : memref<10112x128xf32, #tpu.memory_space<hbm>> -> memref<120x128xf32, #tpu.memory_space<hbm>>
        %dma_start3A_114 = arith.constant 0 : i32
        %dma_start3A_115 = tpu.memref_slice %arg17[%add3A_106, %dma_start3A_114] : memref<10112x128xf32, #tpu.memory_space<vmem_shared>> -> memref<120x128xf32, #tpu.memory_space<vmem_shared>>
        tpu.enqueue_dma source(%dma_start3A_115 : memref<120x128xf32, #tpu.memory_space<vmem_shared>>) target(%dma_start3A_113 : memref<120x128xf32, #tpu.memory_space<hbm>>) target_semaphore(%run_scoped3A : memref<!tpu.dma_semaphore, #tpu.memory_space<semaphore_mem>>)
        %dma_wait3A = arith.constant 0 : i32
        %dma_wait3A_116 = tpu.memref_slice %arg8[%add3A_108, %dma_wait3A] : memref<10112x128xf32, #tpu.memory_space<hbm>> -> memref<120x128xf32, #tpu.memory_space<hbm>>
        %dma_wait3A_117 = arith.constant 0 : i32
        %dma_wait3A_118 = tpu.memref_slice %arg17[%add3A_106, %dma_wait3A_117] : memref<10112x128xf32, #tpu.memory_space<vmem_shared>> -> memref<120x128xf32, #tpu.memory_space<vmem_shared>>
        tpu.wait_dma2 semaphore(%run_scoped3A : memref<!tpu.dma_semaphore, #tpu.memory_space<semaphore_mem>>) src(%dma_wait3A_118 : memref<120x128xf32, #tpu.memory_space<vmem_shared>>) dst(%dma_wait3A_116 : memref<120x128xf32, #tpu.memory_space<hbm>>)
        tpu.yield
      }) : () -> ()
      %add3A_109 = arith.constant 512 : i32
      %add3A_110 = arith.addi %mul3A_39, %add3A_109 : i32
      "tpu.region"() ({
        %run_scoped3A = tpu.sem_alloc : memref<!tpu.dma_semaphore, #tpu.memory_space<semaphore_mem>>
        %dma_start3A = arith.constant 0 : i32
        %dma_start3A_113 = tpu.memref_slice %arg16[%dma_start3A] : memref<144xf32, #tpu.memory_space<vmem>> -> memref<120xf32, #tpu.memory_space<vmem>>
        %dma_start3A_114 = tpu.memref_slice %arg18[%add3A_110] : memref<10112xf32, #tpu.memory_space<vmem_shared>> -> memref<120xf32, #tpu.memory_space<vmem_shared>>
        %dma_start3A_115 = arith.constant 0 : i32
        %dma_start3A_116 = tpu.memref_slice %arg16[%dma_start3A_115] : memref<144xf32, #tpu.memory_space<vmem>> -> memref<120xf32, #tpu.memory_space<vmem>>
        %dma_start3A_117 = tpu.memref_slice %arg18[%add3A_110] : memref<10112xf32, #tpu.memory_space<vmem_shared>> -> memref<120xf32, #tpu.memory_space<vmem_shared>>
        tpu.enqueue_dma source(%dma_start3A_117 : memref<120xf32, #tpu.memory_space<vmem_shared>>) target(%dma_start3A_116 : memref<120xf32, #tpu.memory_space<vmem>>) target_semaphore(%run_scoped3A : memref<!tpu.dma_semaphore, #tpu.memory_space<semaphore_mem>>)
        %dma_wait3A = arith.constant 0 : i32
        %dma_wait3A_118 = tpu.memref_slice %arg16[%dma_wait3A] : memref<144xf32, #tpu.memory_space<vmem>> -> memref<120xf32, #tpu.memory_space<vmem>>
        %dma_wait3A_119 = tpu.memref_slice %arg18[%add3A_110] : memref<10112xf32, #tpu.memory_space<vmem_shared>> -> memref<120xf32, #tpu.memory_space<vmem_shared>>
        %dma_wait3A_120 = arith.constant 0 : i32
        %dma_wait3A_121 = tpu.memref_slice %arg16[%dma_wait3A_120] : memref<144xf32, #tpu.memory_space<vmem>> -> memref<120xf32, #tpu.memory_space<vmem>>
        %dma_wait3A_122 = tpu.memref_slice %arg18[%add3A_110] : memref<10112xf32, #tpu.memory_space<vmem_shared>> -> memref<120xf32, #tpu.memory_space<vmem_shared>>
        tpu.wait_dma2 semaphore(%run_scoped3A : memref<!tpu.dma_semaphore, #tpu.memory_space<semaphore_mem>>) src(%dma_wait3A_122 : memref<120xf32, #tpu.memory_space<vmem_shared>>) dst(%dma_wait3A_121 : memref<120xf32, #tpu.memory_space<vmem>>)
        tpu.yield
      }) : () -> ()
      %add3A_111 = arith.constant 512 : i32
      %add3A_112 = arith.addi %mul3A_39, %add3A_111 : i32
      "tpu.region"() ({
        %run_scoped3A = tpu.sem_alloc : memref<!tpu.dma_semaphore, #tpu.memory_space<semaphore_mem>>
        %dma_start3A = arith.constant 0 : i32
        %dma_start3A_113 = tpu.memref_slice %arg16[%dma_start3A] : memref<144xf32, #tpu.memory_space<vmem>> -> memref<120xf32, #tpu.memory_space<vmem>>
        %dma_start3A_114 = tpu.memref_slice %arg10[%add3A_112] : memref<10112xf32, #tpu.memory_space<hbm>> -> memref<120xf32, #tpu.memory_space<hbm>>
        %dma_start3A_115 = tpu.memref_slice %arg10[%add3A_112] : memref<10112xf32, #tpu.memory_space<hbm>> -> memref<120xf32, #tpu.memory_space<hbm>>
        %dma_start3A_116 = arith.constant 0 : i32
        %dma_start3A_117 = tpu.memref_slice %arg16[%dma_start3A_116] : memref<144xf32, #tpu.memory_space<vmem>> -> memref<120xf32, #tpu.memory_space<vmem>>
        tpu.enqueue_dma source(%dma_start3A_117 : memref<120xf32, #tpu.memory_space<vmem>>) target(%dma_start3A_115 : memref<120xf32, #tpu.memory_space<hbm>>) target_semaphore(%run_scoped3A : memref<!tpu.dma_semaphore, #tpu.memory_space<semaphore_mem>>)
        %dma_wait3A = arith.constant 0 : i32
        %dma_wait3A_118 = tpu.memref_slice %arg16[%dma_wait3A] : memref<144xf32, #tpu.memory_space<vmem>> -> memref<120xf32, #tpu.memory_space<vmem>>
        %dma_wait3A_119 = tpu.memref_slice %arg10[%add3A_112] : memref<10112xf32, #tpu.memory_space<hbm>> -> memref<120xf32, #tpu.memory_space<hbm>>
        %dma_wait3A_120 = tpu.memref_slice %arg10[%add3A_112] : memref<10112xf32, #tpu.memory_space<hbm>> -> memref<120xf32, #tpu.memory_space<hbm>>
        %dma_wait3A_121 = arith.constant 0 : i32
        %dma_wait3A_122 = tpu.memref_slice %arg16[%dma_wait3A_121] : memref<144xf32, #tpu.memory_space<vmem>> -> memref<120xf32, #tpu.memory_space<vmem>>
        tpu.wait_dma2 semaphore(%run_scoped3A : memref<!tpu.dma_semaphore, #tpu.memory_space<semaphore_mem>>) src(%dma_wait3A_122 : memref<120xf32, #tpu.memory_space<vmem>>) dst(%dma_wait3A_120 : memref<120xf32, #tpu.memory_space<hbm>>)
        tpu.yield
      }) : () -> ()
    } else {
    }
    return
  }
}

module attributes {stable_mosaic.version = 14 : i64} {
  func.func @_proj_body(%arg0: i32, %arg1: memref<400x128xf32, #tpu.memory_space<vmem>>, %arg2: memref<128x128xf32, #tpu.memory_space<vmem>>, %arg3: memref<128x1xf32, #tpu.memory_space<vmem>>, %arg4: memref<128x1xf32, #tpu.memory_space<vmem>>, %arg5: memref<1xf32, #tpu.memory_space<smem>>, %arg6: memref<1xf32, #tpu.memory_space<smem>>, %arg7: memref<400x128xf32, #tpu.memory_space<vmem>>, %arg8: memref<400x1xf32, #tpu.memory_space<vmem>>, %arg9: memref<400x1xf32, #tpu.memory_space<vmem>>) attributes {dimension_semantics = [#tpu.dimension_semantics<arbitrary>], iteration_bounds = array<i64: 25>, scalar_prefetch = 0 : i64, scratch_operands = 0 : i64, tpu.core_type = #tpu.core_type<tc>, window_params = [{transform_indices = @transform_0, window_bounds = array<i64: 400, 128>}, {pipeline_mode = #tpu.pipeline_mode<synchronous>, transform_indices = @transform_1, window_bounds = array<i64: 128, 128>}, {pipeline_mode = #tpu.pipeline_mode<synchronous>, transform_indices = @transform_2, window_bounds = array<i64: 128, 1>}, {pipeline_mode = #tpu.pipeline_mode<synchronous>, transform_indices = @transform_3, window_bounds = array<i64: 128, 1>}, {transform_indices = @transform_4, window_bounds = array<i64: 1>}, {transform_indices = @transform_5, window_bounds = array<i64: 1>}, {transform_indices = @transform_6, window_bounds = array<i64: 400, 128>}, {transform_indices = @transform_7, window_bounds = array<i64: 400, 1>}, {transform_indices = @transform_8, window_bounds = array<i64: 400, 1>}]} {
    %get3A = arith.constant 0 : index
    %get3A_0 = arith.constant 0 : index
    %get3A_1 = vector.load %arg1[%get3A, %get3A_0] : memref<400x128xf32, #tpu.memory_space<vmem>>, vector<400x128xf32>
    %get3A_2 = arith.constant 0 : index
    %get3A_3 = arith.constant 0 : index
    %get3A_4 = vector.load %arg2[%get3A_2, %get3A_3] : memref<128x128xf32, #tpu.memory_space<vmem>>, vector<128x128xf32>
    %dot_general3A = arith.constant dense<0.000000e+00> : vector<400x128xf32>
    %dot_general3A_5 = tpu.matmul %get3A_1, %get3A_4, %dot_general3A {dimension_numbers = #tpu.dot_dimension_numbers<[1], [0], [0], [1], [0, 0, 1, 1], [], []>, transpose_lhs_hint = false} : vector<400x128xf32>, vector<128x128xf32>, vector<400x128xf32> -> vector<400x128xf32>
    %swap3A = arith.constant 0 : index
    %swap3A_6 = arith.constant 0 : index
    %swap3A_7 = vector.load %arg7[%swap3A, %swap3A_6] : memref<400x128xf32, #tpu.memory_space<vmem>>, vector<400x128xf32>
    tpu.vector_store %arg7[%swap3A, %swap3A_6], %dot_general3A_5 {strides = array<i32>} : memref<400x128xf32, #tpu.memory_space<vmem>>, vector<400x128xf32>,
    %get3A_8 = arith.constant 0 : index
    %get3A_9 = arith.constant 0 : index
    %get3A_10 = vector.load %arg3[%get3A_8, %get3A_9] : memref<128x1xf32, #tpu.memory_space<vmem>>, vector<128x1xf32>
    %dot_general3A_11 = arith.constant dense<0.000000e+00> : vector<400x1xf32>
    %dot_general3A_12 = tpu.matmul %dot_general3A_5, %get3A_10, %dot_general3A_11 {dimension_numbers = #tpu.dot_dimension_numbers<[1], [0], [0], [1], [0, 0, 1, 1], [], []>, transpose_lhs_hint = false} : vector<400x128xf32>, vector<128x1xf32>, vector<400x1xf32> -> vector<400x1xf32>
    %get3A_13 = arith.constant 0 : index
    %get3A_14 = memref.load %arg5[%get3A_13] : memref<1xf32, #tpu.memory_space<smem>>
    %add3A = vector.broadcast %get3A_14 : f32 to vector<400x1xf32>
    %add3A_15 = arith.addf %dot_general3A_12, %add3A : vector<400x1xf32>
    %swap3A_16 = arith.constant 0 : index
    %swap3A_17 = arith.constant 0 : index
    %swap3A_18 = vector.load %arg8[%swap3A_16, %swap3A_17] : memref<400x1xf32, #tpu.memory_space<vmem>>, vector<400x1xf32>
    tpu.vector_store %arg8[%swap3A_16, %swap3A_17], %add3A_15 {strides = array<i32>} : memref<400x1xf32, #tpu.memory_space<vmem>>, vector<400x1xf32>,
    %get3A_19 = arith.constant 0 : index
    %get3A_20 = arith.constant 0 : index
    %get3A_21 = vector.load %arg4[%get3A_19, %get3A_20] : memref<128x1xf32, #tpu.memory_space<vmem>>, vector<128x1xf32>
    %dot_general3A_22 = arith.constant dense<0.000000e+00> : vector<400x1xf32>
    %dot_general3A_23 = tpu.matmul %dot_general3A_5, %get3A_21, %dot_general3A_22 {dimension_numbers = #tpu.dot_dimension_numbers<[1], [0], [0], [1], [0, 0, 1, 1], [], []>, transpose_lhs_hint = false} : vector<400x128xf32>, vector<128x1xf32>, vector<400x1xf32> -> vector<400x1xf32>
    %get3A_24 = arith.constant 0 : index
    %get3A_25 = memref.load %arg6[%get3A_24] : memref<1xf32, #tpu.memory_space<smem>>
    %add3A_26 = vector.broadcast %get3A_25 : f32 to vector<400x1xf32>
    %add3A_27 = arith.addf %dot_general3A_23, %add3A_26 : vector<400x1xf32>
    %swap3A_28 = arith.constant 0 : index
    %swap3A_29 = arith.constant 0 : index
    %swap3A_30 = vector.load %arg9[%swap3A_28, %swap3A_29] : memref<400x1xf32, #tpu.memory_space<vmem>>, vector<400x1xf32>
    tpu.vector_store %arg9[%swap3A_28, %swap3A_29], %add3A_27 {strides = array<i32>} : memref<400x1xf32, #tpu.memory_space<vmem>>, vector<400x1xf32>,
    return
  }
  func.func @transform_0(%arg0: i32) -> (i32, i32) {
    %c0_i32 = arith.constant 0 : i32
    %c0_i32_0 = arith.constant 0 : i32
    return %arg0, %c0_i32 : i32, i32
  }
  func.func @transform_1(%arg0: i32) -> (i32, i32) {
    %c0_i32 = arith.constant 0 : i32
    %c0_i32_0 = arith.constant 0 : i32
    %c0_i32_1 = arith.constant 0 : i32
    return %c0_i32, %c0_i32_0 : i32, i32
  }
  func.func @transform_2(%arg0: i32) -> (i32, i32) {
    %c0_i32 = arith.constant 0 : i32
    %c0_i32_0 = arith.constant 0 : i32
    %c0_i32_1 = arith.constant 0 : i32
    return %c0_i32, %c0_i32_0 : i32, i32
  }
  func.func @transform_3(%arg0: i32) -> (i32, i32) {
    %c0_i32 = arith.constant 0 : i32
    %c0_i32_0 = arith.constant 0 : i32
    %c0_i32_1 = arith.constant 0 : i32
    return %c0_i32, %c0_i32_0 : i32, i32
  }
  func.func @transform_4(%arg0: i32) -> i32 {
    %c0_i32 = arith.constant 0 : i32
    %c0_i32_0 = arith.constant 0 : i32
    return %c0_i32 : i32
  }
  func.func @transform_5(%arg0: i32) -> i32 {
    %c0_i32 = arith.constant 0 : i32
    %c0_i32_0 = arith.constant 0 : i32
    return %c0_i32 : i32
  }
  func.func @transform_6(%arg0: i32) -> (i32, i32) {
    %c0_i32 = arith.constant 0 : i32
    %c0_i32_0 = arith.constant 0 : i32
    return %arg0, %c0_i32 : i32, i32
  }
  func.func @transform_7(%arg0: i32) -> (i32, i32) {
    %c0_i32 = arith.constant 0 : i32
    %c0_i32_0 = arith.constant 0 : i32
    return %arg0, %c0_i32 : i32, i32
  }
  func.func @transform_8(%arg0: i32) -> (i32, i32) {
    %c0_i32 = arith.constant 0 : i32
    %c0_i32_0 = arith.constant 0 : i32
    return %arg0, %c0_i32 : i32, i32
  }
}

module attributes {stable_mosaic.version = 14 : i64} {
  func.func @_combine_body(%arg0: i32, %arg1: memref<400x128xf32, #tpu.memory_space<vmem>>, %arg2: memref<400x128xf32, #tpu.memory_space<vmem>>, %arg3: memref<400x1xf32, #tpu.memory_space<vmem>>, %arg4: memref<400x1xf32, #tpu.memory_space<vmem>>, %arg5: memref<1x128xf32, #tpu.memory_space<vmem>>, %arg6: memref<400x128xf32, #tpu.memory_space<vmem>>) attributes {dimension_semantics = [#tpu.dimension_semantics<arbitrary>], iteration_bounds = array<i64: 25>, scalar_prefetch = 0 : i64, scratch_operands = 0 : i64, tpu.core_type = #tpu.core_type<tc>, window_params = [{transform_indices = @transform_0, window_bounds = array<i64: 400, 128>}, {transform_indices = @transform_1, window_bounds = array<i64: 400, 128>}, {transform_indices = @transform_2, window_bounds = array<i64: 400, 1>}, {transform_indices = @transform_3, window_bounds = array<i64: 400, 1>}, {pipeline_mode = #tpu.pipeline_mode<synchronous>, transform_indices = @transform_4, window_bounds = array<i64: 1, 128>}, {transform_indices = @transform_5, window_bounds = array<i64: 400, 128>}]} {
    %get3A = arith.constant 0 : index
    %get3A_0 = arith.constant 0 : index
    %get3A_1 = vector.load %arg3[%get3A, %get3A_0] : memref<400x1xf32, #tpu.memory_space<vmem>>, vector<400x1xf32>
    %get3A_2 = arith.constant 0 : index
    %get3A_3 = arith.constant 0 : index
    %get3A_4 = vector.load %arg4[%get3A_2, %get3A_3] : memref<400x1xf32, #tpu.memory_space<vmem>>, vector<400x1xf32>
    %add3A = arith.addf %get3A_1, %get3A_4 : vector<400x1xf32>
    %eq3A = arith.constant 0.000000e+00 : f32
    %eq3A_5 = vector.broadcast %eq3A : f32 to vector<400x1xf32>
    %eq3A_6 = arith.cmpf oeq, %add3A, %eq3A_5 : vector<400x1xf32>
    %jit3A = arith.constant 1.000000e+00 : f32
    %broadcast_in_dim3A = vector.broadcast %jit3A : f32 to vector<400x1xf32>
    %select_n3A = arith.select %eq3A_6, %broadcast_in_dim3A, %add3A : vector<400x1xi1>, vector<400x1xf32>
    %get3A_7 = arith.constant 0 : index
    %get3A_8 = arith.constant 0 : index
    %get3A_9 = vector.load %arg1[%get3A_7, %get3A_8] : memref<400x128xf32, #tpu.memory_space<vmem>>, vector<400x128xf32>
    %get3A_10 = arith.constant 0 : index
    %get3A_11 = arith.constant 0 : index
    %get3A_12 = vector.load %arg2[%get3A_10, %get3A_11] : memref<400x128xf32, #tpu.memory_space<vmem>>, vector<400x128xf32>
    %add3A_13 = arith.addf %get3A_9, %get3A_12 : vector<400x128xf32>
    %div3A = vector.broadcast %select_n3A : vector<400x1xf32> to vector<400x128xf32>
    %div3A_14 = arith.divf %add3A_13, %div3A : vector<400x128xf32>
    %get3A_15 = arith.constant 0 : index
    %get3A_16 = arith.constant 0 : index
    %get3A_17 = vector.load %arg5[%get3A_15, %get3A_16] : memref<1x128xf32, #tpu.memory_space<vmem>>, vector<1x128xf32>
    %add3A_18 = vector.broadcast %get3A_17 : vector<1x128xf32> to vector<400x128xf32>
    %add3A_19 = arith.addf %div3A_14, %add3A_18 : vector<400x128xf32>
    %gt3A = arith.constant 0.000000e+00 : f32
    %gt3A_20 = vector.broadcast %gt3A : f32 to vector<400x128xf32>
    %gt3A_21 = arith.cmpf ogt, %add3A_19, %gt3A_20 : vector<400x128xf32>
    %min3A = arith.constant 0.000000e+00 : f32
    %min3A_22 = vector.broadcast %min3A : f32 to vector<400x128xf32>
    %min3A_23 = arith.minimumf %add3A_19, %min3A_22 : vector<400x128xf32>
    %exp3A = math.exp %min3A_23 : vector<400x128xf32>
    %sub3A = arith.constant 1.000000e+00 : f32
    %sub3A_24 = vector.broadcast %sub3A : f32 to vector<400x128xf32>
    %sub3A_25 = arith.subf %exp3A, %sub3A_24 : vector<400x128xf32>
    %select_n3A_26 = arith.select %gt3A_21, %add3A_19, %sub3A_25 : vector<400x128xi1>, vector<400x128xf32>
    %swap3A = arith.constant 0 : index
    %swap3A_27 = arith.constant 0 : index
    %swap3A_28 = vector.load %arg6[%swap3A, %swap3A_27] : memref<400x128xf32, #tpu.memory_space<vmem>>, vector<400x128xf32>
    tpu.vector_store %arg6[%swap3A, %swap3A_27], %select_n3A_26 {strides = array<i32>} : memref<400x128xf32, #tpu.memory_space<vmem>>, vector<400x128xf32>,
    return
  }
  func.func @transform_0(%arg0: i32) -> (i32, i32) {
    %c0_i32 = arith.constant 0 : i32
    %c0_i32_0 = arith.constant 0 : i32
    return %arg0, %c0_i32 : i32, i32
  }
  func.func @transform_1(%arg0: i32) -> (i32, i32) {
    %c0_i32 = arith.constant 0 : i32
    %c0_i32_0 = arith.constant 0 : i32
    return %arg0, %c0_i32 : i32, i32
  }
  func.func @transform_2(%arg0: i32) -> (i32, i32) {
    %c0_i32 = arith.constant 0 : i32
    %c0_i32_0 = arith.constant 0 : i32
    return %arg0, %c0_i32 : i32, i32
  }
  func.func @transform_3(%arg0: i32) -> (i32, i32) {
    %c0_i32 = arith.constant 0 : i32
    %c0_i32_0 = arith.constant 0 : i32
    return %arg0, %c0_i32 : i32, i32
  }
  func.func @transform_4(%arg0: i32) -> (i32, i32) {
    %c0_i32 = arith.constant 0 : i32
    %c0_i32_0 = arith.constant 0 : i32
    %c0_i32_1 = arith.constant 0 : i32
    return %c0_i32, %c0_i32_0 : i32, i32
  }
  func.func @transform_5(%arg0: i32) -> (i32, i32) {
    %c0_i32 = arith.constant 0 : i32
    %c0_i32_0 = arith.constant 0 : i32
    return %arg0, %c0_i32 : i32, i32
  }
}

</mosaic_0001>

<sc_bundles>
// kernel: kernel.5.cloned.1.call-start
scs
__scs_entry_jumppad:
0x0: {  	(pc) =	sbr.rel $0x88, $3  }
0x1: {  	(tag) =	ssettag $0x0;
	lr =	simm.s32 $0x1  }
0x2: {  	[smem:$0x3F99] =	sst lr;
	_ =	strace $0xD0000000  }
0x3: {  	_ = 	snop  }
0x4: {  	_ = 	snop  }
0x5: {  	_ = 	snop  }
0x6: {  	_ = 	snop  }
0x7: {  	_ = 	snop  }
__scs_overlays_trampoline_lowered:
0x8: {  	[smem:$0x3FA8] =	sst s0  }
0x9: {  	[smem:$0x3FA9] =	sst s1  }
0xa: {  	[smem:$0x3FAA] =	sst s2  }
0xb: {  	[smem:$0x3FAB] =	sst s3  }
0xc: {  	[smem:$0x3FAC] =	sst s4  }
0xd: {  	[smem:$0x3FAD] =	sst s5  }
0xe: {  	[smem:$0x3FAE] =	sst s6  }
0xf: {  	[smem:$0x3FAF] =	sst s7  }
0x10: {  	[smem:$0x3FB0] =	sst s8  }
0x11: {  	[smem:$0x3FB1] =	sst s9;
	s0 =	simm.s32 @!p0 $0x0  }
0x12: {  	s1 =	sld [smem:$0x3F97];
	s0 =	simm.s32 @p0 $0x1  }
0x13: {  	[smem:$0x3FB2] =	sst s0;
	s0 =	simm.s32 @!p1 $0x0  }
0x14: {  	s2 =	sld [smem:$0x3F96];
	s0 =	simm.s32 @p1 $0x1  }
0x15: {  	[smem:$0x3FB3] =	sst s0;
	s0 =	simm.s32 @!p2 $0x0  }
0x16: {  	s3 =	sld [smem:$0x3FDB];
	s0 =	simm.s32 @p2 $0x1  }
0x17: {  	s4 =	simm.s32 $0x1BF5;
	[smem:$0x3FB5] =	sst s0  }
0x18: {  	s0 =	sld [smem:$0x3F98];
	_ =	swait.ge [sflag:s4], $0x0  }
0x19: {  	s7 =	sld [smem:$0x3F99]  }
0x1a: {  	s8 =	sadd.s32 $0xFFFFE003, lr  }
0x1b: {  	s9 =	sadd.s32 $0xFFFFFEF7, lr;
	s5 =	simm.s32 $0xFFFFFFFF;
	p2 =	slt.u32 s8, $0xFFFFF086  }
0x1c: {  	p1 =	slt.u32 s9, $0xF7A;
	s5 =	simm.s32 @!p2 $0x0  }
0x1d: {  	s5 =	simm.s32 @p1 $0x1;
	p0 =	seq.s32 s7, s2  }
0x1e: {  	s7 =	smul.u32 @!p0 $0xF7A, s2;
	p2 =	seq.s32 @!p0 s5, $0x0  }
0x1f: {  	s9 =	smul.u32 $0xF7A, s1;
	s8 =	simm.s32 @!p0 $0x1BF5;
	p2 =	por !p2, p0  }
0x20: {  	[sflag:s8] =	ssyncset.s32 @!p0 $0xFFFFF086;
	s6 =	sadd.s32 @!p0 s3, s7;
	s7 =	simm.s32 @!p0 $0x108  }
0x21: {  	s3 =	sadd.s32 s3, s9;
	s6 =	sadd.s32 @!p0 $0x88, s6;
	s7 =	simm.s32 @p2 $0x1082  }
0x22: {  	[simem:s7], [sflag:s8] =	dma.local @!p0 [hbm:s6], $0xF7A  }
0x23: {  	s9 =	sor.u32 $0xD0000000, s2;
	s6 =	simm.s32 $0x108;
	_ =	swait.ge @!p0 [sflag:s8], $0x0  }
0x24: {  	s3 =	sadd.s32 $0x88, s3;
	s6 =	simm.s32 @!p1 $0x1082;
	[sflag:s4] =	ssyncset.s32 $0xFFFFF086  }
0x25: {  	[simem:s6], [sflag:s4] =	dma.local [hbm:s3], $0xF7A  }
0x26: {  	[smem:$0x3F99] =	sst s1;
	(tag) =	ssettag s2;
	_ =	strace s9  }
0x27: {  	s1 =	sld [smem:$0x3FA9]  }
0x28: {  	s2 =	sld [smem:$0x3FAA]  }
0x29: {  	s4 =	sld [smem:$0x3FAC]  }
0x2a: {  	p0 =	seq.s32 s5, $0x0;
	s5 =	sld [smem:$0x3FAD]  }
0x2b: {  	s6 =	sld [smem:$0x3FAE]  }
0x2c: {  	s7 =	sld [smem:$0x3FAF]  }
0x2d: {  	s3 =	simm.s32 $0x108;
	s8 =	sld [smem:$0x3FB0]  }
0x2e: {  	s3 =	simm.s32 @!p0 $0x1082;
	s9 =	sld [smem:$0x3FB1]  }
0x2f: {  	lr =	sadd.s32 s0, s3;
	s0 =	sld [smem:$0x3FA8]  }
0x30: {  	s3 =	sld [smem:$0x3FAB]  }
0x31: {  	[smem:$0x3FB4] =	sst s10  }
0x32: {  	s10 =	sld [smem:$0x3FB2];
	_ =	sdelay $0x3  }
0x33: {  	p0 =	seq.s32 s10, $0x1;
	s10 =	sld [smem:$0x3FB4];
	_ =	sdelay $0x3  }
0x34: {  	[smem:$0x3FB4] =	sst s10  }
0x35: {  	s10 =	sld [smem:$0x3FB3];
	_ =	sdelay $0x3  }
0x36: {  	p1 =	seq.s32 s10, $0x1;
	s10 =	sld [smem:$0x3FB4];
	_ =	sdelay $0x3  }
0x37: {  	[smem:$0x3FB4] =	sst s10  }
0x38: {  	s10 =	sld [smem:$0x3FB5]  }
0x39: {  	_ = 	snop;
	(pc) =	sbr.ind lr, $3  }
0x3a: {  	_ = 	snop  }
0x3b: {  	_ = 	snop  }
0x3c: {  	p2 =	seq.s32 s10, $0x1;
	s10 =	sld [smem:$0x3FB4]  }
0x3d: {  	_ =	shalt  }
0x3e: {  	_ =	shalt  }
0x3f: {  	_ =	shalt  }
0x40: {  	_ =	shalt  }
0x41: {  	_ =	shalt  }
0x42: {  	_ =	shalt  }
0x43: {  	_ =	shalt  }
0x44: {  	_ =	shalt  }
0x45: {  	_ =	shalt  }
0x46: {  	_ =	shalt  }
0x47: {  	_ =	shalt  }
0x48: {  	_ =	shalt  }
0x49: {  	_ =	shalt  }
0x4a: {  	_ =	shalt  }
0x4b: {  	_ =	shalt  }
0x4c: {  	_ =	shalt  }
0x4d: {  	_ =	shalt  }
0x4e: {  	_ =	shalt  }
0x4f: {  	_ =	shalt  }
0x50: {  	_ =	shalt  }
0x51: {  	_ =	shalt  }
0x52: {  	_ =	shalt  }
0x53: {  	_ =	shalt  }
0x54: {  	_ =	shalt  }
0x55: {  	_ =	shalt  }
0x56: {  	_ =	shalt  }
0x57: {  	_ =	shalt  }
0x58: {  	_ =	shalt  }
0x59: {  	_ =	shalt  }
0x5a: {  	_ =	shalt  }
0x5b: {  	_ =	shalt  }
0x5c: {  	_ =	shalt  }
0x5d: {  	_ =	shalt  }
0x5e: {  	_ =	shalt  }
0x5f: {  	_ =	shalt  }
0x60: {  	_ =	shalt  }
0x61: {  	_ =	shalt  }
0x62: {  	_ =	shalt  }
0x63: {  	_ =	shalt  }
0x64: {  	_ =	shalt  }
0x65: {  	_ =	shalt  }
0x66: {  	_ =	shalt  }
0x67: {  	_ =	shalt  }
0x68: {  	_ =	shalt  }
0x69: {  	_ =	shalt  }
0x6a: {  	_ =	shalt  }
0x6b: {  	_ =	shalt  }
0x6c: {  	_ =	shalt  }
0x6d: {  	_ =	shalt  }
0x6e: {  	_ =	shalt  }
0x6f: {  	_ =	shalt  }
0x70: {  	_ =	shalt  }
0x71: {  	_ =	shalt  }
0x72: {  	_ =	shalt  }
0x73: {  	_ =	shalt  }
0x74: {  	_ =	shalt  }
0x75: {  	_ =	shalt  }
0x76: {  	_ =	shalt  }
0x77: {  	_ =	shalt  }
0x78: {  	_ =	shalt  }
0x79: {  	_ =	shalt  }
0x7a: {  	_ =	shalt  }
0x7b: {  	_ =	shalt  }
0x7c: {  	_ =	shalt  }
0x7d: {  	_ =	shalt  }
0x7e: {  	_ =	shalt  }
0x7f: {  	_ =	shalt  }
0x80: {  	_ =	shalt  }
0x81: {  	_ =	shalt  }
0x82: {  	_ =	shalt  }
0x83: {  	_ =	shalt  }
0x84: {  	_ =	shalt  }
0x85: {  	_ =	shalt  }
0x86: {  	_ =	shalt  }
0x87: {  	_ =	shalt  }
.Lfunc_end0:
.L_simem_size_0:
called_computation_lowered:
.L_overlay_start_0:
0x88: {  	s2 =	sld [smem:$0x3FD9]  }
0x89: {  	s3 =	sld [smem:$0x3FFE];
	_ =	sdelay $0x1  }
0x8a: {  	s1 =	srdreg.scid  }
0x8b: {  	s0 =	sand.u32 $0x1, s1  }
0x8c: {  	s17 =	sshll.u32 s0, $0xA;
	s2 =	sadd.s32 s3, s2  }
0x8d: {  	s2 =	sadd.s32 s2, s17  }
0x8e: {  	[smem:$0x3FC0] =	sst s2  }
0x8f: {  	_ = 	snop  }
0x90: {  	s2 =	sld [smem:$0x3FD0];
	(tm) =	ssettm $0x1  }
0x91: {  	s18 =	sld [smem:$0x3FFB];
	_ =	sdelay $0x3  }
0x92: {  	_ =	strace s18  }
0x93: {  	s3 =	sld [smem:$0x3FFC];
	_ =	sdelay $0x3  }
0x94: {  	_ =	strace s3  }
0x95: {  	s3 =	sld [smem:$0x3FFD];
	_ =	sdelay $0x3  }
0x96: {  	_ =	strace s3  }
0x97: {  	_ =	strace $0x8FFFFFFF  }
0x98: {  	s19 =	sld [smem:$0x3FDB];
	_ =	sdelay $0x1  }
0x99: {  	s4 =	simm.s32 $_scs_section_size  }
0x9a: {  	s5 =	simm.s32 $_size__tile_overlayer_lowered;
	s6 =	simm.s32 $_tile_overlayer_lowered  }
0x9b: {  	s22 =	simm.s32 $0x1BFF;
	s21 =	sshll.u32 s6, $0x1;
	s3 =	sadd.s32 s4, s19  }
0x9c: {  	s7 =	simm.s32 $0x0;
	s20 =	sshll.u32 s5, $0x1;
	s5 =	sadd.s32 s21, s3  }
0x9d: {  	[timem:s7], [sflag:s22] =	dma.local [hbm:s5], s20  }
0x9e: {  	_ =	swait.ge [sflag:s22], s20  }
0x9f: {  	s4 =	ssub.s32 $0x0, s20;
	[sflag:s22] =	ssyncset.done $0x0  }
0xa0: {  	[sflag:s22] =	ssyncadd.s32 s4;
	_ =	sdelay $0x1  }
0xa1: {  	s23 =	simm.s32 $0x1B8B  }
0xa2: {  	_ =	swait.ge [sflag:s23], $0x1  }
0xa3: {  	[sflag:s23] =	ssyncset.done $0x0  }
0xa4: {  	s25 =	simm.s32 $0x1B8E;
	s24 =	sld [smem:$0x3FFE];
	[sflag:s23] =	ssyncadd.s32 $0xFFFFFFFF  }
0xa5: {  	s26 =	simm.s32 $execute0_lowered;
	[smem:$0x3FD2] =	sst s25  }
0xa6: {  	s5 =	sshll.u32 s26, $0x1;
	_ =	strace $0x80000046;
	[dreg:$0x1] =	wrdreg $0xFFFFFFFF  }
0xa7: {  	s28 =	simm.s32 $_size_execute0_lowered;
	s3 =	sadd.s32 s3, s5;
	[dreg:$0x0] =	wrdreg $0x0  }
0xa8: {  	s5 =	sshll.u32 s28, $0x1;
	[dreg:$0x2] =	wrdreg s3  }
0xa9: {  	[dreg:$0x3] =	wrdreg s5  }
0xaa: {  	[dreg:$0x4] =	wrdreg $0xC0  }
0xab: {  	_ =	task [dreg:s7], $0x5FFFF  }
0xac: {  	[dreg:$0x1] =	wrdreg $0xFFFFFFFF  }
0xad: {  	[dreg:$0x0] =	wrdreg $0x60  }
0xae: {  	[dreg:$0x2] =	wrdreg s2  }
0xaf: {  	[dreg:$0x3] =	wrdreg s24  }
0xb0: {  	[dreg:$0x4] =	wrdreg $0x98000  }
0xb1: {  	[dreg:$0x5] =	wrdreg $0x1D4000  }
0xb2: {  	[dreg:$0x6] =	wrdreg $0x9  }
0xb3: {  	_ =	task.clear_ibuf [dreg:s7], $0x7FFFF;
	_ =	strace $0x90000046  }
0xb4: {  	s29 =	simm.s32 $0x9;
	_ =	strace $0x80000048  }
0xb5: {  	_ =	swait.ge [sflag:s29], $0x1  }
0xb6: {  	[sflag:s29] =	ssyncadd.s32 $0xFFFFFFFF  }
0xb7: {  	_ =	strace $0x90000048  }
0xb8: {  	_ =	sfence  }
0xb9: {  	s30 =	sld [smem:$0x0];
	_ =	sdelay $0x2  }
0xba: {  	s31 =	sshll.u32 s1, $0xD;
	s1 =	sshrl.u32 s1, $0x2  }
0xbb: {  	s3 =	sand.u32 $0x4000, s31;
	s1 =	sadd.s32 s1, s30  }
0xbc: {  	s0 =	sor.u32 s3, s0;
	s1 =	sshll.u32 s1, $0x11  }
0xbd: {  	s0 =	sor.u32 s1, s0  }
0xbe: {  	s0 =	sadd.s32 $0x8F2B, s0  }
0xbf: {  	[sflag:s0] =	ssyncadd.remote.s32 $0x1  }
0xc0: {  	_ =	sfence.sel $0xFFFF  }
0xc1: {  	[dreg:$0x0] =	wrdreg $0xFFFFFFFF;
	(pc) =	sbr.abs _section_cstart, $3  }
0xc2: {  	[dreg:$0x1] =	wrdreg $0xFFFFFFFF  }
0xc3: {  	_ =	task.clear_ibuf [dreg:s7], $0x2FFFF;
	_ =	strace $0x9FFFFFFF  }
0xc4: {  	(tm) =	ssettm $0x7FFFFFFF  }
0xc5: {  	_ =	shalt  }
tec
execute0_lowered:
.L_overlay_start_1:
0x0: {  	(tag) =	ssettag $0x1  }
0x1: {  	s1 =	rddreg [dreg:$0x0]  }
0x2: {  	s0 =	rddreg [dreg:$0x1]  }
0x3: {  	s2 =	rddreg [dreg:$0x2]  }
0x4: {  	s3 =	rddreg [dreg:$0x3]  }
0x5: {  	s29 =	simm.s32 $0x0;
	s5 =	srdreg.scid;
	s18 =	stileid.u32  }
0x6: {  	s28 =	simm.s32 $0x380;
	[smem:$0x7FF] =	sst s29;
	s8 =	smul.u32 $0x278, s18  }
0x7: {  	s4 =	sadd.s32 $0x3DA00, s0;
	s7 =	sadd.s32 $0x16200, s0;
	s10 =	smul.u32 $0x4F000, s18  }
0x8: {  	s5 =	sand.u32 $0x1, s5;
	s9 =	sadd.s32 $0x15600, s0;
	s26 =	smul.u32 $0x2800, s18  }
0x9: {  	s11 =	sadd.s32 $0x15C00, s0;
	s18 =	smul.u32 $0x2780, s18;
	_ =	strace $0x80000047  }
0xa: {  	s6 =	ssub.s32 $0x2, s5;
	s13 =	smul.u32 $0x28000, s5;
	p0 =	seq.s32 s5, $0x1  }
0xb: {  	s12 =	sshrl.u32 s6, $0x1;
	s14 =	sadd.s32 $0x80, s8;
	s15 =	sadd.s32 $0x100, s8  }
0xc: {  	s16 =	sadd.s32 $0x180, s8;
	s17 =	sadd.s32 $0x200, s8;
	s23 =	sshrl.u32 s8, $0x3  }
0xd: {  	s4 =	smov.u32 @p0 s7;
	s9 =	smov.u32 @p0 s11;
	s31 =	sadd.s32 s8, s3  }
0xe: {  	s8 =	simm.s32 $0x2F80;
	s12 =	ssub.s32 s6, s12;
	s6 =	sadd.s32 s26, s13  }
0xf: {  	s24 =	sshll.u32 s14, $0x4;
	s19 =	sshrl.u32 s14, $0x3;
	s20 =	sshll.u32 s15, $0x4  }
0x10: {  	s21 =	sshrl.u32 s15, $0x3;
	s22 =	sshll.u32 s16, $0x4;
	s7 =	sshrl.u32 s16, $0x3  }
0x11: {  	s25 =	sshll.u32 s17, $0x4;
	s5 =	sadd.s32 s4, s18;
	[dreg:$0x12] =	wrdreg s31  }
0x12: {  	s23 =	sadd.s32 s9, s23;
	s11 =	sshll.u32 s14, $0x7;
	[dreg:$0x5] =	wrdreg s5  }
0x13: {  	s13 =	sshll.u32 s15, $0x7;
	s14 =	sadd.s32 s14, s3;
	[dreg:$0xa] =	wrdreg s23  }
0x14: {  	s26 =	sadd.s32 s4, s24;
	s18 =	sadd.s32 s4, s20;
	[dreg:$0x14] =	wrdreg s14  }
0x15: {  	s20 =	sadd.s32 s4, s22;
	s4 =	sadd.s32 s4, s25;
	[dreg:$0x6] =	wrdreg s26  }
0x16: {  	s22 =	sshrl.u32 s17, $0x3;
	s24 =	sadd.s32 s9, s19;
	[dreg:$0x7] =	wrdreg s18  }
0x17: {  	s25 =	sadd.s32 s9, s21;
	s19 =	sadd.s32 $0xAA00, s0;
	[dreg:$0x8] =	wrdreg s20  }
0x18: {  	s21 =	sadd.s32 s15, s3;
	s23 =	sshll.u32 s17, $0x7;
	[dreg:$0x9] =	wrdreg s4  }
0x19: {  	s15 =	sadd.s32 s17, s3;
	s5 =	simm.s32 $0x800;
	[dreg:$0xb] =	wrdreg s24  }
0x1a: {  	s17 =	simm.s32 $0x580;
	s14 =	simm.s32 $0x0;
	[dreg:$0xc] =	wrdreg s25  }
0x1b: {  	s26 =	sadd.s32 s9, s7;
	s4 =	sadd.s32 s9, s22;
	[dreg:$0x16] =	wrdreg s21  }
0x1c: {  	s7 =	sadd.s32 $0x15000, s0;
	s9 =	sshrl.u32 s10, $0x2;
	[dreg:$0x1a] =	wrdreg s15  }
0x1d: {  	s10 =	sadd.s32 $0x14A00, s0;
	s20 =	sadd.s32 $0xA00, s0;
	[dreg:$0xd] =	wrdreg s26  }
0x1e: {  	s0 =	sadd.s32 s11, s2;
	s18 =	sadd.s32 s13, s2;
	[dreg:$0xe] =	wrdreg s4  }
0x1f: {  	s22 =	sshll.u32 s16, $0x7;
	s24 =	sadd.s32 s16, s3;
	[dreg:$0xf] =	wrdreg s7  }
0x20: {  	s25 =	sadd.s32 s23, s2;
	s11 =	simm.s32 $0x400;
	[dreg:$0x10] =	wrdreg s10  }
0x21: {  	s13 =	simm.s32 $0x1;
	s16 =	simm.s32 $0x100;
	[dreg:$0x13] =	wrdreg s0  }
0x22: {  	s21 =	simm.s32 $0x200;
	s23 =	simm.s32 $0x280;
	[dreg:$0x15] =	wrdreg s18  }
0x23: {  	s30 =	sadd.s32 s9, s2;
	s0 =	sadd.s32 s22, s2;
	[dreg:$0x18] =	wrdreg s24  }
0x24: {  	[dreg:$0x19] =	wrdreg s25;
	s26 =	smax.u32 s12, $0x1;
	s7 =	simm.s32 $0x2  }
0x25: {  	s9 =	simm.s32 $0x5700;
	s10 =	simm.s32 $0x9700;
	s12 =	simm.s32 $0x80  }
0x26: {  	s18 =	simm.s32 $0x180;
	s22 =	simm.s32 $0x680;
	[dreg:$0x17] =	wrdreg s0  }
0x27: {  	s24 =	simm.s32 $0x700;
	s25 =	simm.s32 $0x300;
	[dreg:$0x1b] =	wrdreg s26  }
0x28: {  	v0 =	vimm.f32 $0.0e+00;
	s0 =	simm.s32 $0x600;
	s26 =	simm.s32 $0x780;
	[dreg:$0x11] =	wrdreg s30  }
.LBB2_1:
0x29: {  	[dreg:$0x1c] =	wrdreg s14  }
0x2a: {  	s4 =	rddreg [dreg:$0xf]  }
0x2b: {  	[tilespmem:s5], [sflag:$0x2] =	stream.linear.gather [hbm4b:s4+s29], $0x2780, $0x38;
	[tilespmem:$0x1D678] =	vst v63  }
0x2c: {  	_ =	swait.ge [sflag:s7], $0x2780  }
0x2d: {  	[sflag:s7] =	ssyncset.done $0x0  }
0x2e: {  	s14 =	rddreg [dreg:$0x10];
	[sflag:s7] =	ssyncadd.s32 $0xFFFFD880  }
0x2f: {  	[tilespmem:s8], [sflag:$0x2] =	stream.linear.gather [hbm4b:s14+s29], $0x2780, $0x38;
	[tilespmem:$0x1D678] =	vst v63  }
0x30: {  	_ =	swait.ge [sflag:s7], $0x2780  }
0x31: {  	[sflag:s7] =	ssyncset.done $0x0  }
0x32: {  	s4 =	simm.s32 $0x0;
	s14 =	simm.s32 $0x200;
	[sflag:s7] =	ssyncadd.s32 $0xFFFFD880  }
.LBB2_2:
0x33: {  	p0 =	sne.s32 s14, $0xFE00;
	[tilespmem:s4+$0x5770] =	vst v0  }
0x34: {  	[tilespmem:s4+$0x5700] =	vst v0  }
0x35: {  	[tilespmem:s4+$0x5710] =	vst v0  }
.Ltmp0:
0x36: {  	[tilespmem:s4+$0x5720] =	vst v0;
	(pc) =	sbr.rel @p0 .LBB2_2-.Ltmp0, $4  }
0x37: {  	[tilespmem:s4+$0x5730] =	vst v0  }
0x38: {  	[tilespmem:s4+$0x5740] =	vst v0  }
0x39: {  	[tilespmem:s4+$0x5750] =	vst v0  }
0x3a: {  	[tilespmem:s4+$0x5760] =	vst v0;
	s4 =	sshra.s32 s14, $0x2;
	s14 =	sadd.s32 $0x200, s14  }
0x3b: {  	[tilespmem:s4+$0x5770] =	vst v0  }
0x3c: {  	[tilespmem:s4+$0x5700] =	vst v0  }
0x3d: {  	[tilespmem:s4+$0x5710] =	vst v0  }
0x3e: {  	[tilespmem:s4+$0x5720] =	vst v0  }
0x3f: {  	[tilespmem:s4+$0x5730] =	vst v0  }
0x40: {  	[tilespmem:s4+$0x5740] =	vst v0  }
0x41: {  	[tilespmem:s4+$0x5750] =	vst v0  }
0x42: {  	[tilespmem:s4+$0x5760] =	vst v0  }
0x43: {  	[tilespmem:$0x9700] =	vst v0  }
0x44: {  	[tilespmem:$0x9710] =	vst v0  }
0x45: {  	[tilespmem:$0x9720] =	vst v0  }
0x46: {  	[tilespmem:$0x9730] =	vst v0  }
0x47: {  	[tilespmem:$0x9740] =	vst v0  }
0x48: {  	[tilespmem:$0x9750] =	vst v0  }
0x49: {  	[tilespmem:$0x9760] =	vst v0  }
0x4a: {  	[tilespmem:$0x9770] =	vst v0  }
0x4b: {  	[tilespmem:$0x9780] =	vst v0  }
0x4c: {  	[spmem:s30] =	stream.linear.scatter [tilespmem:s9], [sflag:$0x2], $0x4000, $0x38;
	[tilespmem:$0x1D678] =	vst v63  }
0x4d: {  	_ =	swait.ge [sflag:s7], $0x4000  }
0x4e: {  	[sflag:s7] =	ssyncset.done $0x0  }
0x4f: {  	[sflag:s7] =	ssyncadd.s32 $0xFFFFC000  }
0x50: {  	[spmem:s31] =	stream.linear.scatter [tilespmem:s10], [sflag:$0x2], $0x80, $0x38;
	[tilespmem:$0x1D678] =	vst v63  }
0x51: {  	_ =	swait.ge [sflag:s7], $0x80  }
0x52: {  	[sflag:s7] =	ssyncset.done $0x0  }
0x53: {  	s29 =	rddreg [dreg:$0x13];
	[sflag:s7] =	ssyncadd.s32 $0xFFFFFF80  }
0x54: {  	[spmem:s29] =	stream.linear.scatter [tilespmem:s9], [sflag:$0x2], $0x4000, $0x38;
	[tilespmem:$0x1D678] =	vst v63  }
0x55: {  	_ =	swait.ge [sflag:s7], $0x4000  }
0x56: {  	[sflag:s7] =	ssyncset.done $0x0  }
0x57: {  	s14 =	rddreg [dreg:$0x14];
	[sflag:s7] =	ssyncadd.s32 $0xFFFFC000  }
0x58: {  	[spmem:s14] =	stream.linear.scatter [tilespmem:s10], [sflag:$0x2], $0x80, $0x38;
	[tilespmem:$0x1D678] =	vst v63  }
0x59: {  	_ =	swait.ge [sflag:s7], $0x80  }
0x5a: {  	[sflag:s7] =	ssyncset.done $0x0  }
0x5b: {  	s29 =	rddreg [dreg:$0x15];
	[sflag:s7] =	ssyncadd.s32 $0xFFFFFF80  }
0x5c: {  	[spmem:s29] =	stream.linear.scatter [tilespmem:s9], [sflag:$0x2], $0x4000, $0x38;
	[tilespmem:$0x1D678] =	vst v63  }
0x5d: {  	_ =	swait.ge [sflag:s7], $0x4000  }
0x5e: {  	[sflag:s7] =	ssyncset.done $0x0  }
0x5f: {  	s14 =	rddreg [dreg:$0x16];
	[sflag:s7] =	ssyncadd.s32 $0xFFFFC000  }
0x60: {  	[spmem:s14] =	stream.linear.scatter [tilespmem:s10], [sflag:$0x2], $0x80, $0x38;
	[tilespmem:$0x1D678] =	vst v63  }
0x61: {  	_ =	swait.ge [sflag:s7], $0x80  }
0x62: {  	[sflag:s7] =	ssyncset.done $0x0  }
0x63: {  	s29 =	rddreg [dreg:$0x17];
	[sflag:s7] =	ssyncadd.s32 $0xFFFFFF80  }
0x64: {  	[spmem:s29] =	stream.linear.scatter [tilespmem:s9], [sflag:$0x2], $0x4000, $0x38;
	[tilespmem:$0x1D678] =	vst v63  }
0x65: {  	_ =	swait.ge [sflag:s7], $0x4000  }
0x66: {  	[sflag:s7] =	ssyncset.done $0x0  }
0x67: {  	s14 =	rddreg [dreg:$0x18];
	[sflag:s7] =	ssyncadd.s32 $0xFFFFC000  }
0x68: {  	[spmem:s14] =	stream.linear.scatter [tilespmem:s10], [sflag:$0x2], $0x80, $0x38;
	[tilespmem:$0x1D678] =	vst v63  }
0x69: {  	_ =	swait.ge [sflag:s7], $0x80  }
0x6a: {  	[sflag:s7] =	ssyncset.done $0x0  }
0x6b: {  	s29 =	rddreg [dreg:$0x19];
	[sflag:s7] =	ssyncadd.s32 $0xFFFFFF80  }
0x6c: {  	[spmem:s29] =	stream.linear.scatter [tilespmem:s9], [sflag:$0x2], $0x3C00, $0x38;
	[tilespmem:$0x1D678] =	vst v63  }
0x6d: {  	_ =	swait.ge [sflag:s7], $0x3C00  }
0x6e: {  	[sflag:s7] =	ssyncset.done $0x0  }
0x6f: {  	[sflag:s7] =	ssyncadd.s32 $0xFFFFC400  }
0x70: {  	[spmem:s15] =	stream.linear.scatter [tilespmem:s10], [sflag:$0x2], $0x78, $0x38;
	[tilespmem:$0x1D678] =	vst v63  }
0x71: {  	_ =	swait.ge [sflag:s7], $0x78  }
0x72: {  	[sflag:s7] =	ssyncset.done $0x0  }
0x73: {  	[sflag:s7] =	ssyncadd.s32 $0xFFFFFF88  }
0x74: {  	s30 =	simm.s32 $0x0;
	s31 =	simm.s32 $0x0;
	[bflag:$0x0] =	sbarrier.arrive $0xFFFF  }
.LBB2_4:
0x75: {  	s4 =	sshll.u32 s31, $0xA  }
0x76: {  	s4 =	sadd.s32 s4, s6  }
0x77: {  	s4 =	sshrl.u32 s4, $0x3  }
0x78: {  	s14 =	sadd.s32 s19, s4  }
0x79: {  	[tilespmem:s30], [sflag:$0x2] =	stream.linear.gather [hbm4b:s14+s30], $0x400, $0x38;
	[tilespmem:$0x1D678] =	vst v63  }
0x7a: {  	_ =	swait.ge [sflag:s7], $0x400  }
0x7b: {  	[sflag:s7] =	ssyncset.done $0x0  }
0x7c: {  	s4 =	sadd.s32 s20, s4;
	[sflag:s7] =	ssyncadd.s32 $0xFFFFFC00  }
0x7d: {  	[tilespmem:s11], [sflag:$0x2] =	stream.linear.gather [hbm4b:s4+s30], $0x400, $0x38;
	[tilespmem:$0x1D678] =	vst v63  }
0x7e: {  	_ =	swait.ge [sflag:s7], $0x400  }
0x7f: {  	[sflag:s7] =	ssyncset.done $0x0  }
0x80: {  	[sflag:s7] =	ssyncadd.s32 $0xFFFFFC00  }
0x81: {  	[tilespmem:s9], [sflag:$0x1] =	stream.indirect.gather [hbm4b:s1+s12], $0x80, s11, s12, $0xb8;
	[tilespmem:$0x1D678] =	vst v63  }
0x82: {  	_ =	swait.ge [sflag:s13], $0x4000  }
0x83: {  	[sflag:s13] =	ssyncset.done $0x0  }
0x84: {  	[sflag:s13] =	ssyncadd.s32 $0xFFFFC000  }
0x85: {  	v1 =	vld [tilespmem:$0x0]  }
0x86: {  	v2 =	vld [tilespmem:$0x400];
	_ =	sdelay $0x6  }
0x87: {  	v1 =	vld.idx.msk [tilespmem:v1+s5+$0x0], $0xffff  }
0x88: {  	v2 =	vld.idx.msk [tilespmem:v2+s8+$0x0], $0xffff;
	_ =	sdelay $0x4  }
0x89: {  	v1 =	vadd.f32 v2, v1;
	_ =	sdelay $0x1  }
0x8a: {  	v2 =	vmul.f32 $2.000000030e-01, v1  }
0x8b: {  	vm0 =	vgt.f32 v1, $0.0e+00  }
0x8c: {  	v1 =	vsel vm0, v1, v2  }
0x8d: {  	v1 =	vmul.f32 $1.442695020e+00, v1;
	_ =	sdelay $0x1  }
0x8e: {  	(erf) = vpow2.f32 v1;
	_ =	sdelay $0x2  }
0x8f: {  	v1 =	vld [tilespmem:$0x10]  }
0x90: {  	v2 =	vld [tilespmem:$0x410];
	_ =	sdelay $0x4  }
0x91: {  	v3 =	vpop (erf)  }
0x92: {  	[tilespmem:$0x9700] =	vst v3  }
0x93: {  	v1 =	vld.idx.msk [tilespmem:v1+s5+$0x0], $0xffff  }
0x94: {  	v2 =	vld.idx.msk [tilespmem:v2+s8+$0x0], $0xffff;
	_ =	sdelay $0x4  }
0x95: {  	v1 =	vadd.f32 v2, v1;
	_ =	sdelay $0x1  }
0x96: {  	v2 =	vmul.f32 $2.000000030e-01, v1  }
0x97: {  	vm9 =	vgt.f32 v1, $0.0e+00  }
0x98: {  	v1 =	vsel vm9, v1, v2  }
0x99: {  	v1 =	vmul.f32 $1.442695020e+00, v1;
	_ =	sdelay $0x1  }
0x9a: {  	(erf) = vpow2.f32 v1;
	_ =	sdelay $0x2  }
0x9b: {  	v1 =	vld [tilespmem:$0x20]  }
0x9c: {  	v2 =	vld [tilespmem:$0x420];
	_ =	sdelay $0x4  }
0x9d: {  	v3 =	vpop (erf)  }
0x9e: {  	[tilespmem:$0x9710] =	vst v3  }
0x9f: {  	v1 =	vld.idx.msk [tilespmem:v1+s5+$0x0], $0xffff  }
0xa0: {  	v2 =	vld.idx.msk [tilespmem:v2+s8+$0x0], $0xffff;
	_ =	sdelay $0x4  }
0xa1: {  	v1 =	vadd.f32 v2, v1;
	_ =	sdelay $0x1  }
0xa2: {  	v2 =	vmul.f32 $2.000000030e-01, v1  }
0xa3: {  	vm10 =	vgt.f32 v1, $0.0e+00  }
0xa4: {  	v1 =	vsel vm10, v1, v2  }
0xa5: {  	v1 =	vmul.f32 $1.442695020e+00, v1;
	_ =	sdelay $0x1  }
0xa6: {  	(erf) = vpow2.f32 v1;
	_ =	sdelay $0x2  }
0xa7: {  	v1 =	vld [tilespmem:$0x30]  }
0xa8: {  	v2 =	vld [tilespmem:$0x430];
	_ =	sdelay $0x4  }
0xa9: {  	v3 =	vpop (erf)  }
0xaa: {  	[tilespmem:$0x9720] =	vst v3  }
0xab: {  	v1 =	vld.idx.msk [tilespmem:v1+s5+$0x0], $0xffff  }
0xac: {  	v2 =	vld.idx.msk [tilespmem:v2+s8+$0x0], $0xffff;
	_ =	sdelay $0x4  }
0xad: {  	v1 =	vadd.f32 v2, v1;
	_ =	sdelay $0x1  }
0xae: {  	v2 =	vmul.f32 $2.000000030e-01, v1  }
0xaf: {  	vm11 =	vgt.f32 v1, $0.0e+00  }
0xb0: {  	v1 =	vsel vm11, v1, v2  }
0xb1: {  	v1 =	vmul.f32 $1.442695020e+00, v1;
	_ =	sdelay $0x1  }
0xb2: {  	(erf) = vpow2.f32 v1;
	_ =	sdelay $0x2  }
0xb3: {  	v1 =	vld [tilespmem:$0x40]  }
0xb4: {  	v2 =	vld [tilespmem:$0x440];
	_ =	sdelay $0x4  }
0xb5: {  	v3 =	vpop (erf)  }
0xb6: {  	[tilespmem:$0x9730] =	vst v3  }
0xb7: {  	v1 =	vld.idx.msk [tilespmem:v1+s5+$0x0], $0xffff  }
0xb8: {  	v2 =	vld.idx.msk [tilespmem:v2+s8+$0x0], $0xffff;
	_ =	sdelay $0x4  }
0xb9: {  	v1 =	vadd.f32 v2, v1;
	_ =	sdelay $0x1  }
0xba: {  	v2 =	vmul.f32 $2.000000030e-01, v1  }
0xbb: {  	vm12 =	vgt.f32 v1, $0.0e+00  }
0xbc: {  	v1 =	vsel vm12, v1, v2  }
0xbd: {  	v1 =	vmul.f32 $1.442695020e+00, v1;
	_ =	sdelay $0x1  }
0xbe: {  	(erf) = vpow2.f32 v1;
	_ =	sdelay $0x2  }
0xbf: {  	v1 =	vld [tilespmem:$0x50]  }
0xc0: {  	v2 =	vld [tilespmem:$0x450];
	_ =	sdelay $0x4  }
0xc1: {  	v3 =	vpop (erf)  }
0xc2: {  	[tilespmem:$0x9740] =	vst v3  }
0xc3: {  	v1 =	vld.idx.msk [tilespmem:v1+s5+$0x0], $0xffff  }
0xc4: {  	v2 =	vld.idx.msk [tilespmem:v2+s8+$0x0], $0xffff;
	_ =	sdelay $0x4  }
0xc5: {  	v1 =	vadd.f32 v2, v1;
	_ =	sdelay $0x1  }
0xc6: {  	v2 =	vmul.f32 $2.000000030e-01, v1  }
0xc7: {  	vm13 =	vgt.f32 v1, $0.0e+00  }
0xc8: {  	v1 =	vsel vm13, v1, v2  }
0xc9: {  	v1 =	vmul.f32 $1.442695020e+00, v1;
	_ =	sdelay $0x1  }
0xca: {  	(erf) = vpow2.f32 v1;
	_ =	sdelay $0x2  }
0xcb: {  	v1 =	vld [tilespmem:$0x60]  }
0xcc: {  	v2 =	vld [tilespmem:$0x460];
	_ =	sdelay $0x4  }
0xcd: {  	v3 =	vpop (erf)  }
0xce: {  	[tilespmem:$0x9750] =	vst v3  }
0xcf: {  	v1 =	vld.idx.msk [tilespmem:v1+s5+$0x0], $0xffff  }
0xd0: {  	v2 =	vld.idx.msk [tilespmem:v2+s8+$0x0], $0xffff;
	_ =	sdelay $0x4  }
0xd1: {  	v1 =	vadd.f32 v2, v1;
	_ =	sdelay $0x1  }
0xd2: {  	v2 =	vmul.f32 $2.000000030e-01, v1  }
0xd3: {  	vm14 =	vgt.f32 v1, $0.0e+00  }
0xd4: {  	v1 =	vsel vm14, v1, v2  }
0xd5: {  	v1 =	vmul.f32 $1.442695020e+00, v1;
	_ =	sdelay $0x1  }
0xd6: {  	(erf) = vpow2.f32 v1;
	_ =	sdelay $0x2  }
0xd7: {  	v1 =	vld [tilespmem:$0x70]  }
0xd8: {  	v2 =	vld [tilespmem:$0x470];
	_ =	sdelay $0x4  }
0xd9: {  	v3 =	vpop (erf)  }
0xda: {  	[tilespmem:$0x9760] =	vst v3  }
0xdb: {  	v1 =	vld.idx.msk [tilespmem:v1+s5+$0x0], $0xffff  }
0xdc: {  	v2 =	vld.idx.msk [tilespmem:v2+s8+$0x0], $0xffff;
	_ =	sdelay $0x4  }
0xdd: {  	v1 =	vadd.f32 v2, v1;
	_ =	sdelay $0x1  }
0xde: {  	v2 =	vmul.f32 $2.000000030e-01, v1  }
0xdf: {  	vm15 =	vgt.f32 v1, $0.0e+00  }
0xe0: {  	v1 =	vsel vm15, v1, v2  }
0xe1: {  	v1 =	vmul.f32 $1.442695020e+00, v1;
	_ =	sdelay $0x1  }
0xe2: {  	(erf) = vpow2.f32 v1;
	_ =	sdelay $0x8  }
0xe3: {  	v1 =	vpop (erf)  }
0xe4: {  	s4 =	simm.s32 $0x5740;
	[tilespmem:$0x9770] =	vst v1  }
0xe5: {  	v5 =	vld [tilespmem:s4+$0x30]  }
0xe6: {  	v8 =	vld [tilespmem:s4+$0x10]  }
0xe7: {  	s15 =	simm.s32 $0x0;
	v6 =	vld [tilespmem:s4+$0xFFFFFFC0]  }
0xe8: {  	v2 =	vld.msk [tilespmem:s15+$0x9700 ss:$0x0], $0xffff  }
0xe9: {  	v10 =	vld [tilespmem:s4+$0xFFFFFFE0]  }
0xea: {  	v1 =	vld [tilespmem:s4+$0xFFFFFFF0]  }
0xeb: {  	v3 =	vld [tilespmem:s4+$0x20]  }
0xec: {  	v4 =	vld [tilespmem:s4+$0xFFFFFFD0]  }
0xed: {  	v9 =	vmul.f32 v5, v2;
	v5 =	vld [tilespmem:s4+$0x0]  }
0xee: {  	v7 =	vmul.f32 v2, v6  }
0xef: {  	s29 =	simm.s32 $0x4;
	s14 =	simm.s32 $0x5740;
	v6 =	vmul.f32 v10, v2;
	v8 =	vmul.f32 v8, v2  }
.LBB2_5:
0xf0: {  	p0 =	sne.s32 s29, $0x1FC  }
0xf1: {  	v4 =	vmul.f32 v4, v2;
	v3 =	vmul.f32 v3, v2;
	[tilespmem:s4+$0x30] =	vst v9;
	s14 =	sadd.s32 $0x80, s14;
	s15 =	smov.u32 s29;
	s29 =	sadd.s32 $0x4, s29  }
0xf2: {  	[tilespmem:s4+$0xFFFFFFC0] =	vst v7;
	v7 =	vmul.f32 v1, v2;
	v2 =	vmul.f32 v5, v2  }
0xf3: {  	[tilespmem:s4+$0x10] =	vst v8  }
0xf4: {  	[tilespmem:s4+$0xFFFFFFE0] =	vst v6  }
0xf5: {  	v1 =	vld [tilespmem:s14+$0xFFFFFFF0];
	[tilespmem:s4+$0xFFFFFFF0] =	vst v7  }
0xf6: {  	v6 =	vld [tilespmem:s14+$0x30];
	[tilespmem:s4+$0x0] =	vst v2  }
0xf7: {  	v8 =	vld [tilespmem:s14+$0x10];
	[tilespmem:s4+$0x20] =	vst v3  }
0xf8: {  	s15 =	sshra.s32 s15, $0x2;
	v7 =	vld [tilespmem:s14+$0xFFFFFFC0];
	[tilespmem:s4+$0xFFFFFFD0] =	vst v4;
	s4 =	smov.u32 s14  }
0xf9: {  	v2 =	vld.msk [tilespmem:s15+$0x9700 ss:$0x0], $0xffff  }
0xfa: {  	v10 =	vld [tilespmem:s14+$0xFFFFFFE0]  }
0xfb: {  	v3 =	vld [tilespmem:s14+$0x20]  }
.Ltmp1:
0xfc: {  	v4 =	vld [tilespmem:s14+$0xFFFFFFD0];
	(pc) =	sbr.rel @p0 .LBB2_5-.Ltmp1, $3  }
0xfd: {  	v5 =	vld [tilespmem:s14+$0x0];
	_ =	sdelay $0x1  }
0xfe: {  	v7 =	vmul.f32 v2, v7;
	v9 =	vmul.f32 v6, v2  }
0xff: {  	v8 =	vmul.f32 v8, v2;
	v6 =	vmul.f32 v10, v2  }
0x100: {  	[tilespmem:s4+$0x30] =	vst v9  }
0x101: {  	[tilespmem:s4+$0xFFFFFFC0] =	vst v7  }
0x102: {  	v1 =	vmul.f32 v1, v2;
	[tilespmem:s4+$0x10] =	vst v8  }
0x103: {  	v3 =	vmul.f32 v3, v2;
	[tilespmem:s4+$0xFFFFFFE0] =	vst v6  }
0x104: {  	v5 =	vmul.f32 v5, v2;
	[tilespmem:s4+$0xFFFFFFF0] =	vst v1  }
0x105: {  	v1 =	vmul.f32 v4, v2;
	[tilespmem:s4+$0x20] =	vst v3  }
0x106: {  	[tilespmem:s4+$0x0] =	vst v5  }
0x107: {  	s14 =	simm.s32 $0x0;
	[tilespmem:s4+$0xFFFFFFD0] =	vst v1  }
0x108: {  	[spmem:s2] =	stream.indirect.scatter.add.f32 [tilespmem:s9], [sflag:$0x2], $0x80, s14, s12, $0xb8;
	[tilespmem:$0x1D678] =	vst v63  }
0x109: {  	_ =	swait.ge [sflag:s7], $0x4000  }
0x10a: {  	[sflag:s7] =	ssyncset.done $0x0  }
0x10b: {  	[sflag:s7] =	ssyncadd.s32 $0xFFFFC000  }
0x10c: {  	[spmem:s3] =	stream.indirect.scatter.add.f32 [tilespmem:s10], [sflag:$0x2], $0x1, s14, s12, $0xb8;
	[tilespmem:$0x1D678] =	vst v63  }
0x10d: {  	_ =	swait.ge [sflag:s7], $0x80  }
0x10e: {  	[sflag:s7] =	ssyncset.done $0x0  }
0x10f: {  	s15 =	simm.s32 $0x480;
	[sflag:s7] =	ssyncadd.s32 $0xFFFFFF80  }
0x110: {  	[tilespmem:s9], [sflag:$0x1] =	stream.indirect.gather [hbm4b:s1+s12], $0x80, s15, s12, $0xb8;
	[tilespmem:$0x1D678] =	vst v63  }
0x111: {  	_ =	swait.ge [sflag:s13], $0x4000  }
0x112: {  	[sflag:s13] =	ssyncset.done $0x0  }
0x113: {  	[sflag:s13] =	ssyncadd.s32 $0xFFFFC000  }
0x114: {  	v1 =	vld [tilespmem:$0x80]  }
0x115: {  	v2 =	vld [tilespmem:$0x480];
	_ =	sdelay $0x6  }
0x116: {  	v1 =	vld.idx.msk [tilespmem:v1+s5+$0x0], $0xffff  }
0x117: {  	v2 =	vld.idx.msk [tilespmem:v2+s8+$0x0], $0xffff;
	_ =	sdelay $0x4  }
0x118: {  	v1 =	vadd.f32 v2, v1;
	_ =	sdelay $0x1  }
0x119: {  	v2 =	vmul.f32 $2.000000030e-01, v1  }
0x11a: {  	vm0 =	vgt.f32 v1, $0.0e+00  }
0x11b: {  	v1 =	vsel vm0, v1, v2  }
0x11c: {  	v1 =	vmul.f32 $1.442695020e+00, v1;
	_ =	sdelay $0x1  }
0x11d: {  	(erf) = vpow2.f32 v1;
	_ =	sdelay $0x2  }
0x11e: {  	v1 =	vld [tilespmem:$0x90]  }
0x11f: {  	v2 =	vld [tilespmem:$0x490];
	_ =	sdelay $0x4  }
0x120: {  	v3 =	vpop (erf)  }
0x121: {  	[tilespmem:$0x9700] =	vst v3  }
0x122: {  	v1 =	vld.idx.msk [tilespmem:v1+s5+$0x0], $0xffff  }
0x123: {  	v2 =	vld.idx.msk [tilespmem:v2+s8+$0x0], $0xffff;
	_ =	sdelay $0x4  }
0x124: {  	v1 =	vadd.f32 v2, v1;
	_ =	sdelay $0x1  }
0x125: {  	v2 =	vmul.f32 $2.000000030e-01, v1  }
0x126: {  	vm9 =	vgt.f32 v1, $0.0e+00  }
0x127: {  	v1 =	vsel vm9, v1, v2  }
0x128: {  	v1 =	vmul.f32 $1.442695020e+00, v1;
	_ =	sdelay $0x1  }
0x129: {  	(erf) = vpow2.f32 v1;
	_ =	sdelay $0x2  }
0x12a: {  	v1 =	vld [tilespmem:$0xA0]  }
0x12b: {  	v2 =	vld [tilespmem:$0x4A0];
	_ =	sdelay $0x4  }
0x12c: {  	v3 =	vpop (erf)  }
0x12d: {  	[tilespmem:$0x9710] =	vst v3  }
0x12e: {  	v1 =	vld.idx.msk [tilespmem:v1+s5+$0x0], $0xffff  }
0x12f: {  	v2 =	vld.idx.msk [tilespmem:v2+s8+$0x0], $0xffff;
	_ =	sdelay $0x4  }
0x130: {  	v1 =	vadd.f32 v2, v1;
	_ =	sdelay $0x1  }
0x131: {  	v2 =	vmul.f32 $2.000000030e-01, v1  }
0x132: {  	vm10 =	vgt.f32 v1, $0.0e+00  }
0x133: {  	v1 =	vsel vm10, v1, v2  }
0x134: {  	v1 =	vmul.f32 $1.442695020e+00, v1;
	_ =	sdelay $0x1  }
0x135: {  	(erf) = vpow2.f32 v1;
	_ =	sdelay $0x2  }
0x136: {  	v1 =	vld [tilespmem:$0xB0]  }
0x137: {  	v2 =	vld [tilespmem:$0x4B0];
	_ =	sdelay $0x4  }
0x138: {  	v3 =	vpop (erf)  }
0x139: {  	[tilespmem:$0x9720] =	vst v3  }
0x13a: {  	v1 =	vld.idx.msk [tilespmem:v1+s5+$0x0], $0xffff  }
0x13b: {  	v2 =	vld.idx.msk [tilespmem:v2+s8+$0x0], $0xffff;
	_ =	sdelay $0x4  }
0x13c: {  	v1 =	vadd.f32 v2, v1;
	_ =	sdelay $0x1  }
0x13d: {  	v2 =	vmul.f32 $2.000000030e-01, v1  }
0x13e: {  	vm11 =	vgt.f32 v1, $0.0e+00  }
0x13f: {  	v1 =	vsel vm11, v1, v2  }
0x140: {  	v1 =	vmul.f32 $1.442695020e+00, v1;
	_ =	sdelay $0x1  }
0x141: {  	(erf) = vpow2.f32 v1;
	_ =	sdelay $0x2  }
0x142: {  	v1 =	vld [tilespmem:$0xC0]  }
0x143: {  	v2 =	vld [tilespmem:$0x4C0];
	_ =	sdelay $0x4  }
0x144: {  	v3 =	vpop (erf)  }
0x145: {  	[tilespmem:$0x9730] =	vst v3  }
0x146: {  	v1 =	vld.idx.msk [tilespmem:v1+s5+$0x0], $0xffff  }
0x147: {  	v2 =	vld.idx.msk [tilespmem:v2+s8+$0x0], $0xffff;
	_ =	sdelay $0x4  }
0x148: {  	v1 =	vadd.f32 v2, v1;
	_ =	sdelay $0x1  }
0x149: {  	v2 =	vmul.f32 $2.000000030e-01, v1  }
0x14a: {  	vm12 =	vgt.f32 v1, $0.0e+00  }
0x14b: {  	v1 =	vsel vm12, v1, v2  }
0x14c: {  	v1 =	vmul.f32 $1.442695020e+00, v1;
	_ =	sdelay $0x1  }
0x14d: {  	(erf) = vpow2.f32 v1;
	_ =	sdelay $0x2  }
0x14e: {  	v1 =	vld [tilespmem:$0xD0]  }
0x14f: {  	v2 =	vld [tilespmem:$0x4D0];
	_ =	sdelay $0x4  }
0x150: {  	v3 =	vpop (erf)  }
0x151: {  	[tilespmem:$0x9740] =	vst v3  }
0x152: {  	v1 =	vld.idx.msk [tilespmem:v1+s5+$0x0], $0xffff  }
0x153: {  	v2 =	vld.idx.msk [tilespmem:v2+s8+$0x0], $0xffff;
	_ =	sdelay $0x4  }
0x154: {  	v1 =	vadd.f32 v2, v1;
	_ =	sdelay $0x1  }
0x155: {  	v2 =	vmul.f32 $2.000000030e-01, v1  }
0x156: {  	vm13 =	vgt.f32 v1, $0.0e+00  }
0x157: {  	v1 =	vsel vm13, v1, v2  }
0x158: {  	v1 =	vmul.f32 $1.442695020e+00, v1;
	_ =	sdelay $0x1  }
0x159: {  	(erf) = vpow2.f32 v1;
	_ =	sdelay $0x2  }
0x15a: {  	v1 =	vld [tilespmem:$0xE0]  }
0x15b: {  	v2 =	vld [tilespmem:$0x4E0];
	_ =	sdelay $0x4  }
0x15c: {  	v3 =	vpop (erf)  }
0x15d: {  	[tilespmem:$0x9750] =	vst v3  }
0x15e: {  	v1 =	vld.idx.msk [tilespmem:v1+s5+$0x0], $0xffff  }
0x15f: {  	v2 =	vld.idx.msk [tilespmem:v2+s8+$0x0], $0xffff;
	_ =	sdelay $0x4  }
0x160: {  	v1 =	vadd.f32 v2, v1;
	_ =	sdelay $0x1  }
0x161: {  	v2 =	vmul.f32 $2.000000030e-01, v1  }
0x162: {  	vm14 =	vgt.f32 v1, $0.0e+00  }
0x163: {  	v1 =	vsel vm14, v1, v2  }
0x164: {  	v1 =	vmul.f32 $1.442695020e+00, v1;
	_ =	sdelay $0x1  }
0x165: {  	(erf) = vpow2.f32 v1;
	_ =	sdelay $0x2  }
0x166: {  	v1 =	vld [tilespmem:$0xF0]  }
0x167: {  	v2 =	vld [tilespmem:$0x4F0];
	_ =	sdelay $0x4  }
0x168: {  	v3 =	vpop (erf)  }
0x169: {  	[tilespmem:$0x9760] =	vst v3  }
0x16a: {  	v1 =	vld.idx.msk [tilespmem:v1+s5+$0x0], $0xffff  }
0x16b: {  	v2 =	vld.idx.msk [tilespmem:v2+s8+$0x0], $0xffff;
	_ =	sdelay $0x4  }
0x16c: {  	v1 =	vadd.f32 v2, v1;
	_ =	sdelay $0x1  }
0x16d: {  	v2 =	vmul.f32 $2.000000030e-01, v1  }
0x16e: {  	vm15 =	vgt.f32 v1, $0.0e+00  }
0x16f: {  	v1 =	vsel vm15, v1, v2  }
0x170: {  	v1 =	vmul.f32 $1.442695020e+00, v1;
	_ =	sdelay $0x1  }
0x171: {  	(erf) = vpow2.f32 v1;
	_ =	sdelay $0x8  }
0x172: {  	v1 =	vpop (erf)  }
0x173: {  	s4 =	simm.s32 $0x5740;
	[tilespmem:$0x9770] =	vst v1  }
0x174: {  	v5 =	vld [tilespmem:s4+$0x30]  }
0x175: {  	v8 =	vld [tilespmem:s4+$0x10]  }
0x176: {  	s14 =	simm.s32 $0x0;
	v6 =	vld [tilespmem:s4+$0xFFFFFFC0]  }
0x177: {  	v2 =	vld.msk [tilespmem:s14+$0x9700 ss:$0x0], $0xffff  }
0x178: {  	v10 =	vld [tilespmem:s4+$0xFFFFFFE0]  }
0x179: {  	v1 =	vld [tilespmem:s4+$0xFFFFFFF0]  }
0x17a: {  	v3 =	vld [tilespmem:s4+$0x20]  }
0x17b: {  	v4 =	vld [tilespmem:s4+$0xFFFFFFD0]  }
0x17c: {  	v9 =	vmul.f32 v5, v2;
	v5 =	vld [tilespmem:s4+$0x0]  }
0x17d: {  	v7 =	vmul.f32 v2, v6  }
0x17e: {  	s29 =	simm.s32 $0x4;
	s14 =	simm.s32 $0x5740;
	v6 =	vmul.f32 v10, v2;
	v8 =	vmul.f32 v8, v2  }
.LBB2_7:
0x17f: {  	p0 =	sne.s32 s29, $0x1FC  }
0x180: {  	v4 =	vmul.f32 v4, v2;
	v3 =	vmul.f32 v3, v2;
	[tilespmem:s4+$0x30] =	vst v9;
	s14 =	sadd.s32 $0x80, s14;
	s15 =	smov.u32 s29;
	s29 =	sadd.s32 $0x4, s29  }
0x181: {  	[tilespmem:s4+$0xFFFFFFC0] =	vst v7;
	v7 =	vmul.f32 v1, v2;
	v2 =	vmul.f32 v5, v2  }
0x182: {  	[tilespmem:s4+$0x10] =	vst v8  }
0x183: {  	[tilespmem:s4+$0xFFFFFFE0] =	vst v6  }
0x184: {  	v1 =	vld [tilespmem:s14+$0xFFFFFFF0];
	[tilespmem:s4+$0xFFFFFFF0] =	vst v7  }
0x185: {  	v6 =	vld [tilespmem:s14+$0x30];
	[tilespmem:s4+$0x0] =	vst v2  }
0x186: {  	v8 =	vld [tilespmem:s14+$0x10];
	[tilespmem:s4+$0x20] =	vst v3  }
0x187: {  	s15 =	sshra.s32 s15, $0x2;
	v7 =	vld [tilespmem:s14+$0xFFFFFFC0];
	[tilespmem:s4+$0xFFFFFFD0] =	vst v4;
	s4 =	smov.u32 s14  }
0x188: {  	v2 =	vld.msk [tilespmem:s15+$0x9700 ss:$0x0], $0xffff  }
0x189: {  	v10 =	vld [tilespmem:s14+$0xFFFFFFE0]  }
0x18a: {  	v3 =	vld [tilespmem:s14+$0x20]  }
.Ltmp2:
0x18b: {  	v4 =	vld [tilespmem:s14+$0xFFFFFFD0];
	(pc) =	sbr.rel @p0 .LBB2_7-.Ltmp2, $3  }
0x18c: {  	v5 =	vld [tilespmem:s14+$0x0];
	_ =	sdelay $0x1  }
0x18d: {  	v7 =	vmul.f32 v2, v7;
	v9 =	vmul.f32 v6, v2  }
0x18e: {  	v8 =	vmul.f32 v8, v2;
	v6 =	vmul.f32 v10, v2  }
0x18f: {  	[tilespmem:s4+$0x30] =	vst v9  }
0x190: {  	[tilespmem:s4+$0xFFFFFFC0] =	vst v7  }
0x191: {  	v1 =	vmul.f32 v1, v2;
	[tilespmem:s4+$0x10] =	vst v8  }
0x192: {  	v3 =	vmul.f32 v3, v2;
	[tilespmem:s4+$0xFFFFFFE0] =	vst v6  }
0x193: {  	v5 =	vmul.f32 v5, v2;
	[tilespmem:s4+$0xFFFFFFF0] =	vst v1  }
0x194: {  	v1 =	vmul.f32 v4, v2;
	[tilespmem:s4+$0x20] =	vst v3  }
0x195: {  	[tilespmem:s4+$0x0] =	vst v5  }
0x196: {  	[tilespmem:s4+$0xFFFFFFD0] =	vst v1  }
0x197: {  	[spmem:s2] =	stream.indirect.scatter.add.f32 [tilespmem:s9], [sflag:$0x2], $0x80, s12, s12, $0xb8;
	[tilespmem:$0x1D678] =	vst v63  }
0x198: {  	_ =	swait.ge [sflag:s7], $0x4000  }
0x199: {  	[sflag:s7] =	ssyncset.done $0x0  }
0x19a: {  	[sflag:s7] =	ssyncadd.s32 $0xFFFFC000  }
0x19b: {  	[spmem:s3] =	stream.indirect.scatter.add.f32 [tilespmem:s10], [sflag:$0x2], $0x1, s12, s12, $0xb8;
	[tilespmem:$0x1D678] =	vst v63  }
0x19c: {  	_ =	swait.ge [sflag:s7], $0x80  }
0x19d: {  	[sflag:s7] =	ssyncset.done $0x0  }
0x19e: {  	s15 =	simm.s32 $0x500;
	[sflag:s7] =	ssyncadd.s32 $0xFFFFFF80  }
0x19f: {  	[tilespmem:s9], [sflag:$0x1] =	stream.indirect.gather [hbm4b:s1+s12], $0x80, s15, s12, $0xb8;
	[tilespmem:$0x1D678] =	vst v63  }
0x1a0: {  	_ =	swait.ge [sflag:s13], $0x4000  }
0x1a1: {  	[sflag:s13] =	ssyncset.done $0x0  }
0x1a2: {  	[sflag:s13] =	ssyncadd.s32 $0xFFFFC000  }
0x1a3: {  	v1 =	vld [tilespmem:$0x100]  }
0x1a4: {  	v2 =	vld [tilespmem:$0x500];
	_ =	sdelay $0x6  }
0x1a5: {  	v1 =	vld.idx.msk [tilespmem:v1+s5+$0x0], $0xffff  }
0x1a6: {  	v2 =	vld.idx.msk [tilespmem:v2+s8+$0x0], $0xffff;
	_ =	sdelay $0x4  }
0x1a7: {  	v1 =	vadd.f32 v2, v1;
	_ =	sdelay $0x1  }
0x1a8: {  	v2 =	vmul.f32 $2.000000030e-01, v1  }
0x1a9: {  	vm0 =	vgt.f32 v1, $0.0e+00  }
0x1aa: {  	v1 =	vsel vm0, v1, v2  }
0x1ab: {  	v1 =	vmul.f32 $1.442695020e+00, v1;
	_ =	sdelay $0x1  }
0x1ac: {  	(erf) = vpow2.f32 v1;
	_ =	sdelay $0x2  }
0x1ad: {  	v1 =	vld [tilespmem:$0x110]  }
0x1ae: {  	v2 =	vld [tilespmem:$0x510];
	_ =	sdelay $0x4  }
0x1af: {  	v3 =	vpop (erf)  }
0x1b0: {  	[tilespmem:$0x9700] =	vst v3  }
0x1b1: {  	v1 =	vld.idx.msk [tilespmem:v1+s5+$0x0], $0xffff  }
0x1b2: {  	v2 =	vld.idx.msk [tilespmem:v2+s8+$0x0], $0xffff;
	_ =	sdelay $0x4  }
0x1b3: {  	v1 =	vadd.f32 v2, v1;
	_ =	sdelay $0x1  }
0x1b4: {  	v2 =	vmul.f32 $2.000000030e-01, v1  }
0x1b5: {  	vm9 =	vgt.f32 v1, $0.0e+00  }
0x1b6: {  	v1 =	vsel vm9, v1, v2  }
0x1b7: {  	v1 =	vmul.f32 $1.442695020e+00, v1;
	_ =	sdelay $0x1  }
0x1b8: {  	(erf) = vpow2.f32 v1;
	_ =	sdelay $0x2  }
0x1b9: {  	v1 =	vld [tilespmem:$0x120]  }
0x1ba: {  	v2 =	vld [tilespmem:$0x520];
	_ =	sdelay $0x4  }
0x1bb: {  	v3 =	vpop (erf)  }
0x1bc: {  	[tilespmem:$0x9710] =	vst v3  }
0x1bd: {  	v1 =	vld.idx.msk [tilespmem:v1+s5+$0x0], $0xffff  }
0x1be: {  	v2 =	vld.idx.msk [tilespmem:v2+s8+$0x0], $0xffff;
	_ =	sdelay $0x4  }
0x1bf: {  	v1 =	vadd.f32 v2, v1;
	_ =	sdelay $0x1  }
0x1c0: {  	v2 =	vmul.f32 $2.000000030e-01, v1  }
0x1c1: {  	vm10 =	vgt.f32 v1, $0.0e+00  }
0x1c2: {  	v1 =	vsel vm10, v1, v2  }
0x1c3: {  	v1 =	vmul.f32 $1.442695020e+00, v1;
	_ =	sdelay $0x1  }
0x1c4: {  	(erf) = vpow2.f32 v1;
	_ =	sdelay $0x2  }
0x1c5: {  	v1 =	vld [tilespmem:$0x130]  }
0x1c6: {  	v2 =	vld [tilespmem:$0x530];
	_ =	sdelay $0x4  }
0x1c7: {  	v3 =	vpop (erf)  }
0x1c8: {  	[tilespmem:$0x9720] =	vst v3  }
0x1c9: {  	v1 =	vld.idx.msk [tilespmem:v1+s5+$0x0], $0xffff  }
0x1ca: {  	v2 =	vld.idx.msk [tilespmem:v2+s8+$0x0], $0xffff;
	_ =	sdelay $0x4  }
0x1cb: {  	v1 =	vadd.f32 v2, v1;
	_ =	sdelay $0x1  }
0x1cc: {  	v2 =	vmul.f32 $2.000000030e-01, v1  }
0x1cd: {  	vm11 =	vgt.f32 v1, $0.0e+00  }
0x1ce: {  	v1 =	vsel vm11, v1, v2  }
0x1cf: {  	v1 =	vmul.f32 $1.442695020e+00, v1;
	_ =	sdelay $0x1  }
0x1d0: {  	(erf) = vpow2.f32 v1;
	_ =	sdelay $0x2  }
0x1d1: {  	v1 =	vld [tilespmem:$0x140]  }
0x1d2: {  	v2 =	vld [tilespmem:$0x540];
	_ =	sdelay $0x4  }
0x1d3: {  	v3 =	vpop (erf)  }
0x1d4: {  	[tilespmem:$0x9730] =	vst v3  }
0x1d5: {  	v1 =	vld.idx.msk [tilespmem:v1+s5+$0x0], $0xffff  }
0x1d6: {  	v2 =	vld.idx.msk [tilespmem:v2+s8+$0x0], $0xffff;
	_ =	sdelay $0x4  }
0x1d7: {  	v1 =	vadd.f32 v2, v1;
	_ =	sdelay $0x1  }
0x1d8: {  	v2 =	vmul.f32 $2.000000030e-01, v1  }
0x1d9: {  	vm12 =	vgt.f32 v1, $0.0e+00  }
0x1da: {  	v1 =	vsel vm12, v1, v2  }
0x1db: {  	v1 =	vmul.f32 $1.442695020e+00, v1;
	_ =	sdelay $0x1  }
0x1dc: {  	(erf) = vpow2.f32 v1;
	_ =	sdelay $0x2  }
0x1dd: {  	v1 =	vld [tilespmem:$0x150]  }
0x1de: {  	v2 =	vld [tilespmem:$0x550];
	_ =	sdelay $0x4  }
0x1df: {  	v3 =	vpop (erf)  }
0x1e0: {  	[tilespmem:$0x9740] =	vst v3  }
0x1e1: {  	v1 =	vld.idx.msk [tilespmem:v1+s5+$0x0], $0xffff  }
0x1e2: {  	v2 =	vld.idx.msk [tilespmem:v2+s8+$0x0], $0xffff;
	_ =	sdelay $0x4  }
0x1e3: {  	v1 =	vadd.f32 v2, v1;
	_ =	sdelay $0x1  }
0x1e4: {  	v2 =	vmul.f32 $2.000000030e-01, v1  }
0x1e5: {  	vm13 =	vgt.f32 v1, $0.0e+00  }
0x1e6: {  	v1 =	vsel vm13, v1, v2  }
0x1e7: {  	v1 =	vmul.f32 $1.442695020e+00, v1;
	_ =	sdelay $0x1  }
0x1e8: {  	(erf) = vpow2.f32 v1;
	_ =	sdelay $0x2  }
0x1e9: {  	v1 =	vld [tilespmem:$0x160]  }
0x1ea: {  	v2 =	vld [tilespmem:$0x560];
	_ =	sdelay $0x4  }
0x1eb: {  	v3 =	vpop (erf)  }
0x1ec: {  	[tilespmem:$0x9750] =	vst v3  }
0x1ed: {  	v1 =	vld.idx.msk [tilespmem:v1+s5+$0x0], $0xffff  }
0x1ee: {  	v2 =	vld.idx.msk [tilespmem:v2+s8+$0x0], $0xffff;
	_ =	sdelay $0x4  }
0x1ef: {  	v1 =	vadd.f32 v2, v1;
	_ =	sdelay $0x1  }
0x1f0: {  	v2 =	vmul.f32 $2.000000030e-01, v1  }
0x1f1: {  	vm14 =	vgt.f32 v1, $0.0e+00  }
0x1f2: {  	v1 =	vsel vm14, v1, v2  }
0x1f3: {  	v1 =	vmul.f32 $1.442695020e+00, v1;
	_ =	sdelay $0x1  }
0x1f4: {  	(erf) = vpow2.f32 v1;
	_ =	sdelay $0x2  }
0x1f5: {  	v1 =	vld [tilespmem:$0x170]  }
0x1f6: {  	v2 =	vld [tilespmem:$0x570];
	_ =	sdelay $0x4  }
0x1f7: {  	v3 =	vpop (erf)  }
0x1f8: {  	[tilespmem:$0x9760] =	vst v3  }
0x1f9: {  	v1 =	vld.idx.msk [tilespmem:v1+s5+$0x0], $0xffff  }
0x1fa: {  	v2 =	vld.idx.msk [tilespmem:v2+s8+$0x0], $0xffff;
	_ =	sdelay $0x4  }
0x1fb: {  	v1 =	vadd.f32 v2, v1;
	_ =	sdelay $0x1  }
0x1fc: {  	v2 =	vmul.f32 $2.000000030e-01, v1  }
0x1fd: {  	vm15 =	vgt.f32 v1, $0.0e+00  }
0x1fe: {  	v1 =	vsel vm15, v1, v2  }
0x1ff: {  	v1 =	vmul.f32 $1.442695020e+00, v1;
	_ =	sdelay $0x1  }
0x200: {  	(erf) = vpow2.f32 v1;
	_ =	sdelay $0x8  }
0x201: {  	v1 =	vpop (erf)  }
0x202: {  	s4 =	simm.s32 $0x5740;
	[tilespmem:$0x9770] =	vst v1  }
0x203: {  	v5 =	vld [tilespmem:s4+$0x30]  }
0x204: {  	v8 =	vld [tilespmem:s4+$0x10]  }
0x205: {  	s14 =	simm.s32 $0x0;
	v6 =	vld [tilespmem:s4+$0xFFFFFFC0]  }
0x206: {  	v2 =	vld.msk [tilespmem:s14+$0x9700 ss:$0x0], $0xffff  }
0x207: {  	v10 =	vld [tilespmem:s4+$0xFFFFFFE0]  }
0x208: {  	v1 =	vld [tilespmem:s4+$0xFFFFFFF0]  }
0x209: {  	v3 =	vld [tilespmem:s4+$0x20]  }
0x20a: {  	v4 =	vld [tilespmem:s4+$0xFFFFFFD0]  }
0x20b: {  	v9 =	vmul.f32 v5, v2;
	v5 =	vld [tilespmem:s4+$0x0]  }
0x20c: {  	v7 =	vmul.f32 v2, v6  }
0x20d: {  	s29 =	simm.s32 $0x4;
	s14 =	simm.s32 $0x5740;
	v6 =	vmul.f32 v10, v2;
	v8 =	vmul.f32 v8, v2  }
.LBB2_9:
0x20e: {  	p0 =	sne.s32 s29, $0x1FC  }
0x20f: {  	v4 =	vmul.f32 v4, v2;
	v3 =	vmul.f32 v3, v2;
	[tilespmem:s4+$0x30] =	vst v9;
	s14 =	sadd.s32 $0x80, s14;
	s15 =	smov.u32 s29;
	s29 =	sadd.s32 $0x4, s29  }
0x210: {  	[tilespmem:s4+$0xFFFFFFC0] =	vst v7;
	v7 =	vmul.f32 v1, v2;
	v2 =	vmul.f32 v5, v2  }
0x211: {  	[tilespmem:s4+$0x10] =	vst v8  }
0x212: {  	[tilespmem:s4+$0xFFFFFFE0] =	vst v6  }
0x213: {  	v1 =	vld [tilespmem:s14+$0xFFFFFFF0];
	[tilespmem:s4+$0xFFFFFFF0] =	vst v7  }
0x214: {  	v6 =	vld [tilespmem:s14+$0x30];
	[tilespmem:s4+$0x0] =	vst v2  }
0x215: {  	v8 =	vld [tilespmem:s14+$0x10];
	[tilespmem:s4+$0x20] =	vst v3  }
0x216: {  	s15 =	sshra.s32 s15, $0x2;
	v7 =	vld [tilespmem:s14+$0xFFFFFFC0];
	[tilespmem:s4+$0xFFFFFFD0] =	vst v4;
	s4 =	smov.u32 s14  }
0x217: {  	v2 =	vld.msk [tilespmem:s15+$0x9700 ss:$0x0], $0xffff  }
0x218: {  	v10 =	vld [tilespmem:s14+$0xFFFFFFE0]  }
0x219: {  	v3 =	vld [tilespmem:s14+$0x20]  }
.Ltmp3:
0x21a: {  	v4 =	vld [tilespmem:s14+$0xFFFFFFD0];
	(pc) =	sbr.rel @p0 .LBB2_9-.Ltmp3, $3  }
0x21b: {  	v5 =	vld [tilespmem:s14+$0x0];
	_ =	sdelay $0x1  }
0x21c: {  	v7 =	vmul.f32 v2, v7;
	v9 =	vmul.f32 v6, v2  }
0x21d: {  	v8 =	vmul.f32 v8, v2;
	v6 =	vmul.f32 v10, v2  }
0x21e: {  	[tilespmem:s4+$0x30] =	vst v9  }
0x21f: {  	[tilespmem:s4+$0xFFFFFFC0] =	vst v7  }
0x220: {  	v1 =	vmul.f32 v1, v2;
	[tilespmem:s4+$0x10] =	vst v8  }
0x221: {  	v3 =	vmul.f32 v3, v2;
	[tilespmem:s4+$0xFFFFFFE0] =	vst v6  }
0x222: {  	v5 =	vmul.f32 v5, v2;
	[tilespmem:s4+$0xFFFFFFF0] =	vst v1  }
0x223: {  	v1 =	vmul.f32 v4, v2;
	[tilespmem:s4+$0x20] =	vst v3  }
0x224: {  	[tilespmem:s4+$0x0] =	vst v5  }
0x225: {  	[tilespmem:s4+$0xFFFFFFD0] =	vst v1  }
0x226: {  	[spmem:s2] =	stream.indirect.scatter.add.f32 [tilespmem:s9], [sflag:$0x2], $0x80, s16, s12, $0xb8;
	[tilespmem:$0x1D678] =	vst v63  }
0x227: {  	_ =	swait.ge [sflag:s7], $0x4000  }
0x228: {  	[sflag:s7] =	ssyncset.done $0x0  }
0x229: {  	[sflag:s7] =	ssyncadd.s32 $0xFFFFC000  }
0x22a: {  	[spmem:s3] =	stream.indirect.scatter.add.f32 [tilespmem:s10], [sflag:$0x2], $0x1, s16, s12, $0xb8;
	[tilespmem:$0x1D678] =	vst v63  }
0x22b: {  	_ =	swait.ge [sflag:s7], $0x80  }
0x22c: {  	[sflag:s7] =	ssyncset.done $0x0  }
0x22d: {  	[sflag:s7] =	ssyncadd.s32 $0xFFFFFF80  }
0x22e: {  	[tilespmem:s9], [sflag:$0x1] =	stream.indirect.gather [hbm4b:s1+s12], $0x80, s17, s12, $0xb8;
	[tilespmem:$0x1D678] =	vst v63  }
0x22f: {  	_ =	swait.ge [sflag:s13], $0x4000  }
0x230: {  	[sflag:s13] =	ssyncset.done $0x0  }
0x231: {  	[sflag:s13] =	ssyncadd.s32 $0xFFFFC000  }
0x232: {  	v1 =	vld [tilespmem:$0x180]  }
0x233: {  	v2 =	vld [tilespmem:$0x580];
	_ =	sdelay $0x6  }
0x234: {  	v1 =	vld.idx.msk [tilespmem:v1+s5+$0x0], $0xffff  }
0x235: {  	v2 =	vld.idx.msk [tilespmem:v2+s8+$0x0], $0xffff;
	_ =	sdelay $0x4  }
0x236: {  	v1 =	vadd.f32 v2, v1;
	_ =	sdelay $0x1  }
0x237: {  	v2 =	vmul.f32 $2.000000030e-01, v1  }
0x238: {  	vm0 =	vgt.f32 v1, $0.0e+00  }
0x239: {  	v1 =	vsel vm0, v1, v2  }
0x23a: {  	v1 =	vmul.f32 $1.442695020e+00, v1;
	_ =	sdelay $0x1  }
0x23b: {  	(erf) = vpow2.f32 v1;
	_ =	sdelay $0x2  }
0x23c: {  	v1 =	vld [tilespmem:$0x190]  }
0x23d: {  	v2 =	vld [tilespmem:$0x590];
	_ =	sdelay $0x4  }
0x23e: {  	v3 =	vpop (erf)  }
0x23f: {  	[tilespmem:$0x9700] =	vst v3  }
0x240: {  	v1 =	vld.idx.msk [tilespmem:v1+s5+$0x0], $0xffff  }
0x241: {  	v2 =	vld.idx.msk [tilespmem:v2+s8+$0x0], $0xffff;
	_ =	sdelay $0x4  }
0x242: {  	v1 =	vadd.f32 v2, v1;
	_ =	sdelay $0x1  }
0x243: {  	v2 =	vmul.f32 $2.000000030e-01, v1  }
0x244: {  	vm9 =	vgt.f32 v1, $0.0e+00  }
0x245: {  	v1 =	vsel vm9, v1, v2  }
0x246: {  	v1 =	vmul.f32 $1.442695020e+00, v1;
	_ =	sdelay $0x1  }
0x247: {  	(erf) = vpow2.f32 v1;
	_ =	sdelay $0x2  }
0x248: {  	v1 =	vld [tilespmem:$0x1A0]  }
0x249: {  	v2 =	vld [tilespmem:$0x5A0];
	_ =	sdelay $0x4  }
0x24a: {  	v3 =	vpop (erf)  }
0x24b: {  	[tilespmem:$0x9710] =	vst v3  }
0x24c: {  	v1 =	vld.idx.msk [tilespmem:v1+s5+$0x0], $0xffff  }
0x24d: {  	v2 =	vld.idx.msk [tilespmem:v2+s8+$0x0], $0xffff;
	_ =	sdelay $0x4  }
0x24e: {  	v1 =	vadd.f32 v2, v1;
	_ =	sdelay $0x1  }
0x24f: {  	v2 =	vmul.f32 $2.000000030e-01, v1  }
0x250: {  	vm10 =	vgt.f32 v1, $0.0e+00  }
0x251: {  	v1 =	vsel vm10, v1, v2  }
0x252: {  	v1 =	vmul.f32 $1.442695020e+00, v1;
	_ =	sdelay $0x1  }
0x253: {  	(erf) = vpow2.f32 v1;
	_ =	sdelay $0x2  }
0x254: {  	v1 =	vld [tilespmem:$0x1B0]  }
0x255: {  	v2 =	vld [tilespmem:$0x5B0];
	_ =	sdelay $0x4  }
0x256: {  	v3 =	vpop (erf)  }
0x257: {  	[tilespmem:$0x9720] =	vst v3  }
0x258: {  	v1 =	vld.idx.msk [tilespmem:v1+s5+$0x0], $0xffff  }
0x259: {  	v2 =	vld.idx.msk [tilespmem:v2+s8+$0x0], $0xffff;
	_ =	sdelay $0x4  }
0x25a: {  	v1 =	vadd.f32 v2, v1;
	_ =	sdelay $0x1  }
0x25b: {  	v2 =	vmul.f32 $2.000000030e-01, v1  }
0x25c: {  	vm11 =	vgt.f32 v1, $0.0e+00  }
0x25d: {  	v1 =	vsel vm11, v1, v2  }
0x25e: {  	v1 =	vmul.f32 $1.442695020e+00, v1;
	_ =	sdelay $0x1  }
0x25f: {  	(erf) = vpow2.f32 v1;
	_ =	sdelay $0x2  }
0x260: {  	v1 =	vld [tilespmem:$0x1C0]  }
0x261: {  	v2 =	vld [tilespmem:$0x5C0];
	_ =	sdelay $0x4  }
0x262: {  	v3 =	vpop (erf)  }
0x263: {  	[tilespmem:$0x9730] =	vst v3  }
0x264: {  	v1 =	vld.idx.msk [tilespmem:v1+s5+$0x0], $0xffff  }
0x265: {  	v2 =	vld.idx.msk [tilespmem:v2+s8+$0x0], $0xffff;
	_ =	sdelay $0x4  }
0x266: {  	v1 =	vadd.f32 v2, v1;
	_ =	sdelay $0x1  }
0x267: {  	v2 =	vmul.f32 $2.000000030e-01, v1  }
0x268: {  	vm12 =	vgt.f32 v1, $0.0e+00  }
0x269: {  	v1 =	vsel vm12, v1, v2  }
0x26a: {  	v1 =	vmul.f32 $1.442695020e+00, v1;
	_ =	sdelay $0x1  }
0x26b: {  	(erf) = vpow2.f32 v1;
	_ =	sdelay $0x2  }
0x26c: {  	v1 =	vld [tilespmem:$0x1D0]  }
0x26d: {  	v2 =	vld [tilespmem:$0x5D0];
	_ =	sdelay $0x4  }
0x26e: {  	v3 =	vpop (erf)  }
0x26f: {  	[tilespmem:$0x9740] =	vst v3  }
0x270: {  	v1 =	vld.idx.msk [tilespmem:v1+s5+$0x0], $0xffff  }
0x271: {  	v2 =	vld.idx.msk [tilespmem:v2+s8+$0x0], $0xffff;
	_ =	sdelay $0x4  }
0x272: {  	v1 =	vadd.f32 v2, v1;
	_ =	sdelay $0x1  }
0x273: {  	v2 =	vmul.f32 $2.000000030e-01, v1  }
0x274: {  	vm13 =	vgt.f32 v1, $0.0e+00  }
0x275: {  	v1 =	vsel vm13, v1, v2  }
0x276: {  	v1 =	vmul.f32 $1.442695020e+00, v1;
	_ =	sdelay $0x1  }
0x277: {  	(erf) = vpow2.f32 v1;
	_ =	sdelay $0x2  }
0x278: {  	v1 =	vld [tilespmem:$0x1E0]  }
0x279: {  	v2 =	vld [tilespmem:$0x5E0];
	_ =	sdelay $0x4  }
0x27a: {  	v3 =	vpop (erf)  }
0x27b: {  	[tilespmem:$0x9750] =	vst v3  }
0x27c: {  	v1 =	vld.idx.msk [tilespmem:v1+s5+$0x0], $0xffff  }
0x27d: {  	v2 =	vld.idx.msk [tilespmem:v2+s8+$0x0], $0xffff;
	_ =	sdelay $0x4  }
0x27e: {  	v1 =	vadd.f32 v2, v1;
	_ =	sdelay $0x1  }
0x27f: {  	v2 =	vmul.f32 $2.000000030e-01, v1  }
0x280: {  	vm14 =	vgt.f32 v1, $0.0e+00  }
0x281: {  	v1 =	vsel vm14, v1, v2  }
0x282: {  	v1 =	vmul.f32 $1.442695020e+00, v1;
	_ =	sdelay $0x1  }
0x283: {  	(erf) = vpow2.f32 v1;
	_ =	sdelay $0x2  }
0x284: {  	v1 =	vld [tilespmem:$0x1F0]  }
0x285: {  	v2 =	vld [tilespmem:$0x5F0];
	_ =	sdelay $0x4  }
0x286: {  	v3 =	vpop (erf)  }
0x287: {  	[tilespmem:$0x9760] =	vst v3  }
0x288: {  	v1 =	vld.idx.msk [tilespmem:v1+s5+$0x0], $0xffff  }
0x289: {  	v2 =	vld.idx.msk [tilespmem:v2+s8+$0x0], $0xffff;
	_ =	sdelay $0x4  }
0x28a: {  	v1 =	vadd.f32 v2, v1;
	_ =	sdelay $0x1  }
0x28b: {  	v2 =	vmul.f32 $2.000000030e-01, v1  }
0x28c: {  	vm15 =	vgt.f32 v1, $0.0e+00  }
0x28d: {  	v1 =	vsel vm15, v1, v2  }
0x28e: {  	v1 =	vmul.f32 $1.442695020e+00, v1;
	_ =	sdelay $0x1  }
0x28f: {  	(erf) = vpow2.f32 v1;
	_ =	sdelay $0x8  }
0x290: {  	v1 =	vpop (erf)  }
0x291: {  	s4 =	simm.s32 $0x5740;
	[tilespmem:$0x9770] =	vst v1  }
0x292: {  	v5 =	vld [tilespmem:s4+$0x30]  }
0x293: {  	v8 =	vld [tilespmem:s4+$0x10]  }
0x294: {  	s14 =	simm.s32 $0x0;
	v6 =	vld [tilespmem:s4+$0xFFFFFFC0]  }
0x295: {  	v2 =	vld.msk [tilespmem:s14+$0x9700 ss:$0x0], $0xffff  }
0x296: {  	v10 =	vld [tilespmem:s4+$0xFFFFFFE0]  }
0x297: {  	v1 =	vld [tilespmem:s4+$0xFFFFFFF0]  }
0x298: {  	v3 =	vld [tilespmem:s4+$0x20]  }
0x299: {  	v4 =	vld [tilespmem:s4+$0xFFFFFFD0]  }
0x29a: {  	v9 =	vmul.f32 v5, v2;
	v5 =	vld [tilespmem:s4+$0x0]  }
0x29b: {  	v7 =	vmul.f32 v2, v6  }
0x29c: {  	s29 =	simm.s32 $0x4;
	s14 =	simm.s32 $0x5740;
	v6 =	vmul.f32 v10, v2;
	v8 =	vmul.f32 v8, v2  }
.LBB2_11:
0x29d: {  	p0 =	sne.s32 s29, $0x1FC  }
0x29e: {  	v4 =	vmul.f32 v4, v2;
	v3 =	vmul.f32 v3, v2;
	[tilespmem:s4+$0x30] =	vst v9;
	s14 =	sadd.s32 $0x80, s14;
	s15 =	smov.u32 s29;
	s29 =	sadd.s32 $0x4, s29  }
0x29f: {  	[tilespmem:s4+$0xFFFFFFC0] =	vst v7;
	v7 =	vmul.f32 v1, v2;
	v2 =	vmul.f32 v5, v2  }
0x2a0: {  	[tilespmem:s4+$0x10] =	vst v8  }
0x2a1: {  	[tilespmem:s4+$0xFFFFFFE0] =	vst v6  }
0x2a2: {  	v1 =	vld [tilespmem:s14+$0xFFFFFFF0];
	[tilespmem:s4+$0xFFFFFFF0] =	vst v7  }
0x2a3: {  	v6 =	vld [tilespmem:s14+$0x30];
	[tilespmem:s4+$0x0] =	vst v2  }
0x2a4: {  	v8 =	vld [tilespmem:s14+$0x10];
	[tilespmem:s4+$0x20] =	vst v3  }
0x2a5: {  	s15 =	sshra.s32 s15, $0x2;
	v7 =	vld [tilespmem:s14+$0xFFFFFFC0];
	[tilespmem:s4+$0xFFFFFFD0] =	vst v4;
	s4 =	smov.u32 s14  }
0x2a6: {  	v2 =	vld.msk [tilespmem:s15+$0x9700 ss:$0x0], $0xffff  }
0x2a7: {  	v10 =	vld [tilespmem:s14+$0xFFFFFFE0]  }
0x2a8: {  	v3 =	vld [tilespmem:s14+$0x20]  }
.Ltmp4:
0x2a9: {  	v4 =	vld [tilespmem:s14+$0xFFFFFFD0];
	(pc) =	sbr.rel @p0 .LBB2_11-.Ltmp4, $3  }
0x2aa: {  	v5 =	vld [tilespmem:s14+$0x0];
	_ =	sdelay $0x1  }
0x2ab: {  	v7 =	vmul.f32 v2, v7;
	v9 =	vmul.f32 v6, v2  }
0x2ac: {  	v8 =	vmul.f32 v8, v2;
	v6 =	vmul.f32 v10, v2  }
0x2ad: {  	[tilespmem:s4+$0x30] =	vst v9  }
0x2ae: {  	[tilespmem:s4+$0xFFFFFFC0] =	vst v7  }
0x2af: {  	v1 =	vmul.f32 v1, v2;
	[tilespmem:s4+$0x10] =	vst v8  }
0x2b0: {  	v3 =	vmul.f32 v3, v2;
	[tilespmem:s4+$0xFFFFFFE0] =	vst v6  }
0x2b1: {  	v5 =	vmul.f32 v5, v2;
	[tilespmem:s4+$0xFFFFFFF0] =	vst v1  }
0x2b2: {  	v1 =	vmul.f32 v4, v2;
	[tilespmem:s4+$0x20] =	vst v3  }
0x2b3: {  	[tilespmem:s4+$0x0] =	vst v5  }
0x2b4: {  	[tilespmem:s4+$0xFFFFFFD0] =	vst v1  }
0x2b5: {  	[spmem:s2] =	stream.indirect.scatter.add.f32 [tilespmem:s9], [sflag:$0x2], $0x80, s18, s12, $0xb8;
	[tilespmem:$0x1D678] =	vst v63  }
0x2b6: {  	_ =	swait.ge [sflag:s7], $0x4000  }
0x2b7: {  	[sflag:s7] =	ssyncset.done $0x0  }
0x2b8: {  	[sflag:s7] =	ssyncadd.s32 $0xFFFFC000  }
0x2b9: {  	[spmem:s3] =	stream.indirect.scatter.add.f32 [tilespmem:s10], [sflag:$0x2], $0x1, s18, s12, $0xb8;
	[tilespmem:$0x1D678] =	vst v63  }
0x2ba: {  	_ =	swait.ge [sflag:s7], $0x80  }
0x2bb: {  	[sflag:s7] =	ssyncset.done $0x0  }
0x2bc: {  	[sflag:s7] =	ssyncadd.s32 $0xFFFFFF80  }
0x2bd: {  	[tilespmem:s9], [sflag:$0x1] =	stream.indirect.gather [hbm4b:s1+s12], $0x80, s0, s12, $0xb8;
	[tilespmem:$0x1D678] =	vst v63  }
0x2be: {  	_ =	swait.ge [sflag:s13], $0x4000  }
0x2bf: {  	[sflag:s13] =	ssyncset.done $0x0  }
0x2c0: {  	[sflag:s13] =	ssyncadd.s32 $0xFFFFC000  }
0x2c1: {  	v1 =	vld [tilespmem:$0x200]  }
0x2c2: {  	v2 =	vld [tilespmem:$0x600];
	_ =	sdelay $0x6  }
0x2c3: {  	v1 =	vld.idx.msk [tilespmem:v1+s5+$0x0], $0xffff  }
0x2c4: {  	v2 =	vld.idx.msk [tilespmem:v2+s8+$0x0], $0xffff;
	_ =	sdelay $0x4  }
0x2c5: {  	v1 =	vadd.f32 v2, v1;
	_ =	sdelay $0x1  }
0x2c6: {  	v2 =	vmul.f32 $2.000000030e-01, v1  }
0x2c7: {  	vm0 =	vgt.f32 v1, $0.0e+00  }
0x2c8: {  	v1 =	vsel vm0, v1, v2  }
0x2c9: {  	v1 =	vmul.f32 $1.442695020e+00, v1;
	_ =	sdelay $0x1  }
0x2ca: {  	(erf) = vpow2.f32 v1;
	_ =	sdelay $0x2  }
0x2cb: {  	v1 =	vld [tilespmem:$0x210]  }
0x2cc: {  	v2 =	vld [tilespmem:$0x610];
	_ =	sdelay $0x4  }
0x2cd: {  	v3 =	vpop (erf)  }
0x2ce: {  	[tilespmem:$0x9700] =	vst v3  }
0x2cf: {  	v1 =	vld.idx.msk [tilespmem:v1+s5+$0x0], $0xffff  }
0x2d0: {  	v2 =	vld.idx.msk [tilespmem:v2+s8+$0x0], $0xffff;
	_ =	sdelay $0x4  }
0x2d1: {  	v1 =	vadd.f32 v2, v1;
	_ =	sdelay $0x1  }
0x2d2: {  	v2 =	vmul.f32 $2.000000030e-01, v1  }
0x2d3: {  	vm9 =	vgt.f32 v1, $0.0e+00  }
0x2d4: {  	v1 =	vsel vm9, v1, v2  }
0x2d5: {  	v1 =	vmul.f32 $1.442695020e+00, v1;
	_ =	sdelay $0x1  }
0x2d6: {  	(erf) = vpow2.f32 v1;
	_ =	sdelay $0x2  }
0x2d7: {  	v1 =	vld [tilespmem:$0x220]  }
0x2d8: {  	v2 =	vld [tilespmem:$0x620];
	_ =	sdelay $0x4  }
0x2d9: {  	v3 =	vpop (erf)  }
0x2da: {  	[tilespmem:$0x9710] =	vst v3  }
0x2db: {  	v1 =	vld.idx.msk [tilespmem:v1+s5+$0x0], $0xffff  }
0x2dc: {  	v2 =	vld.idx.msk [tilespmem:v2+s8+$0x0], $0xffff;
	_ =	sdelay $0x4  }
0x2dd: {  	v1 =	vadd.f32 v2, v1;
	_ =	sdelay $0x1  }
0x2de: {  	v2 =	vmul.f32 $2.000000030e-01, v1  }
0x2df: {  	vm10 =	vgt.f32 v1, $0.0e+00  }
0x2e0: {  	v1 =	vsel vm10, v1, v2  }
0x2e1: {  	v1 =	vmul.f32 $1.442695020e+00, v1;
	_ =	sdelay $0x1  }
0x2e2: {  	(erf) = vpow2.f32 v1;
	_ =	sdelay $0x2  }
0x2e3: {  	v1 =	vld [tilespmem:$0x230]  }
0x2e4: {  	v2 =	vld [tilespmem:$0x630];
	_ =	sdelay $0x4  }
0x2e5: {  	v3 =	vpop (erf)  }
0x2e6: {  	[tilespmem:$0x9720] =	vst v3  }
0x2e7: {  	v1 =	vld.idx.msk [tilespmem:v1+s5+$0x0], $0xffff  }
0x2e8: {  	v2 =	vld.idx.msk [tilespmem:v2+s8+$0x0], $0xffff;
	_ =	sdelay $0x4  }
0x2e9: {  	v1 =	vadd.f32 v2, v1;
	_ =	sdelay $0x1  }
0x2ea: {  	v2 =	vmul.f32 $2.000000030e-01, v1  }
0x2eb: {  	vm11 =	vgt.f32 v1, $0.0e+00  }
0x2ec: {  	v1 =	vsel vm11, v1, v2  }
0x2ed: {  	v1 =	vmul.f32 $1.442695020e+00, v1;
	_ =	sdelay $0x1  }
0x2ee: {  	(erf) = vpow2.f32 v1;
	_ =	sdelay $0x2  }
0x2ef: {  	v1 =	vld [tilespmem:$0x240]  }
0x2f0: {  	v2 =	vld [tilespmem:$0x640];
	_ =	sdelay $0x4  }
0x2f1: {  	v3 =	vpop (erf)  }
0x2f2: {  	[tilespmem:$0x9730] =	vst v3  }
0x2f3: {  	v1 =	vld.idx.msk [tilespmem:v1+s5+$0x0], $0xffff  }
0x2f4: {  	v2 =	vld.idx.msk [tilespmem:v2+s8+$0x0], $0xffff;
	_ =	sdelay $0x4  }
0x2f5: {  	v1 =	vadd.f32 v2, v1;
	_ =	sdelay $0x1  }
0x2f6: {  	v2 =	vmul.f32 $2.000000030e-01, v1  }
0x2f7: {  	vm12 =	vgt.f32 v1, $0.0e+00  }
0x2f8: {  	v1 =	vsel vm12, v1, v2  }
0x2f9: {  	v1 =	vmul.f32 $1.442695020e+00, v1;
	_ =	sdelay $0x1  }
0x2fa: {  	(erf) = vpow2.f32 v1;
	_ =	sdelay $0x2  }
0x2fb: {  	v1 =	vld [tilespmem:$0x250]  }
0x2fc: {  	v2 =	vld [tilespmem:$0x650];
	_ =	sdelay $0x4  }
0x2fd: {  	v3 =	vpop (erf)  }
0x2fe: {  	[tilespmem:$0x9740] =	vst v3  }
0x2ff: {  	v1 =	vld.idx.msk [tilespmem:v1+s5+$0x0], $0xffff  }
0x300: {  	v2 =	vld.idx.msk [tilespmem:v2+s8+$0x0], $0xffff;
	_ =	sdelay $0x4  }
0x301: {  	v1 =	vadd.f32 v2, v1;
	_ =	sdelay $0x1  }
0x302: {  	v2 =	vmul.f32 $2.000000030e-01, v1  }
0x303: {  	vm13 =	vgt.f32 v1, $0.0e+00  }
0x304: {  	v1 =	vsel vm13, v1, v2  }
0x305: {  	v1 =	vmul.f32 $1.442695020e+00, v1;
	_ =	sdelay $0x1  }
0x306: {  	(erf) = vpow2.f32 v1;
	_ =	sdelay $0x2  }
0x307: {  	v1 =	vld [tilespmem:$0x260]  }
0x308: {  	v2 =	vld [tilespmem:$0x660];
	_ =	sdelay $0x4  }
0x309: {  	v3 =	vpop (erf)  }
0x30a: {  	[tilespmem:$0x9750] =	vst v3  }
0x30b: {  	v1 =	vld.idx.msk [tilespmem:v1+s5+$0x0], $0xffff  }
0x30c: {  	v2 =	vld.idx.msk [tilespmem:v2+s8+$0x0], $0xffff;
	_ =	sdelay $0x4  }
0x30d: {  	v1 =	vadd.f32 v2, v1;
	_ =	sdelay $0x1  }
0x30e: {  	v2 =	vmul.f32 $2.000000030e-01, v1  }
0x30f: {  	vm14 =	vgt.f32 v1, $0.0e+00  }
0x310: {  	v1 =	vsel vm14, v1, v2  }
0x311: {  	v1 =	vmul.f32 $1.442695020e+00, v1;
	_ =	sdelay $0x1  }
0x312: {  	(erf) = vpow2.f32 v1;
	_ =	sdelay $0x2  }
0x313: {  	v1 =	vld [tilespmem:$0x270]  }
0x314: {  	v2 =	vld [tilespmem:$0x670];
	_ =	sdelay $0x4  }
0x315: {  	v3 =	vpop (erf)  }
0x316: {  	[tilespmem:$0x9760] =	vst v3  }
0x317: {  	v1 =	vld.idx.msk [tilespmem:v1+s5+$0x0], $0xffff  }
0x318: {  	v2 =	vld.idx.msk [tilespmem:v2+s8+$0x0], $0xffff;
	_ =	sdelay $0x4  }
0x319: {  	v1 =	vadd.f32 v2, v1;
	_ =	sdelay $0x1  }
0x31a: {  	v2 =	vmul.f32 $2.000000030e-01, v1  }
0x31b: {  	vm15 =	vgt.f32 v1, $0.0e+00  }
0x31c: {  	v1 =	vsel vm15, v1, v2  }
0x31d: {  	v1 =	vmul.f32 $1.442695020e+00, v1;
	_ =	sdelay $0x1  }
0x31e: {  	(erf) = vpow2.f32 v1;
	_ =	sdelay $0x8  }
0x31f: {  	v1 =	vpop (erf)  }
0x320: {  	s4 =	simm.s32 $0x5740;
	[tilespmem:$0x9770] =	vst v1  }
0x321: {  	v5 =	vld [tilespmem:s4+$0x30]  }
0x322: {  	v8 =	vld [tilespmem:s4+$0x10]  }
0x323: {  	s14 =	simm.s32 $0x0;
	v6 =	vld [tilespmem:s4+$0xFFFFFFC0]  }
0x324: {  	v2 =	vld.msk [tilespmem:s14+$0x9700 ss:$0x0], $0xffff  }
0x325: {  	v10 =	vld [tilespmem:s4+$0xFFFFFFE0]  }
0x326: {  	v1 =	vld [tilespmem:s4+$0xFFFFFFF0]  }
0x327: {  	v3 =	vld [tilespmem:s4+$0x20]  }
0x328: {  	v4 =	vld [tilespmem:s4+$0xFFFFFFD0]  }
0x329: {  	v9 =	vmul.f32 v5, v2;
	v5 =	vld [tilespmem:s4+$0x0]  }
0x32a: {  	v7 =	vmul.f32 v2, v6  }
0x32b: {  	s29 =	simm.s32 $0x4;
	s14 =	simm.s32 $0x5740;
	v6 =	vmul.f32 v10, v2;
	v8 =	vmul.f32 v8, v2  }
.LBB2_13:
0x32c: {  	p0 =	sne.s32 s29, $0x1FC  }
0x32d: {  	v4 =	vmul.f32 v4, v2;
	v3 =	vmul.f32 v3, v2;
	[tilespmem:s4+$0x30] =	vst v9;
	s14 =	sadd.s32 $0x80, s14;
	s15 =	smov.u32 s29;
	s29 =	sadd.s32 $0x4, s29  }
0x32e: {  	[tilespmem:s4+$0xFFFFFFC0] =	vst v7;
	v7 =	vmul.f32 v1, v2;
	v2 =	vmul.f32 v5, v2  }
0x32f: {  	[tilespmem:s4+$0x10] =	vst v8  }
0x330: {  	[tilespmem:s4+$0xFFFFFFE0] =	vst v6  }
0x331: {  	v1 =	vld [tilespmem:s14+$0xFFFFFFF0];
	[tilespmem:s4+$0xFFFFFFF0] =	vst v7  }
0x332: {  	v6 =	vld [tilespmem:s14+$0x30];
	[tilespmem:s4+$0x0] =	vst v2  }
0x333: {  	v8 =	vld [tilespmem:s14+$0x10];
	[tilespmem:s4+$0x20] =	vst v3  }
0x334: {  	s15 =	sshra.s32 s15, $0x2;
	v7 =	vld [tilespmem:s14+$0xFFFFFFC0];
	[tilespmem:s4+$0xFFFFFFD0] =	vst v4;
	s4 =	smov.u32 s14  }
0x335: {  	v2 =	vld.msk [tilespmem:s15+$0x9700 ss:$0x0], $0xffff  }
0x336: {  	v10 =	vld [tilespmem:s14+$0xFFFFFFE0]  }
0x337: {  	v3 =	vld [tilespmem:s14+$0x20]  }
.Ltmp5:
0x338: {  	v4 =	vld [tilespmem:s14+$0xFFFFFFD0];
	(pc) =	sbr.rel @p0 .LBB2_13-.Ltmp5, $3  }
0x339: {  	v5 =	vld [tilespmem:s14+$0x0];
	_ =	sdelay $0x1  }
0x33a: {  	v7 =	vmul.f32 v2, v7;
	v9 =	vmul.f32 v6, v2  }
0x33b: {  	v8 =	vmul.f32 v8, v2;
	v6 =	vmul.f32 v10, v2  }
0x33c: {  	[tilespmem:s4+$0x30] =	vst v9  }
0x33d: {  	[tilespmem:s4+$0xFFFFFFC0] =	vst v7  }
0x33e: {  	v1 =	vmul.f32 v1, v2;
	[tilespmem:s4+$0x10] =	vst v8  }
0x33f: {  	v3 =	vmul.f32 v3, v2;
	[tilespmem:s4+$0xFFFFFFE0] =	vst v6  }
0x340: {  	v5 =	vmul.f32 v5, v2;
	[tilespmem:s4+$0xFFFFFFF0] =	vst v1  }
0x341: {  	v1 =	vmul.f32 v4, v2;
	[tilespmem:s4+$0x20] =	vst v3  }
0x342: {  	[tilespmem:s4+$0x0] =	vst v5  }
0x343: {  	[tilespmem:s4+$0xFFFFFFD0] =	vst v1  }
0x344: {  	[spmem:s2] =	stream.indirect.scatter.add.f32 [tilespmem:s9], [sflag:$0x2], $0x80, s21, s12, $0xb8;
	[tilespmem:$0x1D678] =	vst v63  }
0x345: {  	_ =	swait.ge [sflag:s7], $0x4000  }
0x346: {  	[sflag:s7] =	ssyncset.done $0x0  }
0x347: {  	[sflag:s7] =	ssyncadd.s32 $0xFFFFC000  }
0x348: {  	[spmem:s3] =	stream.indirect.scatter.add.f32 [tilespmem:s10], [sflag:$0x2], $0x1, s21, s12, $0xb8;
	[tilespmem:$0x1D678] =	vst v63  }
0x349: {  	_ =	swait.ge [sflag:s7], $0x80  }
0x34a: {  	[sflag:s7] =	ssyncset.done $0x0  }
0x34b: {  	[sflag:s7] =	ssyncadd.s32 $0xFFFFFF80  }
0x34c: {  	[tilespmem:s9], [sflag:$0x1] =	stream.indirect.gather [hbm4b:s1+s12], $0x80, s22, s12, $0xb8;
	[tilespmem:$0x1D678] =	vst v63  }
0x34d: {  	_ =	swait.ge [sflag:s13], $0x4000  }
0x34e: {  	[sflag:s13] =	ssyncset.done $0x0  }
0x34f: {  	[sflag:s13] =	ssyncadd.s32 $0xFFFFC000  }
0x350: {  	v1 =	vld [tilespmem:$0x280]  }
0x351: {  	v2 =	vld [tilespmem:$0x680];
	_ =	sdelay $0x6  }
0x352: {  	v1 =	vld.idx.msk [tilespmem:v1+s5+$0x0], $0xffff  }
0x353: {  	v2 =	vld.idx.msk [tilespmem:v2+s8+$0x0], $0xffff;
	_ =	sdelay $0x4  }
0x354: {  	v1 =	vadd.f32 v2, v1;
	_ =	sdelay $0x1  }
0x355: {  	v2 =	vmul.f32 $2.000000030e-01, v1  }
0x356: {  	vm0 =	vgt.f32 v1, $0.0e+00  }
0x357: {  	v1 =	vsel vm0, v1, v2  }
0x358: {  	v1 =	vmul.f32 $1.442695020e+00, v1;
	_ =	sdelay $0x1  }
0x359: {  	(erf) = vpow2.f32 v1;
	_ =	sdelay $0x2  }
0x35a: {  	v1 =	vld [tilespmem:$0x290]  }
0x35b: {  	v2 =	vld [tilespmem:$0x690];
	_ =	sdelay $0x4  }
0x35c: {  	v3 =	vpop (erf)  }
0x35d: {  	[tilespmem:$0x9700] =	vst v3  }
0x35e: {  	v1 =	vld.idx.msk [tilespmem:v1+s5+$0x0], $0xffff  }
0x35f: {  	v2 =	vld.idx.msk [tilespmem:v2+s8+$0x0], $0xffff;
	_ =	sdelay $0x4  }
0x360: {  	v1 =	vadd.f32 v2, v1;
	_ =	sdelay $0x1  }
0x361: {  	v2 =	vmul.f32 $2.000000030e-01, v1  }
0x362: {  	vm9 =	vgt.f32 v1, $0.0e+00  }
0x363: {  	v1 =	vsel vm9, v1, v2  }
0x364: {  	v1 =	vmul.f32 $1.442695020e+00, v1;
	_ =	sdelay $0x1  }
0x365: {  	(erf) = vpow2.f32 v1;
	_ =	sdelay $0x2  }
0x366: {  	v1 =	vld [tilespmem:$0x2A0]  }
0x367: {  	v2 =	vld [tilespmem:$0x6A0];
	_ =	sdelay $0x4  }
0x368: {  	v3 =	vpop (erf)  }
0x369: {  	[tilespmem:$0x9710] =	vst v3  }
0x36a: {  	v1 =	vld.idx.msk [tilespmem:v1+s5+$0x0], $0xffff  }
0x36b: {  	v2 =	vld.idx.msk [tilespmem:v2+s8+$0x0], $0xffff;
	_ =	sdelay $0x4  }
0x36c: {  	v1 =	vadd.f32 v2, v1;
	_ =	sdelay $0x1  }
0x36d: {  	v2 =	vmul.f32 $2.000000030e-01, v1  }
0x36e: {  	vm10 =	vgt.f32 v1, $0.0e+00  }
0x36f: {  	v1 =	vsel vm10, v1, v2  }
0x370: {  	v1 =	vmul.f32 $1.442695020e+00, v1;
	_ =	sdelay $0x1  }
0x371: {  	(erf) = vpow2.f32 v1;
	_ =	sdelay $0x2  }
0x372: {  	v1 =	vld [tilespmem:$0x2B0]  }
0x373: {  	v2 =	vld [tilespmem:$0x6B0];
	_ =	sdelay $0x4  }
0x374: {  	v3 =	vpop (erf)  }
0x375: {  	[tilespmem:$0x9720] =	vst v3  }
0x376: {  	v1 =	vld.idx.msk [tilespmem:v1+s5+$0x0], $0xffff  }
0x377: {  	v2 =	vld.idx.msk [tilespmem:v2+s8+$0x0], $0xffff;
	_ =	sdelay $0x4  }
0x378: {  	v1 =	vadd.f32 v2, v1;
	_ =	sdelay $0x1  }
0x379: {  	v2 =	vmul.f32 $2.000000030e-01, v1  }
0x37a: {  	vm11 =	vgt.f32 v1, $0.0e+00  }
0x37b: {  	v1 =	vsel vm11, v1, v2  }
0x37c: {  	v1 =	vmul.f32 $1.442695020e+00, v1;
	_ =	sdelay $0x1  }
0x37d: {  	(erf) = vpow2.f32 v1;
	_ =	sdelay $0x2  }
0x37e: {  	v1 =	vld [tilespmem:$0x2C0]  }
0x37f: {  	v2 =	vld [tilespmem:$0x6C0];
	_ =	sdelay $0x4  }
0x380: {  	v3 =	vpop (erf)  }
0x381: {  	[tilespmem:$0x9730] =	vst v3  }
0x382: {  	v1 =	vld.idx.msk [tilespmem:v1+s5+$0x0], $0xffff  }
0x383: {  	v2 =	vld.idx.msk [tilespmem:v2+s8+$0x0], $0xffff;
	_ =	sdelay $0x4  }
0x384: {  	v1 =	vadd.f32 v2, v1;
	_ =	sdelay $0x1  }
0x385: {  	v2 =	vmul.f32 $2.000000030e-01, v1  }
0x386: {  	vm12 =	vgt.f32 v1, $0.0e+00  }
0x387: {  	v1 =	vsel vm12, v1, v2  }
0x388: {  	v1 =	vmul.f32 $1.442695020e+00, v1;
	_ =	sdelay $0x1  }
0x389: {  	(erf) = vpow2.f32 v1;
	_ =	sdelay $0x2  }
0x38a: {  	v1 =	vld [tilespmem:$0x2D0]  }
0x38b: {  	v2 =	vld [tilespmem:$0x6D0];
	_ =	sdelay $0x4  }
0x38c: {  	v3 =	vpop (erf)  }
0x38d: {  	[tilespmem:$0x9740] =	vst v3  }
0x38e: {  	v1 =	vld.idx.msk [tilespmem:v1+s5+$0x0], $0xffff  }
0x38f: {  	v2 =	vld.idx.msk [tilespmem:v2+s8+$0x0], $0xffff;
	_ =	sdelay $0x4  }
0x390: {  	v1 =	vadd.f32 v2, v1;
	_ =	sdelay $0x1  }
0x391: {  	v2 =	vmul.f32 $2.000000030e-01, v1  }
0x392: {  	vm13 =	vgt.f32 v1, $0.0e+00  }
0x393: {  	v1 =	vsel vm13, v1, v2  }
0x394: {  	v1 =	vmul.f32 $1.442695020e+00, v1;
	_ =	sdelay $0x1  }
0x395: {  	(erf) = vpow2.f32 v1;
	_ =	sdelay $0x2  }
0x396: {  	v1 =	vld [tilespmem:$0x2E0]  }
0x397: {  	v2 =	vld [tilespmem:$0x6E0];
	_ =	sdelay $0x4  }
0x398: {  	v3 =	vpop (erf)  }
0x399: {  	[tilespmem:$0x9750] =	vst v3  }
0x39a: {  	v1 =	vld.idx.msk [tilespmem:v1+s5+$0x0], $0xffff  }
0x39b: {  	v2 =	vld.idx.msk [tilespmem:v2+s8+$0x0], $0xffff;
	_ =	sdelay $0x4  }
0x39c: {  	v1 =	vadd.f32 v2, v1;
	_ =	sdelay $0x1  }
0x39d: {  	v2 =	vmul.f32 $2.000000030e-01, v1  }
0x39e: {  	vm14 =	vgt.f32 v1, $0.0e+00  }
0x39f: {  	v1 =	vsel vm14, v1, v2  }
0x3a0: {  	v1 =	vmul.f32 $1.442695020e+00, v1;
	_ =	sdelay $0x1  }
0x3a1: {  	(erf) = vpow2.f32 v1;
	_ =	sdelay $0x2  }
0x3a2: {  	v1 =	vld [tilespmem:$0x2F0]  }
0x3a3: {  	v2 =	vld [tilespmem:$0x6F0];
	_ =	sdelay $0x4  }
0x3a4: {  	v3 =	vpop (erf)  }
0x3a5: {  	[tilespmem:$0x9760] =	vst v3  }
0x3a6: {  	v1 =	vld.idx.msk [tilespmem:v1+s5+$0x0], $0xffff  }
0x3a7: {  	v2 =	vld.idx.msk [tilespmem:v2+s8+$0x0], $0xffff;
	_ =	sdelay $0x4  }
0x3a8: {  	v1 =	vadd.f32 v2, v1;
	_ =	sdelay $0x1  }
0x3a9: {  	v2 =	vmul.f32 $2.000000030e-01, v1  }
0x3aa: {  	vm15 =	vgt.f32 v1, $0.0e+00  }
0x3ab: {  	v1 =	vsel vm15, v1, v2  }
0x3ac: {  	v1 =	vmul.f32 $1.442695020e+00, v1;
	_ =	sdelay $0x1  }
0x3ad: {  	(erf) = vpow2.f32 v1;
	_ =	sdelay $0x8  }
0x3ae: {  	v1 =	vpop (erf)  }
0x3af: {  	s4 =	simm.s32 $0x5740;
	[tilespmem:$0x9770] =	vst v1  }
0x3b0: {  	v5 =	vld [tilespmem:s4+$0x30]  }
0x3b1: {  	v8 =	vld [tilespmem:s4+$0x10]  }
0x3b2: {  	s14 =	simm.s32 $0x0;
	v6 =	vld [tilespmem:s4+$0xFFFFFFC0]  }
0x3b3: {  	v2 =	vld.msk [tilespmem:s14+$0x9700 ss:$0x0], $0xffff  }
0x3b4: {  	v10 =	vld [tilespmem:s4+$0xFFFFFFE0]  }
0x3b5: {  	v1 =	vld [tilespmem:s4+$0xFFFFFFF0]  }
0x3b6: {  	v3 =	vld [tilespmem:s4+$0x20]  }
0x3b7: {  	v4 =	vld [tilespmem:s4+$0xFFFFFFD0]  }
0x3b8: {  	v9 =	vmul.f32 v5, v2;
	v5 =	vld [tilespmem:s4+$0x0]  }
0x3b9: {  	v7 =	vmul.f32 v2, v6  }
0x3ba: {  	s29 =	simm.s32 $0x4;
	s14 =	simm.s32 $0x5740;
	v6 =	vmul.f32 v10, v2;
	v8 =	vmul.f32 v8, v2  }
.LBB2_15:
0x3bb: {  	p0 =	sne.s32 s29, $0x1FC  }
0x3bc: {  	v4 =	vmul.f32 v4, v2;
	v3 =	vmul.f32 v3, v2;
	[tilespmem:s4+$0x30] =	vst v9;
	s14 =	sadd.s32 $0x80, s14;
	s15 =	smov.u32 s29;
	s29 =	sadd.s32 $0x4, s29  }
0x3bd: {  	[tilespmem:s4+$0xFFFFFFC0] =	vst v7;
	v7 =	vmul.f32 v1, v2;
	v2 =	vmul.f32 v5, v2  }
0x3be: {  	[tilespmem:s4+$0x10] =	vst v8  }
0x3bf: {  	[tilespmem:s4+$0xFFFFFFE0] =	vst v6  }
0x3c0: {  	v1 =	vld [tilespmem:s14+$0xFFFFFFF0];
	[tilespmem:s4+$0xFFFFFFF0] =	vst v7  }
0x3c1: {  	v6 =	vld [tilespmem:s14+$0x30];
	[tilespmem:s4+$0x0] =	vst v2  }
0x3c2: {  	v8 =	vld [tilespmem:s14+$0x10];
	[tilespmem:s4+$0x20] =	vst v3  }
0x3c3: {  	s15 =	sshra.s32 s15, $0x2;
	v7 =	vld [tilespmem:s14+$0xFFFFFFC0];
	[tilespmem:s4+$0xFFFFFFD0] =	vst v4;
	s4 =	smov.u32 s14  }
0x3c4: {  	v2 =	vld.msk [tilespmem:s15+$0x9700 ss:$0x0], $0xffff  }
0x3c5: {  	v10 =	vld [tilespmem:s14+$0xFFFFFFE0]  }
0x3c6: {  	v3 =	vld [tilespmem:s14+$0x20]  }
.Ltmp6:
0x3c7: {  	v4 =	vld [tilespmem:s14+$0xFFFFFFD0];
	(pc) =	sbr.rel @p0 .LBB2_15-.Ltmp6, $3  }
0x3c8: {  	v5 =	vld [tilespmem:s14+$0x0];
	_ =	sdelay $0x1  }
0x3c9: {  	v7 =	vmul.f32 v2, v7;
	v9 =	vmul.f32 v6, v2  }
0x3ca: {  	v8 =	vmul.f32 v8, v2;
	v6 =	vmul.f32 v10, v2  }
0x3cb: {  	[tilespmem:s4+$0x30] =	vst v9  }
0x3cc: {  	[tilespmem:s4+$0xFFFFFFC0] =	vst v7  }
0x3cd: {  	v1 =	vmul.f32 v1, v2;
	[tilespmem:s4+$0x10] =	vst v8  }
0x3ce: {  	v3 =	vmul.f32 v3, v2;
	[tilespmem:s4+$0xFFFFFFE0] =	vst v6  }
0x3cf: {  	v5 =	vmul.f32 v5, v2;
	[tilespmem:s4+$0xFFFFFFF0] =	vst v1  }
0x3d0: {  	v1 =	vmul.f32 v4, v2;
	[tilespmem:s4+$0x20] =	vst v3  }
0x3d1: {  	[tilespmem:s4+$0x0] =	vst v5  }
0x3d2: {  	[tilespmem:s4+$0xFFFFFFD0] =	vst v1  }
0x3d3: {  	[spmem:s2] =	stream.indirect.scatter.add.f32 [tilespmem:s9], [sflag:$0x2], $0x80, s23, s12, $0xb8;
	[tilespmem:$0x1D678] =	vst v63  }
0x3d4: {  	_ =	swait.ge [sflag:s7], $0x4000  }
0x3d5: {  	[sflag:s7] =	ssyncset.done $0x0  }
0x3d6: {  	[sflag:s7] =	ssyncadd.s32 $0xFFFFC000  }
0x3d7: {  	[spmem:s3] =	stream.indirect.scatter.add.f32 [tilespmem:s10], [sflag:$0x2], $0x1, s23, s12, $0xb8;
	[tilespmem:$0x1D678] =	vst v63  }
0x3d8: {  	_ =	swait.ge [sflag:s7], $0x80  }
0x3d9: {  	[sflag:s7] =	ssyncset.done $0x0  }
0x3da: {  	[sflag:s7] =	ssyncadd.s32 $0xFFFFFF80  }
0x3db: {  	[tilespmem:s9], [sflag:$0x1] =	stream.indirect.gather [hbm4b:s1+s12], $0x80, s24, s12, $0xb8;
	[tilespmem:$0x1D678] =	vst v63  }
0x3dc: {  	_ =	swait.ge [sflag:s13], $0x4000  }
0x3dd: {  	[sflag:s13] =	ssyncset.done $0x0  }
0x3de: {  	[sflag:s13] =	ssyncadd.s32 $0xFFFFC000  }
0x3df: {  	v1 =	vld [tilespmem:$0x300]  }
0x3e0: {  	v2 =	vld [tilespmem:$0x700];
	_ =	sdelay $0x6  }
0x3e1: {  	v1 =	vld.idx.msk [tilespmem:v1+s5+$0x0], $0xffff  }
0x3e2: {  	v2 =	vld.idx.msk [tilespmem:v2+s8+$0x0], $0xffff;
	_ =	sdelay $0x4  }
0x3e3: {  	v1 =	vadd.f32 v2, v1;
	_ =	sdelay $0x1  }
0x3e4: {  	v2 =	vmul.f32 $2.000000030e-01, v1  }
0x3e5: {  	vm0 =	vgt.f32 v1, $0.0e+00  }
0x3e6: {  	v1 =	vsel vm0, v1, v2  }
0x3e7: {  	v1 =	vmul.f32 $1.442695020e+00, v1;
	_ =	sdelay $0x1  }
0x3e8: {  	(erf) = vpow2.f32 v1;
	_ =	sdelay $0x2  }
0x3e9: {  	v1 =	vld [tilespmem:$0x310]  }
0x3ea: {  	v2 =	vld [tilespmem:$0x710];
	_ =	sdelay $0x4  }
0x3eb: {  	v3 =	vpop (erf)  }
0x3ec: {  	[tilespmem:$0x9700] =	vst v3  }
0x3ed: {  	v1 =	vld.idx.msk [tilespmem:v1+s5+$0x0], $0xffff  }
0x3ee: {  	v2 =	vld.idx.msk [tilespmem:v2+s8+$0x0], $0xffff;
	_ =	sdelay $0x4  }
0x3ef: {  	v1 =	vadd.f32 v2, v1;
	_ =	sdelay $0x1  }
0x3f0: {  	v2 =	vmul.f32 $2.000000030e-01, v1  }
0x3f1: {  	vm9 =	vgt.f32 v1, $0.0e+00  }
0x3f2: {  	v1 =	vsel vm9, v1, v2  }
0x3f3: {  	v1 =	vmul.f32 $1.442695020e+00, v1;
	_ =	sdelay $0x1  }
0x3f4: {  	(erf) = vpow2.f32 v1;
	_ =	sdelay $0x2  }
0x3f5: {  	v1 =	vld [tilespmem:$0x320]  }
0x3f6: {  	v2 =	vld [tilespmem:$0x720];
	_ =	sdelay $0x4  }
0x3f7: {  	v3 =	vpop (erf)  }
0x3f8: {  	[tilespmem:$0x9710] =	vst v3  }
0x3f9: {  	v1 =	vld.idx.msk [tilespmem:v1+s5+$0x0], $0xffff  }
0x3fa: {  	v2 =	vld.idx.msk [tilespmem:v2+s8+$0x0], $0xffff;
	_ =	sdelay $0x4  }
0x3fb: {  	v1 =	vadd.f32 v2, v1;
	_ =	sdelay $0x1  }
0x3fc: {  	v2 =	vmul.f32 $2.000000030e-01, v1  }
0x3fd: {  	vm10 =	vgt.f32 v1, $0.0e+00  }
0x3fe: {  	v1 =	vsel vm10, v1, v2  }
0x3ff: {  	v1 =	vmul.f32 $1.442695020e+00, v1;
	_ =	sdelay $0x1  }
0x400: {  	(erf) = vpow2.f32 v1;
	_ =	sdelay $0x2  }
0x401: {  	v1 =	vld [tilespmem:$0x330]  }
0x402: {  	v2 =	vld [tilespmem:$0x730];
	_ =	sdelay $0x4  }
0x403: {  	v3 =	vpop (erf)  }
0x404: {  	[tilespmem:$0x9720] =	vst v3  }
0x405: {  	v1 =	vld.idx.msk [tilespmem:v1+s5+$0x0], $0xffff  }
0x406: {  	v2 =	vld.idx.msk [tilespmem:v2+s8+$0x0], $0xffff;
	_ =	sdelay $0x4  }
0x407: {  	v1 =	vadd.f32 v2, v1;
	_ =	sdelay $0x1  }
0x408: {  	v2 =	vmul.f32 $2.000000030e-01, v1  }
0x409: {  	vm11 =	vgt.f32 v1, $0.0e+00  }
0x40a: {  	v1 =	vsel vm11, v1, v2  }
0x40b: {  	v1 =	vmul.f32 $1.442695020e+00, v1;
	_ =	sdelay $0x1  }
0x40c: {  	(erf) = vpow2.f32 v1;
	_ =	sdelay $0x2  }
0x40d: {  	v1 =	vld [tilespmem:$0x340]  }
0x40e: {  	v2 =	vld [tilespmem:$0x740];
	_ =	sdelay $0x4  }
0x40f: {  	v3 =	vpop (erf)  }
0x410: {  	[tilespmem:$0x9730] =	vst v3  }
0x411: {  	v1 =	vld.idx.msk [tilespmem:v1+s5+$0x0], $0xffff  }
0x412: {  	v2 =	vld.idx.msk [tilespmem:v2+s8+$0x0], $0xffff;
	_ =	sdelay $0x4  }
0x413: {  	v1 =	vadd.f32 v2, v1;
	_ =	sdelay $0x1  }
0x414: {  	v2 =	vmul.f32 $2.000000030e-01, v1  }
0x415: {  	vm12 =	vgt.f32 v1, $0.0e+00  }
0x416: {  	v1 =	vsel vm12, v1, v2  }
0x417: {  	v1 =	vmul.f32 $1.442695020e+00, v1;
	_ =	sdelay $0x1  }
0x418: {  	(erf) = vpow2.f32 v1;
	_ =	sdelay $0x2  }
0x419: {  	v1 =	vld [tilespmem:$0x350]  }
0x41a: {  	v2 =	vld [tilespmem:$0x750];
	_ =	sdelay $0x4  }
0x41b: {  	v3 =	vpop (erf)  }
0x41c: {  	[tilespmem:$0x9740] =	vst v3  }
0x41d: {  	v1 =	vld.idx.msk [tilespmem:v1+s5+$0x0], $0xffff  }
0x41e: {  	v2 =	vld.idx.msk [tilespmem:v2+s8+$0x0], $0xffff;
	_ =	sdelay $0x4  }
0x41f: {  	v1 =	vadd.f32 v2, v1;
	_ =	sdelay $0x1  }
0x420: {  	v2 =	vmul.f32 $2.000000030e-01, v1  }
0x421: {  	vm13 =	vgt.f32 v1, $0.0e+00  }
0x422: {  	v1 =	vsel vm13, v1, v2  }
0x423: {  	v1 =	vmul.f32 $1.442695020e+00, v1;
	_ =	sdelay $0x1  }
0x424: {  	(erf) = vpow2.f32 v1;
	_ =	sdelay $0x2  }
0x425: {  	v1 =	vld [tilespmem:$0x360]  }
0x426: {  	v2 =	vld [tilespmem:$0x760];
	_ =	sdelay $0x4  }
0x427: {  	v3 =	vpop (erf)  }
0x428: {  	[tilespmem:$0x9750] =	vst v3  }
0x429: {  	v1 =	vld.idx.msk [tilespmem:v1+s5+$0x0], $0xffff  }
0x42a: {  	v2 =	vld.idx.msk [tilespmem:v2+s8+$0x0], $0xffff;
	_ =	sdelay $0x4  }
0x42b: {  	v1 =	vadd.f32 v2, v1;
	_ =	sdelay $0x1  }
0x42c: {  	v2 =	vmul.f32 $2.000000030e-01, v1  }
0x42d: {  	vm14 =	vgt.f32 v1, $0.0e+00  }
0x42e: {  	v1 =	vsel vm14, v1, v2  }
0x42f: {  	v1 =	vmul.f32 $1.442695020e+00, v1;
	_ =	sdelay $0x1  }
0x430: {  	(erf) = vpow2.f32 v1;
	_ =	sdelay $0x2  }
0x431: {  	v1 =	vld [tilespmem:$0x370]  }
0x432: {  	v2 =	vld [tilespmem:$0x770];
	_ =	sdelay $0x4  }
0x433: {  	v3 =	vpop (erf)  }
0x434: {  	[tilespmem:$0x9760] =	vst v3  }
0x435: {  	v1 =	vld.idx.msk [tilespmem:v1+s5+$0x0], $0xffff  }
0x436: {  	v2 =	vld.idx.msk [tilespmem:v2+s8+$0x0], $0xffff;
	_ =	sdelay $0x4  }
0x437: {  	v1 =	vadd.f32 v2, v1;
	_ =	sdelay $0x1  }
0x438: {  	v2 =	vmul.f32 $2.000000030e-01, v1  }
0x439: {  	vm15 =	vgt.f32 v1, $0.0e+00  }
0x43a: {  	v1 =	vsel vm15, v1, v2  }
0x43b: {  	v1 =	vmul.f32 $1.442695020e+00, v1;
	_ =	sdelay $0x1  }
0x43c: {  	(erf) = vpow2.f32 v1;
	_ =	sdelay $0x8  }
0x43d: {  	v1 =	vpop (erf)  }
0x43e: {  	s4 =	simm.s32 $0x5740;
	[tilespmem:$0x9770] =	vst v1  }
0x43f: {  	v5 =	vld [tilespmem:s4+$0x30]  }
0x440: {  	v8 =	vld [tilespmem:s4+$0x10]  }
0x441: {  	s14 =	simm.s32 $0x0;
	v6 =	vld [tilespmem:s4+$0xFFFFFFC0]  }
0x442: {  	v2 =	vld.msk [tilespmem:s14+$0x9700 ss:$0x0], $0xffff  }
0x443: {  	v10 =	vld [tilespmem:s4+$0xFFFFFFE0]  }
0x444: {  	v1 =	vld [tilespmem:s4+$0xFFFFFFF0]  }
0x445: {  	v3 =	vld [tilespmem:s4+$0x20]  }
0x446: {  	v4 =	vld [tilespmem:s4+$0xFFFFFFD0]  }
0x447: {  	v9 =	vmul.f32 v5, v2;
	v5 =	vld [tilespmem:s4+$0x0]  }
0x448: {  	v7 =	vmul.f32 v2, v6  }
0x449: {  	s29 =	simm.s32 $0x4;
	s14 =	simm.s32 $0x5740;
	v6 =	vmul.f32 v10, v2;
	v8 =	vmul.f32 v8, v2  }
.LBB2_17:
0x44a: {  	p0 =	sne.s32 s29, $0x1FC  }
0x44b: {  	v4 =	vmul.f32 v4, v2;
	v3 =	vmul.f32 v3, v2;
	[tilespmem:s4+$0x30] =	vst v9;
	s14 =	sadd.s32 $0x80, s14;
	s15 =	smov.u32 s29;
	s29 =	sadd.s32 $0x4, s29  }
0x44c: {  	[tilespmem:s4+$0xFFFFFFC0] =	vst v7;
	v7 =	vmul.f32 v1, v2;
	v2 =	vmul.f32 v5, v2  }
0x44d: {  	[tilespmem:s4+$0x10] =	vst v8  }
0x44e: {  	[tilespmem:s4+$0xFFFFFFE0] =	vst v6  }
0x44f: {  	v1 =	vld [tilespmem:s14+$0xFFFFFFF0];
	[tilespmem:s4+$0xFFFFFFF0] =	vst v7  }
0x450: {  	v6 =	vld [tilespmem:s14+$0x30];
	[tilespmem:s4+$0x0] =	vst v2  }
0x451: {  	v8 =	vld [tilespmem:s14+$0x10];
	[tilespmem:s4+$0x20] =	vst v3  }
0x452: {  	s15 =	sshra.s32 s15, $0x2;
	v7 =	vld [tilespmem:s14+$0xFFFFFFC0];
	[tilespmem:s4+$0xFFFFFFD0] =	vst v4;
	s4 =	smov.u32 s14  }
0x453: {  	v2 =	vld.msk [tilespmem:s15+$0x9700 ss:$0x0], $0xffff  }
0x454: {  	v10 =	vld [tilespmem:s14+$0xFFFFFFE0]  }
0x455: {  	v3 =	vld [tilespmem:s14+$0x20]  }
.Ltmp7:
0x456: {  	v4 =	vld [tilespmem:s14+$0xFFFFFFD0];
	(pc) =	sbr.rel @p0 .LBB2_17-.Ltmp7, $3  }
0x457: {  	v5 =	vld [tilespmem:s14+$0x0];
	_ =	sdelay $0x1  }
0x458: {  	v7 =	vmul.f32 v2, v7;
	v9 =	vmul.f32 v6, v2  }
0x459: {  	v8 =	vmul.f32 v8, v2;
	v6 =	vmul.f32 v10, v2  }
0x45a: {  	[tilespmem:s4+$0x30] =	vst v9  }
0x45b: {  	[tilespmem:s4+$0xFFFFFFC0] =	vst v7  }
0x45c: {  	v1 =	vmul.f32 v1, v2;
	[tilespmem:s4+$0x10] =	vst v8  }
0x45d: {  	v3 =	vmul.f32 v3, v2;
	[tilespmem:s4+$0xFFFFFFE0] =	vst v6  }
0x45e: {  	v5 =	vmul.f32 v5, v2;
	[tilespmem:s4+$0xFFFFFFF0] =	vst v1  }
0x45f: {  	v1 =	vmul.f32 v4, v2;
	[tilespmem:s4+$0x20] =	vst v3  }
0x460: {  	[tilespmem:s4+$0x0] =	vst v5  }
0x461: {  	[tilespmem:s4+$0xFFFFFFD0] =	vst v1  }
0x462: {  	[spmem:s2] =	stream.indirect.scatter.add.f32 [tilespmem:s9], [sflag:$0x2], $0x80, s25, s12, $0xb8;
	[tilespmem:$0x1D678] =	vst v63  }
0x463: {  	_ =	swait.ge [sflag:s7], $0x4000  }
0x464: {  	[sflag:s7] =	ssyncset.done $0x0  }
0x465: {  	[sflag:s7] =	ssyncadd.s32 $0xFFFFC000  }
0x466: {  	[spmem:s3] =	stream.indirect.scatter.add.f32 [tilespmem:s10], [sflag:$0x2], $0x1, s25, s12, $0xb8;
	[tilespmem:$0x1D678] =	vst v63  }
0x467: {  	_ =	swait.ge [sflag:s7], $0x80  }
0x468: {  	[sflag:s7] =	ssyncset.done $0x0  }
0x469: {  	[sflag:s7] =	ssyncadd.s32 $0xFFFFFF80  }
0x46a: {  	[tilespmem:s9], [sflag:$0x1] =	stream.indirect.gather [hbm4b:s1+s12], $0x80, s26, s12, $0xb8;
	[tilespmem:$0x1D678] =	vst v63  }
0x46b: {  	_ =	swait.ge [sflag:s13], $0x4000  }
0x46c: {  	[sflag:s13] =	ssyncset.done $0x0  }
0x46d: {  	[sflag:s13] =	ssyncadd.s32 $0xFFFFC000  }
0x46e: {  	v1 =	vld [tilespmem:$0x380]  }
0x46f: {  	v2 =	vld [tilespmem:$0x780];
	_ =	sdelay $0x6  }
0x470: {  	v1 =	vld.idx.msk [tilespmem:v1+s5+$0x0], $0xffff  }
0x471: {  	v2 =	vld.idx.msk [tilespmem:v2+s8+$0x0], $0xffff;
	_ =	sdelay $0x4  }
0x472: {  	v1 =	vadd.f32 v2, v1;
	_ =	sdelay $0x1  }
0x473: {  	v2 =	vmul.f32 $2.000000030e-01, v1  }
0x474: {  	vm0 =	vgt.f32 v1, $0.0e+00  }
0x475: {  	v1 =	vsel vm0, v1, v2  }
0x476: {  	v1 =	vmul.f32 $1.442695020e+00, v1;
	_ =	sdelay $0x1  }
0x477: {  	(erf) = vpow2.f32 v1;
	_ =	sdelay $0x2  }
0x478: {  	v1 =	vld [tilespmem:$0x390]  }
0x479: {  	v2 =	vld [tilespmem:$0x790];
	_ =	sdelay $0x4  }
0x47a: {  	v3 =	vpop (erf)  }
0x47b: {  	[tilespmem:$0x9700] =	vst v3  }
0x47c: {  	v1 =	vld.idx.msk [tilespmem:v1+s5+$0x0], $0xffff  }
0x47d: {  	v2 =	vld.idx.msk [tilespmem:v2+s8+$0x0], $0xffff;
	_ =	sdelay $0x4  }
0x47e: {  	v1 =	vadd.f32 v2, v1;
	_ =	sdelay $0x1  }
0x47f: {  	v2 =	vmul.f32 $2.000000030e-01, v1  }
0x480: {  	vm9 =	vgt.f32 v1, $0.0e+00  }
0x481: {  	v1 =	vsel vm9, v1, v2  }
0x482: {  	v1 =	vmul.f32 $1.442695020e+00, v1;
	_ =	sdelay $0x1  }
0x483: {  	(erf) = vpow2.f32 v1;
	_ =	sdelay $0x2  }
0x484: {  	v1 =	vld [tilespmem:$0x3A0]  }
0x485: {  	v2 =	vld [tilespmem:$0x7A0];
	_ =	sdelay $0x4  }
0x486: {  	v3 =	vpop (erf)  }
0x487: {  	[tilespmem:$0x9710] =	vst v3  }
0x488: {  	v1 =	vld.idx.msk [tilespmem:v1+s5+$0x0], $0xffff  }
0x489: {  	v2 =	vld.idx.msk [tilespmem:v2+s8+$0x0], $0xffff;
	_ =	sdelay $0x4  }
0x48a: {  	v1 =	vadd.f32 v2, v1;
	_ =	sdelay $0x1  }
0x48b: {  	v2 =	vmul.f32 $2.000000030e-01, v1  }
0x48c: {  	vm10 =	vgt.f32 v1, $0.0e+00  }
0x48d: {  	v1 =	vsel vm10, v1, v2  }
0x48e: {  	v1 =	vmul.f32 $1.442695020e+00, v1;
	_ =	sdelay $0x1  }
0x48f: {  	(erf) = vpow2.f32 v1;
	_ =	sdelay $0x2  }
0x490: {  	v1 =	vld [tilespmem:$0x3B0]  }
0x491: {  	v2 =	vld [tilespmem:$0x7B0];
	_ =	sdelay $0x4  }
0x492: {  	v3 =	vpop (erf)  }
0x493: {  	[tilespmem:$0x9720] =	vst v3  }
0x494: {  	v1 =	vld.idx.msk [tilespmem:v1+s5+$0x0], $0xffff  }
0x495: {  	v2 =	vld.idx.msk [tilespmem:v2+s8+$0x0], $0xffff;
	_ =	sdelay $0x4  }
0x496: {  	v1 =	vadd.f32 v2, v1;
	_ =	sdelay $0x1  }
0x497: {  	v2 =	vmul.f32 $2.000000030e-01, v1  }
0x498: {  	vm11 =	vgt.f32 v1, $0.0e+00  }
0x499: {  	v1 =	vsel vm11, v1, v2  }
0x49a: {  	v1 =	vmul.f32 $1.442695020e+00, v1;
	_ =	sdelay $0x1  }
0x49b: {  	(erf) = vpow2.f32 v1;
	_ =	sdelay $0x2  }
0x49c: {  	v1 =	vld [tilespmem:$0x3C0]  }
0x49d: {  	v2 =	vld [tilespmem:$0x7C0];
	_ =	sdelay $0x4  }
0x49e: {  	v3 =	vpop (erf)  }
0x49f: {  	[tilespmem:$0x9730] =	vst v3  }
0x4a0: {  	v1 =	vld.idx.msk [tilespmem:v1+s5+$0x0], $0xffff  }
0x4a1: {  	v2 =	vld.idx.msk [tilespmem:v2+s8+$0x0], $0xffff;
	_ =	sdelay $0x4  }
0x4a2: {  	v1 =	vadd.f32 v2, v1;
	_ =	sdelay $0x1  }
0x4a3: {  	v2 =	vmul.f32 $2.000000030e-01, v1  }
0x4a4: {  	vm12 =	vgt.f32 v1, $0.0e+00  }
0x4a5: {  	v1 =	vsel vm12, v1, v2  }
0x4a6: {  	v1 =	vmul.f32 $1.442695020e+00, v1;
	_ =	sdelay $0x1  }
0x4a7: {  	(erf) = vpow2.f32 v1;
	_ =	sdelay $0x2  }
0x4a8: {  	v1 =	vld [tilespmem:$0x3D0]  }
0x4a9: {  	v2 =	vld [tilespmem:$0x7D0];
	_ =	sdelay $0x4  }
0x4aa: {  	v3 =	vpop (erf)  }
0x4ab: {  	[tilespmem:$0x9740] =	vst v3  }
0x4ac: {  	v1 =	vld.idx.msk [tilespmem:v1+s5+$0x0], $0xffff  }
0x4ad: {  	v2 =	vld.idx.msk [tilespmem:v2+s8+$0x0], $0xffff;
	_ =	sdelay $0x4  }
0x4ae: {  	v1 =	vadd.f32 v2, v1;
	_ =	sdelay $0x1  }
0x4af: {  	v2 =	vmul.f32 $2.000000030e-01, v1  }
0x4b0: {  	vm13 =	vgt.f32 v1, $0.0e+00  }
0x4b1: {  	v1 =	vsel vm13, v1, v2  }
0x4b2: {  	v1 =	vmul.f32 $1.442695020e+00, v1;
	_ =	sdelay $0x1  }
0x4b3: {  	(erf) = vpow2.f32 v1;
	_ =	sdelay $0x2  }
0x4b4: {  	v1 =	vld [tilespmem:$0x3E0]  }
0x4b5: {  	v2 =	vld [tilespmem:$0x7E0];
	_ =	sdelay $0x4  }
0x4b6: {  	v3 =	vpop (erf)  }
0x4b7: {  	[tilespmem:$0x9750] =	vst v3  }
0x4b8: {  	v1 =	vld.idx.msk [tilespmem:v1+s5+$0x0], $0xffff  }
0x4b9: {  	v2 =	vld.idx.msk [tilespmem:v2+s8+$0x0], $0xffff;
	_ =	sdelay $0x4  }
0x4ba: {  	v1 =	vadd.f32 v2, v1;
	_ =	sdelay $0x1  }
0x4bb: {  	v2 =	vmul.f32 $2.000000030e-01, v1  }
0x4bc: {  	vm14 =	vgt.f32 v1, $0.0e+00  }
0x4bd: {  	v1 =	vsel vm14, v1, v2  }
0x4be: {  	v1 =	vmul.f32 $1.442695020e+00, v1;
	_ =	sdelay $0x1  }
0x4bf: {  	(erf) = vpow2.f32 v1;
	_ =	sdelay $0x2  }
0x4c0: {  	v1 =	vld [tilespmem:$0x3F0]  }
0x4c1: {  	v2 =	vld [tilespmem:$0x7F0];
	_ =	sdelay $0x4  }
0x4c2: {  	v3 =	vpop (erf)  }
0x4c3: {  	[tilespmem:$0x9760] =	vst v3  }
0x4c4: {  	v1 =	vld.idx.msk [tilespmem:v1+s5+$0x0], $0xffff  }
0x4c5: {  	v2 =	vld.idx.msk [tilespmem:v2+s8+$0x0], $0xffff;
	_ =	sdelay $0x4  }
0x4c6: {  	v1 =	vadd.f32 v2, v1;
	_ =	sdelay $0x1  }
0x4c7: {  	v2 =	vmul.f32 $2.000000030e-01, v1  }
0x4c8: {  	vm15 =	vgt.f32 v1, $0.0e+00  }
0x4c9: {  	v1 =	vsel vm15, v1, v2  }
0x4ca: {  	v1 =	vmul.f32 $1.442695020e+00, v1;
	_ =	sdelay $0x1  }
0x4cb: {  	(erf) = vpow2.f32 v1;
	_ =	sdelay $0x8  }
0x4cc: {  	v1 =	vpop (erf)  }
0x4cd: {  	s4 =	simm.s32 $0x5740;
	[tilespmem:$0x9770] =	vst v1  }
0x4ce: {  	v5 =	vld [tilespmem:s4+$0x30]  }
0x4cf: {  	v8 =	vld [tilespmem:s4+$0x10]  }
0x4d0: {  	s14 =	simm.s32 $0x0;
	v6 =	vld [tilespmem:s4+$0xFFFFFFC0]  }
0x4d1: {  	v2 =	vld.msk [tilespmem:s14+$0x9700 ss:$0x0], $0xffff  }
0x4d2: {  	v10 =	vld [tilespmem:s4+$0xFFFFFFE0]  }
0x4d3: {  	v1 =	vld [tilespmem:s4+$0xFFFFFFF0]  }
0x4d4: {  	v3 =	vld [tilespmem:s4+$0x20]  }
0x4d5: {  	v4 =	vld [tilespmem:s4+$0xFFFFFFD0]  }
0x4d6: {  	v9 =	vmul.f32 v5, v2;
	v5 =	vld [tilespmem:s4+$0x0]  }
0x4d7: {  	v7 =	vmul.f32 v2, v6  }
0x4d8: {  	s29 =	simm.s32 $0x4;
	s14 =	simm.s32 $0x5740;
	v6 =	vmul.f32 v10, v2;
	v8 =	vmul.f32 v8, v2  }
.LBB2_19:
0x4d9: {  	p0 =	sne.s32 s29, $0x1FC  }
0x4da: {  	v4 =	vmul.f32 v4, v2;
	v3 =	vmul.f32 v3, v2;
	[tilespmem:s4+$0x30] =	vst v9;
	s14 =	sadd.s32 $0x80, s14;
	s15 =	smov.u32 s29;
	s29 =	sadd.s32 $0x4, s29  }
0x4db: {  	[tilespmem:s4+$0xFFFFFFC0] =	vst v7;
	v7 =	vmul.f32 v1, v2;
	v2 =	vmul.f32 v5, v2  }
0x4dc: {  	[tilespmem:s4+$0x10] =	vst v8  }
0x4dd: {  	[tilespmem:s4+$0xFFFFFFE0] =	vst v6  }
0x4de: {  	v1 =	vld [tilespmem:s14+$0xFFFFFFF0];
	[tilespmem:s4+$0xFFFFFFF0] =	vst v7  }
0x4df: {  	v6 =	vld [tilespmem:s14+$0x30];
	[tilespmem:s4+$0x0] =	vst v2  }
0x4e0: {  	v8 =	vld [tilespmem:s14+$0x10];
	[tilespmem:s4+$0x20] =	vst v3  }
0x4e1: {  	s15 =	sshra.s32 s15, $0x2;
	v7 =	vld [tilespmem:s14+$0xFFFFFFC0];
	[tilespmem:s4+$0xFFFFFFD0] =	vst v4;
	s4 =	smov.u32 s14  }
0x4e2: {  	v2 =	vld.msk [tilespmem:s15+$0x9700 ss:$0x0], $0xffff  }
0x4e3: {  	v10 =	vld [tilespmem:s14+$0xFFFFFFE0]  }
0x4e4: {  	v3 =	vld [tilespmem:s14+$0x20]  }
.Ltmp8:
0x4e5: {  	v4 =	vld [tilespmem:s14+$0xFFFFFFD0];
	(pc) =	sbr.rel @p0 .LBB2_19-.Ltmp8, $3  }
0x4e6: {  	v5 =	vld [tilespmem:s14+$0x0];
	_ =	sdelay $0x1  }
0x4e7: {  	v7 =	vmul.f32 v2, v7;
	v9 =	vmul.f32 v6, v2  }
0x4e8: {  	v8 =	vmul.f32 v8, v2;
	v6 =	vmul.f32 v10, v2  }
0x4e9: {  	[tilespmem:s4+$0x30] =	vst v9  }
0x4ea: {  	[tilespmem:s4+$0xFFFFFFC0] =	vst v7  }
0x4eb: {  	v1 =	vmul.f32 v1, v2;
	[tilespmem:s4+$0x10] =	vst v8  }
0x4ec: {  	v3 =	vmul.f32 v3, v2;
	[tilespmem:s4+$0xFFFFFFE0] =	vst v6  }
0x4ed: {  	v5 =	vmul.f32 v5, v2;
	[tilespmem:s4+$0xFFFFFFF0] =	vst v1  }
0x4ee: {  	v1 =	vmul.f32 v4, v2;
	[tilespmem:s4+$0x20] =	vst v3  }
0x4ef: {  	[tilespmem:s4+$0x0] =	vst v5  }
0x4f0: {  	[tilespmem:s4+$0xFFFFFFD0] =	vst v1  }
0x4f1: {  	[spmem:s2] =	stream.indirect.scatter.add.f32 [tilespmem:s9], [sflag:$0x2], $0x80, s28, s12, $0xb8;
	[tilespmem:$0x1D678] =	vst v63  }
0x4f2: {  	s31 =	sadd.s32 $0x1, s31;
	_ =	swait.ge [sflag:s7], $0x4000  }
0x4f3: {  	p0 =	sne.s32 s31, $0xA;
	[sflag:s7] =	ssyncset.done $0x0  }
.Ltmp9:
0x4f4: {  	[sflag:s7] =	ssyncadd.s32 $0xFFFFC000;
	(pc) =	sbr.rel @p0 .LBB2_4-.Ltmp9, $4  }
0x4f5: {  	[spmem:s3] =	stream.indirect.scatter.add.f32 [tilespmem:s10], [sflag:$0x2], $0x1, s28, s12, $0xb8;
	[tilespmem:$0x1D678] =	vst v63  }
0x4f6: {  	_ =	swait.ge [sflag:s7], $0x80  }
0x4f7: {  	[sflag:s7] =	ssyncset.done $0x0  }
0x4f8: {  	[sflag:s7] =	ssyncadd.s32 $0xFFFFFF80  }
0x4f9: {  	s4 =	stileid.u32;
	[bflag:$0x0] =	sbarrier.arrive $0xFFFF  }
0x4fa: {  	s4 =	sshll.u32 s4, $0x6;
	s30 =	rddreg [dreg:$0x11]  }
0x4fb: {  	s15 =	rddreg [dreg:$0x5];
	s4 =	sor.u32 $0x1C02, s4;
	s14 =	sshrl.u32 s30, $0x3  }
0x4fc: {  	[hbm:s15], [sflag:s4] =	dma.local [spmem:s14], $0x800  }
0x4fd: {  	_ =	swait.ge [sflag:s7], $0x800  }
0x4fe: {  	[sflag:s7] =	ssyncset.done $0x0  }
0x4ff: {  	s31 =	rddreg [dreg:$0x12];
	[sflag:s7] =	ssyncadd.s32 $0xFFFFF800  }
0x500: {  	[tilespmem:s10], [sflag:$0x2] =	stream.linear.gather [spmem:s31], $0x80, $0x38;
	[tilespmem:$0x1D678] =	vst v63  }
0x501: {  	_ =	swait.ge [sflag:s7], $0x80  }
0x502: {  	[sflag:s7] =	ssyncset.done $0x0  }
0x503: {  	s29 =	simm.s32 $0x0;
	s15 =	rddreg [dreg:$0xa];
	[sflag:s7] =	ssyncadd.s32 $0xFFFFFF80  }
0x504: {  	[hbm4b:s15+s29] =	stream.linear.scatter [tilespmem:s10], [sflag:$0x2], $0x80, $0x38;
	[tilespmem:$0x1D678] =	vst v63  }
0x505: {  	_ =	swait.ge [sflag:s7], $0x80  }
0x506: {  	[sflag:s7] =	ssyncset.done $0x0;
	s15 =	rddreg [dreg:$0x13]  }
0x507: {  	[sflag:s7] =	ssyncadd.s32 $0xFFFFFF80;
	s14 =	sshrl.u32 s15, $0x3;
	s15 =	rddreg [dreg:$0x6]  }
0x508: {  	[hbm:s15], [sflag:s4] =	dma.local [spmem:s14], $0x800  }
0x509: {  	_ =	swait.ge [sflag:s7], $0x800  }
0x50a: {  	[sflag:s7] =	ssyncset.done $0x0  }
0x50b: {  	s15 =	rddreg [dreg:$0x14];
	[sflag:s7] =	ssyncadd.s32 $0xFFFFF800  }
0x50c: {  	[tilespmem:s10], [sflag:$0x2] =	stream.linear.gather [spmem:s15], $0x80, $0x38;
	[tilespmem:$0x1D678] =	vst v63  }
0x50d: {  	_ =	swait.ge [sflag:s7], $0x80  }
0x50e: {  	[sflag:s7] =	ssyncset.done $0x0  }
0x50f: {  	s15 =	rddreg [dreg:$0xb];
	[sflag:s7] =	ssyncadd.s32 $0xFFFFFF80  }
0x510: {  	[hbm4b:s15+s29] =	stream.linear.scatter [tilespmem:s10], [sflag:$0x2], $0x80, $0x38;
	[tilespmem:$0x1D678] =	vst v63  }
0x511: {  	_ =	swait.ge [sflag:s7], $0x80  }
0x512: {  	[sflag:s7] =	ssyncset.done $0x0;
	s15 =	rddreg [dreg:$0x15]  }
0x513: {  	[sflag:s7] =	ssyncadd.s32 $0xFFFFFF80;
	s14 =	sshrl.u32 s15, $0x3;
	s15 =	rddreg [dreg:$0x7]  }
0x514: {  	[hbm:s15], [sflag:s4] =	dma.local [spmem:s14], $0x800  }
0x515: {  	_ =	swait.ge [sflag:s7], $0x800  }
0x516: {  	[sflag:s7] =	ssyncset.done $0x0  }
0x517: {  	s15 =	rddreg [dreg:$0x16];
	[sflag:s7] =	ssyncadd.s32 $0xFFFFF800  }
0x518: {  	[tilespmem:s10], [sflag:$0x2] =	stream.linear.gather [spmem:s15], $0x80, $0x38;
	[tilespmem:$0x1D678] =	vst v63  }
0x519: {  	_ =	swait.ge [sflag:s7], $0x80  }
0x51a: {  	[sflag:s7] =	ssyncset.done $0x0  }
0x51b: {  	s15 =	rddreg [dreg:$0xc];
	[sflag:s7] =	ssyncadd.s32 $0xFFFFFF80  }
0x51c: {  	[hbm4b:s15+s29] =	stream.linear.scatter [tilespmem:s10], [sflag:$0x2], $0x80, $0x38;
	[tilespmem:$0x1D678] =	vst v63  }
0x51d: {  	_ =	swait.ge [sflag:s7], $0x80  }
0x51e: {  	[sflag:s7] =	ssyncset.done $0x0;
	s15 =	rddreg [dreg:$0x17]  }
0x51f: {  	[sflag:s7] =	ssyncadd.s32 $0xFFFFFF80;
	s14 =	sshrl.u32 s15, $0x3;
	s15 =	rddreg [dreg:$0x8]  }
0x520: {  	[hbm:s15], [sflag:s4] =	dma.local [spmem:s14], $0x800  }
0x521: {  	_ =	swait.ge [sflag:s7], $0x800  }
0x522: {  	[sflag:s7] =	ssyncset.done $0x0  }
0x523: {  	s15 =	rddreg [dreg:$0x18];
	[sflag:s7] =	ssyncadd.s32 $0xFFFFF800  }
0x524: {  	[tilespmem:s10], [sflag:$0x2] =	stream.linear.gather [spmem:s15], $0x80, $0x38;
	[tilespmem:$0x1D678] =	vst v63  }
0x525: {  	_ =	swait.ge [sflag:s7], $0x80  }
0x526: {  	[sflag:s7] =	ssyncset.done $0x0  }
0x527: {  	s15 =	rddreg [dreg:$0xd];
	[sflag:s7] =	ssyncadd.s32 $0xFFFFFF80  }
0x528: {  	[hbm4b:s15+s29] =	stream.linear.scatter [tilespmem:s10], [sflag:$0x2], $0x80, $0x38;
	[tilespmem:$0x1D678] =	vst v63  }
0x529: {  	_ =	swait.ge [sflag:s7], $0x80  }
0x52a: {  	[sflag:s7] =	ssyncset.done $0x0;
	s15 =	rddreg [dreg:$0x19]  }
0x52b: {  	[sflag:s7] =	ssyncadd.s32 $0xFFFFFF80;
	s14 =	sshrl.u32 s15, $0x3;
	s15 =	rddreg [dreg:$0x9]  }
0x52c: {  	[hbm:s15], [sflag:s4] =	dma.local [spmem:s14], $0x780  }
0x52d: {  	_ =	swait.ge [sflag:s7], $0x780  }
0x52e: {  	[sflag:s7] =	ssyncset.done $0x0  }
0x52f: {  	s15 =	rddreg [dreg:$0x1a];
	[sflag:s7] =	ssyncadd.s32 $0xFFFFF880  }
0x530: {  	[tilespmem:s10], [sflag:$0x2] =	stream.linear.gather [spmem:s15], $0x78, $0x38;
	[tilespmem:$0x1D678] =	vst v63  }
0x531: {  	_ =	swait.ge [sflag:s7], $0x78  }
0x532: {  	[sflag:s7] =	ssyncset.done $0x0  }
0x533: {  	s14 =	rddreg [dreg:$0xe];
	[sflag:s7] =	ssyncadd.s32 $0xFFFFFF88  }
0x534: {  	[hbm4b:s14+s29] =	stream.linear.scatter [tilespmem:s10], [sflag:$0x2], $0x78, $0x38;
	[tilespmem:$0x1D678] =	vst v63  }
0x535: {  	_ =	swait.ge [sflag:s7], $0x78  }
0x536: {  	s4 =	rddreg [dreg:$0x1c]  }
0x537: {  	s14 =	sadd.s32 $0x1, s4;
	s4 =	rddreg [dreg:$0x1b]  }
0x538: {  	p0 =	sne.s32 s14, s4  }
.Ltmp10:
0x539: {  	_ = 	snop;
	(pc) =	sbr.rel @p0 .LBB2_1-.Ltmp10, $3  }
0x53a: {  	_ =	sdelay $0x1  }
0x53b: {  	[sflag:s7] =	ssyncset.done $0x0  }
0x53c: {  	[sflag:s7] =	ssyncadd.s32 $0xFFFFFF88  }
0x53d: {  	_ =	sfence.sel $0x180000  }
0x53e: {  	[bflag:$0x0] =	sbarrier.arrive $0xFFFF  }
0x53f: {  	_ =	strace $0x90000047  }
0x540: {  	s0 =	stileid.u32;
	[bflag:$0x2] =	sbarrier.arrive $0xFFFF  }
0x541: {  	p0 =	sne.s32 s0, $0x0;
	s0 =	rddreg [dreg:$0x4]  }
0x542: {  	s0 =	sadd.s32 @!p0 $0x100000, s0  }
0x543: {  	[sflag:s0] =	ssyncadd.tile.s32 @!p0 $0x1;
	_ =	shalt  }
.Lfunc_end2:
_tile_overlayer_lowered:
.L_overlay_start_2:
0x544: {  	(tag) =	ssettag $0x2  }
0x545: {  	s0 =	rddreg [dreg:$0x0];
	s2 =	stileid.u32  }
0x546: {  	s1 =	rddreg [dreg:$0x1];
	p0 =	sne.s32 s2, $0x0  }
0x547: {  	s3 =	rddreg [dreg:$0x2];
	[bflag:$0x3] =	sbarrier.arrive $0xFFFF;
	s2 =	simm.s32 @!p0 $0x1C02  }
0x548: {  	[timem:s3], [sflag:s2] =	dma.local @!p0 [hbm:s0], s1  }
0x549: {  	s0 =	simm.s32 @!p0 $0x2  }
0x54a: {  	_ =	swait.ge @!p0 [sflag:s0], s1  }
0x54b: {  	s1 =	ssub.s32 @!p0 $0x0, s1;
	[sflag:s0] =	ssyncset.done @!p0 $0x0  }
0x54c: {  	[sflag:s0] =	ssyncadd.s32 @!p0 s1  }
0x54d: {  	[bflag:$0x3] =	sbarrier.arrive $0xFFFF  }
0x54e: {  	_ =	shalt  }

</sc_bundles>
